<compile_context>
chip_gen: v7x
topology: tpu7x:2x2x1
jax: 0.10.2.dev20260603
libtpu: 0.0.44.dev20260713+nightly
codegen_flags: <defaults>
</compile_context>

<pallas_src>
import functools

import jax
import jax.numpy as jnp
from jax import lax
from jax.experimental import pallas as pl
from jax.experimental.pallas import tpu as pltpu
from jax.experimental.pallas import tpu_sc as plsc

N = 50000
E = 800000
PERIODS = 12
HID = 32

E_PAD = 819200
TILE_EA = E_PAD // 16
CA = 2048
HALF_E = E_PAD // 2
CB = 4096
NR = 3200
NP = 16 * NR
BN = 2048

_mesh = plsc.VectorSubcoreMesh(core_axis_name="c", subcore_axis_name="s")
_sc_params = pltpu.CompilerParams(needs_layout_passes=False)


def _newton_rsqrt(d):
    i = plsc.bitcast(d, jnp.int32)
    i = jnp.int32(0x5F3759DF) - lax.shift_right_logical(i, 1)
    y = plsc.bitcast(i, jnp.float32)
    for _ in range(3):
        y = y * (1.5 - 0.5 * d * y * y)
    return y


@functools.partial(
    pl.kernel,
    out_type=jax.ShapeDtypeStruct((41 * NP,), jnp.float32),
    mesh=_mesh,
    compiler_params=_sc_params,
    scratch_types=[
        pltpu.VMEM((NP,), jnp.float32),
        pltpu.VMEM((NP,), jnp.float32),
        pltpu.VMEM((2, CB), jnp.int32),
        pltpu.VMEM((2, CB), jnp.float32),
        pltpu.SemaphoreType.DMA,
        pltpu.SemaphoreType.DMA,
    ],
)
def _sc_kernel(xT_hbm, pk_hbm, w_hbm, out_hbm,
               acc_v, xf_v, p_v, w_v, sem0, sem1):
    t = lax.axis_index("s")
    c = lax.axis_index("c")
    wid = t * 2 + c
    sems = (sem0, sem1)

    def zero_acc():
        def zero_body(i, _):
            acc_v[pl.ds(i * 16, 16)] = jnp.zeros((16,), jnp.float32)
            return 0
        lax.fori_loop(0, NP // 16, zero_body, 0)

    zero_acc()
    base_a = t * TILE_EA

    def issue_a(b, k):
        off = base_a + k * CA
        pltpu.async_copy(pk_hbm.at[pl.ds(off, CA)],
                         p_v.at[b].at[pl.ds(0, CA)], sems[b])
        pltpu.async_copy(w_hbm.at[pl.ds(off, CA)],
                         w_v.at[b].at[pl.ds(0, CA)], sems[b])

    def drain_a(b):
        z = pl.ds(0, CA)
        pltpu.make_async_copy(pk_hbm.at[z], p_v.at[b].at[z], sems[b]).wait()
        pltpu.make_async_copy(w_hbm.at[z], w_v.at[b].at[z], sems[b]).wait()

    def process_a(b, k):
        del k

        @plsc.parallel_loop(0, CA // 16, 1, unroll=8)
        def _(j):
            sl = pl.ds(j * 16, 16)
            d_idx = lax.shift_right_logical(p_v[b, sl], 16)
            plsc.addupdate_scatter(acc_v, [d_idx], w_v[b, sl])

    issue_a(0, 0)

    def pair_a(k2, _):
        issue_a(1, 2 * k2 + 1)
        drain_a(0)
        process_a(0, 2 * k2)
        issue_a(0, 2 * k2 + 2)
        drain_a(1)
        process_a(1, 2 * k2 + 1)
        return 0

    lax.fori_loop(0, 12, pair_a, 0)
    drain_a(0)
    process_a(0, 24)

    pltpu.sync_copy(acc_v, out_hbm.at[pl.ds((25 + t) * NP, NP)])
    plsc.subcore_barrier()

    rng = t * NR

    def zero_range():
        def zb(i, _):
            xf_v[pl.ds(i * 16, 16)] = jnp.zeros((16,), jnp.float32)
            return 0
        lax.fori_loop(0, NR // 16, zb, 0)

    zero_range()

    def issue_r(r):
        b = r % 2
        pltpu.async_copy(out_hbm.at[pl.ds((25 + r) * NP + rng, NR)],
                         w_v.at[b].at[pl.ds(0, NR)], sems[b])

    def drain_r(r):
        b = r % 2
        pltpu.make_async_copy(out_hbm.at[pl.ds(0, NR)],
                              w_v.at[b].at[pl.ds(0, NR)], sems[b]).wait()

    issue_r(0)
    for r in range(16):
        drain_r(r)
        if r < 15:
            issue_r(r + 1)
        b = r % 2

        @plsc.parallel_loop(0, NR // 16, 1, unroll=4)
        def _(j):
            sl = pl.ds(j * 16, 16)
            xf_v[sl] = xf_v[sl] + w_v[b, sl]

    @plsc.parallel_loop(0, NR // 16, 1, unroll=4)
    def _(j):
        sl = pl.ds(j * 16, 16)
        xf_v[sl] = _newton_rsqrt(xf_v[sl] + 1.0)

    pltpu.sync_copy(xf_v.at[pl.ds(0, NR)], out_hbm.at[pl.ds(24 * NP + rng, NR)])
    plsc.subcore_barrier()

    @pl.when(wid < 24)
    def _():
        f = wid // 2
        h = wid % 2

        pltpu.sync_copy(out_hbm.at[pl.ds(24 * NP, NP)], xf_v)

        def issue_m(b, k):
            off = k * CA
            pltpu.async_copy(xT_hbm.at[pl.ds(f * NP + off, CA)],
                             w_v.at[b].at[pl.ds(0, CA)], sems[b])

        def drain_m(b):
            z = pl.ds(0, CA)
            pltpu.make_async_copy(xT_hbm.at[z], w_v.at[b].at[z],
                                  sems[b]).wait()

        def process_m(b, k):
            off = k * CA

            @plsc.parallel_loop(0, CA // 16, 1, unroll=8)
            def _(j):
                dst_sl = pl.ds(off + j * 16, 16)
                src_sl = pl.ds(j * 16, 16)
                xf_v[dst_sl] = xf_v[dst_sl] * w_v[b, src_sl]

        issue_m(0, 0)

        def pair_m(k2, _):
            issue_m(1, 2 * k2 + 1)
            drain_m(0)
            process_m(0, 2 * k2)
            issue_m(0, 2 * k2 + 2)
            drain_m(1)
            process_m(1, 2 * k2 + 1)
            return 0

        lax.fori_loop(0, 12, pair_m, 0)
        drain_m(0)
        process_m(0, 24)

        zero_acc()
        base_b = h * HALF_E

        def issue_b(b, off):
            pltpu.async_copy(pk_hbm.at[pl.ds(off, CB)], p_v.at[b], sems[b])
            pltpu.async_copy(w_hbm.at[pl.ds(off, CB)], w_v.at[b], sems[b])

        def drain_b(b):
            z = pl.ds(0, CB)
            pltpu.make_async_copy(pk_hbm.at[z], p_v.at[b], sems[b]).wait()
            pltpu.make_async_copy(w_hbm.at[z], w_v.at[b], sems[b]).wait()

        def process_b(b):
            @plsc.parallel_loop(0, CB // 16, 1, unroll=16)
            def _(j):
                sl = pl.ds(j * 16, 16)
                pk = p_v[b, sl]
                s_idx = lax.bitwise_and(pk, jnp.int32(0xFFFF))
                d_idx = lax.shift_right_logical(pk, 16)
                xv = plsc.load_gather(xf_v, [s_idx])
                plsc.addupdate_scatter(acc_v, [d_idx], xv * w_v[b, sl])

        n_pairs = HALF_E // CB // 2
        issue_b(0, base_b)

        def pair_b(k2, _):
            off0 = base_b + (2 * k2) * CB
            issue_b(1, off0 + CB)
            drain_b(0)
            process_b(0)

            @pl.when(k2 < n_pairs - 1)
            def _():
                issue_b(0, off0 + 2 * CB)

            drain_b(1)
            process_b(1)
            return 0

        lax.fori_loop(0, n_pairs, pair_b, 0)
        pltpu.sync_copy(acc_v, out_hbm.at[pl.ds(wid * NP, NP)])


def _final_body(gp_ref, xT_ref, p_ref, q_ref, out_ref):
    dis = gp_ref[24:25, :]
    az = p_ref[:, 0:1]
    cz = p_ref[:, 1:2]
    ah = p_ref[:, 2:3]
    ch = p_ref[:, 3:4]
    lw = p_ref[:, 4:5]
    acc = jnp.zeros((HID, dis.shape[1]), jnp.float32)
    for t in range(PERIODS):
        g = (gp_ref[2 * t:2 * t + 1, :] + gp_ref[2 * t + 1:2 * t + 2, :]
             + dis * xT_ref[t:t + 1, :]) * dis
        u = az * g + cz
        v = ah * g + ch
        acc = acc + q_ref[t:t + 1, 0:1] * (jax.nn.sigmoid(-u) * jnp.tanh(v))
    h = jnp.maximum(acc, 0.0)
    out_ref[...] = jnp.sum(h * lw, axis=0, keepdims=True) + q_ref[12:13, 0:1]


_final_call = pl.pallas_call(
    _final_body,
    grid=(25,),
    in_specs=[
        pl.BlockSpec((32, BN), lambda i: (0, i)),
        pl.BlockSpec((PERIODS, BN), lambda i: (0, i)),
        pl.BlockSpec((HID, 8), lambda i: (0, 0)),
        pl.BlockSpec((16, 8), lambda i: (0, 0)),
    ],
    out_specs=pl.BlockSpec((1, BN), lambda i: (0, i)),
    out_shape=jax.ShapeDtypeStruct((1, NP), jnp.float32),
)


def kernel(x, edge_index, edge_weight, att, Wz, bz, LzW, Lzb,
           Wr, br, LrW, Lrb, Wh, bh, LhW, Lhb, linW, linb):
    del Wr, br, LrW, Lrb
    src = edge_index[0].astype(jnp.int32)
    dst = edge_index[1].astype(jnp.int32)
    ew = edge_weight.astype(jnp.float32)
    pk = jnp.bitwise_or(src, jnp.left_shift(dst, 16))
    pad = E_PAD - E
    pk_p = jnp.concatenate([pk, jnp.zeros((pad,), jnp.int32)])
    w_p = jnp.concatenate([ew, jnp.zeros((pad,), jnp.float32)])
    xT = jnp.pad(x.T, ((0, 0), (0, NP - N)))

    gp = _sc_kernel(xT.reshape(-1), pk_p, w_p).reshape(41, NP)

    top = LzW[:HID]
    az = (Wz @ top)[0]
    cz = bz @ top + Lzb
    toph = LhW[:HID]
    ah = (Wh @ toph)[0]
    ch = bh @ toph + Lhb
    zeros = jnp.zeros((HID,), jnp.float32)
    p_arr = jnp.stack([az, cz, ah, ch, linW[:, 0], zeros, zeros, zeros], axis=1)
    probs = jax.nn.softmax(att)
    q_arr = (jnp.zeros((16, 8), jnp.float32)
             .at[:PERIODS, 0].set(probs)
             .at[12, 0].set(linb[0]))

    out_row = _final_call(gp, xT, p_arr, q_arr)
    return out_row[0, :N].reshape(N, 1)

# --- scband reference (transcript-rebuilt; emitter-appended) ---
"""Pipeline reference for scband-recurrent-a3-tgcn-40037685133526 (READ-ONLY COPY).

The authoritative reference and input builder live on the scoring server;
editing this copy changes nothing except your own understanding.
"""

import jax, jax.numpy as jnp
import numpy as np

N = 50000
E = 800000
PERIODS = 12
HID = 32


def gcn_conv(x, W, b, src, dst, ew, n):
    # GCNConv with edge weights: add self-loops (weight 1), symmetric norm, propagate
    loop = jnp.arange(n)
    s = jnp.concatenate([src, loop])
    d = jnp.concatenate([dst, loop])
    w = jnp.concatenate([ew, jnp.ones((n,), ew.dtype)])
    deg = jnp.zeros((n,), ew.dtype).at[d].add(w)
    dis = jnp.where(deg > 0, deg ** -0.5, 0.0)
    norm = dis[s] * w * dis[d]
    h = x @ W
    out = jnp.zeros((n, W.shape[1]), h.dtype).at[d].add(h[s] * norm[:, None])
    return out + b


def setup_inputs(seed: int = 0) -> dict:
    key = jax.random.key(seed)
    ks = jax.random.split(key, 20)
    p = lambda i, shape: jax.random.normal(ks[i], shape, jnp.float32) * 0.1
    return {
        "x": jax.random.normal(ks[0], (N, PERIODS), jnp.float32),
        "edge_index": jax.random.randint(ks[1], (2, E), 0, N, dtype=jnp.int64) if jax.config.jax_enable_x64 else jax.random.randint(ks[1], (2, E), 0, N),
        "edge_weight": jax.random.uniform(ks[2], (E,), jnp.float32),
        "att": jax.random.uniform(ks[3], (PERIODS,), jnp.float32),
        "Wz": p(4, (1, HID)), "bz": p(5, (HID,)),
        "LzW": p(6, (2 * HID, HID)), "Lzb": p(7, (HID,)),
        "Wr": p(8, (1, HID)), "br": p(9, (HID,)),
        "LrW": p(10, (2 * HID, HID)), "Lrb": p(11, (HID,)),
        "Wh": p(12, (1, HID)), "bh": p(13, (HID,)),
        "LhW": p(14, (2 * HID, HID)), "Lhb": p(15, (HID,)),
        "linW": p(16, (HID, 1)), "linb": p(17, (1,)),
    }


def reference(x, edge_index, edge_weight, att, Wz, bz, LzW, Lzb, Wr, br, LrW, Lrb, Wh, bh, LhW, Lhb, linW, linb):
    src, dst = edge_index[0], edge_index[1]
    n = x.shape[0]
    probs = jax.nn.softmax(att)
    # A3TGCN passes H=None to the base TGCN at every period, so H inside is zeros each call
    H0 = jnp.zeros((n, HID), x.dtype)
    H_accum = jnp.zeros((n, HID), x.dtype)
    for t in range(PERIODS):
        Xt = x[:, t:t + 1]
        Z = jax.nn.sigmoid(jnp.concatenate([gcn_conv(Xt, Wz, bz, src, dst, edge_weight, n), H0], axis=1) @ LzW + Lzb)
        R = jax.nn.sigmoid(jnp.concatenate([gcn_conv(Xt, Wr, br, src, dst, edge_weight, n), H0], axis=1) @ LrW + Lrb)
        Ht = jnp.tanh(jnp.concatenate([gcn_conv(Xt, Wh, bh, src, dst, edge_weight, n), H0 * R], axis=1) @ LhW + Lhb)
        Hnew = Z * H0 + (1.0 - Z) * Ht
        H_accum = H_accum + probs[t] * Hnew
    h = jax.nn.relu(H_accum)
    return h @ linW + linb

if __name__ == "__main__":
    import jax
    _d = setup_inputs()
    print(jax.jit(kernel)(*tuple(_d.values())))

</pallas_src>

<mosaic_0001>
#map = affine_map<(d0, d1) -> (0)>
module attributes {stable_mosaic.version = 14 : i64} {
  func.func @_sc_kernel(%arg0: i32, %arg1: i32, %arg2: memref<614400xf32, #tpu.memory_space<hbm>>, %arg3: memref<819200xi32, #tpu.memory_space<hbm>>, %arg4: memref<819200xf32, #tpu.memory_space<hbm>>, %arg5: memref<2099200xf32, #tpu.memory_space<hbm>>, %arg6: memref<51200xf32, #tpu.memory_space<vmem>>, %arg7: memref<51200xf32, #tpu.memory_space<vmem>>, %arg8: memref<2x4096xi32, #tpu.memory_space<vmem>>, %arg9: memref<2x4096xf32, #tpu.memory_space<vmem>>, %arg10: memref<!tpu.dma_semaphore, #tpu.memory_space<semaphore_mem>>, %arg11: memref<!tpu.dma_semaphore, #tpu.memory_space<semaphore_mem>>) attributes {dimension_semantics = [#tpu.dimension_semantics<core_parallel>, #tpu.dimension_semantics<subcore_parallel>], iteration_bounds = array<i64: 2, 16>, scalar_prefetch = 0 : i64, scratch_operands = 6 : i64, tpu.core_type = #tpu.core_type<sc_vector_subcore>, window_params = [{transform_indices = #map}, {transform_indices = #map}, {transform_indices = #map}, {transform_indices = #map}]} {
    %mul3A = arith.constant 2 : i32
    %mul3A_0 = arith.muli %arg1, %mul3A : i32
    %add3A = arith.addi %mul3A_0, %arg0 : i32
    %scan3A = arith.constant 0 : i32
    %scan3A_1 = arith.constant 0 : i32
    %scan3A_2 = arith.constant 3200 : i32
    %scan3A_3 = arith.addi %scan3A_1, %scan3A_2 : i32
    %scan3A_4 = arith.constant 1 : i32
    %scan3A_5 = scf.for %scan3A_623 = %scan3A_1 to %scan3A_3 step %scan3A_4 iter_args(%scan3A_624 = %scan3A) -> (i32)  : i32 {
      %broadcast_in_dim3A = arith.constant 0.000000e+00 : f32
      %broadcast_in_dim3A_625 = vector.broadcast %broadcast_in_dim3A : f32 to vector<16xf32>
      %mul3A_626 = arith.constant 16 : i32
      %mul3A_627 = arith.muli %scan3A_623, %mul3A_626 : i32
      %swap3A = arith.index_cast %mul3A_627 : i32 to index
      %swap3A_628 = tpu.vector_load %arg6[%swap3A] {strides = array<i32>} : memref<51200xf32, #tpu.memory_space<vmem>>, vector<16xf32>,
      tpu.vector_store %arg6[%swap3A], %broadcast_in_dim3A_625 {strides = array<i32>} : memref<51200xf32, #tpu.memory_space<vmem>>, vector<16xf32>,
      %scan3A_629 = arith.constant 0 : i32
      scf.yield %scan3A_629 : i32
    }
    %scan3A_6 = arith.constant 3200 : i32
    %mul3A_7 = arith.constant 51200 : i32
    %mul3A_8 = arith.muli %arg1, %mul3A_7 : i32
    %add3A_9 = arith.constant 0 : i32
    %add3A_10 = arith.addi %mul3A_8, %add3A_9 : i32
    %dma_start3A = arith.constant 0 : i32
    %dma_start3A_11 = arith.constant 0 : i32
    %dma_start3A_12 = tpu.memref_slice %arg8[%dma_start3A, %dma_start3A_11] : memref<2x4096xi32, #tpu.memory_space<vmem>> -> memref<1x4096xi32, #tpu.memory_space<vmem>>
    %dma_start3A_13 = tpu.memref_squeeze %dma_start3A_12 : memref<1x4096xi32, #tpu.memory_space<vmem>> -> memref<4096xi32, #tpu.memory_space<vmem>>
    %dma_start3A_14 = arith.constant 0 : i32
    %dma_start3A_15 = tpu.memref_slice %dma_start3A_13[%dma_start3A_14] : memref<4096xi32, #tpu.memory_space<vmem>> -> memref<2048xi32, #tpu.memory_space<vmem>>
    %dma_start3A_16 = tpu.memref_slice %arg3[%add3A_10] : memref<819200xi32, #tpu.memory_space<hbm>> -> memref<2048xi32, #tpu.memory_space<hbm>>
    %dma_start3A_17 = arith.constant 0 : i32
    %dma_start3A_18 = tpu.memref_slice %arg8[%dma_start3A, %dma_start3A_17] : memref<2x4096xi32, #tpu.memory_space<vmem>> -> memref<1x4096xi32, #tpu.memory_space<vmem>>
    %dma_start3A_19 = tpu.memref_squeeze %dma_start3A_18 : memref<1x4096xi32, #tpu.memory_space<vmem>> -> memref<4096xi32, #tpu.memory_space<vmem>>
    %dma_start3A_20 = arith.constant 0 : i32
    %dma_start3A_21 = tpu.memref_slice %dma_start3A_19[%dma_start3A_20] : memref<4096xi32, #tpu.memory_space<vmem>> -> memref<2048xi32, #tpu.memory_space<vmem>>
    %dma_start3A_22 = tpu.memref_slice %arg3[%add3A_10] : memref<819200xi32, #tpu.memory_space<hbm>> -> memref<2048xi32, #tpu.memory_space<hbm>>
    tpu.enqueue_dma source(%dma_start3A_22 : memref<2048xi32, #tpu.memory_space<hbm>>) target(%dma_start3A_21 : memref<2048xi32, #tpu.memory_space<vmem>>) target_semaphore(%arg10 : memref<!tpu.dma_semaphore, #tpu.memory_space<semaphore_mem>>)
    %dma_start3A_23 = arith.constant 0 : i32
    %dma_start3A_24 = arith.constant 0 : i32
    %dma_start3A_25 = tpu.memref_slice %arg9[%dma_start3A_23, %dma_start3A_24] : memref<2x4096xf32, #tpu.memory_space<vmem>> -> memref<1x4096xf32, #tpu.memory_space<vmem>>
    %dma_start3A_26 = tpu.memref_squeeze %dma_start3A_25 : memref<1x4096xf32, #tpu.memory_space<vmem>> -> memref<4096xf32, #tpu.memory_space<vmem>>
    %dma_start3A_27 = arith.constant 0 : i32
    %dma_start3A_28 = tpu.memref_slice %dma_start3A_26[%dma_start3A_27] : memref<4096xf32, #tpu.memory_space<vmem>> -> memref<2048xf32, #tpu.memory_space<vmem>>
    %dma_start3A_29 = tpu.memref_slice %arg4[%add3A_10] : memref<819200xf32, #tpu.memory_space<hbm>> -> memref<2048xf32, #tpu.memory_space<hbm>>
    %dma_start3A_30 = arith.constant 0 : i32
    %dma_start3A_31 = tpu.memref_slice %arg9[%dma_start3A_23, %dma_start3A_30] : memref<2x4096xf32, #tpu.memory_space<vmem>> -> memref<1x4096xf32, #tpu.memory_space<vmem>>
    %dma_start3A_32 = tpu.memref_squeeze %dma_start3A_31 : memref<1x4096xf32, #tpu.memory_space<vmem>> -> memref<4096xf32, #tpu.memory_space<vmem>>
    %dma_start3A_33 = arith.constant 0 : i32
    %dma_start3A_34 = tpu.memref_slice %dma_start3A_32[%dma_start3A_33] : memref<4096xf32, #tpu.memory_space<vmem>> -> memref<2048xf32, #tpu.memory_space<vmem>>
    %dma_start3A_35 = tpu.memref_slice %arg4[%add3A_10] : memref<819200xf32, #tpu.memory_space<hbm>> -> memref<2048xf32, #tpu.memory_space<hbm>>
    tpu.enqueue_dma source(%dma_start3A_35 : memref<2048xf32, #tpu.memory_space<hbm>>) target(%dma_start3A_34 : memref<2048xf32, #tpu.memory_space<vmem>>) target_semaphore(%arg10 : memref<!tpu.dma_semaphore, #tpu.memory_space<semaphore_mem>>)
    %scan3A_36 = arith.constant 0 : i32
    %scan3A_37 = arith.constant 0 : i32
    %scan3A_38 = arith.constant 12 : i32
    %scan3A_39 = arith.addi %scan3A_37, %scan3A_38 : i32
    %scan3A_40 = arith.constant 1 : i32
    %scan3A_41 = scf.for %scan3A_623 = %scan3A_37 to %scan3A_39 step %scan3A_40 iter_args(%scan3A_624 = %scan3A_36) -> (i32)  : i32 {
      %mul3A_625 = arith.constant 2 : i32
      %mul3A_626 = arith.muli %mul3A_625, %scan3A_623 : i32
      %add3A_627 = arith.constant 1 : i32
      %add3A_628 = arith.addi %mul3A_626, %add3A_627 : i32
      %mul3A_629 = arith.constant 2048 : i32
      %mul3A_630 = arith.muli %add3A_628, %mul3A_629 : i32
      %add3A_631 = arith.addi %mul3A_8, %mul3A_630 : i32
      %dma_start3A_632 = arith.constant 1 : i32
      %dma_start3A_633 = arith.constant 0 : i32
      %dma_start3A_634 = tpu.memref_slice %arg8[%dma_start3A_632, %dma_start3A_633] : memref<2x4096xi32, #tpu.memory_space<vmem>> -> memref<1x4096xi32, #tpu.memory_space<vmem>>
      %dma_start3A_635 = tpu.memref_squeeze %dma_start3A_634 : memref<1x4096xi32, #tpu.memory_space<vmem>> -> memref<4096xi32, #tpu.memory_space<vmem>>
      %dma_start3A_636 = arith.constant 0 : i32
      %dma_start3A_637 = tpu.memref_slice %dma_start3A_635[%dma_start3A_636] : memref<4096xi32, #tpu.memory_space<vmem>> -> memref<2048xi32, #tpu.memory_space<vmem>>
      %dma_start3A_638 = tpu.memref_slice %arg3[%add3A_631] : memref<819200xi32, #tpu.memory_space<hbm>> -> memref<2048xi32, #tpu.memory_space<hbm>>
      %dma_start3A_639 = arith.constant 0 : i32
      %dma_start3A_640 = tpu.memref_slice %arg8[%dma_start3A_632, %dma_start3A_639] : memref<2x4096xi32, #tpu.memory_space<vmem>> -> memref<1x4096xi32, #tpu.memory_space<vmem>>
      %dma_start3A_641 = tpu.memref_squeeze %dma_start3A_640 : memref<1x4096xi32, #tpu.memory_space<vmem>> -> memref<4096xi32, #tpu.memory_space<vmem>>
      %dma_start3A_642 = arith.constant 0 : i32
      %dma_start3A_643 = tpu.memref_slice %dma_start3A_641[%dma_start3A_642] : memref<4096xi32, #tpu.memory_space<vmem>> -> memref<2048xi32, #tpu.memory_space<vmem>>
      %dma_start3A_644 = tpu.memref_slice %arg3[%add3A_631] : memref<819200xi32, #tpu.memory_space<hbm>> -> memref<2048xi32, #tpu.memory_space<hbm>>
      tpu.enqueue_dma source(%dma_start3A_644 : memref<2048xi32, #tpu.memory_space<hbm>>) target(%dma_start3A_643 : memref<2048xi32, #tpu.memory_space<vmem>>) target_semaphore(%arg11 : memref<!tpu.dma_semaphore, #tpu.memory_space<semaphore_mem>>)
      %dma_start3A_645 = arith.constant 1 : i32
      %dma_start3A_646 = arith.constant 0 : i32
      %dma_start3A_647 = tpu.memref_slice %arg9[%dma_start3A_645, %dma_start3A_646] : memref<2x4096xf32, #tpu.memory_space<vmem>> -> memref<1x4096xf32, #tpu.memory_space<vmem>>
      %dma_start3A_648 = tpu.memref_squeeze %dma_start3A_647 : memref<1x4096xf32, #tpu.memory_space<vmem>> -> memref<4096xf32, #tpu.memory_space<vmem>>
      %dma_start3A_649 = arith.constant 0 : i32
      %dma_start3A_650 = tpu.memref_slice %dma_start3A_648[%dma_start3A_649] : memref<4096xf32, #tpu.memory_space<vmem>> -> memref<2048xf32, #tpu.memory_space<vmem>>
      %dma_start3A_651 = tpu.memref_slice %arg4[%add3A_631] : memref<819200xf32, #tpu.memory_space<hbm>> -> memref<2048xf32, #tpu.memory_space<hbm>>
      %dma_start3A_652 = arith.constant 0 : i32
      %dma_start3A_653 = tpu.memref_slice %arg9[%dma_start3A_645, %dma_start3A_652] : memref<2x4096xf32, #tpu.memory_space<vmem>> -> memref<1x4096xf32, #tpu.memory_space<vmem>>
      %dma_start3A_654 = tpu.memref_squeeze %dma_start3A_653 : memref<1x4096xf32, #tpu.memory_space<vmem>> -> memref<4096xf32, #tpu.memory_space<vmem>>
      %dma_start3A_655 = arith.constant 0 : i32
      %dma_start3A_656 = tpu.memref_slice %dma_start3A_654[%dma_start3A_655] : memref<4096xf32, #tpu.memory_space<vmem>> -> memref<2048xf32, #tpu.memory_space<vmem>>
      %dma_start3A_657 = tpu.memref_slice %arg4[%add3A_631] : memref<819200xf32, #tpu.memory_space<hbm>> -> memref<2048xf32, #tpu.memory_space<hbm>>
      tpu.enqueue_dma source(%dma_start3A_657 : memref<2048xf32, #tpu.memory_space<hbm>>) target(%dma_start3A_656 : memref<2048xf32, #tpu.memory_space<vmem>>) target_semaphore(%arg11 : memref<!tpu.dma_semaphore, #tpu.memory_space<semaphore_mem>>)
      %dma_wait3A_658 = arith.constant 0 : i32
      %dma_wait3A_659 = arith.constant 0 : i32
      %dma_wait3A_660 = tpu.memref_slice %arg8[%dma_wait3A_658, %dma_wait3A_659] : memref<2x4096xi32, #tpu.memory_space<vmem>> -> memref<1x4096xi32, #tpu.memory_space<vmem>>
      %dma_wait3A_661 = tpu.memref_squeeze %dma_wait3A_660 : memref<1x4096xi32, #tpu.memory_space<vmem>> -> memref<4096xi32, #tpu.memory_space<vmem>>
      %dma_wait3A_662 = arith.constant 0 : i32
      %dma_wait3A_663 = tpu.memref_slice %dma_wait3A_661[%dma_wait3A_662] : memref<4096xi32, #tpu.memory_space<vmem>> -> memref<2048xi32, #tpu.memory_space<vmem>>
      %dma_wait3A_664 = arith.constant 0 : i32
      %dma_wait3A_665 = tpu.memref_slice %arg3[%dma_wait3A_664] : memref<819200xi32, #tpu.memory_space<hbm>> -> memref<2048xi32, #tpu.memory_space<hbm>>
      %dma_wait3A_666 = arith.constant 0 : i32
      %dma_wait3A_667 = tpu.memref_slice %arg8[%dma_wait3A_658, %dma_wait3A_666] : memref<2x4096xi32, #tpu.memory_space<vmem>> -> memref<1x4096xi32, #tpu.memory_space<vmem>>
      %dma_wait3A_668 = tpu.memref_squeeze %dma_wait3A_667 : memref<1x4096xi32, #tpu.memory_space<vmem>> -> memref<4096xi32, #tpu.memory_space<vmem>>
      %dma_wait3A_669 = arith.constant 0 : i32
      %dma_wait3A_670 = tpu.memref_slice %dma_wait3A_668[%dma_wait3A_669] : memref<4096xi32, #tpu.memory_space<vmem>> -> memref<2048xi32, #tpu.memory_space<vmem>>
      %dma_wait3A_671 = arith.constant 0 : i32
      %dma_wait3A_672 = tpu.memref_slice %arg3[%dma_wait3A_671] : memref<819200xi32, #tpu.memory_space<hbm>> -> memref<2048xi32, #tpu.memory_space<hbm>>
      tpu.wait_dma2 semaphore(%arg10 : memref<!tpu.dma_semaphore, #tpu.memory_space<semaphore_mem>>) src(%dma_wait3A_672 : memref<2048xi32, #tpu.memory_space<hbm>>) dst(%dma_wait3A_670 : memref<2048xi32, #tpu.memory_space<vmem>>)
      %dma_wait3A_673 = arith.constant 0 : i32
      %dma_wait3A_674 = arith.constant 0 : i32
      %dma_wait3A_675 = tpu.memref_slice %arg9[%dma_wait3A_673, %dma_wait3A_674] : memref<2x4096xf32, #tpu.memory_space<vmem>> -> memref<1x4096xf32, #tpu.memory_space<vmem>>
      %dma_wait3A_676 = tpu.memref_squeeze %dma_wait3A_675 : memref<1x4096xf32, #tpu.memory_space<vmem>> -> memref<4096xf32, #tpu.memory_space<vmem>>
      %dma_wait3A_677 = arith.constant 0 : i32
      %dma_wait3A_678 = tpu.memref_slice %dma_wait3A_676[%dma_wait3A_677] : memref<4096xf32, #tpu.memory_space<vmem>> -> memref<2048xf32, #tpu.memory_space<vmem>>
      %dma_wait3A_679 = arith.constant 0 : i32
      %dma_wait3A_680 = tpu.memref_slice %arg4[%dma_wait3A_679] : memref<819200xf32, #tpu.memory_space<hbm>> -> memref<2048xf32, #tpu.memory_space<hbm>>
      %dma_wait3A_681 = arith.constant 0 : i32
      %dma_wait3A_682 = tpu.memref_slice %arg9[%dma_wait3A_673, %dma_wait3A_681] : memref<2x4096xf32, #tpu.memory_space<vmem>> -> memref<1x4096xf32, #tpu.memory_space<vmem>>
      %dma_wait3A_683 = tpu.memref_squeeze %dma_wait3A_682 : memref<1x4096xf32, #tpu.memory_space<vmem>> -> memref<4096xf32, #tpu.memory_space<vmem>>
      %dma_wait3A_684 = arith.constant 0 : i32
      %dma_wait3A_685 = tpu.memref_slice %dma_wait3A_683[%dma_wait3A_684] : memref<4096xf32, #tpu.memory_space<vmem>> -> memref<2048xf32, #tpu.memory_space<vmem>>
      %dma_wait3A_686 = arith.constant 0 : i32
      %dma_wait3A_687 = tpu.memref_slice %arg4[%dma_wait3A_686] : memref<819200xf32, #tpu.memory_space<hbm>> -> memref<2048xf32, #tpu.memory_space<hbm>>
      tpu.wait_dma2 semaphore(%arg10 : memref<!tpu.dma_semaphore, #tpu.memory_space<semaphore_mem>>) src(%dma_wait3A_687 : memref<2048xf32, #tpu.memory_space<hbm>>) dst(%dma_wait3A_685 : memref<2048xf32, #tpu.memory_space<vmem>>)
      %mul3A_688 = arith.constant 2 : i32
      %mul3A_689 = arith.muli %mul3A_688, %scan3A_623 : i32
      %parallel_loop3A_690 = arith.constant 0 : i32
      %parallel_loop3A_691 = arith.constant 128 : i32
      %parallel_loop3A_692 = arith.constant 1 : i32
      scf.for %parallel_loop3A_764 = %parallel_loop3A_690 to %parallel_loop3A_691 step %parallel_loop3A_692  : i32 {
        %parallel_loop3A_765 = arith.constant 16 : i32
        %parallel_loop3A_766 = arith.muli %parallel_loop3A_764, %parallel_loop3A_765 : i32
        %parallel_loop3A_767 = arith.constant 0 : i32
        %parallel_loop3A_768 = arith.index_cast %parallel_loop3A_767 : i32 to index
        %parallel_loop3A_769 = arith.index_cast %parallel_loop3A_766 : i32 to index
        %parallel_loop3A_770 = tpu.vector_load %arg8[%parallel_loop3A_768, %parallel_loop3A_769] {strides = array<i32>} : memref<2x4096xi32, #tpu.memory_space<vmem>>, vector<16xi32>,
        %parallel_loop3A_771 = arith.constant 16 : i32
        %parallel_loop3A_772 = vector.broadcast %parallel_loop3A_771 : i32 to vector<16xi32>
        %parallel_loop3A_773 = arith.shrui %parallel_loop3A_770, %parallel_loop3A_772 : vector<16xi32>
        %parallel_loop3A_774 = arith.constant 0 : i32
        %parallel_loop3A_775 = arith.index_cast %parallel_loop3A_774 : i32 to index
        %parallel_loop3A_776 = arith.index_cast %parallel_loop3A_766 : i32 to index
        %parallel_loop3A_777 = tpu.vector_load %arg9[%parallel_loop3A_775, %parallel_loop3A_776] {strides = array<i32>} : memref<2x4096xf32, #tpu.memory_space<vmem>>, vector<16xf32>,
        tpu.vector_store_idx %arg6[%parallel_loop3A_773], %parallel_loop3A_777 {add = true} : memref<51200xf32, #tpu.memory_space<vmem>>[vector<16xi32>], vector<16xf32>,
      } {sc.loop_unroll_factor = 8 : i64, sc.parallel_access}
      %mul3A_693 = arith.constant 2 : i32
      %mul3A_694 = arith.muli %mul3A_693, %scan3A_623 : i32
      %add3A_695 = arith.constant 2 : i32
      %add3A_696 = arith.addi %mul3A_694, %add3A_695 : i32
      %mul3A_697 = arith.constant 2048 : i32
      %mul3A_698 = arith.muli %add3A_696, %mul3A_697 : i32
      %add3A_699 = arith.addi %mul3A_8, %mul3A_698 : i32
      %dma_start3A_700 = arith.constant 0 : i32
      %dma_start3A_701 = arith.constant 0 : i32
      %dma_start3A_702 = tpu.memref_slice %arg8[%dma_start3A_700, %dma_start3A_701] : memref<2x4096xi32, #tpu.memory_space<vmem>> -> memref<1x4096xi32, #tpu.memory_space<vmem>>
      %dma_start3A_703 = tpu.memref_squeeze %dma_start3A_702 : memref<1x4096xi32, #tpu.memory_space<vmem>> -> memref<4096xi32, #tpu.memory_space<vmem>>
      %dma_start3A_704 = arith.constant 0 : i32
      %dma_start3A_705 = tpu.memref_slice %dma_start3A_703[%dma_start3A_704] : memref<4096xi32, #tpu.memory_space<vmem>> -> memref<2048xi32, #tpu.memory_space<vmem>>
      %dma_start3A_706 = tpu.memref_slice %arg3[%add3A_699] : memref<819200xi32, #tpu.memory_space<hbm>> -> memref<2048xi32, #tpu.memory_space<hbm>>
      %dma_start3A_707 = arith.constant 0 : i32
      %dma_start3A_708 = tpu.memref_slice %arg8[%dma_start3A_700, %dma_start3A_707] : memref<2x4096xi32, #tpu.memory_space<vmem>> -> memref<1x4096xi32, #tpu.memory_space<vmem>>
      %dma_start3A_709 = tpu.memref_squeeze %dma_start3A_708 : memref<1x4096xi32, #tpu.memory_space<vmem>> -> memref<4096xi32, #tpu.memory_space<vmem>>
      %dma_start3A_710 = arith.constant 0 : i32
      %dma_start3A_711 = tpu.memref_slice %dma_start3A_709[%dma_start3A_710] : memref<4096xi32, #tpu.memory_space<vmem>> -> memref<2048xi32, #tpu.memory_space<vmem>>
      %dma_start3A_712 = tpu.memref_slice %arg3[%add3A_699] : memref<819200xi32, #tpu.memory_space<hbm>> -> memref<2048xi32, #tpu.memory_space<hbm>>
      tpu.enqueue_dma source(%dma_start3A_712 : memref<2048xi32, #tpu.memory_space<hbm>>) target(%dma_start3A_711 : memref<2048xi32, #tpu.memory_space<vmem>>) target_semaphore(%arg10 : memref<!tpu.dma_semaphore, #tpu.memory_space<semaphore_mem>>)
      %dma_start3A_713 = arith.constant 0 : i32
      %dma_start3A_714 = arith.constant 0 : i32
      %dma_start3A_715 = tpu.memref_slice %arg9[%dma_start3A_713, %dma_start3A_714] : memref<2x4096xf32, #tpu.memory_space<vmem>> -> memref<1x4096xf32, #tpu.memory_space<vmem>>
      %dma_start3A_716 = tpu.memref_squeeze %dma_start3A_715 : memref<1x4096xf32, #tpu.memory_space<vmem>> -> memref<4096xf32, #tpu.memory_space<vmem>>
      %dma_start3A_717 = arith.constant 0 : i32
      %dma_start3A_718 = tpu.memref_slice %dma_start3A_716[%dma_start3A_717] : memref<4096xf32, #tpu.memory_space<vmem>> -> memref<2048xf32, #tpu.memory_space<vmem>>
      %dma_start3A_719 = tpu.memref_slice %arg4[%add3A_699] : memref<819200xf32, #tpu.memory_space<hbm>> -> memref<2048xf32, #tpu.memory_space<hbm>>
      %dma_start3A_720 = arith.constant 0 : i32
      %dma_start3A_721 = tpu.memref_slice %arg9[%dma_start3A_713, %dma_start3A_720] : memref<2x4096xf32, #tpu.memory_space<vmem>> -> memref<1x4096xf32, #tpu.memory_space<vmem>>
      %dma_start3A_722 = tpu.memref_squeeze %dma_start3A_721 : memref<1x4096xf32, #tpu.memory_space<vmem>> -> memref<4096xf32, #tpu.memory_space<vmem>>
      %dma_start3A_723 = arith.constant 0 : i32
      %dma_start3A_724 = tpu.memref_slice %dma_start3A_722[%dma_start3A_723] : memref<4096xf32, #tpu.memory_space<vmem>> -> memref<2048xf32, #tpu.memory_space<vmem>>
      %dma_start3A_725 = tpu.memref_slice %arg4[%add3A_699] : memref<819200xf32, #tpu.memory_space<hbm>> -> memref<2048xf32, #tpu.memory_space<hbm>>
      tpu.enqueue_dma source(%dma_start3A_725 : memref<2048xf32, #tpu.memory_space<hbm>>) target(%dma_start3A_724 : memref<2048xf32, #tpu.memory_space<vmem>>) target_semaphore(%arg10 : memref<!tpu.dma_semaphore, #tpu.memory_space<semaphore_mem>>)
      %dma_wait3A_726 = arith.constant 1 : i32
      %dma_wait3A_727 = arith.constant 0 : i32
      %dma_wait3A_728 = tpu.memref_slice %arg8[%dma_wait3A_726, %dma_wait3A_727] : memref<2x4096xi32, #tpu.memory_space<vmem>> -> memref<1x4096xi32, #tpu.memory_space<vmem>>
      %dma_wait3A_729 = tpu.memref_squeeze %dma_wait3A_728 : memref<1x4096xi32, #tpu.memory_space<vmem>> -> memref<4096xi32, #tpu.memory_space<vmem>>
      %dma_wait3A_730 = arith.constant 0 : i32
      %dma_wait3A_731 = tpu.memref_slice %dma_wait3A_729[%dma_wait3A_730] : memref<4096xi32, #tpu.memory_space<vmem>> -> memref<2048xi32, #tpu.memory_space<vmem>>
      %dma_wait3A_732 = arith.constant 0 : i32
      %dma_wait3A_733 = tpu.memref_slice %arg3[%dma_wait3A_732] : memref<819200xi32, #tpu.memory_space<hbm>> -> memref<2048xi32, #tpu.memory_space<hbm>>
      %dma_wait3A_734 = arith.constant 0 : i32
      %dma_wait3A_735 = tpu.memref_slice %arg8[%dma_wait3A_726, %dma_wait3A_734] : memref<2x4096xi32, #tpu.memory_space<vmem>> -> memref<1x4096xi32, #tpu.memory_space<vmem>>
      %dma_wait3A_736 = tpu.memref_squeeze %dma_wait3A_735 : memref<1x4096xi32, #tpu.memory_space<vmem>> -> memref<4096xi32, #tpu.memory_space<vmem>>
      %dma_wait3A_737 = arith.constant 0 : i32
      %dma_wait3A_738 = tpu.memref_slice %dma_wait3A_736[%dma_wait3A_737] : memref<4096xi32, #tpu.memory_space<vmem>> -> memref<2048xi32, #tpu.memory_space<vmem>>
      %dma_wait3A_739 = arith.constant 0 : i32
      %dma_wait3A_740 = tpu.memref_slice %arg3[%dma_wait3A_739] : memref<819200xi32, #tpu.memory_space<hbm>> -> memref<2048xi32, #tpu.memory_space<hbm>>
      tpu.wait_dma2 semaphore(%arg11 : memref<!tpu.dma_semaphore, #tpu.memory_space<semaphore_mem>>) src(%dma_wait3A_740 : memref<2048xi32, #tpu.memory_space<hbm>>) dst(%dma_wait3A_738 : memref<2048xi32, #tpu.memory_space<vmem>>)
      %dma_wait3A_741 = arith.constant 1 : i32
      %dma_wait3A_742 = arith.constant 0 : i32
      %dma_wait3A_743 = tpu.memref_slice %arg9[%dma_wait3A_741, %dma_wait3A_742] : memref<2x4096xf32, #tpu.memory_space<vmem>> -> memref<1x4096xf32, #tpu.memory_space<vmem>>
      %dma_wait3A_744 = tpu.memref_squeeze %dma_wait3A_743 : memref<1x4096xf32, #tpu.memory_space<vmem>> -> memref<4096xf32, #tpu.memory_space<vmem>>
      %dma_wait3A_745 = arith.constant 0 : i32
      %dma_wait3A_746 = tpu.memref_slice %dma_wait3A_744[%dma_wait3A_745] : memref<4096xf32, #tpu.memory_space<vmem>> -> memref<2048xf32, #tpu.memory_space<vmem>>
      %dma_wait3A_747 = arith.constant 0 : i32
      %dma_wait3A_748 = tpu.memref_slice %arg4[%dma_wait3A_747] : memref<819200xf32, #tpu.memory_space<hbm>> -> memref<2048xf32, #tpu.memory_space<hbm>>
      %dma_wait3A_749 = arith.constant 0 : i32
      %dma_wait3A_750 = tpu.memref_slice %arg9[%dma_wait3A_741, %dma_wait3A_749] : memref<2x4096xf32, #tpu.memory_space<vmem>> -> memref<1x4096xf32, #tpu.memory_space<vmem>>
      %dma_wait3A_751 = tpu.memref_squeeze %dma_wait3A_750 : memref<1x4096xf32, #tpu.memory_space<vmem>> -> memref<4096xf32, #tpu.memory_space<vmem>>
      %dma_wait3A_752 = arith.constant 0 : i32
      %dma_wait3A_753 = tpu.memref_slice %dma_wait3A_751[%dma_wait3A_752] : memref<4096xf32, #tpu.memory_space<vmem>> -> memref<2048xf32, #tpu.memory_space<vmem>>
      %dma_wait3A_754 = arith.constant 0 : i32
      %dma_wait3A_755 = tpu.memref_slice %arg4[%dma_wait3A_754] : memref<819200xf32, #tpu.memory_space<hbm>> -> memref<2048xf32, #tpu.memory_space<hbm>>
      tpu.wait_dma2 semaphore(%arg11 : memref<!tpu.dma_semaphore, #tpu.memory_space<semaphore_mem>>) src(%dma_wait3A_755 : memref<2048xf32, #tpu.memory_space<hbm>>) dst(%dma_wait3A_753 : memref<2048xf32, #tpu.memory_space<vmem>>)
      %mul3A_756 = arith.constant 2 : i32
      %mul3A_757 = arith.muli %mul3A_756, %scan3A_623 : i32
      %add3A_758 = arith.constant 1 : i32
      %add3A_759 = arith.addi %mul3A_757, %add3A_758 : i32
      %parallel_loop3A_760 = arith.constant 0 : i32
      %parallel_loop3A_761 = arith.constant 128 : i32
      %parallel_loop3A_762 = arith.constant 1 : i32
      scf.for %parallel_loop3A_764 = %parallel_loop3A_760 to %parallel_loop3A_761 step %parallel_loop3A_762  : i32 {
        %parallel_loop3A_765 = arith.constant 16 : i32
        %parallel_loop3A_766 = arith.muli %parallel_loop3A_764, %parallel_loop3A_765 : i32
        %parallel_loop3A_767 = arith.constant 1 : i32
        %parallel_loop3A_768 = arith.index_cast %parallel_loop3A_767 : i32 to index
        %parallel_loop3A_769 = arith.index_cast %parallel_loop3A_766 : i32 to index
        %parallel_loop3A_770 = tpu.vector_load %arg8[%parallel_loop3A_768, %parallel_loop3A_769] {strides = array<i32>} : memref<2x4096xi32, #tpu.memory_space<vmem>>, vector<16xi32>,
        %parallel_loop3A_771 = arith.constant 16 : i32
        %parallel_loop3A_772 = vector.broadcast %parallel_loop3A_771 : i32 to vector<16xi32>
        %parallel_loop3A_773 = arith.shrui %parallel_loop3A_770, %parallel_loop3A_772 : vector<16xi32>
        %parallel_loop3A_774 = arith.constant 1 : i32
        %parallel_loop3A_775 = arith.index_cast %parallel_loop3A_774 : i32 to index
        %parallel_loop3A_776 = arith.index_cast %parallel_loop3A_766 : i32 to index
        %parallel_loop3A_777 = tpu.vector_load %arg9[%parallel_loop3A_775, %parallel_loop3A_776] {strides = array<i32>} : memref<2x4096xf32, #tpu.memory_space<vmem>>, vector<16xf32>,
        tpu.vector_store_idx %arg6[%parallel_loop3A_773], %parallel_loop3A_777 {add = true} : memref<51200xf32, #tpu.memory_space<vmem>>[vector<16xi32>], vector<16xf32>,
      } {sc.loop_unroll_factor = 8 : i64, sc.parallel_access}
      %scan3A_763 = arith.constant 0 : i32
      scf.yield %scan3A_763 : i32
    }
    %scan3A_42 = arith.constant 12 : i32
    %dma_wait3A = arith.constant 0 : i32
    %dma_wait3A_43 = arith.constant 0 : i32
    %dma_wait3A_44 = tpu.memref_slice %arg8[%dma_wait3A, %dma_wait3A_43] : memref<2x4096xi32, #tpu.memory_space<vmem>> -> memref<1x4096xi32, #tpu.memory_space<vmem>>
    %dma_wait3A_45 = tpu.memref_squeeze %dma_wait3A_44 : memref<1x4096xi32, #tpu.memory_space<vmem>> -> memref<4096xi32, #tpu.memory_space<vmem>>
    %dma_wait3A_46 = arith.constant 0 : i32
    %dma_wait3A_47 = tpu.memref_slice %dma_wait3A_45[%dma_wait3A_46] : memref<4096xi32, #tpu.memory_space<vmem>> -> memref<2048xi32, #tpu.memory_space<vmem>>
    %dma_wait3A_48 = arith.constant 0 : i32
    %dma_wait3A_49 = tpu.memref_slice %arg3[%dma_wait3A_48] : memref<819200xi32, #tpu.memory_space<hbm>> -> memref<2048xi32, #tpu.memory_space<hbm>>
    %dma_wait3A_50 = arith.constant 0 : i32
    %dma_wait3A_51 = tpu.memref_slice %arg8[%dma_wait3A, %dma_wait3A_50] : memref<2x4096xi32, #tpu.memory_space<vmem>> -> memref<1x4096xi32, #tpu.memory_space<vmem>>
    %dma_wait3A_52 = tpu.memref_squeeze %dma_wait3A_51 : memref<1x4096xi32, #tpu.memory_space<vmem>> -> memref<4096xi32, #tpu.memory_space<vmem>>
    %dma_wait3A_53 = arith.constant 0 : i32
    %dma_wait3A_54 = tpu.memref_slice %dma_wait3A_52[%dma_wait3A_53] : memref<4096xi32, #tpu.memory_space<vmem>> -> memref<2048xi32, #tpu.memory_space<vmem>>
    %dma_wait3A_55 = arith.constant 0 : i32
    %dma_wait3A_56 = tpu.memref_slice %arg3[%dma_wait3A_55] : memref<819200xi32, #tpu.memory_space<hbm>> -> memref<2048xi32, #tpu.memory_space<hbm>>
    tpu.wait_dma2 semaphore(%arg10 : memref<!tpu.dma_semaphore, #tpu.memory_space<semaphore_mem>>) src(%dma_wait3A_56 : memref<2048xi32, #tpu.memory_space<hbm>>) dst(%dma_wait3A_54 : memref<2048xi32, #tpu.memory_space<vmem>>)
    %dma_wait3A_57 = arith.constant 0 : i32
    %dma_wait3A_58 = arith.constant 0 : i32
    %dma_wait3A_59 = tpu.memref_slice %arg9[%dma_wait3A_57, %dma_wait3A_58] : memref<2x4096xf32, #tpu.memory_space<vmem>> -> memref<1x4096xf32, #tpu.memory_space<vmem>>
    %dma_wait3A_60 = tpu.memref_squeeze %dma_wait3A_59 : memref<1x4096xf32, #tpu.memory_space<vmem>> -> memref<4096xf32, #tpu.memory_space<vmem>>
    %dma_wait3A_61 = arith.constant 0 : i32
    %dma_wait3A_62 = tpu.memref_slice %dma_wait3A_60[%dma_wait3A_61] : memref<4096xf32, #tpu.memory_space<vmem>> -> memref<2048xf32, #tpu.memory_space<vmem>>
    %dma_wait3A_63 = arith.constant 0 : i32
    %dma_wait3A_64 = tpu.memref_slice %arg4[%dma_wait3A_63] : memref<819200xf32, #tpu.memory_space<hbm>> -> memref<2048xf32, #tpu.memory_space<hbm>>
    %dma_wait3A_65 = arith.constant 0 : i32
    %dma_wait3A_66 = tpu.memref_slice %arg9[%dma_wait3A_57, %dma_wait3A_65] : memref<2x4096xf32, #tpu.memory_space<vmem>> -> memref<1x4096xf32, #tpu.memory_space<vmem>>
    %dma_wait3A_67 = tpu.memref_squeeze %dma_wait3A_66 : memref<1x4096xf32, #tpu.memory_space<vmem>> -> memref<4096xf32, #tpu.memory_space<vmem>>
    %dma_wait3A_68 = arith.constant 0 : i32
    %dma_wait3A_69 = tpu.memref_slice %dma_wait3A_67[%dma_wait3A_68] : memref<4096xf32, #tpu.memory_space<vmem>> -> memref<2048xf32, #tpu.memory_space<vmem>>
    %dma_wait3A_70 = arith.constant 0 : i32
    %dma_wait3A_71 = tpu.memref_slice %arg4[%dma_wait3A_70] : memref<819200xf32, #tpu.memory_space<hbm>> -> memref<2048xf32, #tpu.memory_space<hbm>>
    tpu.wait_dma2 semaphore(%arg10 : memref<!tpu.dma_semaphore, #tpu.memory_space<semaphore_mem>>) src(%dma_wait3A_71 : memref<2048xf32, #tpu.memory_space<hbm>>) dst(%dma_wait3A_69 : memref<2048xf32, #tpu.memory_space<vmem>>)
    %parallel_loop3A = arith.constant 0 : i32
    %parallel_loop3A_72 = arith.constant 128 : i32
    %parallel_loop3A_73 = arith.constant 1 : i32
    scf.for %parallel_loop3A_623 = %parallel_loop3A to %parallel_loop3A_72 step %parallel_loop3A_73  : i32 {
      %parallel_loop3A_624 = arith.constant 16 : i32
      %parallel_loop3A_625 = arith.muli %parallel_loop3A_623, %parallel_loop3A_624 : i32
      %parallel_loop3A_626 = arith.constant 0 : i32
      %parallel_loop3A_627 = arith.index_cast %parallel_loop3A_626 : i32 to index
      %parallel_loop3A_628 = arith.index_cast %parallel_loop3A_625 : i32 to index
      %parallel_loop3A_629 = tpu.vector_load %arg8[%parallel_loop3A_627, %parallel_loop3A_628] {strides = array<i32>} : memref<2x4096xi32, #tpu.memory_space<vmem>>, vector<16xi32>,
      %parallel_loop3A_630 = arith.constant 16 : i32
      %parallel_loop3A_631 = vector.broadcast %parallel_loop3A_630 : i32 to vector<16xi32>
      %parallel_loop3A_632 = arith.shrui %parallel_loop3A_629, %parallel_loop3A_631 : vector<16xi32>
      %parallel_loop3A_633 = arith.constant 0 : i32
      %parallel_loop3A_634 = arith.index_cast %parallel_loop3A_633 : i32 to index
      %parallel_loop3A_635 = arith.index_cast %parallel_loop3A_625 : i32 to index
      %parallel_loop3A_636 = tpu.vector_load %arg9[%parallel_loop3A_634, %parallel_loop3A_635] {strides = array<i32>} : memref<2x4096xf32, #tpu.memory_space<vmem>>, vector<16xf32>,
      tpu.vector_store_idx %arg6[%parallel_loop3A_632], %parallel_loop3A_636 {add = true} : memref<51200xf32, #tpu.memory_space<vmem>>[vector<16xi32>], vector<16xf32>,
    } {sc.loop_unroll_factor = 8 : i64, sc.parallel_access}
    %add3A_74 = arith.constant 25 : i32
    %add3A_75 = arith.addi %add3A_74, %arg1 : i32
    %mul3A_76 = arith.constant 51200 : i32
    %mul3A_77 = arith.muli %add3A_75, %mul3A_76 : i32
    "tpu.region"() ({
      %run_scoped3A = tpu.sem_alloc : memref<!tpu.dma_semaphore, #tpu.memory_space<semaphore_mem>>
      %dma_start3A_623 = tpu.memref_slice %arg5[%mul3A_77] : memref<2099200xf32, #tpu.memory_space<hbm>> -> memref<51200xf32, #tpu.memory_space<hbm>>
      %dma_start3A_624 = tpu.memref_slice %arg5[%mul3A_77] : memref<2099200xf32, #tpu.memory_space<hbm>> -> memref<51200xf32, #tpu.memory_space<hbm>>
      tpu.enqueue_dma source(%arg6 : memref<51200xf32, #tpu.memory_space<vmem>>) target(%dma_start3A_624 : memref<51200xf32, #tpu.memory_space<hbm>>) target_semaphore(%run_scoped3A : memref<!tpu.dma_semaphore, #tpu.memory_space<semaphore_mem>>)
      %dma_wait3A_625 = tpu.memref_slice %arg5[%mul3A_77] : memref<2099200xf32, #tpu.memory_space<hbm>> -> memref<51200xf32, #tpu.memory_space<hbm>>
      %dma_wait3A_626 = tpu.memref_slice %arg5[%mul3A_77] : memref<2099200xf32, #tpu.memory_space<hbm>> -> memref<51200xf32, #tpu.memory_space<hbm>>
      tpu.wait_dma2 semaphore(%run_scoped3A : memref<!tpu.dma_semaphore, #tpu.memory_space<semaphore_mem>>) src(%arg6 : memref<51200xf32, #tpu.memory_space<vmem>>) dst(%dma_wait3A_626 : memref<51200xf32, #tpu.memory_space<hbm>>)
      tpu.yield
    }) : () -> ()
    %barrier3A = arith.constant 0 : index
    tpu.barrier barrier_id(%barrier3A)
    %mul3A_78 = arith.constant 3200 : i32
    %mul3A_79 = arith.muli %arg1, %mul3A_78 : i32
    %scan3A_80 = arith.constant 0 : i32
    %scan3A_81 = arith.constant 0 : i32
    %scan3A_82 = arith.constant 200 : i32
    %scan3A_83 = arith.addi %scan3A_81, %scan3A_82 : i32
    %scan3A_84 = arith.constant 1 : i32
    %scan3A_85 = scf.for %scan3A_623 = %scan3A_81 to %scan3A_83 step %scan3A_84 iter_args(%scan3A_624 = %scan3A_80) -> (i32)  : i32 {
      %broadcast_in_dim3A = arith.constant 0.000000e+00 : f32
      %broadcast_in_dim3A_625 = vector.broadcast %broadcast_in_dim3A : f32 to vector<16xf32>
      %mul3A_626 = arith.constant 16 : i32
      %mul3A_627 = arith.muli %scan3A_623, %mul3A_626 : i32
      %swap3A = arith.index_cast %mul3A_627 : i32 to index
      %swap3A_628 = tpu.vector_load %arg7[%swap3A] {strides = array<i32>} : memref<51200xf32, #tpu.memory_space<vmem>>, vector<16xf32>,
      tpu.vector_store %arg7[%swap3A], %broadcast_in_dim3A_625 {strides = array<i32>} : memref<51200xf32, #tpu.memory_space<vmem>>, vector<16xf32>,
      %scan3A_629 = arith.constant 0 : i32
      scf.yield %scan3A_629 : i32
    }
    %scan3A_86 = arith.constant 200 : i32
    %add3A_87 = arith.constant 1280000 : i32
    %add3A_88 = arith.addi %add3A_87, %mul3A_79 : i32
    %dma_start3A_89 = arith.constant 0 : i32
    %dma_start3A_90 = arith.constant 0 : i32
    %dma_start3A_91 = tpu.memref_slice %arg9[%dma_start3A_89, %dma_start3A_90] : memref<2x4096xf32, #tpu.memory_space<vmem>> -> memref<1x4096xf32, #tpu.memory_space<vmem>>
    %dma_start3A_92 = tpu.memref_squeeze %dma_start3A_91 : memref<1x4096xf32, #tpu.memory_space<vmem>> -> memref<4096xf32, #tpu.memory_space<vmem>>
    %dma_start3A_93 = arith.constant 0 : i32
    %dma_start3A_94 = tpu.memref_slice %dma_start3A_92[%dma_start3A_93] : memref<4096xf32, #tpu.memory_space<vmem>> -> memref<3200xf32, #tpu.memory_space<vmem>>
    %dma_start3A_95 = tpu.memref_slice %arg5[%add3A_88] : memref<2099200xf32, #tpu.memory_space<hbm>> -> memref<3200xf32, #tpu.memory_space<hbm>>
    %dma_start3A_96 = arith.constant 0 : i32
    %dma_start3A_97 = tpu.memref_slice %arg9[%dma_start3A_89, %dma_start3A_96] : memref<2x4096xf32, #tpu.memory_space<vmem>> -> memref<1x4096xf32, #tpu.memory_space<vmem>>
    %dma_start3A_98 = tpu.memref_squeeze %dma_start3A_97 : memref<1x4096xf32, #tpu.memory_space<vmem>> -> memref<4096xf32, #tpu.memory_space<vmem>>
    %dma_start3A_99 = arith.constant 0 : i32
    %dma_start3A_100 = tpu.memref_slice %dma_start3A_98[%dma_start3A_99] : memref<4096xf32, #tpu.memory_space<vmem>> -> memref<3200xf32, #tpu.memory_space<vmem>>
    %dma_start3A_101 = tpu.memref_slice %arg5[%add3A_88] : memref<2099200xf32, #tpu.memory_space<hbm>> -> memref<3200xf32, #tpu.memory_space<hbm>>
    tpu.enqueue_dma source(%dma_start3A_101 : memref<3200xf32, #tpu.memory_space<hbm>>) target(%dma_start3A_100 : memref<3200xf32, #tpu.memory_space<vmem>>) target_semaphore(%arg10 : memref<!tpu.dma_semaphore, #tpu.memory_space<semaphore_mem>>)
    %dma_wait3A_102 = arith.constant 0 : i32
    %dma_wait3A_103 = arith.constant 0 : i32
    %dma_wait3A_104 = tpu.memref_slice %arg9[%dma_wait3A_102, %dma_wait3A_103] : memref<2x4096xf32, #tpu.memory_space<vmem>> -> memref<1x4096xf32, #tpu.memory_space<vmem>>
    %dma_wait3A_105 = tpu.memref_squeeze %dma_wait3A_104 : memref<1x4096xf32, #tpu.memory_space<vmem>> -> memref<4096xf32, #tpu.memory_space<vmem>>
    %dma_wait3A_106 = arith.constant 0 : i32
    %dma_wait3A_107 = tpu.memref_slice %dma_wait3A_105[%dma_wait3A_106] : memref<4096xf32, #tpu.memory_space<vmem>> -> memref<3200xf32, #tpu.memory_space<vmem>>
    %dma_wait3A_108 = arith.constant 0 : i32
    %dma_wait3A_109 = tpu.memref_slice %arg5[%dma_wait3A_108] : memref<2099200xf32, #tpu.memory_space<hbm>> -> memref<3200xf32, #tpu.memory_space<hbm>>
    %dma_wait3A_110 = arith.constant 0 : i32
    %dma_wait3A_111 = tpu.memref_slice %arg9[%dma_wait3A_102, %dma_wait3A_110] : memref<2x4096xf32, #tpu.memory_space<vmem>> -> memref<1x4096xf32, #tpu.memory_space<vmem>>
    %dma_wait3A_112 = tpu.memref_squeeze %dma_wait3A_111 : memref<1x4096xf32, #tpu.memory_space<vmem>> -> memref<4096xf32, #tpu.memory_space<vmem>>
    %dma_wait3A_113 = arith.constant 0 : i32
    %dma_wait3A_114 = tpu.memref_slice %dma_wait3A_112[%dma_wait3A_113] : memref<4096xf32, #tpu.memory_space<vmem>> -> memref<3200xf32, #tpu.memory_space<vmem>>
    %dma_wait3A_115 = arith.constant 0 : i32
    %dma_wait3A_116 = tpu.memref_slice %arg5[%dma_wait3A_115] : memref<2099200xf32, #tpu.memory_space<hbm>> -> memref<3200xf32, #tpu.memory_space<hbm>>
    tpu.wait_dma2 semaphore(%arg10 : memref<!tpu.dma_semaphore, #tpu.memory_space<semaphore_mem>>) src(%dma_wait3A_116 : memref<3200xf32, #tpu.memory_space<hbm>>) dst(%dma_wait3A_114 : memref<3200xf32, #tpu.memory_space<vmem>>)
    %add3A_117 = arith.constant 1331200 : i32
    %add3A_118 = arith.addi %add3A_117, %mul3A_79 : i32
    %dma_start3A_119 = arith.constant 1 : i32
    %dma_start3A_120 = arith.constant 0 : i32
    %dma_start3A_121 = tpu.memref_slice %arg9[%dma_start3A_119, %dma_start3A_120] : memref<2x4096xf32, #tpu.memory_space<vmem>> -> memref<1x4096xf32, #tpu.memory_space<vmem>>
    %dma_start3A_122 = tpu.memref_squeeze %dma_start3A_121 : memref<1x4096xf32, #tpu.memory_space<vmem>> -> memref<4096xf32, #tpu.memory_space<vmem>>
    %dma_start3A_123 = arith.constant 0 : i32
    %dma_start3A_124 = tpu.memref_slice %dma_start3A_122[%dma_start3A_123] : memref<4096xf32, #tpu.memory_space<vmem>> -> memref<3200xf32, #tpu.memory_space<vmem>>
    %dma_start3A_125 = tpu.memref_slice %arg5[%add3A_118] : memref<2099200xf32, #tpu.memory_space<hbm>> -> memref<3200xf32, #tpu.memory_space<hbm>>
    %dma_start3A_126 = arith.constant 0 : i32
    %dma_start3A_127 = tpu.memref_slice %arg9[%dma_start3A_119, %dma_start3A_126] : memref<2x4096xf32, #tpu.memory_space<vmem>> -> memref<1x4096xf32, #tpu.memory_space<vmem>>
    %dma_start3A_128 = tpu.memref_squeeze %dma_start3A_127 : memref<1x4096xf32, #tpu.memory_space<vmem>> -> memref<4096xf32, #tpu.memory_space<vmem>>
    %dma_start3A_129 = arith.constant 0 : i32
    %dma_start3A_130 = tpu.memref_slice %dma_start3A_128[%dma_start3A_129] : memref<4096xf32, #tpu.memory_space<vmem>> -> memref<3200xf32, #tpu.memory_space<vmem>>
    %dma_start3A_131 = tpu.memref_slice %arg5[%add3A_118] : memref<2099200xf32, #tpu.memory_space<hbm>> -> memref<3200xf32, #tpu.memory_space<hbm>>
    tpu.enqueue_dma source(%dma_start3A_131 : memref<3200xf32, #tpu.memory_space<hbm>>) target(%dma_start3A_130 : memref<3200xf32, #tpu.memory_space<vmem>>) target_semaphore(%arg11 : memref<!tpu.dma_semaphore, #tpu.memory_space<semaphore_mem>>)
    %parallel_loop3A_132 = arith.constant 0 : i32
    %parallel_loop3A_133 = arith.constant 200 : i32
    %parallel_loop3A_134 = arith.constant 1 : i32
    scf.for %parallel_loop3A_623 = %parallel_loop3A_132 to %parallel_loop3A_133 step %parallel_loop3A_134  : i32 {
      %parallel_loop3A_624 = arith.constant 16 : i32
      %parallel_loop3A_625 = arith.muli %parallel_loop3A_623, %parallel_loop3A_624 : i32
      %parallel_loop3A_626 = arith.index_cast %parallel_loop3A_625 : i32 to index
      %parallel_loop3A_627 = tpu.vector_load %arg7[%parallel_loop3A_626] {strides = array<i32>} : memref<51200xf32, #tpu.memory_space<vmem>>, vector<16xf32>,
      %parallel_loop3A_628 = arith.constant 0 : i32
      %parallel_loop3A_629 = arith.index_cast %parallel_loop3A_628 : i32 to index
      %parallel_loop3A_630 = arith.index_cast %parallel_loop3A_625 : i32 to index
      %parallel_loop3A_631 = tpu.vector_load %arg9[%parallel_loop3A_629, %parallel_loop3A_630] {strides = array<i32>} : memref<2x4096xf32, #tpu.memory_space<vmem>>, vector<16xf32>,
      %parallel_loop3A_632 = arith.addf %parallel_loop3A_627, %parallel_loop3A_631 : vector<16xf32>
      %parallel_loop3A_633 = arith.index_cast %parallel_loop3A_625 : i32 to index
      %parallel_loop3A_634 = tpu.vector_load %arg7[%parallel_loop3A_633] {strides = array<i32>} : memref<51200xf32, #tpu.memory_space<vmem>>, vector<16xf32>,
      tpu.vector_store %arg7[%parallel_loop3A_633], %parallel_loop3A_632 {strides = array<i32>} : memref<51200xf32, #tpu.memory_space<vmem>>, vector<16xf32>,
    } {sc.loop_unroll_factor = 4 : i64, sc.parallel_access}
    %dma_wait3A_135 = arith.constant 1 : i32
    %dma_wait3A_136 = arith.constant 0 : i32
    %dma_wait3A_137 = tpu.memref_slice %arg9[%dma_wait3A_135, %dma_wait3A_136] : memref<2x4096xf32, #tpu.memory_space<vmem>> -> memref<1x4096xf32, #tpu.memory_space<vmem>>
    %dma_wait3A_138 = tpu.memref_squeeze %dma_wait3A_137 : memref<1x4096xf32, #tpu.memory_space<vmem>> -> memref<4096xf32, #tpu.memory_space<vmem>>
    %dma_wait3A_139 = arith.constant 0 : i32
    %dma_wait3A_140 = tpu.memref_slice %dma_wait3A_138[%dma_wait3A_139] : memref<4096xf32, #tpu.memory_space<vmem>> -> memref<3200xf32, #tpu.memory_space<vmem>>
    %dma_wait3A_141 = arith.constant 0 : i32
    %dma_wait3A_142 = tpu.memref_slice %arg5[%dma_wait3A_141] : memref<2099200xf32, #tpu.memory_space<hbm>> -> memref<3200xf32, #tpu.memory_space<hbm>>
    %dma_wait3A_143 = arith.constant 0 : i32
    %dma_wait3A_144 = tpu.memref_slice %arg9[%dma_wait3A_135, %dma_wait3A_143] : memref<2x4096xf32, #tpu.memory_space<vmem>> -> memref<1x4096xf32, #tpu.memory_space<vmem>>
    %dma_wait3A_145 = tpu.memref_squeeze %dma_wait3A_144 : memref<1x4096xf32, #tpu.memory_space<vmem>> -> memref<4096xf32, #tpu.memory_space<vmem>>
    %dma_wait3A_146 = arith.constant 0 : i32
    %dma_wait3A_147 = tpu.memref_slice %dma_wait3A_145[%dma_wait3A_146] : memref<4096xf32, #tpu.memory_space<vmem>> -> memref<3200xf32, #tpu.memory_space<vmem>>
    %dma_wait3A_148 = arith.constant 0 : i32
    %dma_wait3A_149 = tpu.memref_slice %arg5[%dma_wait3A_148] : memref<2099200xf32, #tpu.memory_space<hbm>> -> memref<3200xf32, #tpu.memory_space<hbm>>
    tpu.wait_dma2 semaphore(%arg11 : memref<!tpu.dma_semaphore, #tpu.memory_space<semaphore_mem>>) src(%dma_wait3A_149 : memref<3200xf32, #tpu.memory_space<hbm>>) dst(%dma_wait3A_147 : memref<3200xf32, #tpu.memory_space<vmem>>)
    %add3A_150 = arith.constant 1382400 : i32
    %add3A_151 = arith.addi %add3A_150, %mul3A_79 : i32
    %dma_start3A_152 = arith.constant 0 : i32
    %dma_start3A_153 = arith.constant 0 : i32
    %dma_start3A_154 = tpu.memref_slice %arg9[%dma_start3A_152, %dma_start3A_153] : memref<2x4096xf32, #tpu.memory_space<vmem>> -> memref<1x4096xf32, #tpu.memory_space<vmem>>
    %dma_start3A_155 = tpu.memref_squeeze %dma_start3A_154 : memref<1x4096xf32, #tpu.memory_space<vmem>> -> memref<4096xf32, #tpu.memory_space<vmem>>
    %dma_start3A_156 = arith.constant 0 : i32
    %dma_start3A_157 = tpu.memref_slice %dma_start3A_155[%dma_start3A_156] : memref<4096xf32, #tpu.memory_space<vmem>> -> memref<3200xf32, #tpu.memory_space<vmem>>
    %dma_start3A_158 = tpu.memref_slice %arg5[%add3A_151] : memref<2099200xf32, #tpu.memory_space<hbm>> -> memref<3200xf32, #tpu.memory_space<hbm>>
    %dma_start3A_159 = arith.constant 0 : i32
    %dma_start3A_160 = tpu.memref_slice %arg9[%dma_start3A_152, %dma_start3A_159] : memref<2x4096xf32, #tpu.memory_space<vmem>> -> memref<1x4096xf32, #tpu.memory_space<vmem>>
    %dma_start3A_161 = tpu.memref_squeeze %dma_start3A_160 : memref<1x4096xf32, #tpu.memory_space<vmem>> -> memref<4096xf32, #tpu.memory_space<vmem>>
    %dma_start3A_162 = arith.constant 0 : i32
    %dma_start3A_163 = tpu.memref_slice %dma_start3A_161[%dma_start3A_162] : memref<4096xf32, #tpu.memory_space<vmem>> -> memref<3200xf32, #tpu.memory_space<vmem>>
    %dma_start3A_164 = tpu.memref_slice %arg5[%add3A_151] : memref<2099200xf32, #tpu.memory_space<hbm>> -> memref<3200xf32, #tpu.memory_space<hbm>>
    tpu.enqueue_dma source(%dma_start3A_164 : memref<3200xf32, #tpu.memory_space<hbm>>) target(%dma_start3A_163 : memref<3200xf32, #tpu.memory_space<vmem>>) target_semaphore(%arg10 : memref<!tpu.dma_semaphore, #tpu.memory_space<semaphore_mem>>)
    %parallel_loop3A_165 = arith.constant 0 : i32
    %parallel_loop3A_166 = arith.constant 200 : i32
    %parallel_loop3A_167 = arith.constant 1 : i32
    scf.for %parallel_loop3A_623 = %parallel_loop3A_165 to %parallel_loop3A_166 step %parallel_loop3A_167  : i32 {
      %parallel_loop3A_624 = arith.constant 16 : i32
      %parallel_loop3A_625 = arith.muli %parallel_loop3A_623, %parallel_loop3A_624 : i32
      %parallel_loop3A_626 = arith.index_cast %parallel_loop3A_625 : i32 to index
      %parallel_loop3A_627 = tpu.vector_load %arg7[%parallel_loop3A_626] {strides = array<i32>} : memref<51200xf32, #tpu.memory_space<vmem>>, vector<16xf32>,
      %parallel_loop3A_628 = arith.constant 1 : i32
      %parallel_loop3A_629 = arith.index_cast %parallel_loop3A_628 : i32 to index
      %parallel_loop3A_630 = arith.index_cast %parallel_loop3A_625 : i32 to index
      %parallel_loop3A_631 = tpu.vector_load %arg9[%parallel_loop3A_629, %parallel_loop3A_630] {strides = array<i32>} : memref<2x4096xf32, #tpu.memory_space<vmem>>, vector<16xf32>,
      %parallel_loop3A_632 = arith.addf %parallel_loop3A_627, %parallel_loop3A_631 : vector<16xf32>
      %parallel_loop3A_633 = arith.index_cast %parallel_loop3A_625 : i32 to index
      %parallel_loop3A_634 = tpu.vector_load %arg7[%parallel_loop3A_633] {strides = array<i32>} : memref<51200xf32, #tpu.memory_space<vmem>>, vector<16xf32>,
      tpu.vector_store %arg7[%parallel_loop3A_633], %parallel_loop3A_632 {strides = array<i32>} : memref<51200xf32, #tpu.memory_space<vmem>>, vector<16xf32>,
    } {sc.loop_unroll_factor = 4 : i64, sc.parallel_access}
    %dma_wait3A_168 = arith.constant 0 : i32
    %dma_wait3A_169 = arith.constant 0 : i32
    %dma_wait3A_170 = tpu.memref_slice %arg9[%dma_wait3A_168, %dma_wait3A_169] : memref<2x4096xf32, #tpu.memory_space<vmem>> -> memref<1x4096xf32, #tpu.memory_space<vmem>>
    %dma_wait3A_171 = tpu.memref_squeeze %dma_wait3A_170 : memref<1x4096xf32, #tpu.memory_space<vmem>> -> memref<4096xf32, #tpu.memory_space<vmem>>
    %dma_wait3A_172 = arith.constant 0 : i32
    %dma_wait3A_173 = tpu.memref_slice %dma_wait3A_171[%dma_wait3A_172] : memref<4096xf32, #tpu.memory_space<vmem>> -> memref<3200xf32, #tpu.memory_space<vmem>>
    %dma_wait3A_174 = arith.constant 0 : i32
    %dma_wait3A_175 = tpu.memref_slice %arg5[%dma_wait3A_174] : memref<2099200xf32, #tpu.memory_space<hbm>> -> memref<3200xf32, #tpu.memory_space<hbm>>
    %dma_wait3A_176 = arith.constant 0 : i32
    %dma_wait3A_177 = tpu.memref_slice %arg9[%dma_wait3A_168, %dma_wait3A_176] : memref<2x4096xf32, #tpu.memory_space<vmem>> -> memref<1x4096xf32, #tpu.memory_space<vmem>>
    %dma_wait3A_178 = tpu.memref_squeeze %dma_wait3A_177 : memref<1x4096xf32, #tpu.memory_space<vmem>> -> memref<4096xf32, #tpu.memory_space<vmem>>
    %dma_wait3A_179 = arith.constant 0 : i32
    %dma_wait3A_180 = tpu.memref_slice %dma_wait3A_178[%dma_wait3A_179] : memref<4096xf32, #tpu.memory_space<vmem>> -> memref<3200xf32, #tpu.memory_space<vmem>>
    %dma_wait3A_181 = arith.constant 0 : i32
    %dma_wait3A_182 = tpu.memref_slice %arg5[%dma_wait3A_181] : memref<2099200xf32, #tpu.memory_space<hbm>> -> memref<3200xf32, #tpu.memory_space<hbm>>
    tpu.wait_dma2 semaphore(%arg10 : memref<!tpu.dma_semaphore, #tpu.memory_space<semaphore_mem>>) src(%dma_wait3A_182 : memref<3200xf32, #tpu.memory_space<hbm>>) dst(%dma_wait3A_180 : memref<3200xf32, #tpu.memory_space<vmem>>)
    %add3A_183 = arith.constant 1433600 : i32
    %add3A_184 = arith.addi %add3A_183, %mul3A_79 : i32
    %dma_start3A_185 = arith.constant 1 : i32
    %dma_start3A_186 = arith.constant 0 : i32
    %dma_start3A_187 = tpu.memref_slice %arg9[%dma_start3A_185, %dma_start3A_186] : memref<2x4096xf32, #tpu.memory_space<vmem>> -> memref<1x4096xf32, #tpu.memory_space<vmem>>
    %dma_start3A_188 = tpu.memref_squeeze %dma_start3A_187 : memref<1x4096xf32, #tpu.memory_space<vmem>> -> memref<4096xf32, #tpu.memory_space<vmem>>
    %dma_start3A_189 = arith.constant 0 : i32
    %dma_start3A_190 = tpu.memref_slice %dma_start3A_188[%dma_start3A_189] : memref<4096xf32, #tpu.memory_space<vmem>> -> memref<3200xf32, #tpu.memory_space<vmem>>
    %dma_start3A_191 = tpu.memref_slice %arg5[%add3A_184] : memref<2099200xf32, #tpu.memory_space<hbm>> -> memref<3200xf32, #tpu.memory_space<hbm>>
    %dma_start3A_192 = arith.constant 0 : i32
    %dma_start3A_193 = tpu.memref_slice %arg9[%dma_start3A_185, %dma_start3A_192] : memref<2x4096xf32, #tpu.memory_space<vmem>> -> memref<1x4096xf32, #tpu.memory_space<vmem>>
    %dma_start3A_194 = tpu.memref_squeeze %dma_start3A_193 : memref<1x4096xf32, #tpu.memory_space<vmem>> -> memref<4096xf32, #tpu.memory_space<vmem>>
    %dma_start3A_195 = arith.constant 0 : i32
    %dma_start3A_196 = tpu.memref_slice %dma_start3A_194[%dma_start3A_195] : memref<4096xf32, #tpu.memory_space<vmem>> -> memref<3200xf32, #tpu.memory_space<vmem>>
    %dma_start3A_197 = tpu.memref_slice %arg5[%add3A_184] : memref<2099200xf32, #tpu.memory_space<hbm>> -> memref<3200xf32, #tpu.memory_space<hbm>>
    tpu.enqueue_dma source(%dma_start3A_197 : memref<3200xf32, #tpu.memory_space<hbm>>) target(%dma_start3A_196 : memref<3200xf32, #tpu.memory_space<vmem>>) target_semaphore(%arg11 : memref<!tpu.dma_semaphore, #tpu.memory_space<semaphore_mem>>)
    %parallel_loop3A_198 = arith.constant 0 : i32
    %parallel_loop3A_199 = arith.constant 200 : i32
    %parallel_loop3A_200 = arith.constant 1 : i32
    scf.for %parallel_loop3A_623 = %parallel_loop3A_198 to %parallel_loop3A_199 step %parallel_loop3A_200  : i32 {
      %parallel_loop3A_624 = arith.constant 16 : i32
      %parallel_loop3A_625 = arith.muli %parallel_loop3A_623, %parallel_loop3A_624 : i32
      %parallel_loop3A_626 = arith.index_cast %parallel_loop3A_625 : i32 to index
      %parallel_loop3A_627 = tpu.vector_load %arg7[%parallel_loop3A_626] {strides = array<i32>} : memref<51200xf32, #tpu.memory_space<vmem>>, vector<16xf32>,
      %parallel_loop3A_628 = arith.constant 0 : i32
      %parallel_loop3A_629 = arith.index_cast %parallel_loop3A_628 : i32 to index
      %parallel_loop3A_630 = arith.index_cast %parallel_loop3A_625 : i32 to index
      %parallel_loop3A_631 = tpu.vector_load %arg9[%parallel_loop3A_629, %parallel_loop3A_630] {strides = array<i32>} : memref<2x4096xf32, #tpu.memory_space<vmem>>, vector<16xf32>,
      %parallel_loop3A_632 = arith.addf %parallel_loop3A_627, %parallel_loop3A_631 : vector<16xf32>
      %parallel_loop3A_633 = arith.index_cast %parallel_loop3A_625 : i32 to index
      %parallel_loop3A_634 = tpu.vector_load %arg7[%parallel_loop3A_633] {strides = array<i32>} : memref<51200xf32, #tpu.memory_space<vmem>>, vector<16xf32>,
      tpu.vector_store %arg7[%parallel_loop3A_633], %parallel_loop3A_632 {strides = array<i32>} : memref<51200xf32, #tpu.memory_space<vmem>>, vector<16xf32>,
    } {sc.loop_unroll_factor = 4 : i64, sc.parallel_access}
    %dma_wait3A_201 = arith.constant 1 : i32
    %dma_wait3A_202 = arith.constant 0 : i32
    %dma_wait3A_203 = tpu.memref_slice %arg9[%dma_wait3A_201, %dma_wait3A_202] : memref<2x4096xf32, #tpu.memory_space<vmem>> -> memref<1x4096xf32, #tpu.memory_space<vmem>>
    %dma_wait3A_204 = tpu.memref_squeeze %dma_wait3A_203 : memref<1x4096xf32, #tpu.memory_space<vmem>> -> memref<4096xf32, #tpu.memory_space<vmem>>
    %dma_wait3A_205 = arith.constant 0 : i32
    %dma_wait3A_206 = tpu.memref_slice %dma_wait3A_204[%dma_wait3A_205] : memref<4096xf32, #tpu.memory_space<vmem>> -> memref<3200xf32, #tpu.memory_space<vmem>>
    %dma_wait3A_207 = arith.constant 0 : i32
    %dma_wait3A_208 = tpu.memref_slice %arg5[%dma_wait3A_207] : memref<2099200xf32, #tpu.memory_space<hbm>> -> memref<3200xf32, #tpu.memory_space<hbm>>
    %dma_wait3A_209 = arith.constant 0 : i32
    %dma_wait3A_210 = tpu.memref_slice %arg9[%dma_wait3A_201, %dma_wait3A_209] : memref<2x4096xf32, #tpu.memory_space<vmem>> -> memref<1x4096xf32, #tpu.memory_space<vmem>>
    %dma_wait3A_211 = tpu.memref_squeeze %dma_wait3A_210 : memref<1x4096xf32, #tpu.memory_space<vmem>> -> memref<4096xf32, #tpu.memory_space<vmem>>
    %dma_wait3A_212 = arith.constant 0 : i32
    %dma_wait3A_213 = tpu.memref_slice %dma_wait3A_211[%dma_wait3A_212] : memref<4096xf32, #tpu.memory_space<vmem>> -> memref<3200xf32, #tpu.memory_space<vmem>>
    %dma_wait3A_214 = arith.constant 0 : i32
    %dma_wait3A_215 = tpu.memref_slice %arg5[%dma_wait3A_214] : memref<2099200xf32, #tpu.memory_space<hbm>> -> memref<3200xf32, #tpu.memory_space<hbm>>
    tpu.wait_dma2 semaphore(%arg11 : memref<!tpu.dma_semaphore, #tpu.memory_space<semaphore_mem>>) src(%dma_wait3A_215 : memref<3200xf32, #tpu.memory_space<hbm>>) dst(%dma_wait3A_213 : memref<3200xf32, #tpu.memory_space<vmem>>)
    %add3A_216 = arith.constant 1484800 : i32
    %add3A_217 = arith.addi %add3A_216, %mul3A_79 : i32
    %dma_start3A_218 = arith.constant 0 : i32
    %dma_start3A_219 = arith.constant 0 : i32
    %dma_start3A_220 = tpu.memref_slice %arg9[%dma_start3A_218, %dma_start3A_219] : memref<2x4096xf32, #tpu.memory_space<vmem>> -> memref<1x4096xf32, #tpu.memory_space<vmem>>
    %dma_start3A_221 = tpu.memref_squeeze %dma_start3A_220 : memref<1x4096xf32, #tpu.memory_space<vmem>> -> memref<4096xf32, #tpu.memory_space<vmem>>
    %dma_start3A_222 = arith.constant 0 : i32
    %dma_start3A_223 = tpu.memref_slice %dma_start3A_221[%dma_start3A_222] : memref<4096xf32, #tpu.memory_space<vmem>> -> memref<3200xf32, #tpu.memory_space<vmem>>
    %dma_start3A_224 = tpu.memref_slice %arg5[%add3A_217] : memref<2099200xf32, #tpu.memory_space<hbm>> -> memref<3200xf32, #tpu.memory_space<hbm>>
    %dma_start3A_225 = arith.constant 0 : i32
    %dma_start3A_226 = tpu.memref_slice %arg9[%dma_start3A_218, %dma_start3A_225] : memref<2x4096xf32, #tpu.memory_space<vmem>> -> memref<1x4096xf32, #tpu.memory_space<vmem>>
    %dma_start3A_227 = tpu.memref_squeeze %dma_start3A_226 : memref<1x4096xf32, #tpu.memory_space<vmem>> -> memref<4096xf32, #tpu.memory_space<vmem>>
    %dma_start3A_228 = arith.constant 0 : i32
    %dma_start3A_229 = tpu.memref_slice %dma_start3A_227[%dma_start3A_228] : memref<4096xf32, #tpu.memory_space<vmem>> -> memref<3200xf32, #tpu.memory_space<vmem>>
    %dma_start3A_230 = tpu.memref_slice %arg5[%add3A_217] : memref<2099200xf32, #tpu.memory_space<hbm>> -> memref<3200xf32, #tpu.memory_space<hbm>>
    tpu.enqueue_dma source(%dma_start3A_230 : memref<3200xf32, #tpu.memory_space<hbm>>) target(%dma_start3A_229 : memref<3200xf32, #tpu.memory_space<vmem>>) target_semaphore(%arg10 : memref<!tpu.dma_semaphore, #tpu.memory_space<semaphore_mem>>)
    %parallel_loop3A_231 = arith.constant 0 : i32
    %parallel_loop3A_232 = arith.constant 200 : i32
    %parallel_loop3A_233 = arith.constant 1 : i32
    scf.for %parallel_loop3A_623 = %parallel_loop3A_231 to %parallel_loop3A_232 step %parallel_loop3A_233  : i32 {
      %parallel_loop3A_624 = arith.constant 16 : i32
      %parallel_loop3A_625 = arith.muli %parallel_loop3A_623, %parallel_loop3A_624 : i32
      %parallel_loop3A_626 = arith.index_cast %parallel_loop3A_625 : i32 to index
      %parallel_loop3A_627 = tpu.vector_load %arg7[%parallel_loop3A_626] {strides = array<i32>} : memref<51200xf32, #tpu.memory_space<vmem>>, vector<16xf32>,
      %parallel_loop3A_628 = arith.constant 1 : i32
      %parallel_loop3A_629 = arith.index_cast %parallel_loop3A_628 : i32 to index
      %parallel_loop3A_630 = arith.index_cast %parallel_loop3A_625 : i32 to index
      %parallel_loop3A_631 = tpu.vector_load %arg9[%parallel_loop3A_629, %parallel_loop3A_630] {strides = array<i32>} : memref<2x4096xf32, #tpu.memory_space<vmem>>, vector<16xf32>,
      %parallel_loop3A_632 = arith.addf %parallel_loop3A_627, %parallel_loop3A_631 : vector<16xf32>
      %parallel_loop3A_633 = arith.index_cast %parallel_loop3A_625 : i32 to index
      %parallel_loop3A_634 = tpu.vector_load %arg7[%parallel_loop3A_633] {strides = array<i32>} : memref<51200xf32, #tpu.memory_space<vmem>>, vector<16xf32>,
      tpu.vector_store %arg7[%parallel_loop3A_633], %parallel_loop3A_632 {strides = array<i32>} : memref<51200xf32, #tpu.memory_space<vmem>>, vector<16xf32>,
    } {sc.loop_unroll_factor = 4 : i64, sc.parallel_access}
    %dma_wait3A_234 = arith.constant 0 : i32
    %dma_wait3A_235 = arith.constant 0 : i32
    %dma_wait3A_236 = tpu.memref_slice %arg9[%dma_wait3A_234, %dma_wait3A_235] : memref<2x4096xf32, #tpu.memory_space<vmem>> -> memref<1x4096xf32, #tpu.memory_space<vmem>>
    %dma_wait3A_237 = tpu.memref_squeeze %dma_wait3A_236 : memref<1x4096xf32, #tpu.memory_space<vmem>> -> memref<4096xf32, #tpu.memory_space<vmem>>
    %dma_wait3A_238 = arith.constant 0 : i32
    %dma_wait3A_239 = tpu.memref_slice %dma_wait3A_237[%dma_wait3A_238] : memref<4096xf32, #tpu.memory_space<vmem>> -> memref<3200xf32, #tpu.memory_space<vmem>>
    %dma_wait3A_240 = arith.constant 0 : i32
    %dma_wait3A_241 = tpu.memref_slice %arg5[%dma_wait3A_240] : memref<2099200xf32, #tpu.memory_space<hbm>> -> memref<3200xf32, #tpu.memory_space<hbm>>
    %dma_wait3A_242 = arith.constant 0 : i32
    %dma_wait3A_243 = tpu.memref_slice %arg9[%dma_wait3A_234, %dma_wait3A_242] : memref<2x4096xf32, #tpu.memory_space<vmem>> -> memref<1x4096xf32, #tpu.memory_space<vmem>>
    %dma_wait3A_244 = tpu.memref_squeeze %dma_wait3A_243 : memref<1x4096xf32, #tpu.memory_space<vmem>> -> memref<4096xf32, #tpu.memory_space<vmem>>
    %dma_wait3A_245 = arith.constant 0 : i32
    %dma_wait3A_246 = tpu.memref_slice %dma_wait3A_244[%dma_wait3A_245] : memref<4096xf32, #tpu.memory_space<vmem>> -> memref<3200xf32, #tpu.memory_space<vmem>>
    %dma_wait3A_247 = arith.constant 0 : i32
    %dma_wait3A_248 = tpu.memref_slice %arg5[%dma_wait3A_247] : memref<2099200xf32, #tpu.memory_space<hbm>> -> memref<3200xf32, #tpu.memory_space<hbm>>
    tpu.wait_dma2 semaphore(%arg10 : memref<!tpu.dma_semaphore, #tpu.memory_space<semaphore_mem>>) src(%dma_wait3A_248 : memref<3200xf32, #tpu.memory_space<hbm>>) dst(%dma_wait3A_246 : memref<3200xf32, #tpu.memory_space<vmem>>)
    %add3A_249 = arith.constant 1536000 : i32
    %add3A_250 = arith.addi %add3A_249, %mul3A_79 : i32
    %dma_start3A_251 = arith.constant 1 : i32
    %dma_start3A_252 = arith.constant 0 : i32
    %dma_start3A_253 = tpu.memref_slice %arg9[%dma_start3A_251, %dma_start3A_252] : memref<2x4096xf32, #tpu.memory_space<vmem>> -> memref<1x4096xf32, #tpu.memory_space<vmem>>
    %dma_start3A_254 = tpu.memref_squeeze %dma_start3A_253 : memref<1x4096xf32, #tpu.memory_space<vmem>> -> memref<4096xf32, #tpu.memory_space<vmem>>
    %dma_start3A_255 = arith.constant 0 : i32
    %dma_start3A_256 = tpu.memref_slice %dma_start3A_254[%dma_start3A_255] : memref<4096xf32, #tpu.memory_space<vmem>> -> memref<3200xf32, #tpu.memory_space<vmem>>
    %dma_start3A_257 = tpu.memref_slice %arg5[%add3A_250] : memref<2099200xf32, #tpu.memory_space<hbm>> -> memref<3200xf32, #tpu.memory_space<hbm>>
    %dma_start3A_258 = arith.constant 0 : i32
    %dma_start3A_259 = tpu.memref_slice %arg9[%dma_start3A_251, %dma_start3A_258] : memref<2x4096xf32, #tpu.memory_space<vmem>> -> memref<1x4096xf32, #tpu.memory_space<vmem>>
    %dma_start3A_260 = tpu.memref_squeeze %dma_start3A_259 : memref<1x4096xf32, #tpu.memory_space<vmem>> -> memref<4096xf32, #tpu.memory_space<vmem>>
    %dma_start3A_261 = arith.constant 0 : i32
    %dma_start3A_262 = tpu.memref_slice %dma_start3A_260[%dma_start3A_261] : memref<4096xf32, #tpu.memory_space<vmem>> -> memref<3200xf32, #tpu.memory_space<vmem>>
    %dma_start3A_263 = tpu.memref_slice %arg5[%add3A_250] : memref<2099200xf32, #tpu.memory_space<hbm>> -> memref<3200xf32, #tpu.memory_space<hbm>>
    tpu.enqueue_dma source(%dma_start3A_263 : memref<3200xf32, #tpu.memory_space<hbm>>) target(%dma_start3A_262 : memref<3200xf32, #tpu.memory_space<vmem>>) target_semaphore(%arg11 : memref<!tpu.dma_semaphore, #tpu.memory_space<semaphore_mem>>)
    %parallel_loop3A_264 = arith.constant 0 : i32
    %parallel_loop3A_265 = arith.constant 200 : i32
    %parallel_loop3A_266 = arith.constant 1 : i32
    scf.for %parallel_loop3A_623 = %parallel_loop3A_264 to %parallel_loop3A_265 step %parallel_loop3A_266  : i32 {
      %parallel_loop3A_624 = arith.constant 16 : i32
      %parallel_loop3A_625 = arith.muli %parallel_loop3A_623, %parallel_loop3A_624 : i32
      %parallel_loop3A_626 = arith.index_cast %parallel_loop3A_625 : i32 to index
      %parallel_loop3A_627 = tpu.vector_load %arg7[%parallel_loop3A_626] {strides = array<i32>} : memref<51200xf32, #tpu.memory_space<vmem>>, vector<16xf32>,
      %parallel_loop3A_628 = arith.constant 0 : i32
      %parallel_loop3A_629 = arith.index_cast %parallel_loop3A_628 : i32 to index
      %parallel_loop3A_630 = arith.index_cast %parallel_loop3A_625 : i32 to index
      %parallel_loop3A_631 = tpu.vector_load %arg9[%parallel_loop3A_629, %parallel_loop3A_630] {strides = array<i32>} : memref<2x4096xf32, #tpu.memory_space<vmem>>, vector<16xf32>,
      %parallel_loop3A_632 = arith.addf %parallel_loop3A_627, %parallel_loop3A_631 : vector<16xf32>
      %parallel_loop3A_633 = arith.index_cast %parallel_loop3A_625 : i32 to index
      %parallel_loop3A_634 = tpu.vector_load %arg7[%parallel_loop3A_633] {strides = array<i32>} : memref<51200xf32, #tpu.memory_space<vmem>>, vector<16xf32>,
      tpu.vector_store %arg7[%parallel_loop3A_633], %parallel_loop3A_632 {strides = array<i32>} : memref<51200xf32, #tpu.memory_space<vmem>>, vector<16xf32>,
    } {sc.loop_unroll_factor = 4 : i64, sc.parallel_access}
    %dma_wait3A_267 = arith.constant 1 : i32
    %dma_wait3A_268 = arith.constant 0 : i32
    %dma_wait3A_269 = tpu.memref_slice %arg9[%dma_wait3A_267, %dma_wait3A_268] : memref<2x4096xf32, #tpu.memory_space<vmem>> -> memref<1x4096xf32, #tpu.memory_space<vmem>>
    %dma_wait3A_270 = tpu.memref_squeeze %dma_wait3A_269 : memref<1x4096xf32, #tpu.memory_space<vmem>> -> memref<4096xf32, #tpu.memory_space<vmem>>
    %dma_wait3A_271 = arith.constant 0 : i32
    %dma_wait3A_272 = tpu.memref_slice %dma_wait3A_270[%dma_wait3A_271] : memref<4096xf32, #tpu.memory_space<vmem>> -> memref<3200xf32, #tpu.memory_space<vmem>>
    %dma_wait3A_273 = arith.constant 0 : i32
    %dma_wait3A_274 = tpu.memref_slice %arg5[%dma_wait3A_273] : memref<2099200xf32, #tpu.memory_space<hbm>> -> memref<3200xf32, #tpu.memory_space<hbm>>
    %dma_wait3A_275 = arith.constant 0 : i32
    %dma_wait3A_276 = tpu.memref_slice %arg9[%dma_wait3A_267, %dma_wait3A_275] : memref<2x4096xf32, #tpu.memory_space<vmem>> -> memref<1x4096xf32, #tpu.memory_space<vmem>>
    %dma_wait3A_277 = tpu.memref_squeeze %dma_wait3A_276 : memref<1x4096xf32, #tpu.memory_space<vmem>> -> memref<4096xf32, #tpu.memory_space<vmem>>
    %dma_wait3A_278 = arith.constant 0 : i32
    %dma_wait3A_279 = tpu.memref_slice %dma_wait3A_277[%dma_wait3A_278] : memref<4096xf32, #tpu.memory_space<vmem>> -> memref<3200xf32, #tpu.memory_space<vmem>>
    %dma_wait3A_280 = arith.constant 0 : i32
    %dma_wait3A_281 = tpu.memref_slice %arg5[%dma_wait3A_280] : memref<2099200xf32, #tpu.memory_space<hbm>> -> memref<3200xf32, #tpu.memory_space<hbm>>
    tpu.wait_dma2 semaphore(%arg11 : memref<!tpu.dma_semaphore, #tpu.memory_space<semaphore_mem>>) src(%dma_wait3A_281 : memref<3200xf32, #tpu.memory_space<hbm>>) dst(%dma_wait3A_279 : memref<3200xf32, #tpu.memory_space<vmem>>)
    %add3A_282 = arith.constant 1587200 : i32
    %add3A_283 = arith.addi %add3A_282, %mul3A_79 : i32
    %dma_start3A_284 = arith.constant 0 : i32
    %dma_start3A_285 = arith.constant 0 : i32
    %dma_start3A_286 = tpu.memref_slice %arg9[%dma_start3A_284, %dma_start3A_285] : memref<2x4096xf32, #tpu.memory_space<vmem>> -> memref<1x4096xf32, #tpu.memory_space<vmem>>
    %dma_start3A_287 = tpu.memref_squeeze %dma_start3A_286 : memref<1x4096xf32, #tpu.memory_space<vmem>> -> memref<4096xf32, #tpu.memory_space<vmem>>
    %dma_start3A_288 = arith.constant 0 : i32
    %dma_start3A_289 = tpu.memref_slice %dma_start3A_287[%dma_start3A_288] : memref<4096xf32, #tpu.memory_space<vmem>> -> memref<3200xf32, #tpu.memory_space<vmem>>
    %dma_start3A_290 = tpu.memref_slice %arg5[%add3A_283] : memref<2099200xf32, #tpu.memory_space<hbm>> -> memref<3200xf32, #tpu.memory_space<hbm>>
    %dma_start3A_291 = arith.constant 0 : i32
    %dma_start3A_292 = tpu.memref_slice %arg9[%dma_start3A_284, %dma_start3A_291] : memref<2x4096xf32, #tpu.memory_space<vmem>> -> memref<1x4096xf32, #tpu.memory_space<vmem>>
    %dma_start3A_293 = tpu.memref_squeeze %dma_start3A_292 : memref<1x4096xf32, #tpu.memory_space<vmem>> -> memref<4096xf32, #tpu.memory_space<vmem>>
    %dma_start3A_294 = arith.constant 0 : i32
    %dma_start3A_295 = tpu.memref_slice %dma_start3A_293[%dma_start3A_294] : memref<4096xf32, #tpu.memory_space<vmem>> -> memref<3200xf32, #tpu.memory_space<vmem>>
    %dma_start3A_296 = tpu.memref_slice %arg5[%add3A_283] : memref<2099200xf32, #tpu.memory_space<hbm>> -> memref<3200xf32, #tpu.memory_space<hbm>>
    tpu.enqueue_dma source(%dma_start3A_296 : memref<3200xf32, #tpu.memory_space<hbm>>) target(%dma_start3A_295 : memref<3200xf32, #tpu.memory_space<vmem>>) target_semaphore(%arg10 : memref<!tpu.dma_semaphore, #tpu.memory_space<semaphore_mem>>)
    %parallel_loop3A_297 = arith.constant 0 : i32
    %parallel_loop3A_298 = arith.constant 200 : i32
    %parallel_loop3A_299 = arith.constant 1 : i32
    scf.for %parallel_loop3A_623 = %parallel_loop3A_297 to %parallel_loop3A_298 step %parallel_loop3A_299  : i32 {
      %parallel_loop3A_624 = arith.constant 16 : i32
      %parallel_loop3A_625 = arith.muli %parallel_loop3A_623, %parallel_loop3A_624 : i32
      %parallel_loop3A_626 = arith.index_cast %parallel_loop3A_625 : i32 to index
      %parallel_loop3A_627 = tpu.vector_load %arg7[%parallel_loop3A_626] {strides = array<i32>} : memref<51200xf32, #tpu.memory_space<vmem>>, vector<16xf32>,
      %parallel_loop3A_628 = arith.constant 1 : i32
      %parallel_loop3A_629 = arith.index_cast %parallel_loop3A_628 : i32 to index
      %parallel_loop3A_630 = arith.index_cast %parallel_loop3A_625 : i32 to index
      %parallel_loop3A_631 = tpu.vector_load %arg9[%parallel_loop3A_629, %parallel_loop3A_630] {strides = array<i32>} : memref<2x4096xf32, #tpu.memory_space<vmem>>, vector<16xf32>,
      %parallel_loop3A_632 = arith.addf %parallel_loop3A_627, %parallel_loop3A_631 : vector<16xf32>
      %parallel_loop3A_633 = arith.index_cast %parallel_loop3A_625 : i32 to index
      %parallel_loop3A_634 = tpu.vector_load %arg7[%parallel_loop3A_633] {strides = array<i32>} : memref<51200xf32, #tpu.memory_space<vmem>>, vector<16xf32>,
      tpu.vector_store %arg7[%parallel_loop3A_633], %parallel_loop3A_632 {strides = array<i32>} : memref<51200xf32, #tpu.memory_space<vmem>>, vector<16xf32>,
    } {sc.loop_unroll_factor = 4 : i64, sc.parallel_access}
    %dma_wait3A_300 = arith.constant 0 : i32
    %dma_wait3A_301 = arith.constant 0 : i32
    %dma_wait3A_302 = tpu.memref_slice %arg9[%dma_wait3A_300, %dma_wait3A_301] : memref<2x4096xf32, #tpu.memory_space<vmem>> -> memref<1x4096xf32, #tpu.memory_space<vmem>>
    %dma_wait3A_303 = tpu.memref_squeeze %dma_wait3A_302 : memref<1x4096xf32, #tpu.memory_space<vmem>> -> memref<4096xf32, #tpu.memory_space<vmem>>
    %dma_wait3A_304 = arith.constant 0 : i32
    %dma_wait3A_305 = tpu.memref_slice %dma_wait3A_303[%dma_wait3A_304] : memref<4096xf32, #tpu.memory_space<vmem>> -> memref<3200xf32, #tpu.memory_space<vmem>>
    %dma_wait3A_306 = arith.constant 0 : i32
    %dma_wait3A_307 = tpu.memref_slice %arg5[%dma_wait3A_306] : memref<2099200xf32, #tpu.memory_space<hbm>> -> memref<3200xf32, #tpu.memory_space<hbm>>
    %dma_wait3A_308 = arith.constant 0 : i32
    %dma_wait3A_309 = tpu.memref_slice %arg9[%dma_wait3A_300, %dma_wait3A_308] : memref<2x4096xf32, #tpu.memory_space<vmem>> -> memref<1x4096xf32, #tpu.memory_space<vmem>>
    %dma_wait3A_310 = tpu.memref_squeeze %dma_wait3A_309 : memref<1x4096xf32, #tpu.memory_space<vmem>> -> memref<4096xf32, #tpu.memory_space<vmem>>
    %dma_wait3A_311 = arith.constant 0 : i32
    %dma_wait3A_312 = tpu.memref_slice %dma_wait3A_310[%dma_wait3A_311] : memref<4096xf32, #tpu.memory_space<vmem>> -> memref<3200xf32, #tpu.memory_space<vmem>>
    %dma_wait3A_313 = arith.constant 0 : i32
    %dma_wait3A_314 = tpu.memref_slice %arg5[%dma_wait3A_313] : memref<2099200xf32, #tpu.memory_space<hbm>> -> memref<3200xf32, #tpu.memory_space<hbm>>
    tpu.wait_dma2 semaphore(%arg10 : memref<!tpu.dma_semaphore, #tpu.memory_space<semaphore_mem>>) src(%dma_wait3A_314 : memref<3200xf32, #tpu.memory_space<hbm>>) dst(%dma_wait3A_312 : memref<3200xf32, #tpu.memory_space<vmem>>)
    %add3A_315 = arith.constant 1638400 : i32
    %add3A_316 = arith.addi %add3A_315, %mul3A_79 : i32
    %dma_start3A_317 = arith.constant 1 : i32
    %dma_start3A_318 = arith.constant 0 : i32
    %dma_start3A_319 = tpu.memref_slice %arg9[%dma_start3A_317, %dma_start3A_318] : memref<2x4096xf32, #tpu.memory_space<vmem>> -> memref<1x4096xf32, #tpu.memory_space<vmem>>
    %dma_start3A_320 = tpu.memref_squeeze %dma_start3A_319 : memref<1x4096xf32, #tpu.memory_space<vmem>> -> memref<4096xf32, #tpu.memory_space<vmem>>
    %dma_start3A_321 = arith.constant 0 : i32
    %dma_start3A_322 = tpu.memref_slice %dma_start3A_320[%dma_start3A_321] : memref<4096xf32, #tpu.memory_space<vmem>> -> memref<3200xf32, #tpu.memory_space<vmem>>
    %dma_start3A_323 = tpu.memref_slice %arg5[%add3A_316] : memref<2099200xf32, #tpu.memory_space<hbm>> -> memref<3200xf32, #tpu.memory_space<hbm>>
    %dma_start3A_324 = arith.constant 0 : i32
    %dma_start3A_325 = tpu.memref_slice %arg9[%dma_start3A_317, %dma_start3A_324] : memref<2x4096xf32, #tpu.memory_space<vmem>> -> memref<1x4096xf32, #tpu.memory_space<vmem>>
    %dma_start3A_326 = tpu.memref_squeeze %dma_start3A_325 : memref<1x4096xf32, #tpu.memory_space<vmem>> -> memref<4096xf32, #tpu.memory_space<vmem>>
    %dma_start3A_327 = arith.constant 0 : i32
    %dma_start3A_328 = tpu.memref_slice %dma_start3A_326[%dma_start3A_327] : memref<4096xf32, #tpu.memory_space<vmem>> -> memref<3200xf32, #tpu.memory_space<vmem>>
    %dma_start3A_329 = tpu.memref_slice %arg5[%add3A_316] : memref<2099200xf32, #tpu.memory_space<hbm>> -> memref<3200xf32, #tpu.memory_space<hbm>>
    tpu.enqueue_dma source(%dma_start3A_329 : memref<3200xf32, #tpu.memory_space<hbm>>) target(%dma_start3A_328 : memref<3200xf32, #tpu.memory_space<vmem>>) target_semaphore(%arg11 : memref<!tpu.dma_semaphore, #tpu.memory_space<semaphore_mem>>)
    %parallel_loop3A_330 = arith.constant 0 : i32
    %parallel_loop3A_331 = arith.constant 200 : i32
    %parallel_loop3A_332 = arith.constant 1 : i32
    scf.for %parallel_loop3A_623 = %parallel_loop3A_330 to %parallel_loop3A_331 step %parallel_loop3A_332  : i32 {
      %parallel_loop3A_624 = arith.constant 16 : i32
      %parallel_loop3A_625 = arith.muli %parallel_loop3A_623, %parallel_loop3A_624 : i32
      %parallel_loop3A_626 = arith.index_cast %parallel_loop3A_625 : i32 to index
      %parallel_loop3A_627 = tpu.vector_load %arg7[%parallel_loop3A_626] {strides = array<i32>} : memref<51200xf32, #tpu.memory_space<vmem>>, vector<16xf32>,
      %parallel_loop3A_628 = arith.constant 0 : i32
      %parallel_loop3A_629 = arith.index_cast %parallel_loop3A_628 : i32 to index
      %parallel_loop3A_630 = arith.index_cast %parallel_loop3A_625 : i32 to index
      %parallel_loop3A_631 = tpu.vector_load %arg9[%parallel_loop3A_629, %parallel_loop3A_630] {strides = array<i32>} : memref<2x4096xf32, #tpu.memory_space<vmem>>, vector<16xf32>,
      %parallel_loop3A_632 = arith.addf %parallel_loop3A_627, %parallel_loop3A_631 : vector<16xf32>
      %parallel_loop3A_633 = arith.index_cast %parallel_loop3A_625 : i32 to index
      %parallel_loop3A_634 = tpu.vector_load %arg7[%parallel_loop3A_633] {strides = array<i32>} : memref<51200xf32, #tpu.memory_space<vmem>>, vector<16xf32>,
      tpu.vector_store %arg7[%parallel_loop3A_633], %parallel_loop3A_632 {strides = array<i32>} : memref<51200xf32, #tpu.memory_space<vmem>>, vector<16xf32>,
    } {sc.loop_unroll_factor = 4 : i64, sc.parallel_access}
    %dma_wait3A_333 = arith.constant 1 : i32
    %dma_wait3A_334 = arith.constant 0 : i32
    %dma_wait3A_335 = tpu.memref_slice %arg9[%dma_wait3A_333, %dma_wait3A_334] : memref<2x4096xf32, #tpu.memory_space<vmem>> -> memref<1x4096xf32, #tpu.memory_space<vmem>>
    %dma_wait3A_336 = tpu.memref_squeeze %dma_wait3A_335 : memref<1x4096xf32, #tpu.memory_space<vmem>> -> memref<4096xf32, #tpu.memory_space<vmem>>
    %dma_wait3A_337 = arith.constant 0 : i32
    %dma_wait3A_338 = tpu.memref_slice %dma_wait3A_336[%dma_wait3A_337] : memref<4096xf32, #tpu.memory_space<vmem>> -> memref<3200xf32, #tpu.memory_space<vmem>>
    %dma_wait3A_339 = arith.constant 0 : i32
    %dma_wait3A_340 = tpu.memref_slice %arg5[%dma_wait3A_339] : memref<2099200xf32, #tpu.memory_space<hbm>> -> memref<3200xf32, #tpu.memory_space<hbm>>
    %dma_wait3A_341 = arith.constant 0 : i32
    %dma_wait3A_342 = tpu.memref_slice %arg9[%dma_wait3A_333, %dma_wait3A_341] : memref<2x4096xf32, #tpu.memory_space<vmem>> -> memref<1x4096xf32, #tpu.memory_space<vmem>>
    %dma_wait3A_343 = tpu.memref_squeeze %dma_wait3A_342 : memref<1x4096xf32, #tpu.memory_space<vmem>> -> memref<4096xf32, #tpu.memory_space<vmem>>
    %dma_wait3A_344 = arith.constant 0 : i32
    %dma_wait3A_345 = tpu.memref_slice %dma_wait3A_343[%dma_wait3A_344] : memref<4096xf32, #tpu.memory_space<vmem>> -> memref<3200xf32, #tpu.memory_space<vmem>>
    %dma_wait3A_346 = arith.constant 0 : i32
    %dma_wait3A_347 = tpu.memref_slice %arg5[%dma_wait3A_346] : memref<2099200xf32, #tpu.memory_space<hbm>> -> memref<3200xf32, #tpu.memory_space<hbm>>
    tpu.wait_dma2 semaphore(%arg11 : memref<!tpu.dma_semaphore, #tpu.memory_space<semaphore_mem>>) src(%dma_wait3A_347 : memref<3200xf32, #tpu.memory_space<hbm>>) dst(%dma_wait3A_345 : memref<3200xf32, #tpu.memory_space<vmem>>)
    %add3A_348 = arith.constant 1689600 : i32
    %add3A_349 = arith.addi %add3A_348, %mul3A_79 : i32
    %dma_start3A_350 = arith.constant 0 : i32
    %dma_start3A_351 = arith.constant 0 : i32
    %dma_start3A_352 = tpu.memref_slice %arg9[%dma_start3A_350, %dma_start3A_351] : memref<2x4096xf32, #tpu.memory_space<vmem>> -> memref<1x4096xf32, #tpu.memory_space<vmem>>
    %dma_start3A_353 = tpu.memref_squeeze %dma_start3A_352 : memref<1x4096xf32, #tpu.memory_space<vmem>> -> memref<4096xf32, #tpu.memory_space<vmem>>
    %dma_start3A_354 = arith.constant 0 : i32
    %dma_start3A_355 = tpu.memref_slice %dma_start3A_353[%dma_start3A_354] : memref<4096xf32, #tpu.memory_space<vmem>> -> memref<3200xf32, #tpu.memory_space<vmem>>
    %dma_start3A_356 = tpu.memref_slice %arg5[%add3A_349] : memref<2099200xf32, #tpu.memory_space<hbm>> -> memref<3200xf32, #tpu.memory_space<hbm>>
    %dma_start3A_357 = arith.constant 0 : i32
    %dma_start3A_358 = tpu.memref_slice %arg9[%dma_start3A_350, %dma_start3A_357] : memref<2x4096xf32, #tpu.memory_space<vmem>> -> memref<1x4096xf32, #tpu.memory_space<vmem>>
    %dma_start3A_359 = tpu.memref_squeeze %dma_start3A_358 : memref<1x4096xf32, #tpu.memory_space<vmem>> -> memref<4096xf32, #tpu.memory_space<vmem>>
    %dma_start3A_360 = arith.constant 0 : i32
    %dma_start3A_361 = tpu.memref_slice %dma_start3A_359[%dma_start3A_360] : memref<4096xf32, #tpu.memory_space<vmem>> -> memref<3200xf32, #tpu.memory_space<vmem>>
    %dma_start3A_362 = tpu.memref_slice %arg5[%add3A_349] : memref<2099200xf32, #tpu.memory_space<hbm>> -> memref<3200xf32, #tpu.memory_space<hbm>>
    tpu.enqueue_dma source(%dma_start3A_362 : memref<3200xf32, #tpu.memory_space<hbm>>) target(%dma_start3A_361 : memref<3200xf32, #tpu.memory_space<vmem>>) target_semaphore(%arg10 : memref<!tpu.dma_semaphore, #tpu.memory_space<semaphore_mem>>)
    %parallel_loop3A_363 = arith.constant 0 : i32
    %parallel_loop3A_364 = arith.constant 200 : i32
    %parallel_loop3A_365 = arith.constant 1 : i32
    scf.for %parallel_loop3A_623 = %parallel_loop3A_363 to %parallel_loop3A_364 step %parallel_loop3A_365  : i32 {
      %parallel_loop3A_624 = arith.constant 16 : i32
      %parallel_loop3A_625 = arith.muli %parallel_loop3A_623, %parallel_loop3A_624 : i32
      %parallel_loop3A_626 = arith.index_cast %parallel_loop3A_625 : i32 to index
      %parallel_loop3A_627 = tpu.vector_load %arg7[%parallel_loop3A_626] {strides = array<i32>} : memref<51200xf32, #tpu.memory_space<vmem>>, vector<16xf32>,
      %parallel_loop3A_628 = arith.constant 1 : i32
      %parallel_loop3A_629 = arith.index_cast %parallel_loop3A_628 : i32 to index
      %parallel_loop3A_630 = arith.index_cast %parallel_loop3A_625 : i32 to index
      %parallel_loop3A_631 = tpu.vector_load %arg9[%parallel_loop3A_629, %parallel_loop3A_630] {strides = array<i32>} : memref<2x4096xf32, #tpu.memory_space<vmem>>, vector<16xf32>,
      %parallel_loop3A_632 = arith.addf %parallel_loop3A_627, %parallel_loop3A_631 : vector<16xf32>
      %parallel_loop3A_633 = arith.index_cast %parallel_loop3A_625 : i32 to index
      %parallel_loop3A_634 = tpu.vector_load %arg7[%parallel_loop3A_633] {strides = array<i32>} : memref<51200xf32, #tpu.memory_space<vmem>>, vector<16xf32>,
      tpu.vector_store %arg7[%parallel_loop3A_633], %parallel_loop3A_632 {strides = array<i32>} : memref<51200xf32, #tpu.memory_space<vmem>>, vector<16xf32>,
    } {sc.loop_unroll_factor = 4 : i64, sc.parallel_access}
    %dma_wait3A_366 = arith.constant 0 : i32
    %dma_wait3A_367 = arith.constant 0 : i32
    %dma_wait3A_368 = tpu.memref_slice %arg9[%dma_wait3A_366, %dma_wait3A_367] : memref<2x4096xf32, #tpu.memory_space<vmem>> -> memref<1x4096xf32, #tpu.memory_space<vmem>>
    %dma_wait3A_369 = tpu.memref_squeeze %dma_wait3A_368 : memref<1x4096xf32, #tpu.memory_space<vmem>> -> memref<4096xf32, #tpu.memory_space<vmem>>
    %dma_wait3A_370 = arith.constant 0 : i32
    %dma_wait3A_371 = tpu.memref_slice %dma_wait3A_369[%dma_wait3A_370] : memref<4096xf32, #tpu.memory_space<vmem>> -> memref<3200xf32, #tpu.memory_space<vmem>>
    %dma_wait3A_372 = arith.constant 0 : i32
    %dma_wait3A_373 = tpu.memref_slice %arg5[%dma_wait3A_372] : memref<2099200xf32, #tpu.memory_space<hbm>> -> memref<3200xf32, #tpu.memory_space<hbm>>
    %dma_wait3A_374 = arith.constant 0 : i32
    %dma_wait3A_375 = tpu.memref_slice %arg9[%dma_wait3A_366, %dma_wait3A_374] : memref<2x4096xf32, #tpu.memory_space<vmem>> -> memref<1x4096xf32, #tpu.memory_space<vmem>>
    %dma_wait3A_376 = tpu.memref_squeeze %dma_wait3A_375 : memref<1x4096xf32, #tpu.memory_space<vmem>> -> memref<4096xf32, #tpu.memory_space<vmem>>
    %dma_wait3A_377 = arith.constant 0 : i32
    %dma_wait3A_378 = tpu.memref_slice %dma_wait3A_376[%dma_wait3A_377] : memref<4096xf32, #tpu.memory_space<vmem>> -> memref<3200xf32, #tpu.memory_space<vmem>>
    %dma_wait3A_379 = arith.constant 0 : i32
    %dma_wait3A_380 = tpu.memref_slice %arg5[%dma_wait3A_379] : memref<2099200xf32, #tpu.memory_space<hbm>> -> memref<3200xf32, #tpu.memory_space<hbm>>
    tpu.wait_dma2 semaphore(%arg10 : memref<!tpu.dma_semaphore, #tpu.memory_space<semaphore_mem>>) src(%dma_wait3A_380 : memref<3200xf32, #tpu.memory_space<hbm>>) dst(%dma_wait3A_378 : memref<3200xf32, #tpu.memory_space<vmem>>)
    %add3A_381 = arith.constant 1740800 : i32
    %add3A_382 = arith.addi %add3A_381, %mul3A_79 : i32
    %dma_start3A_383 = arith.constant 1 : i32
    %dma_start3A_384 = arith.constant 0 : i32
    %dma_start3A_385 = tpu.memref_slice %arg9[%dma_start3A_383, %dma_start3A_384] : memref<2x4096xf32, #tpu.memory_space<vmem>> -> memref<1x4096xf32, #tpu.memory_space<vmem>>
    %dma_start3A_386 = tpu.memref_squeeze %dma_start3A_385 : memref<1x4096xf32, #tpu.memory_space<vmem>> -> memref<4096xf32, #tpu.memory_space<vmem>>
    %dma_start3A_387 = arith.constant 0 : i32
    %dma_start3A_388 = tpu.memref_slice %dma_start3A_386[%dma_start3A_387] : memref<4096xf32, #tpu.memory_space<vmem>> -> memref<3200xf32, #tpu.memory_space<vmem>>
    %dma_start3A_389 = tpu.memref_slice %arg5[%add3A_382] : memref<2099200xf32, #tpu.memory_space<hbm>> -> memref<3200xf32, #tpu.memory_space<hbm>>
    %dma_start3A_390 = arith.constant 0 : i32
    %dma_start3A_391 = tpu.memref_slice %arg9[%dma_start3A_383, %dma_start3A_390] : memref<2x4096xf32, #tpu.memory_space<vmem>> -> memref<1x4096xf32, #tpu.memory_space<vmem>>
    %dma_start3A_392 = tpu.memref_squeeze %dma_start3A_391 : memref<1x4096xf32, #tpu.memory_space<vmem>> -> memref<4096xf32, #tpu.memory_space<vmem>>
    %dma_start3A_393 = arith.constant 0 : i32
    %dma_start3A_394 = tpu.memref_slice %dma_start3A_392[%dma_start3A_393] : memref<4096xf32, #tpu.memory_space<vmem>> -> memref<3200xf32, #tpu.memory_space<vmem>>
    %dma_start3A_395 = tpu.memref_slice %arg5[%add3A_382] : memref<2099200xf32, #tpu.memory_space<hbm>> -> memref<3200xf32, #tpu.memory_space<hbm>>
    tpu.enqueue_dma source(%dma_start3A_395 : memref<3200xf32, #tpu.memory_space<hbm>>) target(%dma_start3A_394 : memref<3200xf32, #tpu.memory_space<vmem>>) target_semaphore(%arg11 : memref<!tpu.dma_semaphore, #tpu.memory_space<semaphore_mem>>)
    %parallel_loop3A_396 = arith.constant 0 : i32
    %parallel_loop3A_397 = arith.constant 200 : i32
    %parallel_loop3A_398 = arith.constant 1 : i32
    scf.for %parallel_loop3A_623 = %parallel_loop3A_396 to %parallel_loop3A_397 step %parallel_loop3A_398  : i32 {
      %parallel_loop3A_624 = arith.constant 16 : i32
      %parallel_loop3A_625 = arith.muli %parallel_loop3A_623, %parallel_loop3A_624 : i32
      %parallel_loop3A_626 = arith.index_cast %parallel_loop3A_625 : i32 to index
      %parallel_loop3A_627 = tpu.vector_load %arg7[%parallel_loop3A_626] {strides = array<i32>} : memref<51200xf32, #tpu.memory_space<vmem>>, vector<16xf32>,
      %parallel_loop3A_628 = arith.constant 0 : i32
      %parallel_loop3A_629 = arith.index_cast %parallel_loop3A_628 : i32 to index
      %parallel_loop3A_630 = arith.index_cast %parallel_loop3A_625 : i32 to index
      %parallel_loop3A_631 = tpu.vector_load %arg9[%parallel_loop3A_629, %parallel_loop3A_630] {strides = array<i32>} : memref<2x4096xf32, #tpu.memory_space<vmem>>, vector<16xf32>,
      %parallel_loop3A_632 = arith.addf %parallel_loop3A_627, %parallel_loop3A_631 : vector<16xf32>
      %parallel_loop3A_633 = arith.index_cast %parallel_loop3A_625 : i32 to index
      %parallel_loop3A_634 = tpu.vector_load %arg7[%parallel_loop3A_633] {strides = array<i32>} : memref<51200xf32, #tpu.memory_space<vmem>>, vector<16xf32>,
      tpu.vector_store %arg7[%parallel_loop3A_633], %parallel_loop3A_632 {strides = array<i32>} : memref<51200xf32, #tpu.memory_space<vmem>>, vector<16xf32>,
    } {sc.loop_unroll_factor = 4 : i64, sc.parallel_access}
    %dma_wait3A_399 = arith.constant 1 : i32
    %dma_wait3A_400 = arith.constant 0 : i32
    %dma_wait3A_401 = tpu.memref_slice %arg9[%dma_wait3A_399, %dma_wait3A_400] : memref<2x4096xf32, #tpu.memory_space<vmem>> -> memref<1x4096xf32, #tpu.memory_space<vmem>>
    %dma_wait3A_402 = tpu.memref_squeeze %dma_wait3A_401 : memref<1x4096xf32, #tpu.memory_space<vmem>> -> memref<4096xf32, #tpu.memory_space<vmem>>
    %dma_wait3A_403 = arith.constant 0 : i32
    %dma_wait3A_404 = tpu.memref_slice %dma_wait3A_402[%dma_wait3A_403] : memref<4096xf32, #tpu.memory_space<vmem>> -> memref<3200xf32, #tpu.memory_space<vmem>>
    %dma_wait3A_405 = arith.constant 0 : i32
    %dma_wait3A_406 = tpu.memref_slice %arg5[%dma_wait3A_405] : memref<2099200xf32, #tpu.memory_space<hbm>> -> memref<3200xf32, #tpu.memory_space<hbm>>
    %dma_wait3A_407 = arith.constant 0 : i32
    %dma_wait3A_408 = tpu.memref_slice %arg9[%dma_wait3A_399, %dma_wait3A_407] : memref<2x4096xf32, #tpu.memory_space<vmem>> -> memref<1x4096xf32, #tpu.memory_space<vmem>>
    %dma_wait3A_409 = tpu.memref_squeeze %dma_wait3A_408 : memref<1x4096xf32, #tpu.memory_space<vmem>> -> memref<4096xf32, #tpu.memory_space<vmem>>
    %dma_wait3A_410 = arith.constant 0 : i32
    %dma_wait3A_411 = tpu.memref_slice %dma_wait3A_409[%dma_wait3A_410] : memref<4096xf32, #tpu.memory_space<vmem>> -> memref<3200xf32, #tpu.memory_space<vmem>>
    %dma_wait3A_412 = arith.constant 0 : i32
    %dma_wait3A_413 = tpu.memref_slice %arg5[%dma_wait3A_412] : memref<2099200xf32, #tpu.memory_space<hbm>> -> memref<3200xf32, #tpu.memory_space<hbm>>
    tpu.wait_dma2 semaphore(%arg11 : memref<!tpu.dma_semaphore, #tpu.memory_space<semaphore_mem>>) src(%dma_wait3A_413 : memref<3200xf32, #tpu.memory_space<hbm>>) dst(%dma_wait3A_411 : memref<3200xf32, #tpu.memory_space<vmem>>)
    %add3A_414 = arith.constant 1792000 : i32
    %add3A_415 = arith.addi %add3A_414, %mul3A_79 : i32
    %dma_start3A_416 = arith.constant 0 : i32
    %dma_start3A_417 = arith.constant 0 : i32
    %dma_start3A_418 = tpu.memref_slice %arg9[%dma_start3A_416, %dma_start3A_417] : memref<2x4096xf32, #tpu.memory_space<vmem>> -> memref<1x4096xf32, #tpu.memory_space<vmem>>
    %dma_start3A_419 = tpu.memref_squeeze %dma_start3A_418 : memref<1x4096xf32, #tpu.memory_space<vmem>> -> memref<4096xf32, #tpu.memory_space<vmem>>
    %dma_start3A_420 = arith.constant 0 : i32
    %dma_start3A_421 = tpu.memref_slice %dma_start3A_419[%dma_start3A_420] : memref<4096xf32, #tpu.memory_space<vmem>> -> memref<3200xf32, #tpu.memory_space<vmem>>
    %dma_start3A_422 = tpu.memref_slice %arg5[%add3A_415] : memref<2099200xf32, #tpu.memory_space<hbm>> -> memref<3200xf32, #tpu.memory_space<hbm>>
    %dma_start3A_423 = arith.constant 0 : i32
    %dma_start3A_424 = tpu.memref_slice %arg9[%dma_start3A_416, %dma_start3A_423] : memref<2x4096xf32, #tpu.memory_space<vmem>> -> memref<1x4096xf32, #tpu.memory_space<vmem>>
    %dma_start3A_425 = tpu.memref_squeeze %dma_start3A_424 : memref<1x4096xf32, #tpu.memory_space<vmem>> -> memref<4096xf32, #tpu.memory_space<vmem>>
    %dma_start3A_426 = arith.constant 0 : i32
    %dma_start3A_427 = tpu.memref_slice %dma_start3A_425[%dma_start3A_426] : memref<4096xf32, #tpu.memory_space<vmem>> -> memref<3200xf32, #tpu.memory_space<vmem>>
    %dma_start3A_428 = tpu.memref_slice %arg5[%add3A_415] : memref<2099200xf32, #tpu.memory_space<hbm>> -> memref<3200xf32, #tpu.memory_space<hbm>>
    tpu.enqueue_dma source(%dma_start3A_428 : memref<3200xf32, #tpu.memory_space<hbm>>) target(%dma_start3A_427 : memref<3200xf32, #tpu.memory_space<vmem>>) target_semaphore(%arg10 : memref<!tpu.dma_semaphore, #tpu.memory_space<semaphore_mem>>)
    %parallel_loop3A_429 = arith.constant 0 : i32
    %parallel_loop3A_430 = arith.constant 200 : i32
    %parallel_loop3A_431 = arith.constant 1 : i32
    scf.for %parallel_loop3A_623 = %parallel_loop3A_429 to %parallel_loop3A_430 step %parallel_loop3A_431  : i32 {
      %parallel_loop3A_624 = arith.constant 16 : i32
      %parallel_loop3A_625 = arith.muli %parallel_loop3A_623, %parallel_loop3A_624 : i32
      %parallel_loop3A_626 = arith.index_cast %parallel_loop3A_625 : i32 to index
      %parallel_loop3A_627 = tpu.vector_load %arg7[%parallel_loop3A_626] {strides = array<i32>} : memref<51200xf32, #tpu.memory_space<vmem>>, vector<16xf32>,
      %parallel_loop3A_628 = arith.constant 1 : i32
      %parallel_loop3A_629 = arith.index_cast %parallel_loop3A_628 : i32 to index
      %parallel_loop3A_630 = arith.index_cast %parallel_loop3A_625 : i32 to index
      %parallel_loop3A_631 = tpu.vector_load %arg9[%parallel_loop3A_629, %parallel_loop3A_630] {strides = array<i32>} : memref<2x4096xf32, #tpu.memory_space<vmem>>, vector<16xf32>,
      %parallel_loop3A_632 = arith.addf %parallel_loop3A_627, %parallel_loop3A_631 : vector<16xf32>
      %parallel_loop3A_633 = arith.index_cast %parallel_loop3A_625 : i32 to index
      %parallel_loop3A_634 = tpu.vector_load %arg7[%parallel_loop3A_633] {strides = array<i32>} : memref<51200xf32, #tpu.memory_space<vmem>>, vector<16xf32>,
      tpu.vector_store %arg7[%parallel_loop3A_633], %parallel_loop3A_632 {strides = array<i32>} : memref<51200xf32, #tpu.memory_space<vmem>>, vector<16xf32>,
    } {sc.loop_unroll_factor = 4 : i64, sc.parallel_access}
    %dma_wait3A_432 = arith.constant 0 : i32
    %dma_wait3A_433 = arith.constant 0 : i32
    %dma_wait3A_434 = tpu.memref_slice %arg9[%dma_wait3A_432, %dma_wait3A_433] : memref<2x4096xf32, #tpu.memory_space<vmem>> -> memref<1x4096xf32, #tpu.memory_space<vmem>>
    %dma_wait3A_435 = tpu.memref_squeeze %dma_wait3A_434 : memref<1x4096xf32, #tpu.memory_space<vmem>> -> memref<4096xf32, #tpu.memory_space<vmem>>
    %dma_wait3A_436 = arith.constant 0 : i32
    %dma_wait3A_437 = tpu.memref_slice %dma_wait3A_435[%dma_wait3A_436] : memref<4096xf32, #tpu.memory_space<vmem>> -> memref<3200xf32, #tpu.memory_space<vmem>>
    %dma_wait3A_438 = arith.constant 0 : i32
    %dma_wait3A_439 = tpu.memref_slice %arg5[%dma_wait3A_438] : memref<2099200xf32, #tpu.memory_space<hbm>> -> memref<3200xf32, #tpu.memory_space<hbm>>
    %dma_wait3A_440 = arith.constant 0 : i32
    %dma_wait3A_441 = tpu.memref_slice %arg9[%dma_wait3A_432, %dma_wait3A_440] : memref<2x4096xf32, #tpu.memory_space<vmem>> -> memref<1x4096xf32, #tpu.memory_space<vmem>>
    %dma_wait3A_442 = tpu.memref_squeeze %dma_wait3A_441 : memref<1x4096xf32, #tpu.memory_space<vmem>> -> memref<4096xf32, #tpu.memory_space<vmem>>
    %dma_wait3A_443 = arith.constant 0 : i32
    %dma_wait3A_444 = tpu.memref_slice %dma_wait3A_442[%dma_wait3A_443] : memref<4096xf32, #tpu.memory_space<vmem>> -> memref<3200xf32, #tpu.memory_space<vmem>>
    %dma_wait3A_445 = arith.constant 0 : i32
    %dma_wait3A_446 = tpu.memref_slice %arg5[%dma_wait3A_445] : memref<2099200xf32, #tpu.memory_space<hbm>> -> memref<3200xf32, #tpu.memory_space<hbm>>
    tpu.wait_dma2 semaphore(%arg10 : memref<!tpu.dma_semaphore, #tpu.memory_space<semaphore_mem>>) src(%dma_wait3A_446 : memref<3200xf32, #tpu.memory_space<hbm>>) dst(%dma_wait3A_444 : memref<3200xf32, #tpu.memory_space<vmem>>)
    %add3A_447 = arith.constant 1843200 : i32
    %add3A_448 = arith.addi %add3A_447, %mul3A_79 : i32
    %dma_start3A_449 = arith.constant 1 : i32
    %dma_start3A_450 = arith.constant 0 : i32
    %dma_start3A_451 = tpu.memref_slice %arg9[%dma_start3A_449, %dma_start3A_450] : memref<2x4096xf32, #tpu.memory_space<vmem>> -> memref<1x4096xf32, #tpu.memory_space<vmem>>
    %dma_start3A_452 = tpu.memref_squeeze %dma_start3A_451 : memref<1x4096xf32, #tpu.memory_space<vmem>> -> memref<4096xf32, #tpu.memory_space<vmem>>
    %dma_start3A_453 = arith.constant 0 : i32
    %dma_start3A_454 = tpu.memref_slice %dma_start3A_452[%dma_start3A_453] : memref<4096xf32, #tpu.memory_space<vmem>> -> memref<3200xf32, #tpu.memory_space<vmem>>
    %dma_start3A_455 = tpu.memref_slice %arg5[%add3A_448] : memref<2099200xf32, #tpu.memory_space<hbm>> -> memref<3200xf32, #tpu.memory_space<hbm>>
    %dma_start3A_456 = arith.constant 0 : i32
    %dma_start3A_457 = tpu.memref_slice %arg9[%dma_start3A_449, %dma_start3A_456] : memref<2x4096xf32, #tpu.memory_space<vmem>> -> memref<1x4096xf32, #tpu.memory_space<vmem>>
    %dma_start3A_458 = tpu.memref_squeeze %dma_start3A_457 : memref<1x4096xf32, #tpu.memory_space<vmem>> -> memref<4096xf32, #tpu.memory_space<vmem>>
    %dma_start3A_459 = arith.constant 0 : i32
    %dma_start3A_460 = tpu.memref_slice %dma_start3A_458[%dma_start3A_459] : memref<4096xf32, #tpu.memory_space<vmem>> -> memref<3200xf32, #tpu.memory_space<vmem>>
    %dma_start3A_461 = tpu.memref_slice %arg5[%add3A_448] : memref<2099200xf32, #tpu.memory_space<hbm>> -> memref<3200xf32, #tpu.memory_space<hbm>>
    tpu.enqueue_dma source(%dma_start3A_461 : memref<3200xf32, #tpu.memory_space<hbm>>) target(%dma_start3A_460 : memref<3200xf32, #tpu.memory_space<vmem>>) target_semaphore(%arg11 : memref<!tpu.dma_semaphore, #tpu.memory_space<semaphore_mem>>)
    %parallel_loop3A_462 = arith.constant 0 : i32
    %parallel_loop3A_463 = arith.constant 200 : i32
    %parallel_loop3A_464 = arith.constant 1 : i32
    scf.for %parallel_loop3A_623 = %parallel_loop3A_462 to %parallel_loop3A_463 step %parallel_loop3A_464  : i32 {
      %parallel_loop3A_624 = arith.constant 16 : i32
      %parallel_loop3A_625 = arith.muli %parallel_loop3A_623, %parallel_loop3A_624 : i32
      %parallel_loop3A_626 = arith.index_cast %parallel_loop3A_625 : i32 to index
      %parallel_loop3A_627 = tpu.vector_load %arg7[%parallel_loop3A_626] {strides = array<i32>} : memref<51200xf32, #tpu.memory_space<vmem>>, vector<16xf32>,
      %parallel_loop3A_628 = arith.constant 0 : i32
      %parallel_loop3A_629 = arith.index_cast %parallel_loop3A_628 : i32 to index
      %parallel_loop3A_630 = arith.index_cast %parallel_loop3A_625 : i32 to index
      %parallel_loop3A_631 = tpu.vector_load %arg9[%parallel_loop3A_629, %parallel_loop3A_630] {strides = array<i32>} : memref<2x4096xf32, #tpu.memory_space<vmem>>, vector<16xf32>,
      %parallel_loop3A_632 = arith.addf %parallel_loop3A_627, %parallel_loop3A_631 : vector<16xf32>
      %parallel_loop3A_633 = arith.index_cast %parallel_loop3A_625 : i32 to index
      %parallel_loop3A_634 = tpu.vector_load %arg7[%parallel_loop3A_633] {strides = array<i32>} : memref<51200xf32, #tpu.memory_space<vmem>>, vector<16xf32>,
      tpu.vector_store %arg7[%parallel_loop3A_633], %parallel_loop3A_632 {strides = array<i32>} : memref<51200xf32, #tpu.memory_space<vmem>>, vector<16xf32>,
    } {sc.loop_unroll_factor = 4 : i64, sc.parallel_access}
    %dma_wait3A_465 = arith.constant 1 : i32
    %dma_wait3A_466 = arith.constant 0 : i32
    %dma_wait3A_467 = tpu.memref_slice %arg9[%dma_wait3A_465, %dma_wait3A_466] : memref<2x4096xf32, #tpu.memory_space<vmem>> -> memref<1x4096xf32, #tpu.memory_space<vmem>>
    %dma_wait3A_468 = tpu.memref_squeeze %dma_wait3A_467 : memref<1x4096xf32, #tpu.memory_space<vmem>> -> memref<4096xf32, #tpu.memory_space<vmem>>
    %dma_wait3A_469 = arith.constant 0 : i32
    %dma_wait3A_470 = tpu.memref_slice %dma_wait3A_468[%dma_wait3A_469] : memref<4096xf32, #tpu.memory_space<vmem>> -> memref<3200xf32, #tpu.memory_space<vmem>>
    %dma_wait3A_471 = arith.constant 0 : i32
    %dma_wait3A_472 = tpu.memref_slice %arg5[%dma_wait3A_471] : memref<2099200xf32, #tpu.memory_space<hbm>> -> memref<3200xf32, #tpu.memory_space<hbm>>
    %dma_wait3A_473 = arith.constant 0 : i32
    %dma_wait3A_474 = tpu.memref_slice %arg9[%dma_wait3A_465, %dma_wait3A_473] : memref<2x4096xf32, #tpu.memory_space<vmem>> -> memref<1x4096xf32, #tpu.memory_space<vmem>>
    %dma_wait3A_475 = tpu.memref_squeeze %dma_wait3A_474 : memref<1x4096xf32, #tpu.memory_space<vmem>> -> memref<4096xf32, #tpu.memory_space<vmem>>
    %dma_wait3A_476 = arith.constant 0 : i32
    %dma_wait3A_477 = tpu.memref_slice %dma_wait3A_475[%dma_wait3A_476] : memref<4096xf32, #tpu.memory_space<vmem>> -> memref<3200xf32, #tpu.memory_space<vmem>>
    %dma_wait3A_478 = arith.constant 0 : i32
    %dma_wait3A_479 = tpu.memref_slice %arg5[%dma_wait3A_478] : memref<2099200xf32, #tpu.memory_space<hbm>> -> memref<3200xf32, #tpu.memory_space<hbm>>
    tpu.wait_dma2 semaphore(%arg11 : memref<!tpu.dma_semaphore, #tpu.memory_space<semaphore_mem>>) src(%dma_wait3A_479 : memref<3200xf32, #tpu.memory_space<hbm>>) dst(%dma_wait3A_477 : memref<3200xf32, #tpu.memory_space<vmem>>)
    %add3A_480 = arith.constant 1894400 : i32
    %add3A_481 = arith.addi %add3A_480, %mul3A_79 : i32
    %dma_start3A_482 = arith.constant 0 : i32
    %dma_start3A_483 = arith.constant 0 : i32
    %dma_start3A_484 = tpu.memref_slice %arg9[%dma_start3A_482, %dma_start3A_483] : memref<2x4096xf32, #tpu.memory_space<vmem>> -> memref<1x4096xf32, #tpu.memory_space<vmem>>
    %dma_start3A_485 = tpu.memref_squeeze %dma_start3A_484 : memref<1x4096xf32, #tpu.memory_space<vmem>> -> memref<4096xf32, #tpu.memory_space<vmem>>
    %dma_start3A_486 = arith.constant 0 : i32
    %dma_start3A_487 = tpu.memref_slice %dma_start3A_485[%dma_start3A_486] : memref<4096xf32, #tpu.memory_space<vmem>> -> memref<3200xf32, #tpu.memory_space<vmem>>
    %dma_start3A_488 = tpu.memref_slice %arg5[%add3A_481] : memref<2099200xf32, #tpu.memory_space<hbm>> -> memref<3200xf32, #tpu.memory_space<hbm>>
    %dma_start3A_489 = arith.constant 0 : i32
    %dma_start3A_490 = tpu.memref_slice %arg9[%dma_start3A_482, %dma_start3A_489] : memref<2x4096xf32, #tpu.memory_space<vmem>> -> memref<1x4096xf32, #tpu.memory_space<vmem>>
    %dma_start3A_491 = tpu.memref_squeeze %dma_start3A_490 : memref<1x4096xf32, #tpu.memory_space<vmem>> -> memref<4096xf32, #tpu.memory_space<vmem>>
    %dma_start3A_492 = arith.constant 0 : i32
    %dma_start3A_493 = tpu.memref_slice %dma_start3A_491[%dma_start3A_492] : memref<4096xf32, #tpu.memory_space<vmem>> -> memref<3200xf32, #tpu.memory_space<vmem>>
    %dma_start3A_494 = tpu.memref_slice %arg5[%add3A_481] : memref<2099200xf32, #tpu.memory_space<hbm>> -> memref<3200xf32, #tpu.memory_space<hbm>>
    tpu.enqueue_dma source(%dma_start3A_494 : memref<3200xf32, #tpu.memory_space<hbm>>) target(%dma_start3A_493 : memref<3200xf32, #tpu.memory_space<vmem>>) target_semaphore(%arg10 : memref<!tpu.dma_semaphore, #tpu.memory_space<semaphore_mem>>)
    %parallel_loop3A_495 = arith.constant 0 : i32
    %parallel_loop3A_496 = arith.constant 200 : i32
    %parallel_loop3A_497 = arith.constant 1 : i32
    scf.for %parallel_loop3A_623 = %parallel_loop3A_495 to %parallel_loop3A_496 step %parallel_loop3A_497  : i32 {
      %parallel_loop3A_624 = arith.constant 16 : i32
      %parallel_loop3A_625 = arith.muli %parallel_loop3A_623, %parallel_loop3A_624 : i32
      %parallel_loop3A_626 = arith.index_cast %parallel_loop3A_625 : i32 to index
      %parallel_loop3A_627 = tpu.vector_load %arg7[%parallel_loop3A_626] {strides = array<i32>} : memref<51200xf32, #tpu.memory_space<vmem>>, vector<16xf32>,
      %parallel_loop3A_628 = arith.constant 1 : i32
      %parallel_loop3A_629 = arith.index_cast %parallel_loop3A_628 : i32 to index
      %parallel_loop3A_630 = arith.index_cast %parallel_loop3A_625 : i32 to index
      %parallel_loop3A_631 = tpu.vector_load %arg9[%parallel_loop3A_629, %parallel_loop3A_630] {strides = array<i32>} : memref<2x4096xf32, #tpu.memory_space<vmem>>, vector<16xf32>,
      %parallel_loop3A_632 = arith.addf %parallel_loop3A_627, %parallel_loop3A_631 : vector<16xf32>
      %parallel_loop3A_633 = arith.index_cast %parallel_loop3A_625 : i32 to index
      %parallel_loop3A_634 = tpu.vector_load %arg7[%parallel_loop3A_633] {strides = array<i32>} : memref<51200xf32, #tpu.memory_space<vmem>>, vector<16xf32>,
      tpu.vector_store %arg7[%parallel_loop3A_633], %parallel_loop3A_632 {strides = array<i32>} : memref<51200xf32, #tpu.memory_space<vmem>>, vector<16xf32>,
    } {sc.loop_unroll_factor = 4 : i64, sc.parallel_access}
    %dma_wait3A_498 = arith.constant 0 : i32
    %dma_wait3A_499 = arith.constant 0 : i32
    %dma_wait3A_500 = tpu.memref_slice %arg9[%dma_wait3A_498, %dma_wait3A_499] : memref<2x4096xf32, #tpu.memory_space<vmem>> -> memref<1x4096xf32, #tpu.memory_space<vmem>>
    %dma_wait3A_501 = tpu.memref_squeeze %dma_wait3A_500 : memref<1x4096xf32, #tpu.memory_space<vmem>> -> memref<4096xf32, #tpu.memory_space<vmem>>
    %dma_wait3A_502 = arith.constant 0 : i32
    %dma_wait3A_503 = tpu.memref_slice %dma_wait3A_501[%dma_wait3A_502] : memref<4096xf32, #tpu.memory_space<vmem>> -> memref<3200xf32, #tpu.memory_space<vmem>>
    %dma_wait3A_504 = arith.constant 0 : i32
    %dma_wait3A_505 = tpu.memref_slice %arg5[%dma_wait3A_504] : memref<2099200xf32, #tpu.memory_space<hbm>> -> memref<3200xf32, #tpu.memory_space<hbm>>
    %dma_wait3A_506 = arith.constant 0 : i32
    %dma_wait3A_507 = tpu.memref_slice %arg9[%dma_wait3A_498, %dma_wait3A_506] : memref<2x4096xf32, #tpu.memory_space<vmem>> -> memref<1x4096xf32, #tpu.memory_space<vmem>>
    %dma_wait3A_508 = tpu.memref_squeeze %dma_wait3A_507 : memref<1x4096xf32, #tpu.memory_space<vmem>> -> memref<4096xf32, #tpu.memory_space<vmem>>
    %dma_wait3A_509 = arith.constant 0 : i32
    %dma_wait3A_510 = tpu.memref_slice %dma_wait3A_508[%dma_wait3A_509] : memref<4096xf32, #tpu.memory_space<vmem>> -> memref<3200xf32, #tpu.memory_space<vmem>>
    %dma_wait3A_511 = arith.constant 0 : i32
    %dma_wait3A_512 = tpu.memref_slice %arg5[%dma_wait3A_511] : memref<2099200xf32, #tpu.memory_space<hbm>> -> memref<3200xf32, #tpu.memory_space<hbm>>
    tpu.wait_dma2 semaphore(%arg10 : memref<!tpu.dma_semaphore, #tpu.memory_space<semaphore_mem>>) src(%dma_wait3A_512 : memref<3200xf32, #tpu.memory_space<hbm>>) dst(%dma_wait3A_510 : memref<3200xf32, #tpu.memory_space<vmem>>)
    %add3A_513 = arith.constant 1945600 : i32
    %add3A_514 = arith.addi %add3A_513, %mul3A_79 : i32
    %dma_start3A_515 = arith.constant 1 : i32
    %dma_start3A_516 = arith.constant 0 : i32
    %dma_start3A_517 = tpu.memref_slice %arg9[%dma_start3A_515, %dma_start3A_516] : memref<2x4096xf32, #tpu.memory_space<vmem>> -> memref<1x4096xf32, #tpu.memory_space<vmem>>
    %dma_start3A_518 = tpu.memref_squeeze %dma_start3A_517 : memref<1x4096xf32, #tpu.memory_space<vmem>> -> memref<4096xf32, #tpu.memory_space<vmem>>
    %dma_start3A_519 = arith.constant 0 : i32
    %dma_start3A_520 = tpu.memref_slice %dma_start3A_518[%dma_start3A_519] : memref<4096xf32, #tpu.memory_space<vmem>> -> memref<3200xf32, #tpu.memory_space<vmem>>
    %dma_start3A_521 = tpu.memref_slice %arg5[%add3A_514] : memref<2099200xf32, #tpu.memory_space<hbm>> -> memref<3200xf32, #tpu.memory_space<hbm>>
    %dma_start3A_522 = arith.constant 0 : i32
    %dma_start3A_523 = tpu.memref_slice %arg9[%dma_start3A_515, %dma_start3A_522] : memref<2x4096xf32, #tpu.memory_space<vmem>> -> memref<1x4096xf32, #tpu.memory_space<vmem>>
    %dma_start3A_524 = tpu.memref_squeeze %dma_start3A_523 : memref<1x4096xf32, #tpu.memory_space<vmem>> -> memref<4096xf32, #tpu.memory_space<vmem>>
    %dma_start3A_525 = arith.constant 0 : i32
    %dma_start3A_526 = tpu.memref_slice %dma_start3A_524[%dma_start3A_525] : memref<4096xf32, #tpu.memory_space<vmem>> -> memref<3200xf32, #tpu.memory_space<vmem>>
    %dma_start3A_527 = tpu.memref_slice %arg5[%add3A_514] : memref<2099200xf32, #tpu.memory_space<hbm>> -> memref<3200xf32, #tpu.memory_space<hbm>>
    tpu.enqueue_dma source(%dma_start3A_527 : memref<3200xf32, #tpu.memory_space<hbm>>) target(%dma_start3A_526 : memref<3200xf32, #tpu.memory_space<vmem>>) target_semaphore(%arg11 : memref<!tpu.dma_semaphore, #tpu.memory_space<semaphore_mem>>)
    %parallel_loop3A_528 = arith.constant 0 : i32
    %parallel_loop3A_529 = arith.constant 200 : i32
    %parallel_loop3A_530 = arith.constant 1 : i32
    scf.for %parallel_loop3A_623 = %parallel_loop3A_528 to %parallel_loop3A_529 step %parallel_loop3A_530  : i32 {
      %parallel_loop3A_624 = arith.constant 16 : i32
      %parallel_loop3A_625 = arith.muli %parallel_loop3A_623, %parallel_loop3A_624 : i32
      %parallel_loop3A_626 = arith.index_cast %parallel_loop3A_625 : i32 to index
      %parallel_loop3A_627 = tpu.vector_load %arg7[%parallel_loop3A_626] {strides = array<i32>} : memref<51200xf32, #tpu.memory_space<vmem>>, vector<16xf32>,
      %parallel_loop3A_628 = arith.constant 0 : i32
      %parallel_loop3A_629 = arith.index_cast %parallel_loop3A_628 : i32 to index
      %parallel_loop3A_630 = arith.index_cast %parallel_loop3A_625 : i32 to index
      %parallel_loop3A_631 = tpu.vector_load %arg9[%parallel_loop3A_629, %parallel_loop3A_630] {strides = array<i32>} : memref<2x4096xf32, #tpu.memory_space<vmem>>, vector<16xf32>,
      %parallel_loop3A_632 = arith.addf %parallel_loop3A_627, %parallel_loop3A_631 : vector<16xf32>
      %parallel_loop3A_633 = arith.index_cast %parallel_loop3A_625 : i32 to index
      %parallel_loop3A_634 = tpu.vector_load %arg7[%parallel_loop3A_633] {strides = array<i32>} : memref<51200xf32, #tpu.memory_space<vmem>>, vector<16xf32>,
      tpu.vector_store %arg7[%parallel_loop3A_633], %parallel_loop3A_632 {strides = array<i32>} : memref<51200xf32, #tpu.memory_space<vmem>>, vector<16xf32>,
    } {sc.loop_unroll_factor = 4 : i64, sc.parallel_access}
    %dma_wait3A_531 = arith.constant 1 : i32
    %dma_wait3A_532 = arith.constant 0 : i32
    %dma_wait3A_533 = tpu.memref_slice %arg9[%dma_wait3A_531, %dma_wait3A_532] : memref<2x4096xf32, #tpu.memory_space<vmem>> -> memref<1x4096xf32, #tpu.memory_space<vmem>>
    %dma_wait3A_534 = tpu.memref_squeeze %dma_wait3A_533 : memref<1x4096xf32, #tpu.memory_space<vmem>> -> memref<4096xf32, #tpu.memory_space<vmem>>
    %dma_wait3A_535 = arith.constant 0 : i32
    %dma_wait3A_536 = tpu.memref_slice %dma_wait3A_534[%dma_wait3A_535] : memref<4096xf32, #tpu.memory_space<vmem>> -> memref<3200xf32, #tpu.memory_space<vmem>>
    %dma_wait3A_537 = arith.constant 0 : i32
    %dma_wait3A_538 = tpu.memref_slice %arg5[%dma_wait3A_537] : memref<2099200xf32, #tpu.memory_space<hbm>> -> memref<3200xf32, #tpu.memory_space<hbm>>
    %dma_wait3A_539 = arith.constant 0 : i32
    %dma_wait3A_540 = tpu.memref_slice %arg9[%dma_wait3A_531, %dma_wait3A_539] : memref<2x4096xf32, #tpu.memory_space<vmem>> -> memref<1x4096xf32, #tpu.memory_space<vmem>>
    %dma_wait3A_541 = tpu.memref_squeeze %dma_wait3A_540 : memref<1x4096xf32, #tpu.memory_space<vmem>> -> memref<4096xf32, #tpu.memory_space<vmem>>
    %dma_wait3A_542 = arith.constant 0 : i32
    %dma_wait3A_543 = tpu.memref_slice %dma_wait3A_541[%dma_wait3A_542] : memref<4096xf32, #tpu.memory_space<vmem>> -> memref<3200xf32, #tpu.memory_space<vmem>>
    %dma_wait3A_544 = arith.constant 0 : i32
    %dma_wait3A_545 = tpu.memref_slice %arg5[%dma_wait3A_544] : memref<2099200xf32, #tpu.memory_space<hbm>> -> memref<3200xf32, #tpu.memory_space<hbm>>
    tpu.wait_dma2 semaphore(%arg11 : memref<!tpu.dma_semaphore, #tpu.memory_space<semaphore_mem>>) src(%dma_wait3A_545 : memref<3200xf32, #tpu.memory_space<hbm>>) dst(%dma_wait3A_543 : memref<3200xf32, #tpu.memory_space<vmem>>)
    %add3A_546 = arith.constant 1996800 : i32
    %add3A_547 = arith.addi %add3A_546, %mul3A_79 : i32
    %dma_start3A_548 = arith.constant 0 : i32
    %dma_start3A_549 = arith.constant 0 : i32
    %dma_start3A_550 = tpu.memref_slice %arg9[%dma_start3A_548, %dma_start3A_549] : memref<2x4096xf32, #tpu.memory_space<vmem>> -> memref<1x4096xf32, #tpu.memory_space<vmem>>
    %dma_start3A_551 = tpu.memref_squeeze %dma_start3A_550 : memref<1x4096xf32, #tpu.memory_space<vmem>> -> memref<4096xf32, #tpu.memory_space<vmem>>
    %dma_start3A_552 = arith.constant 0 : i32
    %dma_start3A_553 = tpu.memref_slice %dma_start3A_551[%dma_start3A_552] : memref<4096xf32, #tpu.memory_space<vmem>> -> memref<3200xf32, #tpu.memory_space<vmem>>
    %dma_start3A_554 = tpu.memref_slice %arg5[%add3A_547] : memref<2099200xf32, #tpu.memory_space<hbm>> -> memref<3200xf32, #tpu.memory_space<hbm>>
    %dma_start3A_555 = arith.constant 0 : i32
    %dma_start3A_556 = tpu.memref_slice %arg9[%dma_start3A_548, %dma_start3A_555] : memref<2x4096xf32, #tpu.memory_space<vmem>> -> memref<1x4096xf32, #tpu.memory_space<vmem>>
    %dma_start3A_557 = tpu.memref_squeeze %dma_start3A_556 : memref<1x4096xf32, #tpu.memory_space<vmem>> -> memref<4096xf32, #tpu.memory_space<vmem>>
    %dma_start3A_558 = arith.constant 0 : i32
    %dma_start3A_559 = tpu.memref_slice %dma_start3A_557[%dma_start3A_558] : memref<4096xf32, #tpu.memory_space<vmem>> -> memref<3200xf32, #tpu.memory_space<vmem>>
    %dma_start3A_560 = tpu.memref_slice %arg5[%add3A_547] : memref<2099200xf32, #tpu.memory_space<hbm>> -> memref<3200xf32, #tpu.memory_space<hbm>>
    tpu.enqueue_dma source(%dma_start3A_560 : memref<3200xf32, #tpu.memory_space<hbm>>) target(%dma_start3A_559 : memref<3200xf32, #tpu.memory_space<vmem>>) target_semaphore(%arg10 : memref<!tpu.dma_semaphore, #tpu.memory_space<semaphore_mem>>)
    %parallel_loop3A_561 = arith.constant 0 : i32
    %parallel_loop3A_562 = arith.constant 200 : i32
    %parallel_loop3A_563 = arith.constant 1 : i32
    scf.for %parallel_loop3A_623 = %parallel_loop3A_561 to %parallel_loop3A_562 step %parallel_loop3A_563  : i32 {
      %parallel_loop3A_624 = arith.constant 16 : i32
      %parallel_loop3A_625 = arith.muli %parallel_loop3A_623, %parallel_loop3A_624 : i32
      %parallel_loop3A_626 = arith.index_cast %parallel_loop3A_625 : i32 to index
      %parallel_loop3A_627 = tpu.vector_load %arg7[%parallel_loop3A_626] {strides = array<i32>} : memref<51200xf32, #tpu.memory_space<vmem>>, vector<16xf32>,
      %parallel_loop3A_628 = arith.constant 1 : i32
      %parallel_loop3A_629 = arith.index_cast %parallel_loop3A_628 : i32 to index
      %parallel_loop3A_630 = arith.index_cast %parallel_loop3A_625 : i32 to index
      %parallel_loop3A_631 = tpu.vector_load %arg9[%parallel_loop3A_629, %parallel_loop3A_630] {strides = array<i32>} : memref<2x4096xf32, #tpu.memory_space<vmem>>, vector<16xf32>,
      %parallel_loop3A_632 = arith.addf %parallel_loop3A_627, %parallel_loop3A_631 : vector<16xf32>
      %parallel_loop3A_633 = arith.index_cast %parallel_loop3A_625 : i32 to index
      %parallel_loop3A_634 = tpu.vector_load %arg7[%parallel_loop3A_633] {strides = array<i32>} : memref<51200xf32, #tpu.memory_space<vmem>>, vector<16xf32>,
      tpu.vector_store %arg7[%parallel_loop3A_633], %parallel_loop3A_632 {strides = array<i32>} : memref<51200xf32, #tpu.memory_space<vmem>>, vector<16xf32>,
    } {sc.loop_unroll_factor = 4 : i64, sc.parallel_access}
    %dma_wait3A_564 = arith.constant 0 : i32
    %dma_wait3A_565 = arith.constant 0 : i32
    %dma_wait3A_566 = tpu.memref_slice %arg9[%dma_wait3A_564, %dma_wait3A_565] : memref<2x4096xf32, #tpu.memory_space<vmem>> -> memref<1x4096xf32, #tpu.memory_space<vmem>>
    %dma_wait3A_567 = tpu.memref_squeeze %dma_wait3A_566 : memref<1x4096xf32, #tpu.memory_space<vmem>> -> memref<4096xf32, #tpu.memory_space<vmem>>
    %dma_wait3A_568 = arith.constant 0 : i32
    %dma_wait3A_569 = tpu.memref_slice %dma_wait3A_567[%dma_wait3A_568] : memref<4096xf32, #tpu.memory_space<vmem>> -> memref<3200xf32, #tpu.memory_space<vmem>>
    %dma_wait3A_570 = arith.constant 0 : i32
    %dma_wait3A_571 = tpu.memref_slice %arg5[%dma_wait3A_570] : memref<2099200xf32, #tpu.memory_space<hbm>> -> memref<3200xf32, #tpu.memory_space<hbm>>
    %dma_wait3A_572 = arith.constant 0 : i32
    %dma_wait3A_573 = tpu.memref_slice %arg9[%dma_wait3A_564, %dma_wait3A_572] : memref<2x4096xf32, #tpu.memory_space<vmem>> -> memref<1x4096xf32, #tpu.memory_space<vmem>>
    %dma_wait3A_574 = tpu.memref_squeeze %dma_wait3A_573 : memref<1x4096xf32, #tpu.memory_space<vmem>> -> memref<4096xf32, #tpu.memory_space<vmem>>
    %dma_wait3A_575 = arith.constant 0 : i32
    %dma_wait3A_576 = tpu.memref_slice %dma_wait3A_574[%dma_wait3A_575] : memref<4096xf32, #tpu.memory_space<vmem>> -> memref<3200xf32, #tpu.memory_space<vmem>>
    %dma_wait3A_577 = arith.constant 0 : i32
    %dma_wait3A_578 = tpu.memref_slice %arg5[%dma_wait3A_577] : memref<2099200xf32, #tpu.memory_space<hbm>> -> memref<3200xf32, #tpu.memory_space<hbm>>
    tpu.wait_dma2 semaphore(%arg10 : memref<!tpu.dma_semaphore, #tpu.memory_space<semaphore_mem>>) src(%dma_wait3A_578 : memref<3200xf32, #tpu.memory_space<hbm>>) dst(%dma_wait3A_576 : memref<3200xf32, #tpu.memory_space<vmem>>)
    %add3A_579 = arith.constant 2048000 : i32
    %add3A_580 = arith.addi %add3A_579, %mul3A_79 : i32
    %dma_start3A_581 = arith.constant 1 : i32
    %dma_start3A_582 = arith.constant 0 : i32
    %dma_start3A_583 = tpu.memref_slice %arg9[%dma_start3A_581, %dma_start3A_582] : memref<2x4096xf32, #tpu.memory_space<vmem>> -> memref<1x4096xf32, #tpu.memory_space<vmem>>
    %dma_start3A_584 = tpu.memref_squeeze %dma_start3A_583 : memref<1x4096xf32, #tpu.memory_space<vmem>> -> memref<4096xf32, #tpu.memory_space<vmem>>
    %dma_start3A_585 = arith.constant 0 : i32
    %dma_start3A_586 = tpu.memref_slice %dma_start3A_584[%dma_start3A_585] : memref<4096xf32, #tpu.memory_space<vmem>> -> memref<3200xf32, #tpu.memory_space<vmem>>
    %dma_start3A_587 = tpu.memref_slice %arg5[%add3A_580] : memref<2099200xf32, #tpu.memory_space<hbm>> -> memref<3200xf32, #tpu.memory_space<hbm>>
    %dma_start3A_588 = arith.constant 0 : i32
    %dma_start3A_589 = tpu.memref_slice %arg9[%dma_start3A_581, %dma_start3A_588] : memref<2x4096xf32, #tpu.memory_space<vmem>> -> memref<1x4096xf32, #tpu.memory_space<vmem>>
    %dma_start3A_590 = tpu.memref_squeeze %dma_start3A_589 : memref<1x4096xf32, #tpu.memory_space<vmem>> -> memref<4096xf32, #tpu.memory_space<vmem>>
    %dma_start3A_591 = arith.constant 0 : i32
    %dma_start3A_592 = tpu.memref_slice %dma_start3A_590[%dma_start3A_591] : memref<4096xf32, #tpu.memory_space<vmem>> -> memref<3200xf32, #tpu.memory_space<vmem>>
    %dma_start3A_593 = tpu.memref_slice %arg5[%add3A_580] : memref<2099200xf32, #tpu.memory_space<hbm>> -> memref<3200xf32, #tpu.memory_space<hbm>>
    tpu.enqueue_dma source(%dma_start3A_593 : memref<3200xf32, #tpu.memory_space<hbm>>) target(%dma_start3A_592 : memref<3200xf32, #tpu.memory_space<vmem>>) target_semaphore(%arg11 : memref<!tpu.dma_semaphore, #tpu.memory_space<semaphore_mem>>)
    %parallel_loop3A_594 = arith.constant 0 : i32
    %parallel_loop3A_595 = arith.constant 200 : i32
    %parallel_loop3A_596 = arith.constant 1 : i32
    scf.for %parallel_loop3A_623 = %parallel_loop3A_594 to %parallel_loop3A_595 step %parallel_loop3A_596  : i32 {
      %parallel_loop3A_624 = arith.constant 16 : i32
      %parallel_loop3A_625 = arith.muli %parallel_loop3A_623, %parallel_loop3A_624 : i32
      %parallel_loop3A_626 = arith.index_cast %parallel_loop3A_625 : i32 to index
      %parallel_loop3A_627 = tpu.vector_load %arg7[%parallel_loop3A_626] {strides = array<i32>} : memref<51200xf32, #tpu.memory_space<vmem>>, vector<16xf32>,
      %parallel_loop3A_628 = arith.constant 0 : i32
      %parallel_loop3A_629 = arith.index_cast %parallel_loop3A_628 : i32 to index
      %parallel_loop3A_630 = arith.index_cast %parallel_loop3A_625 : i32 to index
      %parallel_loop3A_631 = tpu.vector_load %arg9[%parallel_loop3A_629, %parallel_loop3A_630] {strides = array<i32>} : memref<2x4096xf32, #tpu.memory_space<vmem>>, vector<16xf32>,
      %parallel_loop3A_632 = arith.addf %parallel_loop3A_627, %parallel_loop3A_631 : vector<16xf32>
      %parallel_loop3A_633 = arith.index_cast %parallel_loop3A_625 : i32 to index
      %parallel_loop3A_634 = tpu.vector_load %arg7[%parallel_loop3A_633] {strides = array<i32>} : memref<51200xf32, #tpu.memory_space<vmem>>, vector<16xf32>,
      tpu.vector_store %arg7[%parallel_loop3A_633], %parallel_loop3A_632 {strides = array<i32>} : memref<51200xf32, #tpu.memory_space<vmem>>, vector<16xf32>,
    } {sc.loop_unroll_factor = 4 : i64, sc.parallel_access}
    %dma_wait3A_597 = arith.constant 1 : i32
    %dma_wait3A_598 = arith.constant 0 : i32
    %dma_wait3A_599 = tpu.memref_slice %arg9[%dma_wait3A_597, %dma_wait3A_598] : memref<2x4096xf32, #tpu.memory_space<vmem>> -> memref<1x4096xf32, #tpu.memory_space<vmem>>
    %dma_wait3A_600 = tpu.memref_squeeze %dma_wait3A_599 : memref<1x4096xf32, #tpu.memory_space<vmem>> -> memref<4096xf32, #tpu.memory_space<vmem>>
    %dma_wait3A_601 = arith.constant 0 : i32
    %dma_wait3A_602 = tpu.memref_slice %dma_wait3A_600[%dma_wait3A_601] : memref<4096xf32, #tpu.memory_space<vmem>> -> memref<3200xf32, #tpu.memory_space<vmem>>
    %dma_wait3A_603 = arith.constant 0 : i32
    %dma_wait3A_604 = tpu.memref_slice %arg5[%dma_wait3A_603] : memref<2099200xf32, #tpu.memory_space<hbm>> -> memref<3200xf32, #tpu.memory_space<hbm>>
    %dma_wait3A_605 = arith.constant 0 : i32
    %dma_wait3A_606 = tpu.memref_slice %arg9[%dma_wait3A_597, %dma_wait3A_605] : memref<2x4096xf32, #tpu.memory_space<vmem>> -> memref<1x4096xf32, #tpu.memory_space<vmem>>
    %dma_wait3A_607 = tpu.memref_squeeze %dma_wait3A_606 : memref<1x4096xf32, #tpu.memory_space<vmem>> -> memref<4096xf32, #tpu.memory_space<vmem>>
    %dma_wait3A_608 = arith.constant 0 : i32
    %dma_wait3A_609 = tpu.memref_slice %dma_wait3A_607[%dma_wait3A_608] : memref<4096xf32, #tpu.memory_space<vmem>> -> memref<3200xf32, #tpu.memory_space<vmem>>
    %dma_wait3A_610 = arith.constant 0 : i32
    %dma_wait3A_611 = tpu.memref_slice %arg5[%dma_wait3A_610] : memref<2099200xf32, #tpu.memory_space<hbm>> -> memref<3200xf32, #tpu.memory_space<hbm>>
    tpu.wait_dma2 semaphore(%arg11 : memref<!tpu.dma_semaphore, #tpu.memory_space<semaphore_mem>>) src(%dma_wait3A_611 : memref<3200xf32, #tpu.memory_space<hbm>>) dst(%dma_wait3A_609 : memref<3200xf32, #tpu.memory_space<vmem>>)
    %parallel_loop3A_612 = arith.constant 0 : i32
    %parallel_loop3A_613 = arith.constant 200 : i32
    %parallel_loop3A_614 = arith.constant 1 : i32
    scf.for %parallel_loop3A_623 = %parallel_loop3A_612 to %parallel_loop3A_613 step %parallel_loop3A_614  : i32 {
      %parallel_loop3A_624 = arith.constant 16 : i32
      %parallel_loop3A_625 = arith.muli %parallel_loop3A_623, %parallel_loop3A_624 : i32
      %parallel_loop3A_626 = arith.index_cast %parallel_loop3A_625 : i32 to index
      %parallel_loop3A_627 = tpu.vector_load %arg7[%parallel_loop3A_626] {strides = array<i32>} : memref<51200xf32, #tpu.memory_space<vmem>>, vector<16xf32>,
      %parallel_loop3A_628 = arith.constant 1 : i32
      %parallel_loop3A_629 = arith.index_cast %parallel_loop3A_628 : i32 to index
      %parallel_loop3A_630 = arith.index_cast %parallel_loop3A_625 : i32 to index
      %parallel_loop3A_631 = tpu.vector_load %arg9[%parallel_loop3A_629, %parallel_loop3A_630] {strides = array<i32>} : memref<2x4096xf32, #tpu.memory_space<vmem>>, vector<16xf32>,
      %parallel_loop3A_632 = arith.addf %parallel_loop3A_627, %parallel_loop3A_631 : vector<16xf32>
      %parallel_loop3A_633 = arith.index_cast %parallel_loop3A_625 : i32 to index
      %parallel_loop3A_634 = tpu.vector_load %arg7[%parallel_loop3A_633] {strides = array<i32>} : memref<51200xf32, #tpu.memory_space<vmem>>, vector<16xf32>,
      tpu.vector_store %arg7[%parallel_loop3A_633], %parallel_loop3A_632 {strides = array<i32>} : memref<51200xf32, #tpu.memory_space<vmem>>, vector<16xf32>,
    } {sc.loop_unroll_factor = 4 : i64, sc.parallel_access}
    %parallel_loop3A_615 = arith.constant 0 : i32
    %parallel_loop3A_616 = arith.constant 200 : i32
    %parallel_loop3A_617 = arith.constant 1 : i32
    scf.for %parallel_loop3A_623 = %parallel_loop3A_615 to %parallel_loop3A_616 step %parallel_loop3A_617  : i32 {
      %parallel_loop3A_624 = arith.constant 16 : i32
      %parallel_loop3A_625 = arith.muli %parallel_loop3A_623, %parallel_loop3A_624 : i32
      %parallel_loop3A_626 = arith.index_cast %parallel_loop3A_625 : i32 to index
      %parallel_loop3A_627 = tpu.vector_load %arg7[%parallel_loop3A_626] {strides = array<i32>} : memref<51200xf32, #tpu.memory_space<vmem>>, vector<16xf32>,
      %parallel_loop3A_628 = arith.constant 1.000000e+00 : f32
      %parallel_loop3A_629 = vector.broadcast %parallel_loop3A_628 : f32 to vector<16xf32>
      %parallel_loop3A_630 = arith.addf %parallel_loop3A_627, %parallel_loop3A_629 : vector<16xf32>
      %parallel_loop3A_631 = vector.bitcast %parallel_loop3A_630 : vector<16xf32> to vector<16xi32>
      %parallel_loop3A_632 = arith.constant 1 : i32
      %parallel_loop3A_633 = vector.broadcast %parallel_loop3A_632 : i32 to vector<16xi32>
      %parallel_loop3A_634 = arith.shrui %parallel_loop3A_631, %parallel_loop3A_633 : vector<16xi32>
      %parallel_loop3A_635 = arith.constant 1597463007 : i32
      %parallel_loop3A_636 = vector.broadcast %parallel_loop3A_635 : i32 to vector<16xi32>
      %parallel_loop3A_637 = arith.subi %parallel_loop3A_636, %parallel_loop3A_634 : vector<16xi32>
      %parallel_loop3A_638 = vector.bitcast %parallel_loop3A_637 : vector<16xi32> to vector<16xf32>
      %parallel_loop3A_639 = arith.constant 5.000000e-01 : f32
      %parallel_loop3A_640 = vector.broadcast %parallel_loop3A_639 : f32 to vector<16xf32>
      %parallel_loop3A_641 = arith.mulf %parallel_loop3A_640, %parallel_loop3A_630 : vector<16xf32>
      %parallel_loop3A_642 = arith.mulf %parallel_loop3A_641, %parallel_loop3A_638 : vector<16xf32>
      %parallel_loop3A_643 = arith.mulf %parallel_loop3A_642, %parallel_loop3A_638 : vector<16xf32>
      %parallel_loop3A_644 = arith.constant 1.500000e+00 : f32
      %parallel_loop3A_645 = vector.broadcast %parallel_loop3A_644 : f32 to vector<16xf32>
      %parallel_loop3A_646 = arith.subf %parallel_loop3A_645, %parallel_loop3A_643 : vector<16xf32>
      %parallel_loop3A_647 = arith.mulf %parallel_loop3A_638, %parallel_loop3A_646 : vector<16xf32>
      %parallel_loop3A_648 = arith.constant 5.000000e-01 : f32
      %parallel_loop3A_649 = vector.broadcast %parallel_loop3A_648 : f32 to vector<16xf32>
      %parallel_loop3A_650 = arith.mulf %parallel_loop3A_649, %parallel_loop3A_630 : vector<16xf32>
      %parallel_loop3A_651 = arith.mulf %parallel_loop3A_650, %parallel_loop3A_647 : vector<16xf32>
      %parallel_loop3A_652 = arith.mulf %parallel_loop3A_651, %parallel_loop3A_647 : vector<16xf32>
      %parallel_loop3A_653 = arith.constant 1.500000e+00 : f32
      %parallel_loop3A_654 = vector.broadcast %parallel_loop3A_653 : f32 to vector<16xf32>
      %parallel_loop3A_655 = arith.subf %parallel_loop3A_654, %parallel_loop3A_652 : vector<16xf32>
      %parallel_loop3A_656 = arith.mulf %parallel_loop3A_647, %parallel_loop3A_655 : vector<16xf32>
      %parallel_loop3A_657 = arith.constant 5.000000e-01 : f32
      %parallel_loop3A_658 = vector.broadcast %parallel_loop3A_657 : f32 to vector<16xf32>
      %parallel_loop3A_659 = arith.mulf %parallel_loop3A_658, %parallel_loop3A_630 : vector<16xf32>
      %parallel_loop3A_660 = arith.mulf %parallel_loop3A_659, %parallel_loop3A_656 : vector<16xf32>
      %parallel_loop3A_661 = arith.mulf %parallel_loop3A_660, %parallel_loop3A_656 : vector<16xf32>
      %parallel_loop3A_662 = arith.constant 1.500000e+00 : f32
      %parallel_loop3A_663 = vector.broadcast %parallel_loop3A_662 : f32 to vector<16xf32>
      %parallel_loop3A_664 = arith.subf %parallel_loop3A_663, %parallel_loop3A_661 : vector<16xf32>
      %parallel_loop3A_665 = arith.mulf %parallel_loop3A_656, %parallel_loop3A_664 : vector<16xf32>
      %parallel_loop3A_666 = arith.index_cast %parallel_loop3A_625 : i32 to index
      %parallel_loop3A_667 = tpu.vector_load %arg7[%parallel_loop3A_666] {strides = array<i32>} : memref<51200xf32, #tpu.memory_space<vmem>>, vector<16xf32>,
      tpu.vector_store %arg7[%parallel_loop3A_666], %parallel_loop3A_665 {strides = array<i32>} : memref<51200xf32, #tpu.memory_space<vmem>>, vector<16xf32>,
    } {sc.loop_unroll_factor = 4 : i64, sc.parallel_access}
    %add3A_618 = arith.constant 1228800 : i32
    %add3A_619 = arith.addi %add3A_618, %mul3A_79 : i32
    "tpu.region"() ({
      %run_scoped3A = tpu.sem_alloc : memref<!tpu.dma_semaphore, #tpu.memory_space<semaphore_mem>>
      %dma_start3A_623 = arith.constant 0 : i32
      %dma_start3A_624 = tpu.memref_slice %arg7[%dma_start3A_623] : memref<51200xf32, #tpu.memory_space<vmem>> -> memref<3200xf32, #tpu.memory_space<vmem>>
      %dma_start3A_625 = tpu.memref_slice %arg5[%add3A_619] : memref<2099200xf32, #tpu.memory_space<hbm>> -> memref<3200xf32, #tpu.memory_space<hbm>>
      %dma_start3A_626 = tpu.memref_slice %arg5[%add3A_619] : memref<2099200xf32, #tpu.memory_space<hbm>> -> memref<3200xf32, #tpu.memory_space<hbm>>
      %dma_start3A_627 = arith.constant 0 : i32
      %dma_start3A_628 = tpu.memref_slice %arg7[%dma_start3A_627] : memref<51200xf32, #tpu.memory_space<vmem>> -> memref<3200xf32, #tpu.memory_space<vmem>>
      tpu.enqueue_dma source(%dma_start3A_628 : memref<3200xf32, #tpu.memory_space<vmem>>) target(%dma_start3A_626 : memref<3200xf32, #tpu.memory_space<hbm>>) target_semaphore(%run_scoped3A : memref<!tpu.dma_semaphore, #tpu.memory_space<semaphore_mem>>)
      %dma_wait3A_629 = arith.constant 0 : i32
      %dma_wait3A_630 = tpu.memref_slice %arg7[%dma_wait3A_629] : memref<51200xf32, #tpu.memory_space<vmem>> -> memref<3200xf32, #tpu.memory_space<vmem>>
      %dma_wait3A_631 = tpu.memref_slice %arg5[%add3A_619] : memref<2099200xf32, #tpu.memory_space<hbm>> -> memref<3200xf32, #tpu.memory_space<hbm>>
      %dma_wait3A_632 = tpu.memref_slice %arg5[%add3A_619] : memref<2099200xf32, #tpu.memory_space<hbm>> -> memref<3200xf32, #tpu.memory_space<hbm>>
      %dma_wait3A_633 = arith.constant 0 : i32
      %dma_wait3A_634 = tpu.memref_slice %arg7[%dma_wait3A_633] : memref<51200xf32, #tpu.memory_space<vmem>> -> memref<3200xf32, #tpu.memory_space<vmem>>
      tpu.wait_dma2 semaphore(%run_scoped3A : memref<!tpu.dma_semaphore, #tpu.memory_space<semaphore_mem>>) src(%dma_wait3A_634 : memref<3200xf32, #tpu.memory_space<vmem>>) dst(%dma_wait3A_632 : memref<3200xf32, #tpu.memory_space<hbm>>)
      tpu.yield
    }) : () -> ()
    %barrier3A_620 = arith.constant 0 : index
    tpu.barrier barrier_id(%barrier3A_620)
    %lt3A = arith.constant 24 : i32
    %lt3A_621 = arith.cmpi slt, %add3A, %lt3A : i32
    %convert_element_type3A = arith.extui %lt3A_621 : i1 to i32
    %cond3A = arith.constant 0 : i32
    %cond3A_622 = arith.cmpi ne, %convert_element_type3A, %cond3A : i32
    scf.if %cond3A_622 {
      %jit3A = arith.constant 2 : i32
      %div3A = arith.divsi %add3A, %jit3A : i32
      %sign3A = arith.constant 0 : i32
      %sign3A_623 = arith.cmpi sgt, %add3A, %sign3A : i32
      %sign3A_624 = arith.extui %sign3A_623 : i1 to i32
      %sign3A_625 = arith.constant 0 : i32
      %sign3A_626 = arith.cmpi slt, %add3A, %sign3A_625 : i32
      %sign3A_627 = arith.extui %sign3A_626 : i1 to i32
      %sign3A_628 = arith.subi %sign3A_624, %sign3A_627 : i32
      %sign3A_629 = arith.constant 0 : i32
      %sign3A_630 = arith.cmpi sgt, %jit3A, %sign3A_629 : i32
      %sign3A_631 = arith.extui %sign3A_630 : i1 to i32
      %sign3A_632 = arith.constant 0 : i32
      %sign3A_633 = arith.cmpi slt, %jit3A, %sign3A_632 : i32
      %sign3A_634 = arith.extui %sign3A_633 : i1 to i32
      %sign3A_635 = arith.subi %sign3A_631, %sign3A_634 : i32
      %ne3A = arith.cmpi ne, %sign3A_628, %sign3A_635 : i32
      %rem3A = arith.remsi %add3A, %jit3A : i32
      %ne3A_636 = arith.constant 0 : i32
      %ne3A_637 = arith.cmpi ne, %rem3A, %ne3A_636 : i32
      %and3A = arith.andi %ne3A, %ne3A_637 : i1
      %sub3A = arith.constant 1 : i32
      %sub3A_638 = arith.subi %div3A, %sub3A : i32
      %select_n3A = arith.select %and3A, %sub3A_638, %div3A : i32
      %jit3A_639 = arith.constant 2 : i32
      %eq3A = arith.constant 0 : i32
      %eq3A_640 = arith.cmpi eq, %jit3A_639, %eq3A : i32
      %jit3A_641 = arith.constant 1 : i32
      %select_n3A_642 = arith.select %eq3A_640, %jit3A_641, %jit3A_639 : i32
      %rem3A_643 = arith.remsi %add3A, %select_n3A_642 : i32
      %ne3A_644 = arith.constant 0 : i32
      %ne3A_645 = arith.cmpi ne, %rem3A_643, %ne3A_644 : i32
      %lt3A_646 = arith.constant 0 : i32
      %lt3A_647 = arith.cmpi slt, %rem3A_643, %lt3A_646 : i32
      %lt3A_648 = arith.constant 0 : i32
      %lt3A_649 = arith.cmpi slt, %select_n3A_642, %lt3A_648 : i32
      %ne3A_650 = arith.xori %lt3A_647, %lt3A_649 : i1
      %and3A_651 = arith.andi %ne3A_650, %ne3A_645 : i1
      %add3A_652 = arith.addi %rem3A_643, %select_n3A_642 : i32
      %select_n3A_653 = arith.select %and3A_651, %add3A_652, %rem3A_643 : i32
      "tpu.region"() ({
        %run_scoped3A = tpu.sem_alloc : memref<!tpu.dma_semaphore, #tpu.memory_space<semaphore_mem>>
        %dma_start3A_732 = arith.constant 1228800 : i32
        %dma_start3A_733 = tpu.memref_slice %arg5[%dma_start3A_732] : memref<2099200xf32, #tpu.memory_space<hbm>> -> memref<51200xf32, #tpu.memory_space<hbm>>
        %dma_start3A_734 = arith.constant 1228800 : i32
        %dma_start3A_735 = tpu.memref_slice %arg5[%dma_start3A_734] : memref<2099200xf32, #tpu.memory_space<hbm>> -> memref<51200xf32, #tpu.memory_space<hbm>>
        tpu.enqueue_dma source(%dma_start3A_735 : memref<51200xf32, #tpu.memory_space<hbm>>) target(%arg7 : memref<51200xf32, #tpu.memory_space<vmem>>) target_semaphore(%run_scoped3A : memref<!tpu.dma_semaphore, #tpu.memory_space<semaphore_mem>>)
        %dma_wait3A_736 = arith.constant 1228800 : i32
        %dma_wait3A_737 = tpu.memref_slice %arg5[%dma_wait3A_736] : memref<2099200xf32, #tpu.memory_space<hbm>> -> memref<51200xf32, #tpu.memory_space<hbm>>
        %dma_wait3A_738 = arith.constant 1228800 : i32
        %dma_wait3A_739 = tpu.memref_slice %arg5[%dma_wait3A_738] : memref<2099200xf32, #tpu.memory_space<hbm>> -> memref<51200xf32, #tpu.memory_space<hbm>>
        tpu.wait_dma2 semaphore(%run_scoped3A : memref<!tpu.dma_semaphore, #tpu.memory_space<semaphore_mem>>) src(%dma_wait3A_739 : memref<51200xf32, #tpu.memory_space<hbm>>) dst(%arg7 : memref<51200xf32, #tpu.memory_space<vmem>>)
        tpu.yield
      }) : () -> ()
      %mul3A_654 = arith.constant 51200 : i32
      %mul3A_655 = arith.muli %select_n3A, %mul3A_654 : i32
      %add3A_656 = arith.constant 0 : i32
      %add3A_657 = arith.addi %mul3A_655, %add3A_656 : i32
      %dma_start3A_658 = arith.constant 0 : i32
      %dma_start3A_659 = arith.constant 0 : i32
      %dma_start3A_660 = tpu.memref_slice %arg9[%dma_start3A_658, %dma_start3A_659] : memref<2x4096xf32, #tpu.memory_space<vmem>> -> memref<1x4096xf32, #tpu.memory_space<vmem>>
      %dma_start3A_661 = tpu.memref_squeeze %dma_start3A_660 : memref<1x4096xf32, #tpu.memory_space<vmem>> -> memref<4096xf32, #tpu.memory_space<vmem>>
      %dma_start3A_662 = arith.constant 0 : i32
      %dma_start3A_663 = tpu.memref_slice %dma_start3A_661[%dma_start3A_662] : memref<4096xf32, #tpu.memory_space<vmem>> -> memref<2048xf32, #tpu.memory_space<vmem>>
      %dma_start3A_664 = tpu.memref_slice %arg2[%add3A_657] : memref<614400xf32, #tpu.memory_space<hbm>> -> memref<2048xf32, #tpu.memory_space<hbm>>
      %dma_start3A_665 = arith.constant 0 : i32
      %dma_start3A_666 = tpu.memref_slice %arg9[%dma_start3A_658, %dma_start3A_665] : memref<2x4096xf32, #tpu.memory_space<vmem>> -> memref<1x4096xf32, #tpu.memory_space<vmem>>
      %dma_start3A_667 = tpu.memref_squeeze %dma_start3A_666 : memref<1x4096xf32, #tpu.memory_space<vmem>> -> memref<4096xf32, #tpu.memory_space<vmem>>
      %dma_start3A_668 = arith.constant 0 : i32
      %dma_start3A_669 = tpu.memref_slice %dma_start3A_667[%dma_start3A_668] : memref<4096xf32, #tpu.memory_space<vmem>> -> memref<2048xf32, #tpu.memory_space<vmem>>
      %dma_start3A_670 = tpu.memref_slice %arg2[%add3A_657] : memref<614400xf32, #tpu.memory_space<hbm>> -> memref<2048xf32, #tpu.memory_space<hbm>>
      tpu.enqueue_dma source(%dma_start3A_670 : memref<2048xf32, #tpu.memory_space<hbm>>) target(%dma_start3A_669 : memref<2048xf32, #tpu.memory_space<vmem>>) target_semaphore(%arg10 : memref<!tpu.dma_semaphore, #tpu.memory_space<semaphore_mem>>)
      %scan3A_671 = arith.constant 0 : i32
      %scan3A_672 = arith.constant 0 : i32
      %scan3A_673 = arith.constant 12 : i32
      %scan3A_674 = arith.addi %scan3A_672, %scan3A_673 : i32
      %scan3A_675 = arith.constant 1 : i32
      %scan3A_676 = scf.for %scan3A_732 = %scan3A_672 to %scan3A_674 step %scan3A_675 iter_args(%scan3A_733 = %scan3A_671) -> (i32)  : i32 {
        %mul3A_734 = arith.constant 2 : i32
        %mul3A_735 = arith.muli %mul3A_734, %scan3A_732 : i32
        %add3A_736 = arith.constant 1 : i32
        %add3A_737 = arith.addi %mul3A_735, %add3A_736 : i32
        %mul3A_738 = arith.constant 2048 : i32
        %mul3A_739 = arith.muli %add3A_737, %mul3A_738 : i32
        %mul3A_740 = arith.constant 51200 : i32
        %mul3A_741 = arith.muli %select_n3A, %mul3A_740 : i32
        %add3A_742 = arith.addi %mul3A_741, %mul3A_739 : i32
        %dma_start3A_743 = arith.constant 1 : i32
        %dma_start3A_744 = arith.constant 0 : i32
        %dma_start3A_745 = tpu.memref_slice %arg9[%dma_start3A_743, %dma_start3A_744] : memref<2x4096xf32, #tpu.memory_space<vmem>> -> memref<1x4096xf32, #tpu.memory_space<vmem>>
        %dma_start3A_746 = tpu.memref_squeeze %dma_start3A_745 : memref<1x4096xf32, #tpu.memory_space<vmem>> -> memref<4096xf32, #tpu.memory_space<vmem>>
        %dma_start3A_747 = arith.constant 0 : i32
        %dma_start3A_748 = tpu.memref_slice %dma_start3A_746[%dma_start3A_747] : memref<4096xf32, #tpu.memory_space<vmem>> -> memref<2048xf32, #tpu.memory_space<vmem>>
        %dma_start3A_749 = tpu.memref_slice %arg2[%add3A_742] : memref<614400xf32, #tpu.memory_space<hbm>> -> memref<2048xf32, #tpu.memory_space<hbm>>
        %dma_start3A_750 = arith.constant 0 : i32
        %dma_start3A_751 = tpu.memref_slice %arg9[%dma_start3A_743, %dma_start3A_750] : memref<2x4096xf32, #tpu.memory_space<vmem>> -> memref<1x4096xf32, #tpu.memory_space<vmem>>
        %dma_start3A_752 = tpu.memref_squeeze %dma_start3A_751 : memref<1x4096xf32, #tpu.memory_space<vmem>> -> memref<4096xf32, #tpu.memory_space<vmem>>
        %dma_start3A_753 = arith.constant 0 : i32
        %dma_start3A_754 = tpu.memref_slice %dma_start3A_752[%dma_start3A_753] : memref<4096xf32, #tpu.memory_space<vmem>> -> memref<2048xf32, #tpu.memory_space<vmem>>
        %dma_start3A_755 = tpu.memref_slice %arg2[%add3A_742] : memref<614400xf32, #tpu.memory_space<hbm>> -> memref<2048xf32, #tpu.memory_space<hbm>>
        tpu.enqueue_dma source(%dma_start3A_755 : memref<2048xf32, #tpu.memory_space<hbm>>) target(%dma_start3A_754 : memref<2048xf32, #tpu.memory_space<vmem>>) target_semaphore(%arg11 : memref<!tpu.dma_semaphore, #tpu.memory_space<semaphore_mem>>)
        %dma_wait3A_756 = arith.constant 0 : i32
        %dma_wait3A_757 = arith.constant 0 : i32
        %dma_wait3A_758 = tpu.memref_slice %arg9[%dma_wait3A_756, %dma_wait3A_757] : memref<2x4096xf32, #tpu.memory_space<vmem>> -> memref<1x4096xf32, #tpu.memory_space<vmem>>
        %dma_wait3A_759 = tpu.memref_squeeze %dma_wait3A_758 : memref<1x4096xf32, #tpu.memory_space<vmem>> -> memref<4096xf32, #tpu.memory_space<vmem>>
        %dma_wait3A_760 = arith.constant 0 : i32
        %dma_wait3A_761 = tpu.memref_slice %dma_wait3A_759[%dma_wait3A_760] : memref<4096xf32, #tpu.memory_space<vmem>> -> memref<2048xf32, #tpu.memory_space<vmem>>
        %dma_wait3A_762 = arith.constant 0 : i32
        %dma_wait3A_763 = tpu.memref_slice %arg2[%dma_wait3A_762] : memref<614400xf32, #tpu.memory_space<hbm>> -> memref<2048xf32, #tpu.memory_space<hbm>>
        %dma_wait3A_764 = arith.constant 0 : i32
        %dma_wait3A_765 = tpu.memref_slice %arg9[%dma_wait3A_756, %dma_wait3A_764] : memref<2x4096xf32, #tpu.memory_space<vmem>> -> memref<1x4096xf32, #tpu.memory_space<vmem>>
        %dma_wait3A_766 = tpu.memref_squeeze %dma_wait3A_765 : memref<1x4096xf32, #tpu.memory_space<vmem>> -> memref<4096xf32, #tpu.memory_space<vmem>>
        %dma_wait3A_767 = arith.constant 0 : i32
        %dma_wait3A_768 = tpu.memref_slice %dma_wait3A_766[%dma_wait3A_767] : memref<4096xf32, #tpu.memory_space<vmem>> -> memref<2048xf32, #tpu.memory_space<vmem>>
        %dma_wait3A_769 = arith.constant 0 : i32
        %dma_wait3A_770 = tpu.memref_slice %arg2[%dma_wait3A_769] : memref<614400xf32, #tpu.memory_space<hbm>> -> memref<2048xf32, #tpu.memory_space<hbm>>
        tpu.wait_dma2 semaphore(%arg10 : memref<!tpu.dma_semaphore, #tpu.memory_space<semaphore_mem>>) src(%dma_wait3A_770 : memref<2048xf32, #tpu.memory_space<hbm>>) dst(%dma_wait3A_768 : memref<2048xf32, #tpu.memory_space<vmem>>)
        %mul3A_771 = arith.constant 2 : i32
        %mul3A_772 = arith.muli %mul3A_771, %scan3A_732 : i32
        %mul3A_773 = arith.constant 2048 : i32
        %mul3A_774 = arith.muli %mul3A_772, %mul3A_773 : i32
        %parallel_loop3A_775 = arith.constant 0 : i32
        %parallel_loop3A_776 = arith.constant 128 : i32
        %parallel_loop3A_777 = arith.constant 1 : i32
        scf.for %parallel_loop3A_825 = %parallel_loop3A_775 to %parallel_loop3A_776 step %parallel_loop3A_777  : i32 {
          %parallel_loop3A_826 = arith.constant 16 : i32
          %parallel_loop3A_827 = arith.muli %parallel_loop3A_825, %parallel_loop3A_826 : i32
          %parallel_loop3A_828 = arith.addi %mul3A_774, %parallel_loop3A_827 : i32
          %parallel_loop3A_829 = arith.constant 16 : i32
          %parallel_loop3A_830 = arith.muli %parallel_loop3A_825, %parallel_loop3A_829 : i32
          %parallel_loop3A_831 = arith.index_cast %parallel_loop3A_828 : i32 to index
          %parallel_loop3A_832 = tpu.vector_load %arg7[%parallel_loop3A_831] {strides = array<i32>} : memref<51200xf32, #tpu.memory_space<vmem>>, vector<16xf32>,
          %parallel_loop3A_833 = arith.constant 0 : i32
          %parallel_loop3A_834 = arith.index_cast %parallel_loop3A_833 : i32 to index
          %parallel_loop3A_835 = arith.index_cast %parallel_loop3A_830 : i32 to index
          %parallel_loop3A_836 = tpu.vector_load %arg9[%parallel_loop3A_834, %parallel_loop3A_835] {strides = array<i32>} : memref<2x4096xf32, #tpu.memory_space<vmem>>, vector<16xf32>,
          %parallel_loop3A_837 = arith.mulf %parallel_loop3A_832, %parallel_loop3A_836 : vector<16xf32>
          %parallel_loop3A_838 = arith.index_cast %parallel_loop3A_828 : i32 to index
          %parallel_loop3A_839 = tpu.vector_load %arg7[%parallel_loop3A_838] {strides = array<i32>} : memref<51200xf32, #tpu.memory_space<vmem>>, vector<16xf32>,
          tpu.vector_store %arg7[%parallel_loop3A_838], %parallel_loop3A_837 {strides = array<i32>} : memref<51200xf32, #tpu.memory_space<vmem>>, vector<16xf32>,
        } {sc.loop_unroll_factor = 8 : i64, sc.parallel_access}
        %mul3A_778 = arith.constant 2 : i32
        %mul3A_779 = arith.muli %mul3A_778, %scan3A_732 : i32
        %add3A_780 = arith.constant 2 : i32
        %add3A_781 = arith.addi %mul3A_779, %add3A_780 : i32
        %mul3A_782 = arith.constant 2048 : i32
        %mul3A_783 = arith.muli %add3A_781, %mul3A_782 : i32
        %mul3A_784 = arith.constant 51200 : i32
        %mul3A_785 = arith.muli %select_n3A, %mul3A_784 : i32
        %add3A_786 = arith.addi %mul3A_785, %mul3A_783 : i32
        %dma_start3A_787 = arith.constant 0 : i32
        %dma_start3A_788 = arith.constant 0 : i32
        %dma_start3A_789 = tpu.memref_slice %arg9[%dma_start3A_787, %dma_start3A_788] : memref<2x4096xf32, #tpu.memory_space<vmem>> -> memref<1x4096xf32, #tpu.memory_space<vmem>>
        %dma_start3A_790 = tpu.memref_squeeze %dma_start3A_789 : memref<1x4096xf32, #tpu.memory_space<vmem>> -> memref<4096xf32, #tpu.memory_space<vmem>>
        %dma_start3A_791 = arith.constant 0 : i32
        %dma_start3A_792 = tpu.memref_slice %dma_start3A_790[%dma_start3A_791] : memref<4096xf32, #tpu.memory_space<vmem>> -> memref<2048xf32, #tpu.memory_space<vmem>>
        %dma_start3A_793 = tpu.memref_slice %arg2[%add3A_786] : memref<614400xf32, #tpu.memory_space<hbm>> -> memref<2048xf32, #tpu.memory_space<hbm>>
        %dma_start3A_794 = arith.constant 0 : i32
        %dma_start3A_795 = tpu.memref_slice %arg9[%dma_start3A_787, %dma_start3A_794] : memref<2x4096xf32, #tpu.memory_space<vmem>> -> memref<1x4096xf32, #tpu.memory_space<vmem>>
        %dma_start3A_796 = tpu.memref_squeeze %dma_start3A_795 : memref<1x4096xf32, #tpu.memory_space<vmem>> -> memref<4096xf32, #tpu.memory_space<vmem>>
        %dma_start3A_797 = arith.constant 0 : i32
        %dma_start3A_798 = tpu.memref_slice %dma_start3A_796[%dma_start3A_797] : memref<4096xf32, #tpu.memory_space<vmem>> -> memref<2048xf32, #tpu.memory_space<vmem>>
        %dma_start3A_799 = tpu.memref_slice %arg2[%add3A_786] : memref<614400xf32, #tpu.memory_space<hbm>> -> memref<2048xf32, #tpu.memory_space<hbm>>
        tpu.enqueue_dma source(%dma_start3A_799 : memref<2048xf32, #tpu.memory_space<hbm>>) target(%dma_start3A_798 : memref<2048xf32, #tpu.memory_space<vmem>>) target_semaphore(%arg10 : memref<!tpu.dma_semaphore, #tpu.memory_space<semaphore_mem>>)
        %dma_wait3A_800 = arith.constant 1 : i32
        %dma_wait3A_801 = arith.constant 0 : i32
        %dma_wait3A_802 = tpu.memref_slice %arg9[%dma_wait3A_800, %dma_wait3A_801] : memref<2x4096xf32, #tpu.memory_space<vmem>> -> memref<1x4096xf32, #tpu.memory_space<vmem>>
        %dma_wait3A_803 = tpu.memref_squeeze %dma_wait3A_802 : memref<1x4096xf32, #tpu.memory_space<vmem>> -> memref<4096xf32, #tpu.memory_space<vmem>>
        %dma_wait3A_804 = arith.constant 0 : i32
        %dma_wait3A_805 = tpu.memref_slice %dma_wait3A_803[%dma_wait3A_804] : memref<4096xf32, #tpu.memory_space<vmem>> -> memref<2048xf32, #tpu.memory_space<vmem>>
        %dma_wait3A_806 = arith.constant 0 : i32
        %dma_wait3A_807 = tpu.memref_slice %arg2[%dma_wait3A_806] : memref<614400xf32, #tpu.memory_space<hbm>> -> memref<2048xf32, #tpu.memory_space<hbm>>
        %dma_wait3A_808 = arith.constant 0 : i32
        %dma_wait3A_809 = tpu.memref_slice %arg9[%dma_wait3A_800, %dma_wait3A_808] : memref<2x4096xf32, #tpu.memory_space<vmem>> -> memref<1x4096xf32, #tpu.memory_space<vmem>>
        %dma_wait3A_810 = tpu.memref_squeeze %dma_wait3A_809 : memref<1x4096xf32, #tpu.memory_space<vmem>> -> memref<4096xf32, #tpu.memory_space<vmem>>
        %dma_wait3A_811 = arith.constant 0 : i32
        %dma_wait3A_812 = tpu.memref_slice %dma_wait3A_810[%dma_wait3A_811] : memref<4096xf32, #tpu.memory_space<vmem>> -> memref<2048xf32, #tpu.memory_space<vmem>>
        %dma_wait3A_813 = arith.constant 0 : i32
        %dma_wait3A_814 = tpu.memref_slice %arg2[%dma_wait3A_813] : memref<614400xf32, #tpu.memory_space<hbm>> -> memref<2048xf32, #tpu.memory_space<hbm>>
        tpu.wait_dma2 semaphore(%arg11 : memref<!tpu.dma_semaphore, #tpu.memory_space<semaphore_mem>>) src(%dma_wait3A_814 : memref<2048xf32, #tpu.memory_space<hbm>>) dst(%dma_wait3A_812 : memref<2048xf32, #tpu.memory_space<vmem>>)
        %mul3A_815 = arith.constant 2 : i32
        %mul3A_816 = arith.muli %mul3A_815, %scan3A_732 : i32
        %add3A_817 = arith.constant 1 : i32
        %add3A_818 = arith.addi %mul3A_816, %add3A_817 : i32
        %mul3A_819 = arith.constant 2048 : i32
        %mul3A_820 = arith.muli %add3A_818, %mul3A_819 : i32
        %parallel_loop3A_821 = arith.constant 0 : i32
        %parallel_loop3A_822 = arith.constant 128 : i32
        %parallel_loop3A_823 = arith.constant 1 : i32
        scf.for %parallel_loop3A_825 = %parallel_loop3A_821 to %parallel_loop3A_822 step %parallel_loop3A_823  : i32 {
          %parallel_loop3A_826 = arith.constant 16 : i32
          %parallel_loop3A_827 = arith.muli %parallel_loop3A_825, %parallel_loop3A_826 : i32
          %parallel_loop3A_828 = arith.addi %mul3A_820, %parallel_loop3A_827 : i32
          %parallel_loop3A_829 = arith.constant 16 : i32
          %parallel_loop3A_830 = arith.muli %parallel_loop3A_825, %parallel_loop3A_829 : i32
          %parallel_loop3A_831 = arith.index_cast %parallel_loop3A_828 : i32 to index
          %parallel_loop3A_832 = tpu.vector_load %arg7[%parallel_loop3A_831] {strides = array<i32>} : memref<51200xf32, #tpu.memory_space<vmem>>, vector<16xf32>,
          %parallel_loop3A_833 = arith.constant 1 : i32
          %parallel_loop3A_834 = arith.index_cast %parallel_loop3A_833 : i32 to index
          %parallel_loop3A_835 = arith.index_cast %parallel_loop3A_830 : i32 to index
          %parallel_loop3A_836 = tpu.vector_load %arg9[%parallel_loop3A_834, %parallel_loop3A_835] {strides = array<i32>} : memref<2x4096xf32, #tpu.memory_space<vmem>>, vector<16xf32>,
          %parallel_loop3A_837 = arith.mulf %parallel_loop3A_832, %parallel_loop3A_836 : vector<16xf32>
          %parallel_loop3A_838 = arith.index_cast %parallel_loop3A_828 : i32 to index
          %parallel_loop3A_839 = tpu.vector_load %arg7[%parallel_loop3A_838] {strides = array<i32>} : memref<51200xf32, #tpu.memory_space<vmem>>, vector<16xf32>,
          tpu.vector_store %arg7[%parallel_loop3A_838], %parallel_loop3A_837 {strides = array<i32>} : memref<51200xf32, #tpu.memory_space<vmem>>, vector<16xf32>,
        } {sc.loop_unroll_factor = 8 : i64, sc.parallel_access}
        %scan3A_824 = arith.constant 0 : i32
        scf.yield %scan3A_824 : i32
      }
      %scan3A_677 = arith.constant 12 : i32
      %dma_wait3A_678 = arith.constant 0 : i32
      %dma_wait3A_679 = arith.constant 0 : i32
      %dma_wait3A_680 = tpu.memref_slice %arg9[%dma_wait3A_678, %dma_wait3A_679] : memref<2x4096xf32, #tpu.memory_space<vmem>> -> memref<1x4096xf32, #tpu.memory_space<vmem>>
      %dma_wait3A_681 = tpu.memref_squeeze %dma_wait3A_680 : memref<1x4096xf32, #tpu.memory_space<vmem>> -> memref<4096xf32, #tpu.memory_space<vmem>>
      %dma_wait3A_682 = arith.constant 0 : i32
      %dma_wait3A_683 = tpu.memref_slice %dma_wait3A_681[%dma_wait3A_682] : memref<4096xf32, #tpu.memory_space<vmem>> -> memref<2048xf32, #tpu.memory_space<vmem>>
      %dma_wait3A_684 = arith.constant 0 : i32
      %dma_wait3A_685 = tpu.memref_slice %arg2[%dma_wait3A_684] : memref<614400xf32, #tpu.memory_space<hbm>> -> memref<2048xf32, #tpu.memory_space<hbm>>
      %dma_wait3A_686 = arith.constant 0 : i32
      %dma_wait3A_687 = tpu.memref_slice %arg9[%dma_wait3A_678, %dma_wait3A_686] : memref<2x4096xf32, #tpu.memory_space<vmem>> -> memref<1x4096xf32, #tpu.memory_space<vmem>>
      %dma_wait3A_688 = tpu.memref_squeeze %dma_wait3A_687 : memref<1x4096xf32, #tpu.memory_space<vmem>> -> memref<4096xf32, #tpu.memory_space<vmem>>
      %dma_wait3A_689 = arith.constant 0 : i32
      %dma_wait3A_690 = tpu.memref_slice %dma_wait3A_688[%dma_wait3A_689] : memref<4096xf32, #tpu.memory_space<vmem>> -> memref<2048xf32, #tpu.memory_space<vmem>>
      %dma_wait3A_691 = arith.constant 0 : i32
      %dma_wait3A_692 = tpu.memref_slice %arg2[%dma_wait3A_691] : memref<614400xf32, #tpu.memory_space<hbm>> -> memref<2048xf32, #tpu.memory_space<hbm>>
      tpu.wait_dma2 semaphore(%arg10 : memref<!tpu.dma_semaphore, #tpu.memory_space<semaphore_mem>>) src(%dma_wait3A_692 : memref<2048xf32, #tpu.memory_space<hbm>>) dst(%dma_wait3A_690 : memref<2048xf32, #tpu.memory_space<vmem>>)
      %parallel_loop3A_693 = arith.constant 0 : i32
      %parallel_loop3A_694 = arith.constant 128 : i32
      %parallel_loop3A_695 = arith.constant 1 : i32
      scf.for %parallel_loop3A_732 = %parallel_loop3A_693 to %parallel_loop3A_694 step %parallel_loop3A_695  : i32 {
        %parallel_loop3A_733 = arith.constant 16 : i32
        %parallel_loop3A_734 = arith.muli %parallel_loop3A_732, %parallel_loop3A_733 : i32
        %parallel_loop3A_735 = arith.constant 49152 : i32
        %parallel_loop3A_736 = arith.addi %parallel_loop3A_735, %parallel_loop3A_734 : i32
        %parallel_loop3A_737 = arith.constant 16 : i32
        %parallel_loop3A_738 = arith.muli %parallel_loop3A_732, %parallel_loop3A_737 : i32
        %parallel_loop3A_739 = arith.index_cast %parallel_loop3A_736 : i32 to index
        %parallel_loop3A_740 = tpu.vector_load %arg7[%parallel_loop3A_739] {strides = array<i32>} : memref<51200xf32, #tpu.memory_space<vmem>>, vector<16xf32>,
        %parallel_loop3A_741 = arith.constant 0 : i32
        %parallel_loop3A_742 = arith.index_cast %parallel_loop3A_741 : i32 to index
        %parallel_loop3A_743 = arith.index_cast %parallel_loop3A_738 : i32 to index
        %parallel_loop3A_744 = tpu.vector_load %arg9[%parallel_loop3A_742, %parallel_loop3A_743] {strides = array<i32>} : memref<2x4096xf32, #tpu.memory_space<vmem>>, vector<16xf32>,
        %parallel_loop3A_745 = arith.mulf %parallel_loop3A_740, %parallel_loop3A_744 : vector<16xf32>
        %parallel_loop3A_746 = arith.index_cast %parallel_loop3A_736 : i32 to index
        %parallel_loop3A_747 = tpu.vector_load %arg7[%parallel_loop3A_746] {strides = array<i32>} : memref<51200xf32, #tpu.memory_space<vmem>>, vector<16xf32>,
        tpu.vector_store %arg7[%parallel_loop3A_746], %parallel_loop3A_745 {strides = array<i32>} : memref<51200xf32, #tpu.memory_space<vmem>>, vector<16xf32>,
      } {sc.loop_unroll_factor = 8 : i64, sc.parallel_access}
      %scan3A_696 = arith.constant 0 : i32
      %scan3A_697 = arith.constant 0 : i32
      %scan3A_698 = arith.constant 3200 : i32
      %scan3A_699 = arith.addi %scan3A_697, %scan3A_698 : i32
      %scan3A_700 = arith.constant 1 : i32
      %scan3A_701 = scf.for %scan3A_732 = %scan3A_697 to %scan3A_699 step %scan3A_700 iter_args(%scan3A_733 = %scan3A_696) -> (i32)  : i32 {
        %broadcast_in_dim3A = arith.constant 0.000000e+00 : f32
        %broadcast_in_dim3A_734 = vector.broadcast %broadcast_in_dim3A : f32 to vector<16xf32>
        %mul3A_735 = arith.constant 16 : i32
        %mul3A_736 = arith.muli %scan3A_732, %mul3A_735 : i32
        %swap3A = arith.index_cast %mul3A_736 : i32 to index
        %swap3A_737 = tpu.vector_load %arg6[%swap3A] {strides = array<i32>} : memref<51200xf32, #tpu.memory_space<vmem>>, vector<16xf32>,
        tpu.vector_store %arg6[%swap3A], %broadcast_in_dim3A_734 {strides = array<i32>} : memref<51200xf32, #tpu.memory_space<vmem>>, vector<16xf32>,
        %scan3A_738 = arith.constant 0 : i32
        scf.yield %scan3A_738 : i32
      }
      %scan3A_702 = arith.constant 3200 : i32
      %mul3A_703 = arith.constant 409600 : i32
      %mul3A_704 = arith.muli %select_n3A_653, %mul3A_703 : i32
      %dma_start3A_705 = arith.constant 0 : i32
      %dma_start3A_706 = arith.constant 0 : i32
      %dma_start3A_707 = tpu.memref_slice %arg8[%dma_start3A_705, %dma_start3A_706] : memref<2x4096xi32, #tpu.memory_space<vmem>> -> memref<1x4096xi32, #tpu.memory_space<vmem>>
      %dma_start3A_708 = tpu.memref_squeeze %dma_start3A_707 : memref<1x4096xi32, #tpu.memory_space<vmem>> -> memref<4096xi32, #tpu.memory_space<vmem>>
      %dma_start3A_709 = tpu.memref_slice %arg3[%mul3A_704] : memref<819200xi32, #tpu.memory_space<hbm>> -> memref<4096xi32, #tpu.memory_space<hbm>>
      %dma_start3A_710 = arith.constant 0 : i32
      %dma_start3A_711 = tpu.memref_slice %arg8[%dma_start3A_705, %dma_start3A_710] : memref<2x4096xi32, #tpu.memory_space<vmem>> -> memref<1x4096xi32, #tpu.memory_space<vmem>>
      %dma_start3A_712 = tpu.memref_squeeze %dma_start3A_711 : memref<1x4096xi32, #tpu.memory_space<vmem>> -> memref<4096xi32, #tpu.memory_space<vmem>>
      %dma_start3A_713 = tpu.memref_slice %arg3[%mul3A_704] : memref<819200xi32, #tpu.memory_space<hbm>> -> memref<4096xi32, #tpu.memory_space<hbm>>
      tpu.enqueue_dma source(%dma_start3A_713 : memref<4096xi32, #tpu.memory_space<hbm>>) target(%dma_start3A_712 : memref<4096xi32, #tpu.memory_space<vmem>>) target_semaphore(%arg10 : memref<!tpu.dma_semaphore, #tpu.memory_space<semaphore_mem>>)
      %dma_start3A_714 = arith.constant 0 : i32
      %dma_start3A_715 = arith.constant 0 : i32
      %dma_start3A_716 = tpu.memref_slice %arg9[%dma_start3A_714, %dma_start3A_715] : memref<2x4096xf32, #tpu.memory_space<vmem>> -> memref<1x4096xf32, #tpu.memory_space<vmem>>
      %dma_start3A_717 = tpu.memref_squeeze %dma_start3A_716 : memref<1x4096xf32, #tpu.memory_space<vmem>> -> memref<4096xf32, #tpu.memory_space<vmem>>
      %dma_start3A_718 = tpu.memref_slice %arg4[%mul3A_704] : memref<819200xf32, #tpu.memory_space<hbm>> -> memref<4096xf32, #tpu.memory_space<hbm>>
      %dma_start3A_719 = arith.constant 0 : i32
      %dma_start3A_720 = tpu.memref_slice %arg9[%dma_start3A_714, %dma_start3A_719] : memref<2x4096xf32, #tpu.memory_space<vmem>> -> memref<1x4096xf32, #tpu.memory_space<vmem>>
      %dma_start3A_721 = tpu.memref_squeeze %dma_start3A_720 : memref<1x4096xf32, #tpu.memory_space<vmem>> -> memref<4096xf32, #tpu.memory_space<vmem>>
      %dma_start3A_722 = tpu.memref_slice %arg4[%mul3A_704] : memref<819200xf32, #tpu.memory_space<hbm>> -> memref<4096xf32, #tpu.memory_space<hbm>>
      tpu.enqueue_dma source(%dma_start3A_722 : memref<4096xf32, #tpu.memory_space<hbm>>) target(%dma_start3A_721 : memref<4096xf32, #tpu.memory_space<vmem>>) target_semaphore(%arg10 : memref<!tpu.dma_semaphore, #tpu.memory_space<semaphore_mem>>)
      %scan3A_723 = arith.constant 0 : i32
      %scan3A_724 = arith.constant 0 : i32
      %scan3A_725 = arith.constant 50 : i32
      %scan3A_726 = arith.addi %scan3A_724, %scan3A_725 : i32
      %scan3A_727 = arith.constant 1 : i32
      %scan3A_728 = scf.for %scan3A_732 = %scan3A_724 to %scan3A_726 step %scan3A_727 iter_args(%scan3A_733 = %scan3A_723) -> (i32)  : i32 {
        %mul3A_734 = arith.constant 2 : i32
        %mul3A_735 = arith.muli %mul3A_734, %scan3A_732 : i32
        %mul3A_736 = arith.constant 4096 : i32
        %mul3A_737 = arith.muli %mul3A_735, %mul3A_736 : i32
        %add3A_738 = arith.addi %mul3A_704, %mul3A_737 : i32
        %add3A_739 = arith.constant 4096 : i32
        %add3A_740 = arith.addi %add3A_738, %add3A_739 : i32
        %dma_start3A_741 = arith.constant 1 : i32
        %dma_start3A_742 = arith.constant 0 : i32
        %dma_start3A_743 = tpu.memref_slice %arg8[%dma_start3A_741, %dma_start3A_742] : memref<2x4096xi32, #tpu.memory_space<vmem>> -> memref<1x4096xi32, #tpu.memory_space<vmem>>
        %dma_start3A_744 = tpu.memref_squeeze %dma_start3A_743 : memref<1x4096xi32, #tpu.memory_space<vmem>> -> memref<4096xi32, #tpu.memory_space<vmem>>
        %dma_start3A_745 = tpu.memref_slice %arg3[%add3A_740] : memref<819200xi32, #tpu.memory_space<hbm>> -> memref<4096xi32, #tpu.memory_space<hbm>>
        %dma_start3A_746 = arith.constant 0 : i32
        %dma_start3A_747 = tpu.memref_slice %arg8[%dma_start3A_741, %dma_start3A_746] : memref<2x4096xi32, #tpu.memory_space<vmem>> -> memref<1x4096xi32, #tpu.memory_space<vmem>>
        %dma_start3A_748 = tpu.memref_squeeze %dma_start3A_747 : memref<1x4096xi32, #tpu.memory_space<vmem>> -> memref<4096xi32, #tpu.memory_space<vmem>>
        %dma_start3A_749 = tpu.memref_slice %arg3[%add3A_740] : memref<819200xi32, #tpu.memory_space<hbm>> -> memref<4096xi32, #tpu.memory_space<hbm>>
        tpu.enqueue_dma source(%dma_start3A_749 : memref<4096xi32, #tpu.memory_space<hbm>>) target(%dma_start3A_748 : memref<4096xi32, #tpu.memory_space<vmem>>) target_semaphore(%arg11 : memref<!tpu.dma_semaphore, #tpu.memory_space<semaphore_mem>>)
        %dma_start3A_750 = arith.constant 1 : i32
        %dma_start3A_751 = arith.constant 0 : i32
        %dma_start3A_752 = tpu.memref_slice %arg9[%dma_start3A_750, %dma_start3A_751] : memref<2x4096xf32, #tpu.memory_space<vmem>> -> memref<1x4096xf32, #tpu.memory_space<vmem>>
        %dma_start3A_753 = tpu.memref_squeeze %dma_start3A_752 : memref<1x4096xf32, #tpu.memory_space<vmem>> -> memref<4096xf32, #tpu.memory_space<vmem>>
        %dma_start3A_754 = tpu.memref_slice %arg4[%add3A_740] : memref<819200xf32, #tpu.memory_space<hbm>> -> memref<4096xf32, #tpu.memory_space<hbm>>
        %dma_start3A_755 = arith.constant 0 : i32
        %dma_start3A_756 = tpu.memref_slice %arg9[%dma_start3A_750, %dma_start3A_755] : memref<2x4096xf32, #tpu.memory_space<vmem>> -> memref<1x4096xf32, #tpu.memory_space<vmem>>
        %dma_start3A_757 = tpu.memref_squeeze %dma_start3A_756 : memref<1x4096xf32, #tpu.memory_space<vmem>> -> memref<4096xf32, #tpu.memory_space<vmem>>
        %dma_start3A_758 = tpu.memref_slice %arg4[%add3A_740] : memref<819200xf32, #tpu.memory_space<hbm>> -> memref<4096xf32, #tpu.memory_space<hbm>>
        tpu.enqueue_dma source(%dma_start3A_758 : memref<4096xf32, #tpu.memory_space<hbm>>) target(%dma_start3A_757 : memref<4096xf32, #tpu.memory_space<vmem>>) target_semaphore(%arg11 : memref<!tpu.dma_semaphore, #tpu.memory_space<semaphore_mem>>)
        %dma_wait3A_759 = arith.constant 0 : i32
        %dma_wait3A_760 = arith.constant 0 : i32
        %dma_wait3A_761 = tpu.memref_slice %arg8[%dma_wait3A_759, %dma_wait3A_760] : memref<2x4096xi32, #tpu.memory_space<vmem>> -> memref<1x4096xi32, #tpu.memory_space<vmem>>
        %dma_wait3A_762 = tpu.memref_squeeze %dma_wait3A_761 : memref<1x4096xi32, #tpu.memory_space<vmem>> -> memref<4096xi32, #tpu.memory_space<vmem>>
        %dma_wait3A_763 = arith.constant 0 : i32
        %dma_wait3A_764 = tpu.memref_slice %arg3[%dma_wait3A_763] : memref<819200xi32, #tpu.memory_space<hbm>> -> memref<4096xi32, #tpu.memory_space<hbm>>
        %dma_wait3A_765 = arith.constant 0 : i32
        %dma_wait3A_766 = tpu.memref_slice %arg8[%dma_wait3A_759, %dma_wait3A_765] : memref<2x4096xi32, #tpu.memory_space<vmem>> -> memref<1x4096xi32, #tpu.memory_space<vmem>>
        %dma_wait3A_767 = tpu.memref_squeeze %dma_wait3A_766 : memref<1x4096xi32, #tpu.memory_space<vmem>> -> memref<4096xi32, #tpu.memory_space<vmem>>
        %dma_wait3A_768 = arith.constant 0 : i32
        %dma_wait3A_769 = tpu.memref_slice %arg3[%dma_wait3A_768] : memref<819200xi32, #tpu.memory_space<hbm>> -> memref<4096xi32, #tpu.memory_space<hbm>>
        tpu.wait_dma2 semaphore(%arg10 : memref<!tpu.dma_semaphore, #tpu.memory_space<semaphore_mem>>) src(%dma_wait3A_769 : memref<4096xi32, #tpu.memory_space<hbm>>) dst(%dma_wait3A_767 : memref<4096xi32, #tpu.memory_space<vmem>>)
        %dma_wait3A_770 = arith.constant 0 : i32
        %dma_wait3A_771 = arith.constant 0 : i32
        %dma_wait3A_772 = tpu.memref_slice %arg9[%dma_wait3A_770, %dma_wait3A_771] : memref<2x4096xf32, #tpu.memory_space<vmem>> -> memref<1x4096xf32, #tpu.memory_space<vmem>>
        %dma_wait3A_773 = tpu.memref_squeeze %dma_wait3A_772 : memref<1x4096xf32, #tpu.memory_space<vmem>> -> memref<4096xf32, #tpu.memory_space<vmem>>
        %dma_wait3A_774 = arith.constant 0 : i32
        %dma_wait3A_775 = tpu.memref_slice %arg4[%dma_wait3A_774] : memref<819200xf32, #tpu.memory_space<hbm>> -> memref<4096xf32, #tpu.memory_space<hbm>>
        %dma_wait3A_776 = arith.constant 0 : i32
        %dma_wait3A_777 = tpu.memref_slice %arg9[%dma_wait3A_770, %dma_wait3A_776] : memref<2x4096xf32, #tpu.memory_space<vmem>> -> memref<1x4096xf32, #tpu.memory_space<vmem>>
        %dma_wait3A_778 = tpu.memref_squeeze %dma_wait3A_777 : memref<1x4096xf32, #tpu.memory_space<vmem>> -> memref<4096xf32, #tpu.memory_space<vmem>>
        %dma_wait3A_779 = arith.constant 0 : i32
        %dma_wait3A_780 = tpu.memref_slice %arg4[%dma_wait3A_779] : memref<819200xf32, #tpu.memory_space<hbm>> -> memref<4096xf32, #tpu.memory_space<hbm>>
        tpu.wait_dma2 semaphore(%arg10 : memref<!tpu.dma_semaphore, #tpu.memory_space<semaphore_mem>>) src(%dma_wait3A_780 : memref<4096xf32, #tpu.memory_space<hbm>>) dst(%dma_wait3A_778 : memref<4096xf32, #tpu.memory_space<vmem>>)
        %parallel_loop3A_781 = arith.constant 0 : i32
        %parallel_loop3A_782 = arith.constant 256 : i32
        %parallel_loop3A_783 = arith.constant 1 : i32
        scf.for %parallel_loop3A_815 = %parallel_loop3A_781 to %parallel_loop3A_782 step %parallel_loop3A_783  : i32 {
          %parallel_loop3A_816 = arith.constant 16 : i32
          %parallel_loop3A_817 = arith.muli %parallel_loop3A_815, %parallel_loop3A_816 : i32
          %parallel_loop3A_818 = arith.constant 0 : i32
          %parallel_loop3A_819 = arith.index_cast %parallel_loop3A_818 : i32 to index
          %parallel_loop3A_820 = arith.index_cast %parallel_loop3A_817 : i32 to index
          %parallel_loop3A_821 = tpu.vector_load %arg8[%parallel_loop3A_819, %parallel_loop3A_820] {strides = array<i32>} : memref<2x4096xi32, #tpu.memory_space<vmem>>, vector<16xi32>,
          %parallel_loop3A_822 = arith.constant 65535 : i32
          %parallel_loop3A_823 = vector.broadcast %parallel_loop3A_822 : i32 to vector<16xi32>
          %parallel_loop3A_824 = arith.andi %parallel_loop3A_821, %parallel_loop3A_823 : vector<16xi32>
          %parallel_loop3A_825 = arith.constant 16 : i32
          %parallel_loop3A_826 = vector.broadcast %parallel_loop3A_825 : i32 to vector<16xi32>
          %parallel_loop3A_827 = arith.shrui %parallel_loop3A_821, %parallel_loop3A_826 : vector<16xi32>
          %parallel_loop3A_828 = tpu.vector_load_idx %arg7[%parallel_loop3A_824] : memref<51200xf32, #tpu.memory_space<vmem>>[vector<16xi32>], vector<16xf32>,
          %parallel_loop3A_829 = arith.constant 0 : i32
          %parallel_loop3A_830 = arith.index_cast %parallel_loop3A_829 : i32 to index
          %parallel_loop3A_831 = arith.index_cast %parallel_loop3A_817 : i32 to index
          %parallel_loop3A_832 = tpu.vector_load %arg9[%parallel_loop3A_830, %parallel_loop3A_831] {strides = array<i32>} : memref<2x4096xf32, #tpu.memory_space<vmem>>, vector<16xf32>,
          %parallel_loop3A_833 = arith.mulf %parallel_loop3A_828, %parallel_loop3A_832 : vector<16xf32>
          tpu.vector_store_idx %arg6[%parallel_loop3A_827], %parallel_loop3A_833 {add = true} : memref<51200xf32, #tpu.memory_space<vmem>>[vector<16xi32>], vector<16xf32>,
        } {sc.loop_unroll_factor = 16 : i64, sc.parallel_access}
        %lt3A_784 = arith.constant 49 : i32
        %lt3A_785 = arith.cmpi slt, %scan3A_732, %lt3A_784 : i32
        %convert_element_type3A_786 = arith.extui %lt3A_785 : i1 to i32
        %cond3A_787 = arith.constant 0 : i32
        %cond3A_788 = arith.cmpi ne, %convert_element_type3A_786, %cond3A_787 : i32
        scf.if %cond3A_788 {
          %add3A_815 = arith.constant 8192 : i32
          %add3A_816 = arith.addi %add3A_738, %add3A_815 : i32
          %dma_start3A_817 = arith.constant 0 : i32
          %dma_start3A_818 = arith.constant 0 : i32
          %dma_start3A_819 = tpu.memref_slice %arg8[%dma_start3A_817, %dma_start3A_818] : memref<2x4096xi32, #tpu.memory_space<vmem>> -> memref<1x4096xi32, #tpu.memory_space<vmem>>
          %dma_start3A_820 = tpu.memref_squeeze %dma_start3A_819 : memref<1x4096xi32, #tpu.memory_space<vmem>> -> memref<4096xi32, #tpu.memory_space<vmem>>
          %dma_start3A_821 = tpu.memref_slice %arg3[%add3A_816] : memref<819200xi32, #tpu.memory_space<hbm>> -> memref<4096xi32, #tpu.memory_space<hbm>>
          %dma_start3A_822 = arith.constant 0 : i32
          %dma_start3A_823 = tpu.memref_slice %arg8[%dma_start3A_817, %dma_start3A_822] : memref<2x4096xi32, #tpu.memory_space<vmem>> -> memref<1x4096xi32, #tpu.memory_space<vmem>>
          %dma_start3A_824 = tpu.memref_squeeze %dma_start3A_823 : memref<1x4096xi32, #tpu.memory_space<vmem>> -> memref<4096xi32, #tpu.memory_space<vmem>>
          %dma_start3A_825 = tpu.memref_slice %arg3[%add3A_816] : memref<819200xi32, #tpu.memory_space<hbm>> -> memref<4096xi32, #tpu.memory_space<hbm>>
          tpu.enqueue_dma source(%dma_start3A_825 : memref<4096xi32, #tpu.memory_space<hbm>>) target(%dma_start3A_824 : memref<4096xi32, #tpu.memory_space<vmem>>) target_semaphore(%arg10 : memref<!tpu.dma_semaphore, #tpu.memory_space<semaphore_mem>>)
          %dma_start3A_826 = arith.constant 0 : i32
          %dma_start3A_827 = arith.constant 0 : i32
          %dma_start3A_828 = tpu.memref_slice %arg9[%dma_start3A_826, %dma_start3A_827] : memref<2x4096xf32, #tpu.memory_space<vmem>> -> memref<1x4096xf32, #tpu.memory_space<vmem>>
          %dma_start3A_829 = tpu.memref_squeeze %dma_start3A_828 : memref<1x4096xf32, #tpu.memory_space<vmem>> -> memref<4096xf32, #tpu.memory_space<vmem>>
          %dma_start3A_830 = tpu.memref_slice %arg4[%add3A_816] : memref<819200xf32, #tpu.memory_space<hbm>> -> memref<4096xf32, #tpu.memory_space<hbm>>
          %dma_start3A_831 = arith.constant 0 : i32
          %dma_start3A_832 = tpu.memref_slice %arg9[%dma_start3A_826, %dma_start3A_831] : memref<2x4096xf32, #tpu.memory_space<vmem>> -> memref<1x4096xf32, #tpu.memory_space<vmem>>
          %dma_start3A_833 = tpu.memref_squeeze %dma_start3A_832 : memref<1x4096xf32, #tpu.memory_space<vmem>> -> memref<4096xf32, #tpu.memory_space<vmem>>
          %dma_start3A_834 = tpu.memref_slice %arg4[%add3A_816] : memref<819200xf32, #tpu.memory_space<hbm>> -> memref<4096xf32, #tpu.memory_space<hbm>>
          tpu.enqueue_dma source(%dma_start3A_834 : memref<4096xf32, #tpu.memory_space<hbm>>) target(%dma_start3A_833 : memref<4096xf32, #tpu.memory_space<vmem>>) target_semaphore(%arg10 : memref<!tpu.dma_semaphore, #tpu.memory_space<semaphore_mem>>)
        } else {
        }
        %dma_wait3A_789 = arith.constant 1 : i32
        %dma_wait3A_790 = arith.constant 0 : i32
        %dma_wait3A_791 = tpu.memref_slice %arg8[%dma_wait3A_789, %dma_wait3A_790] : memref<2x4096xi32, #tpu.memory_space<vmem>> -> memref<1x4096xi32, #tpu.memory_space<vmem>>
        %dma_wait3A_792 = tpu.memref_squeeze %dma_wait3A_791 : memref<1x4096xi32, #tpu.memory_space<vmem>> -> memref<4096xi32, #tpu.memory_space<vmem>>
        %dma_wait3A_793 = arith.constant 0 : i32
        %dma_wait3A_794 = tpu.memref_slice %arg3[%dma_wait3A_793] : memref<819200xi32, #tpu.memory_space<hbm>> -> memref<4096xi32, #tpu.memory_space<hbm>>
        %dma_wait3A_795 = arith.constant 0 : i32
        %dma_wait3A_796 = tpu.memref_slice %arg8[%dma_wait3A_789, %dma_wait3A_795] : memref<2x4096xi32, #tpu.memory_space<vmem>> -> memref<1x4096xi32, #tpu.memory_space<vmem>>
        %dma_wait3A_797 = tpu.memref_squeeze %dma_wait3A_796 : memref<1x4096xi32, #tpu.memory_space<vmem>> -> memref<4096xi32, #tpu.memory_space<vmem>>
        %dma_wait3A_798 = arith.constant 0 : i32
        %dma_wait3A_799 = tpu.memref_slice %arg3[%dma_wait3A_798] : memref<819200xi32, #tpu.memory_space<hbm>> -> memref<4096xi32, #tpu.memory_space<hbm>>
        tpu.wait_dma2 semaphore(%arg11 : memref<!tpu.dma_semaphore, #tpu.memory_space<semaphore_mem>>) src(%dma_wait3A_799 : memref<4096xi32, #tpu.memory_space<hbm>>) dst(%dma_wait3A_797 : memref<4096xi32, #tpu.memory_space<vmem>>)
        %dma_wait3A_800 = arith.constant 1 : i32
        %dma_wait3A_801 = arith.constant 0 : i32
        %dma_wait3A_802 = tpu.memref_slice %arg9[%dma_wait3A_800, %dma_wait3A_801] : memref<2x4096xf32, #tpu.memory_space<vmem>> -> memref<1x4096xf32, #tpu.memory_space<vmem>>
        %dma_wait3A_803 = tpu.memref_squeeze %dma_wait3A_802 : memref<1x4096xf32, #tpu.memory_space<vmem>> -> memref<4096xf32, #tpu.memory_space<vmem>>
        %dma_wait3A_804 = arith.constant 0 : i32
        %dma_wait3A_805 = tpu.memref_slice %arg4[%dma_wait3A_804] : memref<819200xf32, #tpu.memory_space<hbm>> -> memref<4096xf32, #tpu.memory_space<hbm>>
        %dma_wait3A_806 = arith.constant 0 : i32
        %dma_wait3A_807 = tpu.memref_slice %arg9[%dma_wait3A_800, %dma_wait3A_806] : memref<2x4096xf32, #tpu.memory_space<vmem>> -> memref<1x4096xf32, #tpu.memory_space<vmem>>
        %dma_wait3A_808 = tpu.memref_squeeze %dma_wait3A_807 : memref<1x4096xf32, #tpu.memory_space<vmem>> -> memref<4096xf32, #tpu.memory_space<vmem>>
        %dma_wait3A_809 = arith.constant 0 : i32
        %dma_wait3A_810 = tpu.memref_slice %arg4[%dma_wait3A_809] : memref<819200xf32, #tpu.memory_space<hbm>> -> memref<4096xf32, #tpu.memory_space<hbm>>
        tpu.wait_dma2 semaphore(%arg11 : memref<!tpu.dma_semaphore, #tpu.memory_space<semaphore_mem>>) src(%dma_wait3A_810 : memref<4096xf32, #tpu.memory_space<hbm>>) dst(%dma_wait3A_808 : memref<4096xf32, #tpu.memory_space<vmem>>)
        %parallel_loop3A_811 = arith.constant 0 : i32
        %parallel_loop3A_812 = arith.constant 256 : i32
        %parallel_loop3A_813 = arith.constant 1 : i32
        scf.for %parallel_loop3A_815 = %parallel_loop3A_811 to %parallel_loop3A_812 step %parallel_loop3A_813  : i32 {
          %parallel_loop3A_816 = arith.constant 16 : i32
          %parallel_loop3A_817 = arith.muli %parallel_loop3A_815, %parallel_loop3A_816 : i32
          %parallel_loop3A_818 = arith.constant 1 : i32
          %parallel_loop3A_819 = arith.index_cast %parallel_loop3A_818 : i32 to index
          %parallel_loop3A_820 = arith.index_cast %parallel_loop3A_817 : i32 to index
          %parallel_loop3A_821 = tpu.vector_load %arg8[%parallel_loop3A_819, %parallel_loop3A_820] {strides = array<i32>} : memref<2x4096xi32, #tpu.memory_space<vmem>>, vector<16xi32>,
          %parallel_loop3A_822 = arith.constant 65535 : i32
          %parallel_loop3A_823 = vector.broadcast %parallel_loop3A_822 : i32 to vector<16xi32>
          %parallel_loop3A_824 = arith.andi %parallel_loop3A_821, %parallel_loop3A_823 : vector<16xi32>
          %parallel_loop3A_825 = arith.constant 16 : i32
          %parallel_loop3A_826 = vector.broadcast %parallel_loop3A_825 : i32 to vector<16xi32>
          %parallel_loop3A_827 = arith.shrui %parallel_loop3A_821, %parallel_loop3A_826 : vector<16xi32>
          %parallel_loop3A_828 = tpu.vector_load_idx %arg7[%parallel_loop3A_824] : memref<51200xf32, #tpu.memory_space<vmem>>[vector<16xi32>], vector<16xf32>,
          %parallel_loop3A_829 = arith.constant 1 : i32
          %parallel_loop3A_830 = arith.index_cast %parallel_loop3A_829 : i32 to index
          %parallel_loop3A_831 = arith.index_cast %parallel_loop3A_817 : i32 to index
          %parallel_loop3A_832 = tpu.vector_load %arg9[%parallel_loop3A_830, %parallel_loop3A_831] {strides = array<i32>} : memref<2x4096xf32, #tpu.memory_space<vmem>>, vector<16xf32>,
          %parallel_loop3A_833 = arith.mulf %parallel_loop3A_828, %parallel_loop3A_832 : vector<16xf32>
          tpu.vector_store_idx %arg6[%parallel_loop3A_827], %parallel_loop3A_833 {add = true} : memref<51200xf32, #tpu.memory_space<vmem>>[vector<16xi32>], vector<16xf32>,
        } {sc.loop_unroll_factor = 16 : i64, sc.parallel_access}
        %scan3A_814 = arith.constant 0 : i32
        scf.yield %scan3A_814 : i32
      }
      %scan3A_729 = arith.constant 50 : i32
      %mul3A_730 = arith.constant 51200 : i32
      %mul3A_731 = arith.muli %add3A, %mul3A_730 : i32
      "tpu.region"() ({
        %run_scoped3A = tpu.sem_alloc : memref<!tpu.dma_semaphore, #tpu.memory_space<semaphore_mem>>
        %dma_start3A_732 = tpu.memref_slice %arg5[%mul3A_731] : memref<2099200xf32, #tpu.memory_space<hbm>> -> memref<51200xf32, #tpu.memory_space<hbm>>
        %dma_start3A_733 = tpu.memref_slice %arg5[%mul3A_731] : memref<2099200xf32, #tpu.memory_space<hbm>> -> memref<51200xf32, #tpu.memory_space<hbm>>
        tpu.enqueue_dma source(%arg6 : memref<51200xf32, #tpu.memory_space<vmem>>) target(%dma_start3A_733 : memref<51200xf32, #tpu.memory_space<hbm>>) target_semaphore(%run_scoped3A : memref<!tpu.dma_semaphore, #tpu.memory_space<semaphore_mem>>)
        %dma_wait3A_734 = tpu.memref_slice %arg5[%mul3A_731] : memref<2099200xf32, #tpu.memory_space<hbm>> -> memref<51200xf32, #tpu.memory_space<hbm>>
        %dma_wait3A_735 = tpu.memref_slice %arg5[%mul3A_731] : memref<2099200xf32, #tpu.memory_space<hbm>> -> memref<51200xf32, #tpu.memory_space<hbm>>
        tpu.wait_dma2 semaphore(%run_scoped3A : memref<!tpu.dma_semaphore, #tpu.memory_space<semaphore_mem>>) src(%arg6 : memref<51200xf32, #tpu.memory_space<vmem>>) dst(%dma_wait3A_735 : memref<51200xf32, #tpu.memory_space<hbm>>)
        tpu.yield
      }) : () -> ()
    } else {
    }
    return
  }
}

module attributes {stable_mosaic.version = 14 : i64} {
  func.func @_final_body(%arg0: i32, %arg1: memref<32x2048xf32, #tpu.memory_space<vmem>>, %arg2: memref<12x2048xf32, #tpu.memory_space<vmem>>, %arg3: memref<32x8xf32, #tpu.memory_space<vmem>>, %arg4: memref<16x8xf32, #tpu.memory_space<vmem>>, %arg5: memref<1x2048xf32, #tpu.memory_space<vmem>>) attributes {dimension_semantics = [#tpu.dimension_semantics<arbitrary>], iteration_bounds = array<i64: 25>, scalar_prefetch = 0 : i64, scratch_operands = 0 : i64, tpu.core_type = #tpu.core_type<tc>, window_params = [{transform_indices = @transform_0, window_bounds = array<i64: 32, 2048>}, {transform_indices = @transform_1, window_bounds = array<i64: 12, 2048>}, {pipeline_mode = #tpu.pipeline_mode<synchronous>, transform_indices = @transform_2, window_bounds = array<i64: 32, 8>}, {pipeline_mode = #tpu.pipeline_mode<synchronous>, transform_indices = @transform_3, window_bounds = array<i64: 16, 8>}, {transform_indices = @transform_4, window_bounds = array<i64: 1, 2048>}]} {
    %get3A = arith.constant 24 : index
    %get3A_0 = arith.constant 0 : index
    %get3A_1 = vector.load %arg1[%get3A, %get3A_0] : memref<32x2048xf32, #tpu.memory_space<vmem>>, vector<1x2048xf32>
    %get3A_2 = arith.constant 0 : index
    %get3A_3 = arith.constant 0 : index
    %get3A_4 = vector.load %arg3[%get3A_2, %get3A_3] : memref<32x8xf32, #tpu.memory_space<vmem>>, vector<32x1xf32>
    %get3A_5 = arith.constant 0 : index
    %get3A_6 = arith.constant 1 : index
    %get3A_7 = vector.load %arg3[%get3A_5, %get3A_6] : memref<32x8xf32, #tpu.memory_space<vmem>>, vector<32x1xf32>
    %get3A_8 = arith.constant 0 : index
    %get3A_9 = arith.constant 2 : index
    %get3A_10 = vector.load %arg3[%get3A_8, %get3A_9] : memref<32x8xf32, #tpu.memory_space<vmem>>, vector<32x1xf32>
    %get3A_11 = arith.constant 0 : index
    %get3A_12 = arith.constant 3 : index
    %get3A_13 = vector.load %arg3[%get3A_11, %get3A_12] : memref<32x8xf32, #tpu.memory_space<vmem>>, vector<32x1xf32>
    %get3A_14 = arith.constant 0 : index
    %get3A_15 = arith.constant 4 : index
    %get3A_16 = vector.load %arg3[%get3A_14, %get3A_15] : memref<32x8xf32, #tpu.memory_space<vmem>>, vector<32x1xf32>
    %broadcast_in_dim3A = arith.constant 0.000000e+00 : f32
    %broadcast_in_dim3A_17 = vector.broadcast %broadcast_in_dim3A : f32 to vector<32x2048xf32>
    %get3A_18 = arith.constant 0 : index
    %get3A_19 = arith.constant 0 : index
    %get3A_20 = vector.load %arg1[%get3A_18, %get3A_19] : memref<32x2048xf32, #tpu.memory_space<vmem>>, vector<1x2048xf32>
    %get3A_21 = arith.constant 1 : index
    %get3A_22 = arith.constant 0 : index
    %get3A_23 = vector.load %arg1[%get3A_21, %get3A_22] : memref<32x2048xf32, #tpu.memory_space<vmem>>, vector<1x2048xf32>
    %add3A = arith.addf %get3A_20, %get3A_23 : vector<1x2048xf32>
    %get3A_24 = arith.constant 0 : index
    %get3A_25 = arith.constant 0 : index
    %get3A_26 = vector.load %arg2[%get3A_24, %get3A_25] : memref<12x2048xf32, #tpu.memory_space<vmem>>, vector<1x2048xf32>
    %mul3A = arith.mulf %get3A_1, %get3A_26 : vector<1x2048xf32>
    %add3A_27 = arith.addf %add3A, %mul3A : vector<1x2048xf32>
    %mul3A_28 = arith.mulf %add3A_27, %get3A_1 : vector<1x2048xf32>
    %mul3A_29 = vector.broadcast %get3A_4 : vector<32x1xf32> to vector<32x2048xf32>
    %mul3A_30 = vector.broadcast %mul3A_28 : vector<1x2048xf32> to vector<32x2048xf32>
    %mul3A_31 = arith.mulf %mul3A_29, %mul3A_30 : vector<32x2048xf32>
    %add3A_32 = vector.broadcast %get3A_7 : vector<32x1xf32> to vector<32x2048xf32>
    %add3A_33 = arith.addf %mul3A_31, %add3A_32 : vector<32x2048xf32>
    %mul3A_34 = vector.broadcast %get3A_10 : vector<32x1xf32> to vector<32x2048xf32>
    %mul3A_35 = vector.broadcast %mul3A_28 : vector<1x2048xf32> to vector<32x2048xf32>
    %mul3A_36 = arith.mulf %mul3A_34, %mul3A_35 : vector<32x2048xf32>
    %add3A_37 = vector.broadcast %get3A_13 : vector<32x1xf32> to vector<32x2048xf32>
    %add3A_38 = arith.addf %mul3A_36, %add3A_37 : vector<32x2048xf32>
    %get3A_39 = arith.constant 0 : index
    %get3A_40 = arith.constant 0 : index
    %get3A_41 = vector.load %arg4[%get3A_39, %get3A_40] : memref<16x8xf32, #tpu.memory_space<vmem>>, vector<1x1xf32>
    %neg3A = arith.constant 0.000000e+00 : f32
    %neg3A_42 = vector.broadcast %neg3A : f32 to vector<32x2048xf32>
    %neg3A_43 = arith.subf %neg3A_42, %add3A_33 : vector<32x2048xf32>
    %logistic3A = arith.negf %neg3A_43 : vector<32x2048xf32>
    %logistic3A_44 = math.exp %logistic3A : vector<32x2048xf32>
    %logistic3A_45 = arith.constant 1.000000e+00 : f32
    %logistic3A_46 = vector.broadcast %logistic3A_45 : f32 to vector<32x2048xf32>
    %logistic3A_47 = arith.addf %logistic3A_46, %logistic3A_44 : vector<32x2048xf32>
    %logistic3A_48 = arith.divf %logistic3A_46, %logistic3A_47 : vector<32x2048xf32>
    %tanh3A = math.tanh %add3A_38 : vector<32x2048xf32>
    %mul3A_49 = arith.mulf %logistic3A_48, %tanh3A : vector<32x2048xf32>
    %mul3A_50 = vector.broadcast %get3A_41 : vector<1x1xf32> to vector<32x2048xf32>
    %mul3A_51 = arith.mulf %mul3A_50, %mul3A_49 : vector<32x2048xf32>
    %add3A_52 = arith.addf %broadcast_in_dim3A_17, %mul3A_51 : vector<32x2048xf32>
    %get3A_53 = arith.constant 2 : index
    %get3A_54 = arith.constant 0 : index
    %get3A_55 = vector.load %arg1[%get3A_53, %get3A_54] : memref<32x2048xf32, #tpu.memory_space<vmem>>, vector<1x2048xf32>
    %get3A_56 = arith.constant 3 : index
    %get3A_57 = arith.constant 0 : index
    %get3A_58 = vector.load %arg1[%get3A_56, %get3A_57] : memref<32x2048xf32, #tpu.memory_space<vmem>>, vector<1x2048xf32>
    %add3A_59 = arith.addf %get3A_55, %get3A_58 : vector<1x2048xf32>
    %get3A_60 = arith.constant 1 : index
    %get3A_61 = arith.constant 0 : index
    %get3A_62 = vector.load %arg2[%get3A_60, %get3A_61] : memref<12x2048xf32, #tpu.memory_space<vmem>>, vector<1x2048xf32>
    %mul3A_63 = arith.mulf %get3A_1, %get3A_62 : vector<1x2048xf32>
    %add3A_64 = arith.addf %add3A_59, %mul3A_63 : vector<1x2048xf32>
    %mul3A_65 = arith.mulf %add3A_64, %get3A_1 : vector<1x2048xf32>
    %mul3A_66 = vector.broadcast %get3A_4 : vector<32x1xf32> to vector<32x2048xf32>
    %mul3A_67 = vector.broadcast %mul3A_65 : vector<1x2048xf32> to vector<32x2048xf32>
    %mul3A_68 = arith.mulf %mul3A_66, %mul3A_67 : vector<32x2048xf32>
    %add3A_69 = vector.broadcast %get3A_7 : vector<32x1xf32> to vector<32x2048xf32>
    %add3A_70 = arith.addf %mul3A_68, %add3A_69 : vector<32x2048xf32>
    %mul3A_71 = vector.broadcast %get3A_10 : vector<32x1xf32> to vector<32x2048xf32>
    %mul3A_72 = vector.broadcast %mul3A_65 : vector<1x2048xf32> to vector<32x2048xf32>
    %mul3A_73 = arith.mulf %mul3A_71, %mul3A_72 : vector<32x2048xf32>
    %add3A_74 = vector.broadcast %get3A_13 : vector<32x1xf32> to vector<32x2048xf32>
    %add3A_75 = arith.addf %mul3A_73, %add3A_74 : vector<32x2048xf32>
    %get3A_76 = arith.constant 1 : index
    %get3A_77 = arith.constant 0 : index
    %get3A_78 = vector.load %arg4[%get3A_76, %get3A_77] : memref<16x8xf32, #tpu.memory_space<vmem>>, vector<1x1xf32>
    %neg3A_79 = arith.constant 0.000000e+00 : f32
    %neg3A_80 = vector.broadcast %neg3A_79 : f32 to vector<32x2048xf32>
    %neg3A_81 = arith.subf %neg3A_80, %add3A_70 : vector<32x2048xf32>
    %logistic3A_82 = arith.negf %neg3A_81 : vector<32x2048xf32>
    %logistic3A_83 = math.exp %logistic3A_82 : vector<32x2048xf32>
    %logistic3A_84 = arith.constant 1.000000e+00 : f32
    %logistic3A_85 = vector.broadcast %logistic3A_84 : f32 to vector<32x2048xf32>
    %logistic3A_86 = arith.addf %logistic3A_85, %logistic3A_83 : vector<32x2048xf32>
    %logistic3A_87 = arith.divf %logistic3A_85, %logistic3A_86 : vector<32x2048xf32>
    %tanh3A_88 = math.tanh %add3A_75 : vector<32x2048xf32>
    %mul3A_89 = arith.mulf %logistic3A_87, %tanh3A_88 : vector<32x2048xf32>
    %mul3A_90 = vector.broadcast %get3A_78 : vector<1x1xf32> to vector<32x2048xf32>
    %mul3A_91 = arith.mulf %mul3A_90, %mul3A_89 : vector<32x2048xf32>
    %add3A_92 = arith.addf %add3A_52, %mul3A_91 : vector<32x2048xf32>
    %get3A_93 = arith.constant 4 : index
    %get3A_94 = arith.constant 0 : index
    %get3A_95 = vector.load %arg1[%get3A_93, %get3A_94] : memref<32x2048xf32, #tpu.memory_space<vmem>>, vector<1x2048xf32>
    %get3A_96 = arith.constant 5 : index
    %get3A_97 = arith.constant 0 : index
    %get3A_98 = vector.load %arg1[%get3A_96, %get3A_97] : memref<32x2048xf32, #tpu.memory_space<vmem>>, vector<1x2048xf32>
    %add3A_99 = arith.addf %get3A_95, %get3A_98 : vector<1x2048xf32>
    %get3A_100 = arith.constant 2 : index
    %get3A_101 = arith.constant 0 : index
    %get3A_102 = vector.load %arg2[%get3A_100, %get3A_101] : memref<12x2048xf32, #tpu.memory_space<vmem>>, vector<1x2048xf32>
    %mul3A_103 = arith.mulf %get3A_1, %get3A_102 : vector<1x2048xf32>
    %add3A_104 = arith.addf %add3A_99, %mul3A_103 : vector<1x2048xf32>
    %mul3A_105 = arith.mulf %add3A_104, %get3A_1 : vector<1x2048xf32>
    %mul3A_106 = vector.broadcast %get3A_4 : vector<32x1xf32> to vector<32x2048xf32>
    %mul3A_107 = vector.broadcast %mul3A_105 : vector<1x2048xf32> to vector<32x2048xf32>
    %mul3A_108 = arith.mulf %mul3A_106, %mul3A_107 : vector<32x2048xf32>
    %add3A_109 = vector.broadcast %get3A_7 : vector<32x1xf32> to vector<32x2048xf32>
    %add3A_110 = arith.addf %mul3A_108, %add3A_109 : vector<32x2048xf32>
    %mul3A_111 = vector.broadcast %get3A_10 : vector<32x1xf32> to vector<32x2048xf32>
    %mul3A_112 = vector.broadcast %mul3A_105 : vector<1x2048xf32> to vector<32x2048xf32>
    %mul3A_113 = arith.mulf %mul3A_111, %mul3A_112 : vector<32x2048xf32>
    %add3A_114 = vector.broadcast %get3A_13 : vector<32x1xf32> to vector<32x2048xf32>
    %add3A_115 = arith.addf %mul3A_113, %add3A_114 : vector<32x2048xf32>
    %get3A_116 = arith.constant 2 : index
    %get3A_117 = arith.constant 0 : index
    %get3A_118 = vector.load %arg4[%get3A_116, %get3A_117] : memref<16x8xf32, #tpu.memory_space<vmem>>, vector<1x1xf32>
    %neg3A_119 = arith.constant 0.000000e+00 : f32
    %neg3A_120 = vector.broadcast %neg3A_119 : f32 to vector<32x2048xf32>
    %neg3A_121 = arith.subf %neg3A_120, %add3A_110 : vector<32x2048xf32>
    %logistic3A_122 = arith.negf %neg3A_121 : vector<32x2048xf32>
    %logistic3A_123 = math.exp %logistic3A_122 : vector<32x2048xf32>
    %logistic3A_124 = arith.constant 1.000000e+00 : f32
    %logistic3A_125 = vector.broadcast %logistic3A_124 : f32 to vector<32x2048xf32>
    %logistic3A_126 = arith.addf %logistic3A_125, %logistic3A_123 : vector<32x2048xf32>
    %logistic3A_127 = arith.divf %logistic3A_125, %logistic3A_126 : vector<32x2048xf32>
    %tanh3A_128 = math.tanh %add3A_115 : vector<32x2048xf32>
    %mul3A_129 = arith.mulf %logistic3A_127, %tanh3A_128 : vector<32x2048xf32>
    %mul3A_130 = vector.broadcast %get3A_118 : vector<1x1xf32> to vector<32x2048xf32>
    %mul3A_131 = arith.mulf %mul3A_130, %mul3A_129 : vector<32x2048xf32>
    %add3A_132 = arith.addf %add3A_92, %mul3A_131 : vector<32x2048xf32>
    %get3A_133 = arith.constant 6 : index
    %get3A_134 = arith.constant 0 : index
    %get3A_135 = vector.load %arg1[%get3A_133, %get3A_134] : memref<32x2048xf32, #tpu.memory_space<vmem>>, vector<1x2048xf32>
    %get3A_136 = arith.constant 7 : index
    %get3A_137 = arith.constant 0 : index
    %get3A_138 = vector.load %arg1[%get3A_136, %get3A_137] : memref<32x2048xf32, #tpu.memory_space<vmem>>, vector<1x2048xf32>
    %add3A_139 = arith.addf %get3A_135, %get3A_138 : vector<1x2048xf32>
    %get3A_140 = arith.constant 3 : index
    %get3A_141 = arith.constant 0 : index
    %get3A_142 = vector.load %arg2[%get3A_140, %get3A_141] : memref<12x2048xf32, #tpu.memory_space<vmem>>, vector<1x2048xf32>
    %mul3A_143 = arith.mulf %get3A_1, %get3A_142 : vector<1x2048xf32>
    %add3A_144 = arith.addf %add3A_139, %mul3A_143 : vector<1x2048xf32>
    %mul3A_145 = arith.mulf %add3A_144, %get3A_1 : vector<1x2048xf32>
    %mul3A_146 = vector.broadcast %get3A_4 : vector<32x1xf32> to vector<32x2048xf32>
    %mul3A_147 = vector.broadcast %mul3A_145 : vector<1x2048xf32> to vector<32x2048xf32>
    %mul3A_148 = arith.mulf %mul3A_146, %mul3A_147 : vector<32x2048xf32>
    %add3A_149 = vector.broadcast %get3A_7 : vector<32x1xf32> to vector<32x2048xf32>
    %add3A_150 = arith.addf %mul3A_148, %add3A_149 : vector<32x2048xf32>
    %mul3A_151 = vector.broadcast %get3A_10 : vector<32x1xf32> to vector<32x2048xf32>
    %mul3A_152 = vector.broadcast %mul3A_145 : vector<1x2048xf32> to vector<32x2048xf32>
    %mul3A_153 = arith.mulf %mul3A_151, %mul3A_152 : vector<32x2048xf32>
    %add3A_154 = vector.broadcast %get3A_13 : vector<32x1xf32> to vector<32x2048xf32>
    %add3A_155 = arith.addf %mul3A_153, %add3A_154 : vector<32x2048xf32>
    %get3A_156 = arith.constant 3 : index
    %get3A_157 = arith.constant 0 : index
    %get3A_158 = vector.load %arg4[%get3A_156, %get3A_157] : memref<16x8xf32, #tpu.memory_space<vmem>>, vector<1x1xf32>
    %neg3A_159 = arith.constant 0.000000e+00 : f32
    %neg3A_160 = vector.broadcast %neg3A_159 : f32 to vector<32x2048xf32>
    %neg3A_161 = arith.subf %neg3A_160, %add3A_150 : vector<32x2048xf32>
    %logistic3A_162 = arith.negf %neg3A_161 : vector<32x2048xf32>
    %logistic3A_163 = math.exp %logistic3A_162 : vector<32x2048xf32>
    %logistic3A_164 = arith.constant 1.000000e+00 : f32
    %logistic3A_165 = vector.broadcast %logistic3A_164 : f32 to vector<32x2048xf32>
    %logistic3A_166 = arith.addf %logistic3A_165, %logistic3A_163 : vector<32x2048xf32>
    %logistic3A_167 = arith.divf %logistic3A_165, %logistic3A_166 : vector<32x2048xf32>
    %tanh3A_168 = math.tanh %add3A_155 : vector<32x2048xf32>
    %mul3A_169 = arith.mulf %logistic3A_167, %tanh3A_168 : vector<32x2048xf32>
    %mul3A_170 = vector.broadcast %get3A_158 : vector<1x1xf32> to vector<32x2048xf32>
    %mul3A_171 = arith.mulf %mul3A_170, %mul3A_169 : vector<32x2048xf32>
    %add3A_172 = arith.addf %add3A_132, %mul3A_171 : vector<32x2048xf32>
    %get3A_173 = arith.constant 8 : index
    %get3A_174 = arith.constant 0 : index
    %get3A_175 = vector.load %arg1[%get3A_173, %get3A_174] : memref<32x2048xf32, #tpu.memory_space<vmem>>, vector<1x2048xf32>
    %get3A_176 = arith.constant 9 : index
    %get3A_177 = arith.constant 0 : index
    %get3A_178 = vector.load %arg1[%get3A_176, %get3A_177] : memref<32x2048xf32, #tpu.memory_space<vmem>>, vector<1x2048xf32>
    %add3A_179 = arith.addf %get3A_175, %get3A_178 : vector<1x2048xf32>
    %get3A_180 = arith.constant 4 : index
    %get3A_181 = arith.constant 0 : index
    %get3A_182 = vector.load %arg2[%get3A_180, %get3A_181] : memref<12x2048xf32, #tpu.memory_space<vmem>>, vector<1x2048xf32>
    %mul3A_183 = arith.mulf %get3A_1, %get3A_182 : vector<1x2048xf32>
    %add3A_184 = arith.addf %add3A_179, %mul3A_183 : vector<1x2048xf32>
    %mul3A_185 = arith.mulf %add3A_184, %get3A_1 : vector<1x2048xf32>
    %mul3A_186 = vector.broadcast %get3A_4 : vector<32x1xf32> to vector<32x2048xf32>
    %mul3A_187 = vector.broadcast %mul3A_185 : vector<1x2048xf32> to vector<32x2048xf32>
    %mul3A_188 = arith.mulf %mul3A_186, %mul3A_187 : vector<32x2048xf32>
    %add3A_189 = vector.broadcast %get3A_7 : vector<32x1xf32> to vector<32x2048xf32>
    %add3A_190 = arith.addf %mul3A_188, %add3A_189 : vector<32x2048xf32>
    %mul3A_191 = vector.broadcast %get3A_10 : vector<32x1xf32> to vector<32x2048xf32>
    %mul3A_192 = vector.broadcast %mul3A_185 : vector<1x2048xf32> to vector<32x2048xf32>
    %mul3A_193 = arith.mulf %mul3A_191, %mul3A_192 : vector<32x2048xf32>
    %add3A_194 = vector.broadcast %get3A_13 : vector<32x1xf32> to vector<32x2048xf32>
    %add3A_195 = arith.addf %mul3A_193, %add3A_194 : vector<32x2048xf32>
    %get3A_196 = arith.constant 4 : index
    %get3A_197 = arith.constant 0 : index
    %get3A_198 = vector.load %arg4[%get3A_196, %get3A_197] : memref<16x8xf32, #tpu.memory_space<vmem>>, vector<1x1xf32>
    %neg3A_199 = arith.constant 0.000000e+00 : f32
    %neg3A_200 = vector.broadcast %neg3A_199 : f32 to vector<32x2048xf32>
    %neg3A_201 = arith.subf %neg3A_200, %add3A_190 : vector<32x2048xf32>
    %logistic3A_202 = arith.negf %neg3A_201 : vector<32x2048xf32>
    %logistic3A_203 = math.exp %logistic3A_202 : vector<32x2048xf32>
    %logistic3A_204 = arith.constant 1.000000e+00 : f32
    %logistic3A_205 = vector.broadcast %logistic3A_204 : f32 to vector<32x2048xf32>
    %logistic3A_206 = arith.addf %logistic3A_205, %logistic3A_203 : vector<32x2048xf32>
    %logistic3A_207 = arith.divf %logistic3A_205, %logistic3A_206 : vector<32x2048xf32>
    %tanh3A_208 = math.tanh %add3A_195 : vector<32x2048xf32>
    %mul3A_209 = arith.mulf %logistic3A_207, %tanh3A_208 : vector<32x2048xf32>
    %mul3A_210 = vector.broadcast %get3A_198 : vector<1x1xf32> to vector<32x2048xf32>
    %mul3A_211 = arith.mulf %mul3A_210, %mul3A_209 : vector<32x2048xf32>
    %add3A_212 = arith.addf %add3A_172, %mul3A_211 : vector<32x2048xf32>
    %get3A_213 = arith.constant 10 : index
    %get3A_214 = arith.constant 0 : index
    %get3A_215 = vector.load %arg1[%get3A_213, %get3A_214] : memref<32x2048xf32, #tpu.memory_space<vmem>>, vector<1x2048xf32>
    %get3A_216 = arith.constant 11 : index
    %get3A_217 = arith.constant 0 : index
    %get3A_218 = vector.load %arg1[%get3A_216, %get3A_217] : memref<32x2048xf32, #tpu.memory_space<vmem>>, vector<1x2048xf32>
    %add3A_219 = arith.addf %get3A_215, %get3A_218 : vector<1x2048xf32>
    %get3A_220 = arith.constant 5 : index
    %get3A_221 = arith.constant 0 : index
    %get3A_222 = vector.load %arg2[%get3A_220, %get3A_221] : memref<12x2048xf32, #tpu.memory_space<vmem>>, vector<1x2048xf32>
    %mul3A_223 = arith.mulf %get3A_1, %get3A_222 : vector<1x2048xf32>
    %add3A_224 = arith.addf %add3A_219, %mul3A_223 : vector<1x2048xf32>
    %mul3A_225 = arith.mulf %add3A_224, %get3A_1 : vector<1x2048xf32>
    %mul3A_226 = vector.broadcast %get3A_4 : vector<32x1xf32> to vector<32x2048xf32>
    %mul3A_227 = vector.broadcast %mul3A_225 : vector<1x2048xf32> to vector<32x2048xf32>
    %mul3A_228 = arith.mulf %mul3A_226, %mul3A_227 : vector<32x2048xf32>
    %add3A_229 = vector.broadcast %get3A_7 : vector<32x1xf32> to vector<32x2048xf32>
    %add3A_230 = arith.addf %mul3A_228, %add3A_229 : vector<32x2048xf32>
    %mul3A_231 = vector.broadcast %get3A_10 : vector<32x1xf32> to vector<32x2048xf32>
    %mul3A_232 = vector.broadcast %mul3A_225 : vector<1x2048xf32> to vector<32x2048xf32>
    %mul3A_233 = arith.mulf %mul3A_231, %mul3A_232 : vector<32x2048xf32>
    %add3A_234 = vector.broadcast %get3A_13 : vector<32x1xf32> to vector<32x2048xf32>
    %add3A_235 = arith.addf %mul3A_233, %add3A_234 : vector<32x2048xf32>
    %get3A_236 = arith.constant 5 : index
    %get3A_237 = arith.constant 0 : index
    %get3A_238 = vector.load %arg4[%get3A_236, %get3A_237] : memref<16x8xf32, #tpu.memory_space<vmem>>, vector<1x1xf32>
    %neg3A_239 = arith.constant 0.000000e+00 : f32
    %neg3A_240 = vector.broadcast %neg3A_239 : f32 to vector<32x2048xf32>
    %neg3A_241 = arith.subf %neg3A_240, %add3A_230 : vector<32x2048xf32>
    %logistic3A_242 = arith.negf %neg3A_241 : vector<32x2048xf32>
    %logistic3A_243 = math.exp %logistic3A_242 : vector<32x2048xf32>
    %logistic3A_244 = arith.constant 1.000000e+00 : f32
    %logistic3A_245 = vector.broadcast %logistic3A_244 : f32 to vector<32x2048xf32>
    %logistic3A_246 = arith.addf %logistic3A_245, %logistic3A_243 : vector<32x2048xf32>
    %logistic3A_247 = arith.divf %logistic3A_245, %logistic3A_246 : vector<32x2048xf32>
    %tanh3A_248 = math.tanh %add3A_235 : vector<32x2048xf32>
    %mul3A_249 = arith.mulf %logistic3A_247, %tanh3A_248 : vector<32x2048xf32>
    %mul3A_250 = vector.broadcast %get3A_238 : vector<1x1xf32> to vector<32x2048xf32>
    %mul3A_251 = arith.mulf %mul3A_250, %mul3A_249 : vector<32x2048xf32>
    %add3A_252 = arith.addf %add3A_212, %mul3A_251 : vector<32x2048xf32>
    %get3A_253 = arith.constant 12 : index
    %get3A_254 = arith.constant 0 : index
    %get3A_255 = vector.load %arg1[%get3A_253, %get3A_254] : memref<32x2048xf32, #tpu.memory_space<vmem>>, vector<1x2048xf32>
    %get3A_256 = arith.constant 13 : index
    %get3A_257 = arith.constant 0 : index
    %get3A_258 = vector.load %arg1[%get3A_256, %get3A_257] : memref<32x2048xf32, #tpu.memory_space<vmem>>, vector<1x2048xf32>
    %add3A_259 = arith.addf %get3A_255, %get3A_258 : vector<1x2048xf32>
    %get3A_260 = arith.constant 6 : index
    %get3A_261 = arith.constant 0 : index
    %get3A_262 = vector.load %arg2[%get3A_260, %get3A_261] : memref<12x2048xf32, #tpu.memory_space<vmem>>, vector<1x2048xf32>
    %mul3A_263 = arith.mulf %get3A_1, %get3A_262 : vector<1x2048xf32>
    %add3A_264 = arith.addf %add3A_259, %mul3A_263 : vector<1x2048xf32>
    %mul3A_265 = arith.mulf %add3A_264, %get3A_1 : vector<1x2048xf32>
    %mul3A_266 = vector.broadcast %get3A_4 : vector<32x1xf32> to vector<32x2048xf32>
    %mul3A_267 = vector.broadcast %mul3A_265 : vector<1x2048xf32> to vector<32x2048xf32>
    %mul3A_268 = arith.mulf %mul3A_266, %mul3A_267 : vector<32x2048xf32>
    %add3A_269 = vector.broadcast %get3A_7 : vector<32x1xf32> to vector<32x2048xf32>
    %add3A_270 = arith.addf %mul3A_268, %add3A_269 : vector<32x2048xf32>
    %mul3A_271 = vector.broadcast %get3A_10 : vector<32x1xf32> to vector<32x2048xf32>
    %mul3A_272 = vector.broadcast %mul3A_265 : vector<1x2048xf32> to vector<32x2048xf32>
    %mul3A_273 = arith.mulf %mul3A_271, %mul3A_272 : vector<32x2048xf32>
    %add3A_274 = vector.broadcast %get3A_13 : vector<32x1xf32> to vector<32x2048xf32>
    %add3A_275 = arith.addf %mul3A_273, %add3A_274 : vector<32x2048xf32>
    %get3A_276 = arith.constant 6 : index
    %get3A_277 = arith.constant 0 : index
    %get3A_278 = vector.load %arg4[%get3A_276, %get3A_277] : memref<16x8xf32, #tpu.memory_space<vmem>>, vector<1x1xf32>
    %neg3A_279 = arith.constant 0.000000e+00 : f32
    %neg3A_280 = vector.broadcast %neg3A_279 : f32 to vector<32x2048xf32>
    %neg3A_281 = arith.subf %neg3A_280, %add3A_270 : vector<32x2048xf32>
    %logistic3A_282 = arith.negf %neg3A_281 : vector<32x2048xf32>
    %logistic3A_283 = math.exp %logistic3A_282 : vector<32x2048xf32>
    %logistic3A_284 = arith.constant 1.000000e+00 : f32
    %logistic3A_285 = vector.broadcast %logistic3A_284 : f32 to vector<32x2048xf32>
    %logistic3A_286 = arith.addf %logistic3A_285, %logistic3A_283 : vector<32x2048xf32>
    %logistic3A_287 = arith.divf %logistic3A_285, %logistic3A_286 : vector<32x2048xf32>
    %tanh3A_288 = math.tanh %add3A_275 : vector<32x2048xf32>
    %mul3A_289 = arith.mulf %logistic3A_287, %tanh3A_288 : vector<32x2048xf32>
    %mul3A_290 = vector.broadcast %get3A_278 : vector<1x1xf32> to vector<32x2048xf32>
    %mul3A_291 = arith.mulf %mul3A_290, %mul3A_289 : vector<32x2048xf32>
    %add3A_292 = arith.addf %add3A_252, %mul3A_291 : vector<32x2048xf32>
    %get3A_293 = arith.constant 14 : index
    %get3A_294 = arith.constant 0 : index
    %get3A_295 = vector.load %arg1[%get3A_293, %get3A_294] : memref<32x2048xf32, #tpu.memory_space<vmem>>, vector<1x2048xf32>
    %get3A_296 = arith.constant 15 : index
    %get3A_297 = arith.constant 0 : index
    %get3A_298 = vector.load %arg1[%get3A_296, %get3A_297] : memref<32x2048xf32, #tpu.memory_space<vmem>>, vector<1x2048xf32>
    %add3A_299 = arith.addf %get3A_295, %get3A_298 : vector<1x2048xf32>
    %get3A_300 = arith.constant 7 : index
    %get3A_301 = arith.constant 0 : index
    %get3A_302 = vector.load %arg2[%get3A_300, %get3A_301] : memref<12x2048xf32, #tpu.memory_space<vmem>>, vector<1x2048xf32>
    %mul3A_303 = arith.mulf %get3A_1, %get3A_302 : vector<1x2048xf32>
    %add3A_304 = arith.addf %add3A_299, %mul3A_303 : vector<1x2048xf32>
    %mul3A_305 = arith.mulf %add3A_304, %get3A_1 : vector<1x2048xf32>
    %mul3A_306 = vector.broadcast %get3A_4 : vector<32x1xf32> to vector<32x2048xf32>
    %mul3A_307 = vector.broadcast %mul3A_305 : vector<1x2048xf32> to vector<32x2048xf32>
    %mul3A_308 = arith.mulf %mul3A_306, %mul3A_307 : vector<32x2048xf32>
    %add3A_309 = vector.broadcast %get3A_7 : vector<32x1xf32> to vector<32x2048xf32>
    %add3A_310 = arith.addf %mul3A_308, %add3A_309 : vector<32x2048xf32>
    %mul3A_311 = vector.broadcast %get3A_10 : vector<32x1xf32> to vector<32x2048xf32>
    %mul3A_312 = vector.broadcast %mul3A_305 : vector<1x2048xf32> to vector<32x2048xf32>
    %mul3A_313 = arith.mulf %mul3A_311, %mul3A_312 : vector<32x2048xf32>
    %add3A_314 = vector.broadcast %get3A_13 : vector<32x1xf32> to vector<32x2048xf32>
    %add3A_315 = arith.addf %mul3A_313, %add3A_314 : vector<32x2048xf32>
    %get3A_316 = arith.constant 7 : index
    %get3A_317 = arith.constant 0 : index
    %get3A_318 = vector.load %arg4[%get3A_316, %get3A_317] : memref<16x8xf32, #tpu.memory_space<vmem>>, vector<1x1xf32>
    %neg3A_319 = arith.constant 0.000000e+00 : f32
    %neg3A_320 = vector.broadcast %neg3A_319 : f32 to vector<32x2048xf32>
    %neg3A_321 = arith.subf %neg3A_320, %add3A_310 : vector<32x2048xf32>
    %logistic3A_322 = arith.negf %neg3A_321 : vector<32x2048xf32>
    %logistic3A_323 = math.exp %logistic3A_322 : vector<32x2048xf32>
    %logistic3A_324 = arith.constant 1.000000e+00 : f32
    %logistic3A_325 = vector.broadcast %logistic3A_324 : f32 to vector<32x2048xf32>
    %logistic3A_326 = arith.addf %logistic3A_325, %logistic3A_323 : vector<32x2048xf32>
    %logistic3A_327 = arith.divf %logistic3A_325, %logistic3A_326 : vector<32x2048xf32>
    %tanh3A_328 = math.tanh %add3A_315 : vector<32x2048xf32>
    %mul3A_329 = arith.mulf %logistic3A_327, %tanh3A_328 : vector<32x2048xf32>
    %mul3A_330 = vector.broadcast %get3A_318 : vector<1x1xf32> to vector<32x2048xf32>
    %mul3A_331 = arith.mulf %mul3A_330, %mul3A_329 : vector<32x2048xf32>
    %add3A_332 = arith.addf %add3A_292, %mul3A_331 : vector<32x2048xf32>
    %get3A_333 = arith.constant 16 : index
    %get3A_334 = arith.constant 0 : index
    %get3A_335 = vector.load %arg1[%get3A_333, %get3A_334] : memref<32x2048xf32, #tpu.memory_space<vmem>>, vector<1x2048xf32>
    %get3A_336 = arith.constant 17 : index
    %get3A_337 = arith.constant 0 : index
    %get3A_338 = vector.load %arg1[%get3A_336, %get3A_337] : memref<32x2048xf32, #tpu.memory_space<vmem>>, vector<1x2048xf32>
    %add3A_339 = arith.addf %get3A_335, %get3A_338 : vector<1x2048xf32>
    %get3A_340 = arith.constant 8 : index
    %get3A_341 = arith.constant 0 : index
    %get3A_342 = vector.load %arg2[%get3A_340, %get3A_341] : memref<12x2048xf32, #tpu.memory_space<vmem>>, vector<1x2048xf32>
    %mul3A_343 = arith.mulf %get3A_1, %get3A_342 : vector<1x2048xf32>
    %add3A_344 = arith.addf %add3A_339, %mul3A_343 : vector<1x2048xf32>
    %mul3A_345 = arith.mulf %add3A_344, %get3A_1 : vector<1x2048xf32>
    %mul3A_346 = vector.broadcast %get3A_4 : vector<32x1xf32> to vector<32x2048xf32>
    %mul3A_347 = vector.broadcast %mul3A_345 : vector<1x2048xf32> to vector<32x2048xf32>
    %mul3A_348 = arith.mulf %mul3A_346, %mul3A_347 : vector<32x2048xf32>
    %add3A_349 = vector.broadcast %get3A_7 : vector<32x1xf32> to vector<32x2048xf32>
    %add3A_350 = arith.addf %mul3A_348, %add3A_349 : vector<32x2048xf32>
    %mul3A_351 = vector.broadcast %get3A_10 : vector<32x1xf32> to vector<32x2048xf32>
    %mul3A_352 = vector.broadcast %mul3A_345 : vector<1x2048xf32> to vector<32x2048xf32>
    %mul3A_353 = arith.mulf %mul3A_351, %mul3A_352 : vector<32x2048xf32>
    %add3A_354 = vector.broadcast %get3A_13 : vector<32x1xf32> to vector<32x2048xf32>
    %add3A_355 = arith.addf %mul3A_353, %add3A_354 : vector<32x2048xf32>
    %get3A_356 = arith.constant 8 : index
    %get3A_357 = arith.constant 0 : index
    %get3A_358 = vector.load %arg4[%get3A_356, %get3A_357] : memref<16x8xf32, #tpu.memory_space<vmem>>, vector<1x1xf32>
    %neg3A_359 = arith.constant 0.000000e+00 : f32
    %neg3A_360 = vector.broadcast %neg3A_359 : f32 to vector<32x2048xf32>
    %neg3A_361 = arith.subf %neg3A_360, %add3A_350 : vector<32x2048xf32>
    %logistic3A_362 = arith.negf %neg3A_361 : vector<32x2048xf32>
    %logistic3A_363 = math.exp %logistic3A_362 : vector<32x2048xf32>
    %logistic3A_364 = arith.constant 1.000000e+00 : f32
    %logistic3A_365 = vector.broadcast %logistic3A_364 : f32 to vector<32x2048xf32>
    %logistic3A_366 = arith.addf %logistic3A_365, %logistic3A_363 : vector<32x2048xf32>
    %logistic3A_367 = arith.divf %logistic3A_365, %logistic3A_366 : vector<32x2048xf32>
    %tanh3A_368 = math.tanh %add3A_355 : vector<32x2048xf32>
    %mul3A_369 = arith.mulf %logistic3A_367, %tanh3A_368 : vector<32x2048xf32>
    %mul3A_370 = vector.broadcast %get3A_358 : vector<1x1xf32> to vector<32x2048xf32>
    %mul3A_371 = arith.mulf %mul3A_370, %mul3A_369 : vector<32x2048xf32>
    %add3A_372 = arith.addf %add3A_332, %mul3A_371 : vector<32x2048xf32>
    %get3A_373 = arith.constant 18 : index
    %get3A_374 = arith.constant 0 : index
    %get3A_375 = vector.load %arg1[%get3A_373, %get3A_374] : memref<32x2048xf32, #tpu.memory_space<vmem>>, vector<1x2048xf32>
    %get3A_376 = arith.constant 19 : index
    %get3A_377 = arith.constant 0 : index
    %get3A_378 = vector.load %arg1[%get3A_376, %get3A_377] : memref<32x2048xf32, #tpu.memory_space<vmem>>, vector<1x2048xf32>
    %add3A_379 = arith.addf %get3A_375, %get3A_378 : vector<1x2048xf32>
    %get3A_380 = arith.constant 9 : index
    %get3A_381 = arith.constant 0 : index
    %get3A_382 = vector.load %arg2[%get3A_380, %get3A_381] : memref<12x2048xf32, #tpu.memory_space<vmem>>, vector<1x2048xf32>
    %mul3A_383 = arith.mulf %get3A_1, %get3A_382 : vector<1x2048xf32>
    %add3A_384 = arith.addf %add3A_379, %mul3A_383 : vector<1x2048xf32>
    %mul3A_385 = arith.mulf %add3A_384, %get3A_1 : vector<1x2048xf32>
    %mul3A_386 = vector.broadcast %get3A_4 : vector<32x1xf32> to vector<32x2048xf32>
    %mul3A_387 = vector.broadcast %mul3A_385 : vector<1x2048xf32> to vector<32x2048xf32>
    %mul3A_388 = arith.mulf %mul3A_386, %mul3A_387 : vector<32x2048xf32>
    %add3A_389 = vector.broadcast %get3A_7 : vector<32x1xf32> to vector<32x2048xf32>
    %add3A_390 = arith.addf %mul3A_388, %add3A_389 : vector<32x2048xf32>
    %mul3A_391 = vector.broadcast %get3A_10 : vector<32x1xf32> to vector<32x2048xf32>
    %mul3A_392 = vector.broadcast %mul3A_385 : vector<1x2048xf32> to vector<32x2048xf32>
    %mul3A_393 = arith.mulf %mul3A_391, %mul3A_392 : vector<32x2048xf32>
    %add3A_394 = vector.broadcast %get3A_13 : vector<32x1xf32> to vector<32x2048xf32>
    %add3A_395 = arith.addf %mul3A_393, %add3A_394 : vector<32x2048xf32>
    %get3A_396 = arith.constant 9 : index
    %get3A_397 = arith.constant 0 : index
    %get3A_398 = vector.load %arg4[%get3A_396, %get3A_397] : memref<16x8xf32, #tpu.memory_space<vmem>>, vector<1x1xf32>
    %neg3A_399 = arith.constant 0.000000e+00 : f32
    %neg3A_400 = vector.broadcast %neg3A_399 : f32 to vector<32x2048xf32>
    %neg3A_401 = arith.subf %neg3A_400, %add3A_390 : vector<32x2048xf32>
    %logistic3A_402 = arith.negf %neg3A_401 : vector<32x2048xf32>
    %logistic3A_403 = math.exp %logistic3A_402 : vector<32x2048xf32>
    %logistic3A_404 = arith.constant 1.000000e+00 : f32
    %logistic3A_405 = vector.broadcast %logistic3A_404 : f32 to vector<32x2048xf32>
    %logistic3A_406 = arith.addf %logistic3A_405, %logistic3A_403 : vector<32x2048xf32>
    %logistic3A_407 = arith.divf %logistic3A_405, %logistic3A_406 : vector<32x2048xf32>
    %tanh3A_408 = math.tanh %add3A_395 : vector<32x2048xf32>
    %mul3A_409 = arith.mulf %logistic3A_407, %tanh3A_408 : vector<32x2048xf32>
    %mul3A_410 = vector.broadcast %get3A_398 : vector<1x1xf32> to vector<32x2048xf32>
    %mul3A_411 = arith.mulf %mul3A_410, %mul3A_409 : vector<32x2048xf32>
    %add3A_412 = arith.addf %add3A_372, %mul3A_411 : vector<32x2048xf32>
    %get3A_413 = arith.constant 20 : index
    %get3A_414 = arith.constant 0 : index
    %get3A_415 = vector.load %arg1[%get3A_413, %get3A_414] : memref<32x2048xf32, #tpu.memory_space<vmem>>, vector<1x2048xf32>
    %get3A_416 = arith.constant 21 : index
    %get3A_417 = arith.constant 0 : index
    %get3A_418 = vector.load %arg1[%get3A_416, %get3A_417] : memref<32x2048xf32, #tpu.memory_space<vmem>>, vector<1x2048xf32>
    %add3A_419 = arith.addf %get3A_415, %get3A_418 : vector<1x2048xf32>
    %get3A_420 = arith.constant 10 : index
    %get3A_421 = arith.constant 0 : index
    %get3A_422 = vector.load %arg2[%get3A_420, %get3A_421] : memref<12x2048xf32, #tpu.memory_space<vmem>>, vector<1x2048xf32>
    %mul3A_423 = arith.mulf %get3A_1, %get3A_422 : vector<1x2048xf32>
    %add3A_424 = arith.addf %add3A_419, %mul3A_423 : vector<1x2048xf32>
    %mul3A_425 = arith.mulf %add3A_424, %get3A_1 : vector<1x2048xf32>
    %mul3A_426 = vector.broadcast %get3A_4 : vector<32x1xf32> to vector<32x2048xf32>
    %mul3A_427 = vector.broadcast %mul3A_425 : vector<1x2048xf32> to vector<32x2048xf32>
    %mul3A_428 = arith.mulf %mul3A_426, %mul3A_427 : vector<32x2048xf32>
    %add3A_429 = vector.broadcast %get3A_7 : vector<32x1xf32> to vector<32x2048xf32>
    %add3A_430 = arith.addf %mul3A_428, %add3A_429 : vector<32x2048xf32>
    %mul3A_431 = vector.broadcast %get3A_10 : vector<32x1xf32> to vector<32x2048xf32>
    %mul3A_432 = vector.broadcast %mul3A_425 : vector<1x2048xf32> to vector<32x2048xf32>
    %mul3A_433 = arith.mulf %mul3A_431, %mul3A_432 : vector<32x2048xf32>
    %add3A_434 = vector.broadcast %get3A_13 : vector<32x1xf32> to vector<32x2048xf32>
    %add3A_435 = arith.addf %mul3A_433, %add3A_434 : vector<32x2048xf32>
    %get3A_436 = arith.constant 10 : index
    %get3A_437 = arith.constant 0 : index
    %get3A_438 = vector.load %arg4[%get3A_436, %get3A_437] : memref<16x8xf32, #tpu.memory_space<vmem>>, vector<1x1xf32>
    %neg3A_439 = arith.constant 0.000000e+00 : f32
    %neg3A_440 = vector.broadcast %neg3A_439 : f32 to vector<32x2048xf32>
    %neg3A_441 = arith.subf %neg3A_440, %add3A_430 : vector<32x2048xf32>
    %logistic3A_442 = arith.negf %neg3A_441 : vector<32x2048xf32>
    %logistic3A_443 = math.exp %logistic3A_442 : vector<32x2048xf32>
    %logistic3A_444 = arith.constant 1.000000e+00 : f32
    %logistic3A_445 = vector.broadcast %logistic3A_444 : f32 to vector<32x2048xf32>
    %logistic3A_446 = arith.addf %logistic3A_445, %logistic3A_443 : vector<32x2048xf32>
    %logistic3A_447 = arith.divf %logistic3A_445, %logistic3A_446 : vector<32x2048xf32>
    %tanh3A_448 = math.tanh %add3A_435 : vector<32x2048xf32>
    %mul3A_449 = arith.mulf %logistic3A_447, %tanh3A_448 : vector<32x2048xf32>
    %mul3A_450 = vector.broadcast %get3A_438 : vector<1x1xf32> to vector<32x2048xf32>
    %mul3A_451 = arith.mulf %mul3A_450, %mul3A_449 : vector<32x2048xf32>
    %add3A_452 = arith.addf %add3A_412, %mul3A_451 : vector<32x2048xf32>
    %get3A_453 = arith.constant 22 : index
    %get3A_454 = arith.constant 0 : index
    %get3A_455 = vector.load %arg1[%get3A_453, %get3A_454] : memref<32x2048xf32, #tpu.memory_space<vmem>>, vector<1x2048xf32>
    %get3A_456 = arith.constant 23 : index
    %get3A_457 = arith.constant 0 : index
    %get3A_458 = vector.load %arg1[%get3A_456, %get3A_457] : memref<32x2048xf32, #tpu.memory_space<vmem>>, vector<1x2048xf32>
    %add3A_459 = arith.addf %get3A_455, %get3A_458 : vector<1x2048xf32>
    %get3A_460 = arith.constant 11 : index
    %get3A_461 = arith.constant 0 : index
    %get3A_462 = vector.load %arg2[%get3A_460, %get3A_461] : memref<12x2048xf32, #tpu.memory_space<vmem>>, vector<1x2048xf32>
    %mul3A_463 = arith.mulf %get3A_1, %get3A_462 : vector<1x2048xf32>
    %add3A_464 = arith.addf %add3A_459, %mul3A_463 : vector<1x2048xf32>
    %mul3A_465 = arith.mulf %add3A_464, %get3A_1 : vector<1x2048xf32>
    %mul3A_466 = vector.broadcast %get3A_4 : vector<32x1xf32> to vector<32x2048xf32>
    %mul3A_467 = vector.broadcast %mul3A_465 : vector<1x2048xf32> to vector<32x2048xf32>
    %mul3A_468 = arith.mulf %mul3A_466, %mul3A_467 : vector<32x2048xf32>
    %add3A_469 = vector.broadcast %get3A_7 : vector<32x1xf32> to vector<32x2048xf32>
    %add3A_470 = arith.addf %mul3A_468, %add3A_469 : vector<32x2048xf32>
    %mul3A_471 = vector.broadcast %get3A_10 : vector<32x1xf32> to vector<32x2048xf32>
    %mul3A_472 = vector.broadcast %mul3A_465 : vector<1x2048xf32> to vector<32x2048xf32>
    %mul3A_473 = arith.mulf %mul3A_471, %mul3A_472 : vector<32x2048xf32>
    %add3A_474 = vector.broadcast %get3A_13 : vector<32x1xf32> to vector<32x2048xf32>
    %add3A_475 = arith.addf %mul3A_473, %add3A_474 : vector<32x2048xf32>
    %get3A_476 = arith.constant 11 : index
    %get3A_477 = arith.constant 0 : index
    %get3A_478 = vector.load %arg4[%get3A_476, %get3A_477] : memref<16x8xf32, #tpu.memory_space<vmem>>, vector<1x1xf32>
    %neg3A_479 = arith.constant 0.000000e+00 : f32
    %neg3A_480 = vector.broadcast %neg3A_479 : f32 to vector<32x2048xf32>
    %neg3A_481 = arith.subf %neg3A_480, %add3A_470 : vector<32x2048xf32>
    %logistic3A_482 = arith.negf %neg3A_481 : vector<32x2048xf32>
    %logistic3A_483 = math.exp %logistic3A_482 : vector<32x2048xf32>
    %logistic3A_484 = arith.constant 1.000000e+00 : f32
    %logistic3A_485 = vector.broadcast %logistic3A_484 : f32 to vector<32x2048xf32>
    %logistic3A_486 = arith.addf %logistic3A_485, %logistic3A_483 : vector<32x2048xf32>
    %logistic3A_487 = arith.divf %logistic3A_485, %logistic3A_486 : vector<32x2048xf32>
    %tanh3A_488 = math.tanh %add3A_475 : vector<32x2048xf32>
    %mul3A_489 = arith.mulf %logistic3A_487, %tanh3A_488 : vector<32x2048xf32>
    %mul3A_490 = vector.broadcast %get3A_478 : vector<1x1xf32> to vector<32x2048xf32>
    %mul3A_491 = arith.mulf %mul3A_490, %mul3A_489 : vector<32x2048xf32>
    %add3A_492 = arith.addf %add3A_452, %mul3A_491 : vector<32x2048xf32>
    %max3A = arith.constant 0.000000e+00 : f32
    %max3A_493 = vector.broadcast %max3A : f32 to vector<32x2048xf32>
    %max3A_494 = arith.maximumf %add3A_492, %max3A_493 : vector<32x2048xf32>
    %mul3A_495 = vector.broadcast %get3A_16 : vector<32x1xf32> to vector<32x2048xf32>
    %mul3A_496 = arith.mulf %max3A_494, %mul3A_495 : vector<32x2048xf32>
    %reduce_sum3A = arith.constant dense<0.000000e+00> : vector<2048xf32>
    %reduce_sum3A_497 = vector.multi_reduction <add>, %mul3A_496, %reduce_sum3A [0] : vector<32x2048xf32> to vector<2048xf32>
    %broadcast_in_dim3A_498 = vector.shape_cast %reduce_sum3A_497 : vector<2048xf32> to vector<1x2048xf32>
    %get3A_499 = arith.constant 12 : index
    %get3A_500 = arith.constant 0 : index
    %get3A_501 = vector.load %arg4[%get3A_499, %get3A_500] : memref<16x8xf32, #tpu.memory_space<vmem>>, vector<1x1xf32>
    %add3A_502 = vector.broadcast %get3A_501 : vector<1x1xf32> to vector<1x2048xf32>
    %add3A_503 = arith.addf %broadcast_in_dim3A_498, %add3A_502 : vector<1x2048xf32>
    %swap3A = arith.constant 0 : index
    %swap3A_504 = arith.constant 0 : index
    %swap3A_505 = vector.load %arg5[%swap3A, %swap3A_504] : memref<1x2048xf32, #tpu.memory_space<vmem>>, vector<1x2048xf32>
    tpu.vector_store %arg5[%swap3A, %swap3A_504], %add3A_503 {strides = array<i32>} : memref<1x2048xf32, #tpu.memory_space<vmem>>, vector<1x2048xf32>,
    return
  }
  func.func @transform_0(%arg0: i32) -> (i32, i32) {
    %c0_i32 = arith.constant 0 : i32
    %c0_i32_0 = arith.constant 0 : i32
    return %c0_i32, %arg0 : i32, i32
  }
  func.func @transform_1(%arg0: i32) -> (i32, i32) {
    %c0_i32 = arith.constant 0 : i32
    %c0_i32_0 = arith.constant 0 : i32
    return %c0_i32, %arg0 : i32, i32
  }
  func.func @transform_2(%arg0: i32) -> (i32, i32) {
    %c0_i32 = arith.constant 0 : i32
    %c0_i32_0 = arith.constant 0 : i32
    %c0_i32_1 = arith.constant 0 : i32
    return %c0_i32, %c0_i32_0 : i32, i32
  }
  func.func @transform_3(%arg0: i32) -> (i32, i32) {
    %c0_i32 = arith.constant 0 : i32
    %c0_i32_0 = arith.constant 0 : i32
    %c0_i32_1 = arith.constant 0 : i32
    return %c0_i32, %c0_i32_0 : i32, i32
  }
  func.func @transform_4(%arg0: i32) -> (i32, i32) {
    %c0_i32 = arith.constant 0 : i32
    %c0_i32_0 = arith.constant 0 : i32
    return %c0_i32, %arg0 : i32, i32
  }
}

</mosaic_0001>

<sc_bundles>
// kernel: kernel.4.cloned.1.call-start
scs
__scs_entry_jumppad:
0x0: {  	(pc) =	sbr.rel $0x88, $3  }
0x1: {  	(tag) =	ssettag $0x0;
	lr =	simm.s32 $0x1  }
0x2: {  	[smem:$0x3F93] =	sst lr;
	_ =	strace $0xD0000000  }
0x3: {  	_ = 	snop  }
0x4: {  	_ = 	snop  }
0x5: {  	_ = 	snop  }
0x6: {  	_ = 	snop  }
0x7: {  	_ = 	snop  }
__scs_overlays_trampoline_lowered:
0x8: {  	[smem:$0x3FA2] =	sst s0  }
0x9: {  	[smem:$0x3FA3] =	sst s1  }
0xa: {  	[smem:$0x3FA4] =	sst s2  }
0xb: {  	[smem:$0x3FA5] =	sst s3  }
0xc: {  	[smem:$0x3FA6] =	sst s4  }
0xd: {  	[smem:$0x3FA7] =	sst s5  }
0xe: {  	[smem:$0x3FA8] =	sst s6  }
0xf: {  	[smem:$0x3FA9] =	sst s7  }
0x10: {  	[smem:$0x3FAA] =	sst s8  }
0x11: {  	[smem:$0x3FAB] =	sst s9;
	s0 =	simm.s32 @!p0 $0x0  }
0x12: {  	s1 =	sld [smem:$0x3F91];
	s0 =	simm.s32 @p0 $0x1  }
0x13: {  	[smem:$0x3FAC] =	sst s0;
	s0 =	simm.s32 @!p1 $0x0  }
0x14: {  	s2 =	sld [smem:$0x3F90];
	s0 =	simm.s32 @p1 $0x1  }
0x15: {  	[smem:$0x3FAD] =	sst s0;
	s0 =	simm.s32 @!p2 $0x0  }
0x16: {  	s3 =	sld [smem:$0x3FDB];
	s0 =	simm.s32 @p2 $0x1  }
0x17: {  	s4 =	simm.s32 $0x1BF5;
	[smem:$0x3FAF] =	sst s0  }
0x18: {  	s0 =	sld [smem:$0x3F92];
	_ =	swait.ge [sflag:s4], $0x0  }
0x19: {  	s7 =	sld [smem:$0x3F93]  }
0x1a: {  	s8 =	sadd.s32 $0xFFFFE003, lr  }
0x1b: {  	s9 =	sadd.s32 $0xFFFFFEF7, lr;
	s5 =	simm.s32 $0xFFFFFFFF;
	p2 =	slt.u32 s8, $0xFFFFF086  }
0x1c: {  	p1 =	slt.u32 s9, $0xF7A;
	s5 =	simm.s32 @!p2 $0x0  }
0x1d: {  	s5 =	simm.s32 @p1 $0x1;
	p0 =	seq.s32 s7, s2  }
0x1e: {  	s7 =	smul.u32 @!p0 $0xF7A, s2;
	p2 =	seq.s32 @!p0 s5, $0x0  }
0x1f: {  	s9 =	smul.u32 $0xF7A, s1;
	s8 =	simm.s32 @!p0 $0x1BF5;
	p2 =	por !p2, p0  }
0x20: {  	[sflag:s8] =	ssyncset.s32 @!p0 $0xFFFFF086;
	s6 =	sadd.s32 @!p0 s3, s7;
	s7 =	simm.s32 @!p0 $0x108  }
0x21: {  	s3 =	sadd.s32 s3, s9;
	s6 =	sadd.s32 @!p0 $0x88, s6;
	s7 =	simm.s32 @p2 $0x1082  }
0x22: {  	[simem:s7], [sflag:s8] =	dma.local @!p0 [hbm:s6], $0xF7A  }
0x23: {  	s9 =	sor.u32 $0xD0000000, s2;
	s6 =	simm.s32 $0x108;
	_ =	swait.ge @!p0 [sflag:s8], $0x0  }
0x24: {  	s3 =	sadd.s32 $0x88, s3;
	s6 =	simm.s32 @!p1 $0x1082;
	[sflag:s4] =	ssyncset.s32 $0xFFFFF086  }
0x25: {  	[simem:s6], [sflag:s4] =	dma.local [hbm:s3], $0xF7A  }
0x26: {  	[smem:$0x3F93] =	sst s1;
	(tag) =	ssettag s2;
	_ =	strace s9  }
0x27: {  	s1 =	sld [smem:$0x3FA3]  }
0x28: {  	s2 =	sld [smem:$0x3FA4]  }
0x29: {  	s4 =	sld [smem:$0x3FA6]  }
0x2a: {  	p0 =	seq.s32 s5, $0x0;
	s5 =	sld [smem:$0x3FA7]  }
0x2b: {  	s6 =	sld [smem:$0x3FA8]  }
0x2c: {  	s7 =	sld [smem:$0x3FA9]  }
0x2d: {  	s3 =	simm.s32 $0x108;
	s8 =	sld [smem:$0x3FAA]  }
0x2e: {  	s3 =	simm.s32 @!p0 $0x1082;
	s9 =	sld [smem:$0x3FAB]  }
0x2f: {  	lr =	sadd.s32 s0, s3;
	s0 =	sld [smem:$0x3FA2]  }
0x30: {  	s3 =	sld [smem:$0x3FA5]  }
0x31: {  	[smem:$0x3FAE] =	sst s10  }
0x32: {  	s10 =	sld [smem:$0x3FAC];
	_ =	sdelay $0x3  }
0x33: {  	p0 =	seq.s32 s10, $0x1;
	s10 =	sld [smem:$0x3FAE];
	_ =	sdelay $0x3  }
0x34: {  	[smem:$0x3FAE] =	sst s10  }
0x35: {  	s10 =	sld [smem:$0x3FAD];
	_ =	sdelay $0x3  }
0x36: {  	p1 =	seq.s32 s10, $0x1;
	s10 =	sld [smem:$0x3FAE];
	_ =	sdelay $0x3  }
0x37: {  	[smem:$0x3FAE] =	sst s10  }
0x38: {  	s10 =	sld [smem:$0x3FAF]  }
0x39: {  	_ = 	snop;
	(pc) =	sbr.ind lr, $3  }
0x3a: {  	_ = 	snop  }
0x3b: {  	_ = 	snop  }
0x3c: {  	p2 =	seq.s32 s10, $0x1;
	s10 =	sld [smem:$0x3FAE]  }
0x3d: {  	_ =	shalt  }
0x3e: {  	_ =	shalt  }
0x3f: {  	_ =	shalt  }
0x40: {  	_ =	shalt  }
0x41: {  	_ =	shalt  }
0x42: {  	_ =	shalt  }
0x43: {  	_ =	shalt  }
0x44: {  	_ =	shalt  }
0x45: {  	_ =	shalt  }
0x46: {  	_ =	shalt  }
0x47: {  	_ =	shalt  }
0x48: {  	_ =	shalt  }
0x49: {  	_ =	shalt  }
0x4a: {  	_ =	shalt  }
0x4b: {  	_ =	shalt  }
0x4c: {  	_ =	shalt  }
0x4d: {  	_ =	shalt  }
0x4e: {  	_ =	shalt  }
0x4f: {  	_ =	shalt  }
0x50: {  	_ =	shalt  }
0x51: {  	_ =	shalt  }
0x52: {  	_ =	shalt  }
0x53: {  	_ =	shalt  }
0x54: {  	_ =	shalt  }
0x55: {  	_ =	shalt  }
0x56: {  	_ =	shalt  }
0x57: {  	_ =	shalt  }
0x58: {  	_ =	shalt  }
0x59: {  	_ =	shalt  }
0x5a: {  	_ =	shalt  }
0x5b: {  	_ =	shalt  }
0x5c: {  	_ =	shalt  }
0x5d: {  	_ =	shalt  }
0x5e: {  	_ =	shalt  }
0x5f: {  	_ =	shalt  }
0x60: {  	_ =	shalt  }
0x61: {  	_ =	shalt  }
0x62: {  	_ =	shalt  }
0x63: {  	_ =	shalt  }
0x64: {  	_ =	shalt  }
0x65: {  	_ =	shalt  }
0x66: {  	_ =	shalt  }
0x67: {  	_ =	shalt  }
0x68: {  	_ =	shalt  }
0x69: {  	_ =	shalt  }
0x6a: {  	_ =	shalt  }
0x6b: {  	_ =	shalt  }
0x6c: {  	_ =	shalt  }
0x6d: {  	_ =	shalt  }
0x6e: {  	_ =	shalt  }
0x6f: {  	_ =	shalt  }
0x70: {  	_ =	shalt  }
0x71: {  	_ =	shalt  }
0x72: {  	_ =	shalt  }
0x73: {  	_ =	shalt  }
0x74: {  	_ =	shalt  }
0x75: {  	_ =	shalt  }
0x76: {  	_ =	shalt  }
0x77: {  	_ =	shalt  }
0x78: {  	_ =	shalt  }
0x79: {  	_ =	shalt  }
0x7a: {  	_ =	shalt  }
0x7b: {  	_ =	shalt  }
0x7c: {  	_ =	shalt  }
0x7d: {  	_ =	shalt  }
0x7e: {  	_ =	shalt  }
0x7f: {  	_ =	shalt  }
0x80: {  	_ =	shalt  }
0x81: {  	_ =	shalt  }
0x82: {  	_ =	shalt  }
0x83: {  	_ =	shalt  }
0x84: {  	_ =	shalt  }
0x85: {  	_ =	shalt  }
0x86: {  	_ =	shalt  }
0x87: {  	_ =	shalt  }
.Lfunc_end0:
.L_simem_size_0:
called_computation_lowered:
.L_overlay_start_0:
0x88: {  	s2 =	sld [smem:$0x3FD9]  }
0x89: {  	s3 =	sld [smem:$0x3FFE];
	_ =	sdelay $0x1  }
0x8a: {  	s1 =	srdreg.scid  }
0x8b: {  	s0 =	sand.u32 $0x1, s1  }
0x8c: {  	s16 =	sshll.u32 s0, $0xA;
	s2 =	sadd.s32 s3, s2  }
0x8d: {  	s2 =	sadd.s32 s2, s16  }
0x8e: {  	[smem:$0x3FBA] =	sst s2  }
0x8f: {  	_ = 	snop  }
0x90: {  	(tm) =	ssettm $0x1  }
0x91: {  	s17 =	sld [smem:$0x3FFB];
	_ =	sdelay $0x3  }
0x92: {  	_ =	strace s17  }
0x93: {  	s2 =	sld [smem:$0x3FFC];
	_ =	sdelay $0x3  }
0x94: {  	_ =	strace s2  }
0x95: {  	s2 =	sld [smem:$0x3FFD];
	_ =	sdelay $0x3  }
0x96: {  	_ =	strace s2  }
0x97: {  	_ =	strace $0x8FFFFFFF  }
0x98: {  	s18 =	sld [smem:$0x3FDB];
	_ =	sdelay $0x1  }
0x99: {  	s19 =	simm.s32 $_scs_section_size  }
0x9a: {  	s4 =	simm.s32 $_size__tile_overlayer_lowered;
	s5 =	simm.s32 $_tile_overlayer_lowered  }
0x9b: {  	s22 =	simm.s32 $0x1BFF;
	s21 =	sshll.u32 s5, $0x1;
	s2 =	sadd.s32 s19, s18  }
0x9c: {  	s6 =	simm.s32 $0x0;
	s20 =	sshll.u32 s4, $0x1;
	s4 =	sadd.s32 s21, s2  }
0x9d: {  	[timem:s6], [sflag:s22] =	dma.local [hbm:s4], s20  }
0x9e: {  	_ =	swait.ge [sflag:s22], s20  }
0x9f: {  	s3 =	ssub.s32 $0x0, s20;
	[sflag:s22] =	ssyncset.done $0x0  }
0xa0: {  	[sflag:s22] =	ssyncadd.s32 s3;
	_ =	sdelay $0x1  }
0xa1: {  	s23 =	simm.s32 $0x1B8B  }
0xa2: {  	_ =	swait.ge [sflag:s23], $0x1  }
0xa3: {  	[sflag:s23] =	ssyncset.done $0x0  }
0xa4: {  	s25 =	simm.s32 $0x1B8E;
	s24 =	sld [smem:$0x3FFE];
	[sflag:s23] =	ssyncadd.s32 $0xFFFFFFFF  }
0xa5: {  	s26 =	simm.s32 $execute0_lowered;
	[smem:$0x3FD2] =	sst s25  }
0xa6: {  	s4 =	sshll.u32 s26, $0x1;
	_ =	strace $0x80000046;
	[dreg:$0x1] =	wrdreg $0xFFFFFFFF  }
0xa7: {  	s28 =	simm.s32 $_size_execute0_lowered;
	s2 =	sadd.s32 s2, s4;
	[dreg:$0x0] =	wrdreg $0x0  }
0xa8: {  	s4 =	sshll.u32 s28, $0x1;
	[dreg:$0x2] =	wrdreg s2  }
0xa9: {  	[dreg:$0x3] =	wrdreg s4  }
0xaa: {  	[dreg:$0x4] =	wrdreg $0xC0  }
0xab: {  	_ =	task [dreg:s6], $0x5FFFF  }
0xac: {  	[dreg:$0x1] =	wrdreg $0xFFFFFFFF  }
0xad: {  	[dreg:$0x0] =	wrdreg $0x60  }
0xae: {  	[dreg:$0x2] =	wrdreg s24  }
0xaf: {  	[dreg:$0x3] =	wrdreg $0x9  }
0xb0: {  	_ =	task.clear_ibuf [dreg:s6], $0x4FFFF;
	_ =	strace $0x90000046  }
0xb1: {  	s29 =	simm.s32 $0x9;
	_ =	strace $0x80000048  }
0xb2: {  	_ =	swait.ge [sflag:s29], $0x1  }
0xb3: {  	[sflag:s29] =	ssyncadd.s32 $0xFFFFFFFF  }
0xb4: {  	_ =	strace $0x90000048  }
0xb5: {  	_ =	sfence  }
0xb6: {  	s30 =	sld [smem:$0x0];
	_ =	sdelay $0x2  }
0xb7: {  	s31 =	sshll.u32 s1, $0xD;
	s1 =	sshrl.u32 s1, $0x2  }
0xb8: {  	s3 =	sand.u32 $0x4000, s31;
	s1 =	sadd.s32 s1, s30  }
0xb9: {  	s0 =	sor.u32 s3, s0;
	s1 =	sshll.u32 s1, $0x11  }
0xba: {  	s0 =	sor.u32 s1, s0  }
0xbb: {  	s0 =	sadd.s32 $0x8F2B, s0  }
0xbc: {  	[sflag:s0] =	ssyncadd.remote.s32 $0x1  }
0xbd: {  	_ =	sfence.sel $0xFFFF  }
0xbe: {  	[dreg:$0x0] =	wrdreg $0xFFFFFFFF;
	(pc) =	sbr.abs _section_cstart, $3  }
0xbf: {  	[dreg:$0x1] =	wrdreg $0xFFFFFFFF  }
0xc0: {  	_ =	task.clear_ibuf [dreg:s6], $0x2FFFF;
	_ =	strace $0x9FFFFFFF  }
0xc1: {  	(tm) =	ssettm $0x7FFFFFFF  }
tec
execute0_lowered:
.L_overlay_start_1:
0x0: {  	(tag) =	ssettag $0x1  }
0x1: {  	s0 =	rddreg [dreg:$0x0];
	s1 =	simm.s32 $0x0  }
0x2: {  	s11 =	stileid.u32;
	[smem:$0x7FF] =	sst s1;
	s3 =	sadd.s32 $0x2C800, s0  }
0x3: {  	s7 =	smul.u32 $0xC800, s11;
	s4 =	sadd.s32 $0x13800, s0;
	s8 =	sadd.s32 $0x45800, s0  }
0x4: {  	s10 =	smul.u32 $0xC80, s11;
	s31 =	sadd.s32 $0xC00, s0;
	s0 =	sadd.s32 $0x6B000, s0  }
0x5: {  	_ =	strace $0x80000047;
	[dreg:$0x14] =	wrdreg s0;
	s14 =	sadd.s32 $0x800, s7  }
0x6: {  	s9 =	sshrl.u32 s7, $0x3;
	s15 =	sadd.s32 $0x1000, s7;
	[dreg:$0x4] =	wrdreg s14  }
0x7: {  	s10 =	sshrl.u32 s10, $0x3;
	s12 =	sadd.s32 s3, s9;
	[dreg:$0x5] =	wrdreg s15  }
0x8: {  	s13 =	sadd.s32 s4, s9;
	s9 =	sadd.s32 s8, s9;
	[dreg:$0x2] =	wrdreg s12  }
0x9: {  	s7 =	sadd.s32 s8, s10;
	s18 =	sadd.s32 $0x27100, s9;
	[dreg:$0x3] =	wrdreg s13  }
0xa: {  	s2 =	srdreg.scid;
	s19 =	sadd.s32 $0x2A300, s7;
	[dreg:$0x6] =	wrdreg s18  }
0xb: {  	s2 =	sand.u32 $0x1, s2;
	s20 =	sadd.s32 $0x2BC00, s7;
	[dreg:$0x8] =	wrdreg s19  }
0xc: {  	s17 =	sshll.u32 s11, $0x1;
	s21 =	sadd.s32 $0x2D500, s7;
	[dreg:$0x9] =	wrdreg s20  }
0xd: {  	s5 =	ssub.s32 $0x2, s2;
	s22 =	sadd.s32 $0x2EE00, s7;
	[dreg:$0xa] =	wrdreg s21  }
0xe: {  	s6 =	sshrl.u32 s5, $0x1;
	s23 =	sadd.s32 $0x30700, s7;
	[dreg:$0xb] =	wrdreg s22  }
0xf: {  	s5 =	ssub.s32 s5, s6;
	s24 =	sadd.s32 $0x32000, s7;
	[dreg:$0xc] =	wrdreg s23  }
0x10: {  	s6 =	sor.u32 s2, s17;
	s25 =	sadd.s32 $0x33900, s7;
	[dreg:$0xd] =	wrdreg s24  }
0x11: {  	s10 =	sadd.s32 $0x27100, s7;
	s26 =	sadd.s32 $0x35200, s7;
	[dreg:$0xe] =	wrdreg s25  }
0x12: {  	s16 =	sadd.s32 $0x28A00, s7;
	p1 =	seq.s32 s6, $0x0;
	[dreg:$0xf] =	wrdreg s26  }
0x13: {  	s6 =	smul.u32 $0x1900, s6;
	s22 =	smax.u32 s5, $0x1;
	[dreg:$0x7] =	wrdreg s16  }
0x14: {  	s28 =	sadd.s32 $0x3E800, s7;
	s5 =	sadd.s32 $0x10, s12;
	[dreg:$0x16] =	wrdreg s22  }
0x15: {  	s21 =	sadd.s32 $0x36B00, s7;
	s23 =	sadd.s32 $0x38400, s7;
	[dreg:$0x18] =	wrdreg s5  }
0x16: {  	s24 =	sadd.s32 $0x39D00, s7;
	s6 =	sadd.s32 s8, s6;
	[smem:$0x7FD] =	sst s21  }
0x17: {  	s25 =	sadd.s32 $0x3B600, s7;
	s8 =	sadd.s32 $0x25800, s7;
	[dreg:$0x10] =	wrdreg s6  }
0x18: {  	s26 =	sadd.s32 $0x3CF00, s7;
	s7 =	sadd.s32 $0x30, s12;
	[dreg:$0x13] =	wrdreg s8  }
0x19: {  	p0 =	seq.s32 s2, $0x1;
	s22 =	sadd.s32 $0x70, s12;
	[dreg:$0x1a] =	wrdreg s7  }
0x1a: {  	s18 =	simm.s32 $0x64000;
	s5 =	sadd.s32 $0x80, s12;
	[dreg:$0x1e] =	wrdreg s22  }
0x1b: {  	s18 =	simm.s32 @!p0 $0x0;
	[dreg:$0x1f] =	wrdreg s5  }
0x1c: {  	s2 =	simm.s32 $0x1;
	s6 =	sadd.s32 $0x20, s12;
	[dreg:$0x12] =	wrdreg s18  }
0x1d: {  	p1 =	por !p1, !p0;
	s8 =	sadd.s32 $0x40, s12;
	[dreg:$0x19] =	wrdreg s6  }
0x1e: {  	p1 =	por !p1, !p1;
	s7 =	sadd.s32 $0xA0, s12;
	[dreg:$0x1b] =	wrdreg s8  }
0x1f: {  	p0 =	sgt.u32 s11, $0xB;
	s22 =	sadd.s32 $0xE0, s12;
	[smem:$0x7E8] =	sst s7  }
0x20: {  	s2 =	simm.s32 @!p1 $0x0;
	s5 =	sadd.s32 $0xF0, s12;
	[smem:$0x7EC] =	sst s22  }
0x21: {  	s2 =	ssub.s32 s11, s2;
	s11 =	sadd.s32 $0x60, s12;
	[smem:$0x7ED] =	sst s5  }
0x22: {  	s6 =	sadd.s32 $0x90, s12;
	[dreg:$0x1d] =	wrdreg s11  }
0x23: {  	s8 =	sadd.s32 $0xB0, s12;
	[smem:$0x7E7] =	sst s6  }
0x24: {  	s7 =	sadd.s32 $0x20, s13;
	[smem:$0x7E9] =	sst s8  }
0x25: {  	s22 =	sadd.s32 $0x70, s13;
	[smem:$0x7EF] =	sst s7  }
0x26: {  	s5 =	sadd.s32 $0x80, s13;
	[smem:$0x7F4] =	sst s22  }
0x27: {  	s11 =	sadd.s32 $0xD0, s12;
	[smem:$0x7F5] =	sst s5  }
0x28: {  	s6 =	sadd.s32 $0x10, s13;
	[smem:$0x7EB] =	sst s11  }
0x29: {  	s8 =	sadd.s32 $0x30, s13;
	[smem:$0x7EE] =	sst s6  }
0x2a: {  	s7 =	sadd.s32 $0xA0, s13;
	[smem:$0x7F0] =	sst s8  }
0x2b: {  	s22 =	sadd.s32 $0xF0, s13;
	[smem:$0x7F7] =	sst s7  }
0x2c: {  	s11 =	sadd.s32 $0x50, s13;
	[smem:$0x7FC] =	sst s22  }
0x2d: {  	s6 =	sadd.s32 $0x90, s13;
	[smem:$0x7F2] =	sst s11  }
0x2e: {  	s17 =	smul.u32 $0xC800, s2;
	s8 =	sadd.s32 $0xB0, s13;
	[smem:$0x7F6] =	sst s6  }
0x2f: {  	s30 =	simm.s32 $0x1;
	s29 =	simm.s32 $0x19300;
	[smem:$0x7F8] =	sst s8  }
0x30: {  	s9 =	sshrl.u32 s17, $0x3;
	s11 =	sadd.s32 $0xD0, s13;
	[dreg:$0x11] =	wrdreg s17  }
0x31: {  	s19 =	sshrl.u32 s18, $0x3;
	s0 =	sadd.s32 s31, s9;
	[smem:$0x7FA] =	sst s11  }
0x32: {  	s20 =	sadd.s32 s3, s19;
	s9 =	sadd.s32 $0x50, s12;
	[dreg:$0x15] =	wrdreg s0  }
0x33: {  	s2 =	simm.s32 $0x2;
	[dreg:$0x1c] =	wrdreg s9;
	s9 =	sadd.s32 $0xC0, s12  }
0x34: {  	s0 =	sadd.s32 s4, s19;
	s12 =	sadd.s32 $0x60, s13;
	[smem:$0x7EA] =	sst s9  }
.Ltmp0:
0x35: {  	s19 =	sadd.s32 $0x1000, s17;
	[smem:$0x7F3] =	sst s12;
	(pc) =	sbr.rel .LBB2_1-.Ltmp0, $4  }
0x36: {  	s22 =	simm.s32 $0xC800;
	s9 =	sadd.s32 $0x40, s13;
	[dreg:$0x17] =	wrdreg s19  }
0x37: {  	s6 =	simm.s32 $0x0;
	s12 =	sadd.s32 $0xE0, s13;
	[smem:$0x7F1] =	sst s9  }
0x38: {  	s11 =	simm.s32 $0x19100;
	s9 =	sadd.s32 $0xC0, s13;
	[smem:$0x7FB] =	sst s12  }
0x39: {  	v0 =	vimm.f32 $0.0e+00;
	s13 =	simm.s32 $0x19000;
	s12 =	simm.s32 $0x19200;
	[smem:$0x7F9] =	sst s9  }
.LBB2_111:
0x3a: {  	s6 =	sadd.s32 $0x1, s6;
	s5 =	rddreg [dreg:$0x16]  }
0x3b: {  	p1 =	sne.s32 s6, s5  }
.Ltmp1:
0x3c: {  	_ = 	snop;
	(pc) =	sbr.rel @!p1 .LBB2_112-.Ltmp1, $2  }
0x3d: {  	_ =	sdelay $0x2  }
0x3e: {  	s11 =	simm.s32 $0x19100;
	s12 =	simm.s32 $0x19200;
	s29 =	simm.s32 $0x19300  }
.LBB2_1:
0x3f: {  	[smem:$0x7E6] =	sst s6;
	s5 =	simm.s32 $0x40;
	s6 =	simm.s32 $0x0  }
.LBB2_2:
0x40: {  	p1 =	sne.s32 s5, $0x31FC0;
	[tilespmem:s6+$0x0] =	vst v0;
	s6 =	smov.u32 s5;
	s5 =	sadd.s32 $0x40, s5  }
.Ltmp2:
0x41: {  	(pc) =	sbr.rel @p1 .LBB2_2-.Ltmp2, $2  }
0x42: {  	_ =	sdelay $0x2  }
0x43: {  	s6 =	sshra.s32 s6, $0x2  }
0x44: {  	s5 =	rddreg [dreg:$0x2]  }
0x45: {  	[tilespmem:s6+$0x0] =	vst v0;
	s9 =	simm.s32 $0x0;
	s8 =	rddreg [dreg:$0x18]  }
0x46: {  	[tilespmem:s13], [sflag:$0x1] =	stream.linear.gather [hbm4b:s5+s9], $0x80, $0x38;
	[tilespmem:$0x1D000] =	vst v63  }
0x47: {  	s17 =	rddreg [dreg:$0x19]  }
0x48: {  	[tilespmem:s11], [sflag:$0x1] =	stream.linear.gather [hbm4b:s8+s9], $0x80, $0x38;
	[tilespmem:$0x1D000] =	vst v63  }
0x49: {  	s18 =	rddreg [dreg:$0x1a]  }
0x4a: {  	[tilespmem:s12], [sflag:$0x1] =	stream.linear.gather [hbm4b:s17+s9], $0x80, $0x38;
	[tilespmem:$0x1D000] =	vst v63  }
0x4b: {  	s19 =	rddreg [dreg:$0x1b]  }
0x4c: {  	[tilespmem:s29], [sflag:$0x1] =	stream.linear.gather [hbm4b:s18+s9], $0x80, $0x38;
	[tilespmem:$0x1D000] =	vst v63  }
0x4d: {  	s21 =	simm.s32 $0x19400;
	s7 =	rddreg [dreg:$0x1c]  }
0x4e: {  	[tilespmem:s21], [sflag:$0x1] =	stream.linear.gather [hbm4b:s19+s9], $0x80, $0x38;
	[tilespmem:$0x1D000] =	vst v63  }
0x4f: {  	s8 =	simm.s32 $0x19500;
	s17 =	rddreg [dreg:$0x1d]  }
0x50: {  	[tilespmem:s8], [sflag:$0x1] =	stream.linear.gather [hbm4b:s7+s9], $0x80, $0x38;
	[tilespmem:$0x1D000] =	vst v63  }
0x51: {  	s18 =	simm.s32 $0x19600;
	s19 =	rddreg [dreg:$0x1e]  }
0x52: {  	[tilespmem:s18], [sflag:$0x1] =	stream.linear.gather [hbm4b:s17+s9], $0x80, $0x38;
	[tilespmem:$0x1D000] =	vst v63  }
0x53: {  	s21 =	simm.s32 $0x19700;
	s7 =	rddreg [dreg:$0x1f]  }
0x54: {  	[tilespmem:s21], [sflag:$0x1] =	stream.linear.gather [hbm4b:s19+s9], $0x80, $0x38;
	[tilespmem:$0x1D000] =	vst v63  }
0x55: {  	s8 =	simm.s32 $0x19800;
	s17 =	sld [smem:$0x7E7]  }
0x56: {  	[tilespmem:s8], [sflag:$0x1] =	stream.linear.gather [hbm4b:s7+s9], $0x80, $0x38;
	[tilespmem:$0x1D000] =	vst v63  }
0x57: {  	s18 =	simm.s32 $0x19900;
	s19 =	sld [smem:$0x7E8]  }
0x58: {  	[tilespmem:s18], [sflag:$0x1] =	stream.linear.gather [hbm4b:s17+s9], $0x80, $0x38;
	[tilespmem:$0x1D000] =	vst v63  }
0x59: {  	s21 =	simm.s32 $0x19A00;
	s7 =	sld [smem:$0x7E9]  }
0x5a: {  	[tilespmem:s21], [sflag:$0x1] =	stream.linear.gather [hbm4b:s19+s9], $0x80, $0x38;
	[tilespmem:$0x1D000] =	vst v63  }
0x5b: {  	s8 =	simm.s32 $0x19B00;
	s17 =	sld [smem:$0x7EA]  }
0x5c: {  	[tilespmem:s8], [sflag:$0x1] =	stream.linear.gather [hbm4b:s7+s9], $0x80, $0x38;
	[tilespmem:$0x1D000] =	vst v63  }
0x5d: {  	s18 =	simm.s32 $0x19C00;
	s19 =	sld [smem:$0x7EB]  }
0x5e: {  	[tilespmem:s18], [sflag:$0x1] =	stream.linear.gather [hbm4b:s17+s9], $0x80, $0x38;
	[tilespmem:$0x1D000] =	vst v63  }
0x5f: {  	s21 =	simm.s32 $0x19D00;
	s7 =	sld [smem:$0x7EC]  }
0x60: {  	[tilespmem:s21], [sflag:$0x1] =	stream.linear.gather [hbm4b:s19+s9], $0x80, $0x38;
	[tilespmem:$0x1D000] =	vst v63  }
0x61: {  	s8 =	simm.s32 $0x19E00;
	s17 =	sld [smem:$0x7ED]  }
0x62: {  	[tilespmem:s8], [sflag:$0x1] =	stream.linear.gather [hbm4b:s7+s9], $0x80, $0x38;
	[tilespmem:$0x1D000] =	vst v63  }
0x63: {  	s18 =	simm.s32 $0x19F00;
	s19 =	rddreg [dreg:$0x3]  }
0x64: {  	[tilespmem:s18], [sflag:$0x1] =	stream.linear.gather [hbm4b:s17+s9], $0x80, $0x38;
	[tilespmem:$0x1D000] =	vst v63  }
0x65: {  	s21 =	simm.s32 $0x1B000;
	s7 =	sld [smem:$0x7EE]  }
0x66: {  	[tilespmem:s21], [sflag:$0x1] =	stream.linear.gather [hbm4b:s19+s9], $0x80, $0x38;
	[tilespmem:$0x1D000] =	vst v63  }
0x67: {  	s8 =	simm.s32 $0x1B100;
	s17 =	sld [smem:$0x7EF]  }
0x68: {  	[tilespmem:s8], [sflag:$0x1] =	stream.linear.gather [hbm4b:s7+s9], $0x80, $0x38;
	[tilespmem:$0x1D000] =	vst v63  }
0x69: {  	s18 =	simm.s32 $0x1B200;
	s19 =	sld [smem:$0x7F0]  }
0x6a: {  	[tilespmem:s18], [sflag:$0x1] =	stream.linear.gather [hbm4b:s17+s9], $0x80, $0x38;
	[tilespmem:$0x1D000] =	vst v63  }
0x6b: {  	s21 =	simm.s32 $0x1B300;
	s7 =	sld [smem:$0x7F1]  }
0x6c: {  	[tilespmem:s21], [sflag:$0x1] =	stream.linear.gather [hbm4b:s19+s9], $0x80, $0x38;
	[tilespmem:$0x1D000] =	vst v63  }
0x6d: {  	s8 =	simm.s32 $0x1B400;
	s17 =	sld [smem:$0x7F2]  }
0x6e: {  	[tilespmem:s8], [sflag:$0x1] =	stream.linear.gather [hbm4b:s7+s9], $0x80, $0x38;
	[tilespmem:$0x1D000] =	vst v63  }
0x6f: {  	s18 =	simm.s32 $0x1B500;
	s19 =	sld [smem:$0x7F3]  }
0x70: {  	[tilespmem:s18], [sflag:$0x1] =	stream.linear.gather [hbm4b:s17+s9], $0x80, $0x38;
	[tilespmem:$0x1D000] =	vst v63  }
0x71: {  	s21 =	simm.s32 $0x1B600;
	s7 =	sld [smem:$0x7F4]  }
0x72: {  	[tilespmem:s21], [sflag:$0x1] =	stream.linear.gather [hbm4b:s19+s9], $0x80, $0x38;
	[tilespmem:$0x1D000] =	vst v63  }
0x73: {  	s8 =	simm.s32 $0x1B700;
	s17 =	sld [smem:$0x7F5]  }
0x74: {  	[tilespmem:s8], [sflag:$0x1] =	stream.linear.gather [hbm4b:s7+s9], $0x80, $0x38;
	[tilespmem:$0x1D000] =	vst v63  }
0x75: {  	s18 =	simm.s32 $0x1B800;
	s19 =	sld [smem:$0x7F6]  }
0x76: {  	[tilespmem:s18], [sflag:$0x1] =	stream.linear.gather [hbm4b:s17+s9], $0x80, $0x38;
	[tilespmem:$0x1D000] =	vst v63  }
0x77: {  	s21 =	simm.s32 $0x1B900;
	s7 =	sld [smem:$0x7F7]  }
0x78: {  	[tilespmem:s21], [sflag:$0x1] =	stream.linear.gather [hbm4b:s19+s9], $0x80, $0x38;
	[tilespmem:$0x1D000] =	vst v63  }
0x79: {  	s8 =	simm.s32 $0x1BA00;
	s17 =	sld [smem:$0x7F8]  }
0x7a: {  	[tilespmem:s8], [sflag:$0x1] =	stream.linear.gather [hbm4b:s7+s9], $0x80, $0x38;
	[tilespmem:$0x1D000] =	vst v63  }
0x7b: {  	s18 =	simm.s32 $0x1BB00;
	s19 =	sld [smem:$0x7F9]  }
0x7c: {  	[tilespmem:s18], [sflag:$0x1] =	stream.linear.gather [hbm4b:s17+s9], $0x80, $0x38;
	[tilespmem:$0x1D000] =	vst v63  }
0x7d: {  	s21 =	simm.s32 $0x1BC00;
	s7 =	sld [smem:$0x7FA]  }
0x7e: {  	[tilespmem:s21], [sflag:$0x1] =	stream.linear.gather [hbm4b:s19+s9], $0x80, $0x38;
	[tilespmem:$0x1D000] =	vst v63  }
0x7f: {  	s8 =	simm.s32 $0x1BD00;
	s17 =	sld [smem:$0x7FB]  }
0x80: {  	[tilespmem:s8], [sflag:$0x1] =	stream.linear.gather [hbm4b:s7+s9], $0x80, $0x38;
	[tilespmem:$0x1D000] =	vst v63  }
0x81: {  	s18 =	simm.s32 $0x1BE00;
	s19 =	sld [smem:$0x7FC]  }
0x82: {  	[tilespmem:s18], [sflag:$0x1] =	stream.linear.gather [hbm4b:s17+s9], $0x80, $0x38;
	[tilespmem:$0x1D000] =	vst v63  }
0x83: {  	s21 =	simm.s32 $0x1BF00  }
0x84: {  	[tilespmem:s21], [sflag:$0x1] =	stream.linear.gather [hbm4b:s19+s9], $0x80, $0x38;
	[tilespmem:$0x1D000] =	vst v63  }
.LBB2_4:
0x85: {  	s5 =	sshll.u32 s9, $0xC  }
0x86: {  	s6 =	sadd.s32 s5, s14  }
0x87: {  	s6 =	sshrl.u32 s6, $0x3  }
0x88: {  	s8 =	simm.s32 $0x19080;
	s7 =	sadd.s32 s3, s6  }
0x89: {  	[tilespmem:s8], [sflag:$0x2] =	stream.linear.gather [hbm4b:s7+s1], $0x80, $0x38;
	[tilespmem:$0x1D000] =	vst v63  }
0x8a: {  	s21 =	simm.s32 $0x19180;
	s17 =	sadd.s32 $0x10, s7  }
0x8b: {  	[tilespmem:s21], [sflag:$0x2] =	stream.linear.gather [hbm4b:s17+s1], $0x80, $0x38;
	[tilespmem:$0x1D000] =	vst v63  }
0x8c: {  	s19 =	simm.s32 $0x19280;
	s18 =	sadd.s32 $0x20, s7  }
0x8d: {  	[tilespmem:s19], [sflag:$0x2] =	stream.linear.gather [hbm4b:s18+s1], $0x80, $0x38;
	[tilespmem:$0x1D000] =	vst v63  }
0x8e: {  	s21 =	sadd.s32 $0x30, s7;
	s17 =	simm.s32 $0x19380  }
0x8f: {  	[tilespmem:s17], [sflag:$0x2] =	stream.linear.gather [hbm4b:s21+s1], $0x80, $0x38;
	[tilespmem:$0x1D000] =	vst v63  }
0x90: {  	s18 =	sadd.s32 $0x40, s7;
	s19 =	simm.s32 $0x19480  }
0x91: {  	[tilespmem:s19], [sflag:$0x2] =	stream.linear.gather [hbm4b:s18+s1], $0x80, $0x38;
	[tilespmem:$0x1D000] =	vst v63  }
0x92: {  	s21 =	sadd.s32 $0x50, s7;
	s17 =	simm.s32 $0x19580  }
0x93: {  	[tilespmem:s17], [sflag:$0x2] =	stream.linear.gather [hbm4b:s21+s1], $0x80, $0x38;
	[tilespmem:$0x1D000] =	vst v63  }
0x94: {  	s18 =	sadd.s32 $0x60, s7;
	s19 =	simm.s32 $0x19680  }
0x95: {  	[tilespmem:s19], [sflag:$0x2] =	stream.linear.gather [hbm4b:s18+s1], $0x80, $0x38;
	[tilespmem:$0x1D000] =	vst v63  }
0x96: {  	s21 =	sadd.s32 $0x70, s7;
	s17 =	simm.s32 $0x19780  }
0x97: {  	[tilespmem:s17], [sflag:$0x2] =	stream.linear.gather [hbm4b:s21+s1], $0x80, $0x38;
	[tilespmem:$0x1D000] =	vst v63  }
0x98: {  	s18 =	sadd.s32 $0x80, s7;
	s19 =	simm.s32 $0x19880  }
0x99: {  	[tilespmem:s19], [sflag:$0x2] =	stream.linear.gather [hbm4b:s18+s1], $0x80, $0x38;
	[tilespmem:$0x1D000] =	vst v63  }
0x9a: {  	s21 =	sadd.s32 $0x90, s7;
	s17 =	simm.s32 $0x19980  }
0x9b: {  	[tilespmem:s17], [sflag:$0x2] =	stream.linear.gather [hbm4b:s21+s1], $0x80, $0x38;
	[tilespmem:$0x1D000] =	vst v63  }
0x9c: {  	s18 =	sadd.s32 $0xA0, s7;
	s19 =	simm.s32 $0x19A80  }
0x9d: {  	[tilespmem:s19], [sflag:$0x2] =	stream.linear.gather [hbm4b:s18+s1], $0x80, $0x38;
	[tilespmem:$0x1D000] =	vst v63  }
0x9e: {  	s21 =	sadd.s32 $0xB0, s7;
	s17 =	simm.s32 $0x19B80  }
0x9f: {  	[tilespmem:s17], [sflag:$0x2] =	stream.linear.gather [hbm4b:s21+s1], $0x80, $0x38;
	[tilespmem:$0x1D000] =	vst v63  }
0xa0: {  	s18 =	sadd.s32 $0xC0, s7;
	s19 =	simm.s32 $0x19C80  }
0xa1: {  	[tilespmem:s19], [sflag:$0x2] =	stream.linear.gather [hbm4b:s18+s1], $0x80, $0x38;
	[tilespmem:$0x1D000] =	vst v63  }
0xa2: {  	s21 =	sadd.s32 $0xD0, s7;
	s17 =	simm.s32 $0x19D80  }
0xa3: {  	[tilespmem:s17], [sflag:$0x2] =	stream.linear.gather [hbm4b:s21+s1], $0x80, $0x38;
	[tilespmem:$0x1D000] =	vst v63  }
0xa4: {  	s18 =	sadd.s32 $0xE0, s7;
	s19 =	simm.s32 $0x19E80  }
0xa5: {  	[tilespmem:s19], [sflag:$0x2] =	stream.linear.gather [hbm4b:s18+s1], $0x80, $0x38;
	[tilespmem:$0x1D000] =	vst v63  }
0xa6: {  	s7 =	sadd.s32 $0xF0, s7;
	s17 =	simm.s32 $0x19F80  }
0xa7: {  	[tilespmem:s17], [sflag:$0x2] =	stream.linear.gather [hbm4b:s7+s1], $0x80, $0x38;
	[tilespmem:$0x1D000] =	vst v63  }
0xa8: {  	s6 =	sadd.s32 s4, s6;
	s18 =	simm.s32 $0x1B080  }
0xa9: {  	[tilespmem:s18], [sflag:$0x2] =	stream.linear.gather [hbm4b:s6+s1], $0x80, $0x38;
	[tilespmem:$0x1D000] =	vst v63  }
0xaa: {  	s21 =	simm.s32 $0x1B180;
	s19 =	sadd.s32 $0x10, s6  }
0xab: {  	[tilespmem:s21], [sflag:$0x2] =	stream.linear.gather [hbm4b:s19+s1], $0x80, $0x38;
	[tilespmem:$0x1D000] =	vst v63  }
0xac: {  	s17 =	sadd.s32 $0x20, s6;
	s18 =	simm.s32 $0x1B280  }
0xad: {  	[tilespmem:s18], [sflag:$0x2] =	stream.linear.gather [hbm4b:s17+s1], $0x80, $0x38;
	[tilespmem:$0x1D000] =	vst v63  }
0xae: {  	s19 =	sadd.s32 $0x30, s6;
	s21 =	simm.s32 $0x1B380  }
0xaf: {  	[tilespmem:s21], [sflag:$0x2] =	stream.linear.gather [hbm4b:s19+s1], $0x80, $0x38;
	[tilespmem:$0x1D000] =	vst v63  }
0xb0: {  	s17 =	sadd.s32 $0x40, s6;
	s18 =	simm.s32 $0x1B480  }
0xb1: {  	[tilespmem:s18], [sflag:$0x2] =	stream.linear.gather [hbm4b:s17+s1], $0x80, $0x38;
	[tilespmem:$0x1D000] =	vst v63  }
0xb2: {  	s19 =	sadd.s32 $0x50, s6;
	s21 =	simm.s32 $0x1B580  }
0xb3: {  	[tilespmem:s21], [sflag:$0x2] =	stream.linear.gather [hbm4b:s19+s1], $0x80, $0x38;
	[tilespmem:$0x1D000] =	vst v63  }
0xb4: {  	s17 =	sadd.s32 $0x60, s6;
	s18 =	simm.s32 $0x1B680  }
0xb5: {  	[tilespmem:s18], [sflag:$0x2] =	stream.linear.gather [hbm4b:s17+s1], $0x80, $0x38;
	[tilespmem:$0x1D000] =	vst v63  }
0xb6: {  	s19 =	sadd.s32 $0x70, s6;
	s21 =	simm.s32 $0x1B780  }
0xb7: {  	[tilespmem:s21], [sflag:$0x2] =	stream.linear.gather [hbm4b:s19+s1], $0x80, $0x38;
	[tilespmem:$0x1D000] =	vst v63  }
0xb8: {  	s17 =	sadd.s32 $0x80, s6;
	s18 =	simm.s32 $0x1B880  }
0xb9: {  	[tilespmem:s18], [sflag:$0x2] =	stream.linear.gather [hbm4b:s17+s1], $0x80, $0x38;
	[tilespmem:$0x1D000] =	vst v63  }
0xba: {  	s19 =	sadd.s32 $0x90, s6;
	s21 =	simm.s32 $0x1B980  }
0xbb: {  	[tilespmem:s21], [sflag:$0x2] =	stream.linear.gather [hbm4b:s19+s1], $0x80, $0x38;
	[tilespmem:$0x1D000] =	vst v63  }
0xbc: {  	s17 =	sadd.s32 $0xA0, s6;
	s18 =	simm.s32 $0x1BA80  }
0xbd: {  	[tilespmem:s18], [sflag:$0x2] =	stream.linear.gather [hbm4b:s17+s1], $0x80, $0x38;
	[tilespmem:$0x1D000] =	vst v63  }
0xbe: {  	s19 =	sadd.s32 $0xB0, s6;
	s21 =	simm.s32 $0x1BB80  }
0xbf: {  	[tilespmem:s21], [sflag:$0x2] =	stream.linear.gather [hbm4b:s19+s1], $0x80, $0x38;
	[tilespmem:$0x1D000] =	vst v63  }
0xc0: {  	s17 =	sadd.s32 $0xC0, s6;
	s18 =	simm.s32 $0x1BC80  }
0xc1: {  	[tilespmem:s18], [sflag:$0x2] =	stream.linear.gather [hbm4b:s17+s1], $0x80, $0x38;
	[tilespmem:$0x1D000] =	vst v63  }
0xc2: {  	s19 =	sadd.s32 $0xD0, s6;
	s21 =	simm.s32 $0x1BD80  }
0xc3: {  	[tilespmem:s21], [sflag:$0x2] =	stream.linear.gather [hbm4b:s19+s1], $0x80, $0x38;
	[tilespmem:$0x1D000] =	vst v63  }
0xc4: {  	s17 =	sadd.s32 $0xE0, s6;
	s18 =	simm.s32 $0x1BE80  }
0xc5: {  	[tilespmem:s18], [sflag:$0x2] =	stream.linear.gather [hbm4b:s17+s1], $0x80, $0x38;
	[tilespmem:$0x1D000] =	vst v63  }
0xc6: {  	s6 =	sadd.s32 $0xF0, s6;
	s19 =	simm.s32 $0x1BF80  }
0xc7: {  	[tilespmem:s19], [sflag:$0x2] =	stream.linear.gather [hbm4b:s6+s1], $0x80, $0x38;
	[tilespmem:$0x1D000] =	vst v63  }
0xc8: {  	_ =	swait.ge [sflag:s30], $0x800  }
0xc9: {  	[sflag:s30] =	ssyncset.done $0x0  }
0xca: {  	[sflag:s30] =	ssyncadd.s32 $0xFFFFF800  }
0xcb: {  	_ =	swait.ge [sflag:s30], $0x800  }
0xcc: {  	[sflag:s30] =	ssyncset.done $0x0  }
0xcd: {  	s21 =	simm.s32 $0x19040;
	[sflag:s30] =	ssyncadd.s32 $0xFFFFF800  }
0xce: {  	v1 =	vld [tilespmem:s21+$0x30]  }
0xcf: {  	v2 =	vld [tilespmem:s21+$0xFFFFFFD0]  }
0xd0: {  	v3 =	vld [tilespmem:s21+$0xFFFFFFE0]  }
0xd1: {  	v4 =	vld [tilespmem:s21+$0xFFFFFFF0]  }
0xd2: {  	s6 =	simm.s32 $0x1B040;
	v5 =	vld [tilespmem:s21+$0x0]  }
0xd3: {  	v6 =	vld [tilespmem:s6+$0x30]  }
0xd4: {  	v7 =	vld [tilespmem:s21+$0x10]  }
0xd5: {  	v9 =	vld [tilespmem:s21+$0xFFFFFFC0];
	v1 =	vshrl.u32 v1, $0x10  }
0xd6: {  	v8 =	vld [tilespmem:s21+$0x20]  }
0xd7: {  	v10 =	vld [tilespmem:s6+$0xFFFFFFC0]  }
0xd8: {  	v63 =	vld [tilespmem:s6+$0xFFFFFFE0]  }
0xd9: {  	v11 =	vld [tilespmem:s6+$0xFFFFFFF0]  }
0xda: {  	v9 =	vshrl.u32 v9, $0x10;
	[tilespmem:v1+s1+$0x0] =	vst.idx.add.f32.msk $0xffff, v6  }
0xdb: {  	v2 =	vshrl.u32 v2, $0x10;
	v1 =	vld [tilespmem:s6+$0xFFFFFFD0]  }
0xdc: {  	v12 =	vld [tilespmem:s6+$0x0];
	v3 =	vshrl.u32 v3, $0x10  }
0xdd: {  	v13 =	vld [tilespmem:s6+$0x10];
	v4 =	vshrl.u32 v4, $0x10  }
0xde: {  	v14 =	vld [tilespmem:s6+$0x20];
	v5 =	vshrl.u32 v5, $0x10  }
0xdf: {  	v7 =	vshrl.u32 v7, $0x10;
	[tilespmem:v9+s1+$0x0] =	vst.idx.add.f32.msk $0xffff, v10  }
0xe0: {  	[tilespmem:v2+s1+$0x0] =	vst.idx.add.f32.msk $0xffff, v1;
	v1 =	vshrl.u32 v8, $0x10  }
0xe1: {  	[tilespmem:v3+s1+$0x0] =	vst.idx.add.f32.msk $0xffff, v63  }
0xe2: {  	[tilespmem:v4+s1+$0x0] =	vst.idx.add.f32.msk $0xffff, v11  }
0xe3: {  	[tilespmem:v5+s1+$0x0] =	vst.idx.add.f32.msk $0xffff, v12  }
0xe4: {  	[tilespmem:v7+s1+$0x0] =	vst.idx.add.f32.msk $0xffff, v13  }
0xe5: {  	s8 =	simm.s32 $0x19140;
	s7 =	simm.s32 $0x0;
	[tilespmem:v1+s1+$0x0] =	vst.idx.add.f32.msk $0xffff, v14  }
.LBB2_5:
0xe6: {  	v1 =	vld [tilespmem:s8+$0x30];
	s7 =	sadd.s32 $0x8, s7  }
0xe7: {  	v2 =	vld [tilespmem:s8+$0xFFFFFFD0];
	p1 =	slt.u32 s7, $0x78  }
0xe8: {  	v3 =	vld [tilespmem:s8+$0xFFFFFFE0]  }
0xe9: {  	v4 =	vld [tilespmem:s8+$0xFFFFFFF0]  }
0xea: {  	s6 =	sadd.s32 $0x100, s6;
	v5 =	vld [tilespmem:s8+$0x0]  }
0xeb: {  	v1 =	vshrl.u32 v1, $0x10;
	v6 =	vld [tilespmem:s6+$0x30]  }
0xec: {  	v2 =	vshrl.u32 v2, $0x10;
	v7 =	vld [tilespmem:s8+$0x10]  }
0xed: {  	v3 =	vshrl.u32 v3, $0x10;
	v8 =	vld [tilespmem:s8+$0x20]  }
0xee: {  	v9 =	vld [tilespmem:s8+$0xFFFFFFC0];
	v4 =	vshrl.u32 v4, $0x10  }
0xef: {  	v10 =	vld [tilespmem:s6+$0xFFFFFFC0];
	v5 =	vshrl.u32 v5, $0x10  }
0xf0: {  	[tilespmem:v1+s1+$0x0] =	vst.idx.add.f32.msk $0xffff, v6  }
0xf1: {  	v1 =	vld [tilespmem:s6+$0xFFFFFFD0];
	v6 =	vshrl.u32 v7, $0x10  }
0xf2: {  	v7 =	vld [tilespmem:s6+$0xFFFFFFE0];
	v8 =	vshrl.u32 v8, $0x10  }
0xf3: {  	v9 =	vshrl.u32 v9, $0x10;
	v11 =	vld [tilespmem:s6+$0xFFFFFFF0]  }
0xf4: {  	v12 =	vld [tilespmem:s6+$0x0]  }
0xf5: {  	v13 =	vld [tilespmem:s6+$0x10]  }
0xf6: {  	v14 =	vld [tilespmem:s6+$0x20]  }
0xf7: {  	[tilespmem:v2+s1+$0x0] =	vst.idx.add.f32.msk $0xffff, v1  }
0xf8: {  	[tilespmem:v9+s1+$0x0] =	vst.idx.add.f32.msk $0xffff, v10  }
.Ltmp3:
0xf9: {  	[tilespmem:v3+s1+$0x0] =	vst.idx.add.f32.msk $0xffff, v7;
	(pc) =	sbr.rel @p1 .LBB2_5-.Ltmp3, $4  }
0xfa: {  	[tilespmem:v4+s1+$0x0] =	vst.idx.add.f32.msk $0xffff, v11  }
0xfb: {  	[tilespmem:v5+s1+$0x0] =	vst.idx.add.f32.msk $0xffff, v12  }
0xfc: {  	[tilespmem:v6+s1+$0x0] =	vst.idx.add.f32.msk $0xffff, v13  }
0xfd: {  	s8 =	sadd.s32 $0x100, s8;
	[tilespmem:v8+s1+$0x0] =	vst.idx.add.f32.msk $0xffff, v14  }
0xfe: {  	s5 =	sadd.s32 s5, s15  }
0xff: {  	s5 =	sshrl.u32 s5, $0x3  }
0x100: {  	s6 =	sadd.s32 s3, s5  }
0x101: {  	[tilespmem:s13], [sflag:$0x1] =	stream.linear.gather [hbm4b:s6+s1], $0x80, $0x38;
	[tilespmem:$0x1D000] =	vst v63  }
0x102: {  	s7 =	sadd.s32 $0x10, s6  }
0x103: {  	[tilespmem:s11], [sflag:$0x1] =	stream.linear.gather [hbm4b:s7+s1], $0x80, $0x38;
	[tilespmem:$0x1D000] =	vst v63  }
0x104: {  	s8 =	sadd.s32 $0x20, s6  }
0x105: {  	[tilespmem:s12], [sflag:$0x1] =	stream.linear.gather [hbm4b:s8+s1], $0x80, $0x38;
	[tilespmem:$0x1D000] =	vst v63  }
0x106: {  	s17 =	sadd.s32 $0x30, s6  }
0x107: {  	[tilespmem:s29], [sflag:$0x1] =	stream.linear.gather [hbm4b:s17+s1], $0x80, $0x38;
	[tilespmem:$0x1D000] =	vst v63  }
0x108: {  	s18 =	sadd.s32 $0x40, s6;
	s8 =	simm.s32 $0x19400  }
0x109: {  	[tilespmem:s8], [sflag:$0x1] =	stream.linear.gather [hbm4b:s18+s1], $0x80, $0x38;
	[tilespmem:$0x1D000] =	vst v63  }
0x10a: {  	s21 =	simm.s32 $0x19500;
	s19 =	sadd.s32 $0x50, s6  }
0x10b: {  	[tilespmem:s21], [sflag:$0x1] =	stream.linear.gather [hbm4b:s19+s1], $0x80, $0x38;
	[tilespmem:$0x1D000] =	vst v63  }
0x10c: {  	s17 =	sadd.s32 $0x60, s6;
	s18 =	simm.s32 $0x19600  }
0x10d: {  	[tilespmem:s18], [sflag:$0x1] =	stream.linear.gather [hbm4b:s17+s1], $0x80, $0x38;
	[tilespmem:$0x1D000] =	vst v63  }
0x10e: {  	s19 =	sadd.s32 $0x70, s6;
	s21 =	simm.s32 $0x19700  }
0x10f: {  	[tilespmem:s21], [sflag:$0x1] =	stream.linear.gather [hbm4b:s19+s1], $0x80, $0x38;
	[tilespmem:$0x1D000] =	vst v63  }
0x110: {  	s17 =	sadd.s32 $0x80, s6;
	s18 =	simm.s32 $0x19800  }
0x111: {  	[tilespmem:s18], [sflag:$0x1] =	stream.linear.gather [hbm4b:s17+s1], $0x80, $0x38;
	[tilespmem:$0x1D000] =	vst v63  }
0x112: {  	s19 =	sadd.s32 $0x90, s6;
	s21 =	simm.s32 $0x19900  }
0x113: {  	[tilespmem:s21], [sflag:$0x1] =	stream.linear.gather [hbm4b:s19+s1], $0x80, $0x38;
	[tilespmem:$0x1D000] =	vst v63  }
0x114: {  	s17 =	sadd.s32 $0xA0, s6;
	s18 =	simm.s32 $0x19A00  }
0x115: {  	[tilespmem:s18], [sflag:$0x1] =	stream.linear.gather [hbm4b:s17+s1], $0x80, $0x38;
	[tilespmem:$0x1D000] =	vst v63  }
0x116: {  	s19 =	sadd.s32 $0xB0, s6;
	s21 =	simm.s32 $0x19B00  }
0x117: {  	[tilespmem:s21], [sflag:$0x1] =	stream.linear.gather [hbm4b:s19+s1], $0x80, $0x38;
	[tilespmem:$0x1D000] =	vst v63  }
0x118: {  	s17 =	sadd.s32 $0xC0, s6;
	s18 =	simm.s32 $0x19C00  }
0x119: {  	[tilespmem:s18], [sflag:$0x1] =	stream.linear.gather [hbm4b:s17+s1], $0x80, $0x38;
	[tilespmem:$0x1D000] =	vst v63  }
0x11a: {  	s19 =	sadd.s32 $0xD0, s6;
	s21 =	simm.s32 $0x19D00  }
0x11b: {  	[tilespmem:s21], [sflag:$0x1] =	stream.linear.gather [hbm4b:s19+s1], $0x80, $0x38;
	[tilespmem:$0x1D000] =	vst v63  }
0x11c: {  	s17 =	sadd.s32 $0xE0, s6;
	s18 =	simm.s32 $0x19E00  }
0x11d: {  	[tilespmem:s18], [sflag:$0x1] =	stream.linear.gather [hbm4b:s17+s1], $0x80, $0x38;
	[tilespmem:$0x1D000] =	vst v63  }
0x11e: {  	s6 =	sadd.s32 $0xF0, s6;
	s19 =	simm.s32 $0x19F00  }
0x11f: {  	[tilespmem:s19], [sflag:$0x1] =	stream.linear.gather [hbm4b:s6+s1], $0x80, $0x38;
	[tilespmem:$0x1D000] =	vst v63  }
0x120: {  	s5 =	sadd.s32 s4, s5;
	s21 =	simm.s32 $0x1B000  }
0x121: {  	[tilespmem:s21], [sflag:$0x1] =	stream.linear.gather [hbm4b:s5+s1], $0x80, $0x38;
	[tilespmem:$0x1D000] =	vst v63  }
0x122: {  	s7 =	sadd.s32 $0x10, s5;
	s8 =	simm.s32 $0x1B100  }
0x123: {  	[tilespmem:s8], [sflag:$0x1] =	stream.linear.gather [hbm4b:s7+s1], $0x80, $0x38;
	[tilespmem:$0x1D000] =	vst v63  }
0x124: {  	s17 =	sadd.s32 $0x20, s5;
	s18 =	simm.s32 $0x1B200  }
0x125: {  	[tilespmem:s18], [sflag:$0x1] =	stream.linear.gather [hbm4b:s17+s1], $0x80, $0x38;
	[tilespmem:$0x1D000] =	vst v63  }
0x126: {  	s19 =	sadd.s32 $0x30, s5;
	s21 =	simm.s32 $0x1B300  }
0x127: {  	[tilespmem:s21], [sflag:$0x1] =	stream.linear.gather [hbm4b:s19+s1], $0x80, $0x38;
	[tilespmem:$0x1D000] =	vst v63  }
0x128: {  	s7 =	sadd.s32 $0x40, s5;
	s8 =	simm.s32 $0x1B400  }
0x129: {  	[tilespmem:s8], [sflag:$0x1] =	stream.linear.gather [hbm4b:s7+s1], $0x80, $0x38;
	[tilespmem:$0x1D000] =	vst v63  }
0x12a: {  	s17 =	sadd.s32 $0x50, s5;
	s18 =	simm.s32 $0x1B500  }
0x12b: {  	[tilespmem:s18], [sflag:$0x1] =	stream.linear.gather [hbm4b:s17+s1], $0x80, $0x38;
	[tilespmem:$0x1D000] =	vst v63  }
0x12c: {  	s19 =	sadd.s32 $0x60, s5;
	s21 =	simm.s32 $0x1B600  }
0x12d: {  	[tilespmem:s21], [sflag:$0x1] =	stream.linear.gather [hbm4b:s19+s1], $0x80, $0x38;
	[tilespmem:$0x1D000] =	vst v63  }
0x12e: {  	s7 =	sadd.s32 $0x70, s5;
	s8 =	simm.s32 $0x1B700  }
0x12f: {  	[tilespmem:s8], [sflag:$0x1] =	stream.linear.gather [hbm4b:s7+s1], $0x80, $0x38;
	[tilespmem:$0x1D000] =	vst v63  }
0x130: {  	s17 =	sadd.s32 $0x80, s5;
	s18 =	simm.s32 $0x1B800  }
0x131: {  	[tilespmem:s18], [sflag:$0x1] =	stream.linear.gather [hbm4b:s17+s1], $0x80, $0x38;
	[tilespmem:$0x1D000] =	vst v63  }
0x132: {  	s19 =	sadd.s32 $0x90, s5;
	s21 =	simm.s32 $0x1B900  }
0x133: {  	[tilespmem:s21], [sflag:$0x1] =	stream.linear.gather [hbm4b:s19+s1], $0x80, $0x38;
	[tilespmem:$0x1D000] =	vst v63  }
0x134: {  	s7 =	sadd.s32 $0xA0, s5;
	s8 =	simm.s32 $0x1BA00  }
0x135: {  	[tilespmem:s8], [sflag:$0x1] =	stream.linear.gather [hbm4b:s7+s1], $0x80, $0x38;
	[tilespmem:$0x1D000] =	vst v63  }
0x136: {  	s17 =	sadd.s32 $0xB0, s5;
	s18 =	simm.s32 $0x1BB00  }
0x137: {  	[tilespmem:s18], [sflag:$0x1] =	stream.linear.gather [hbm4b:s17+s1], $0x80, $0x38;
	[tilespmem:$0x1D000] =	vst v63  }
0x138: {  	s19 =	sadd.s32 $0xC0, s5;
	s21 =	simm.s32 $0x1BC00  }
0x139: {  	[tilespmem:s21], [sflag:$0x1] =	stream.linear.gather [hbm4b:s19+s1], $0x80, $0x38;
	[tilespmem:$0x1D000] =	vst v63  }
0x13a: {  	s7 =	sadd.s32 $0xD0, s5;
	s8 =	simm.s32 $0x1BD00  }
0x13b: {  	[tilespmem:s8], [sflag:$0x1] =	stream.linear.gather [hbm4b:s7+s1], $0x80, $0x38;
	[tilespmem:$0x1D000] =	vst v63  }
0x13c: {  	s17 =	sadd.s32 $0xE0, s5;
	s18 =	simm.s32 $0x1BE00  }
0x13d: {  	[tilespmem:s18], [sflag:$0x1] =	stream.linear.gather [hbm4b:s17+s1], $0x80, $0x38;
	[tilespmem:$0x1D000] =	vst v63  }
0x13e: {  	s5 =	sadd.s32 $0xF0, s5;
	s19 =	simm.s32 $0x1BF00  }
0x13f: {  	[tilespmem:s19], [sflag:$0x1] =	stream.linear.gather [hbm4b:s5+s1], $0x80, $0x38;
	[tilespmem:$0x1D000] =	vst v63  }
0x140: {  	_ =	swait.ge [sflag:s2], $0x800  }
0x141: {  	[sflag:s2] =	ssyncset.done $0x0  }
0x142: {  	[sflag:s2] =	ssyncadd.s32 $0xFFFFF800  }
0x143: {  	_ =	swait.ge [sflag:s2], $0x800  }
0x144: {  	[sflag:s2] =	ssyncset.done $0x0  }
0x145: {  	s21 =	simm.s32 $0x190F0;
	[sflag:s2] =	ssyncadd.s32 $0xFFFFF800  }
0x146: {  	v1 =	vld [tilespmem:s21+$0x0]  }
0x147: {  	v2 =	vld [tilespmem:s21+$0xFFFFFFA0]  }
0x148: {  	v3 =	vld [tilespmem:s21+$0xFFFFFFB0]  }
0x149: {  	v4 =	vld [tilespmem:s21+$0xFFFFFFC0]  }
0x14a: {  	s5 =	simm.s32 $0x1B0F0;
	v5 =	vld [tilespmem:s21+$0xFFFFFFD0]  }
0x14b: {  	v6 =	vld [tilespmem:s5+$0x0]  }
0x14c: {  	v7 =	vld [tilespmem:s21+$0xFFFFFFE0]  }
0x14d: {  	v9 =	vld [tilespmem:s21+$0xFFFFFF90];
	v1 =	vshrl.u32 v1, $0x10  }
0x14e: {  	v8 =	vld [tilespmem:s21+$0xFFFFFFF0]  }
0x14f: {  	v10 =	vld [tilespmem:s5+$0xFFFFFF90]  }
0x150: {  	v63 =	vld [tilespmem:s5+$0xFFFFFFB0]  }
0x151: {  	v11 =	vld [tilespmem:s5+$0xFFFFFFC0]  }
0x152: {  	v9 =	vshrl.u32 v9, $0x10;
	[tilespmem:v1+s1+$0x0] =	vst.idx.add.f32.msk $0xffff, v6  }
0x153: {  	v2 =	vshrl.u32 v2, $0x10;
	v1 =	vld [tilespmem:s5+$0xFFFFFFA0]  }
0x154: {  	v12 =	vld [tilespmem:s5+$0xFFFFFFD0];
	v3 =	vshrl.u32 v3, $0x10  }
0x155: {  	v13 =	vld [tilespmem:s5+$0xFFFFFFE0];
	v4 =	vshrl.u32 v4, $0x10  }
0x156: {  	v14 =	vld [tilespmem:s5+$0xFFFFFFF0];
	v5 =	vshrl.u32 v5, $0x10  }
0x157: {  	v7 =	vshrl.u32 v7, $0x10;
	[tilespmem:v9+s1+$0x0] =	vst.idx.add.f32.msk $0xffff, v10  }
0x158: {  	[tilespmem:v2+s1+$0x0] =	vst.idx.add.f32.msk $0xffff, v1;
	v1 =	vshrl.u32 v8, $0x10  }
0x159: {  	[tilespmem:v3+s1+$0x0] =	vst.idx.add.f32.msk $0xffff, v63  }
0x15a: {  	[tilespmem:v4+s1+$0x0] =	vst.idx.add.f32.msk $0xffff, v11  }
0x15b: {  	[tilespmem:v5+s1+$0x0] =	vst.idx.add.f32.msk $0xffff, v12  }
0x15c: {  	[tilespmem:v7+s1+$0x0] =	vst.idx.add.f32.msk $0xffff, v13  }
0x15d: {  	s6 =	simm.s32 $0x0;
	s7 =	simm.s32 $0x191F0;
	[tilespmem:v1+s1+$0x0] =	vst.idx.add.f32.msk $0xffff, v14  }
.LBB2_7:
0x15e: {  	v1 =	vld [tilespmem:s7+$0x0];
	s6 =	sadd.s32 $0x8, s6  }
0x15f: {  	v2 =	vld [tilespmem:s7+$0xFFFFFFA0];
	p1 =	slt.u32 s6, $0x78  }
0x160: {  	v3 =	vld [tilespmem:s7+$0xFFFFFFB0]  }
0x161: {  	v4 =	vld [tilespmem:s7+$0xFFFFFFC0]  }
0x162: {  	s5 =	sadd.s32 $0x100, s5;
	v5 =	vld [tilespmem:s7+$0xFFFFFFD0]  }
0x163: {  	v1 =	vshrl.u32 v1, $0x10;
	v6 =	vld [tilespmem:s5+$0x0]  }
0x164: {  	v2 =	vshrl.u32 v2, $0x10;
	v7 =	vld [tilespmem:s7+$0xFFFFFFE0]  }
0x165: {  	v3 =	vshrl.u32 v3, $0x10;
	v8 =	vld [tilespmem:s7+$0xFFFFFFF0]  }
0x166: {  	v9 =	vld [tilespmem:s7+$0xFFFFFF90];
	v4 =	vshrl.u32 v4, $0x10  }
0x167: {  	v10 =	vld [tilespmem:s5+$0xFFFFFF90];
	v5 =	vshrl.u32 v5, $0x10  }
0x168: {  	[tilespmem:v1+s1+$0x0] =	vst.idx.add.f32.msk $0xffff, v6  }
0x169: {  	v1 =	vld [tilespmem:s5+$0xFFFFFFA0];
	v6 =	vshrl.u32 v7, $0x10  }
0x16a: {  	v7 =	vld [tilespmem:s5+$0xFFFFFFB0];
	v8 =	vshrl.u32 v8, $0x10  }
0x16b: {  	v9 =	vshrl.u32 v9, $0x10;
	v11 =	vld [tilespmem:s5+$0xFFFFFFC0]  }
0x16c: {  	v12 =	vld [tilespmem:s5+$0xFFFFFFD0]  }
0x16d: {  	v13 =	vld [tilespmem:s5+$0xFFFFFFE0]  }
0x16e: {  	v14 =	vld [tilespmem:s5+$0xFFFFFFF0]  }
0x16f: {  	[tilespmem:v2+s1+$0x0] =	vst.idx.add.f32.msk $0xffff, v1  }
0x170: {  	[tilespmem:v9+s1+$0x0] =	vst.idx.add.f32.msk $0xffff, v10  }
.Ltmp4:
0x171: {  	[tilespmem:v3+s1+$0x0] =	vst.idx.add.f32.msk $0xffff, v7;
	(pc) =	sbr.rel @p1 .LBB2_7-.Ltmp4, $4  }
0x172: {  	[tilespmem:v4+s1+$0x0] =	vst.idx.add.f32.msk $0xffff, v11  }
0x173: {  	[tilespmem:v5+s1+$0x0] =	vst.idx.add.f32.msk $0xffff, v12  }
0x174: {  	[tilespmem:v6+s1+$0x0] =	vst.idx.add.f32.msk $0xffff, v13  }
0x175: {  	s7 =	sadd.s32 $0x100, s7;
	[tilespmem:v8+s1+$0x0] =	vst.idx.add.f32.msk $0xffff, v14  }
0x176: {  	s9 =	sadd.s32 $0x1, s9  }
0x177: {  	p1 =	sne.s32 s9, $0xC  }
.Ltmp5:
0x178: {  	_ = 	snop;
	(pc) =	sbr.rel @p1 .LBB2_4-.Ltmp5, $1  }
0x179: {  	_ =	sdelay $0x3  }
0x17a: {  	_ =	swait.ge [sflag:s30], $0x800  }
0x17b: {  	[sflag:s30] =	ssyncset.done $0x0  }
0x17c: {  	[sflag:s30] =	ssyncadd.s32 $0xFFFFF800  }
0x17d: {  	_ =	swait.ge [sflag:s30], $0x800  }
0x17e: {  	[sflag:s30] =	ssyncset.done $0x0  }
0x17f: {  	s6 =	simm.s32 $0x19040;
	[sflag:s30] =	ssyncadd.s32 $0xFFFFF800  }
0x180: {  	v1 =	vld [tilespmem:s6+$0x30]  }
0x181: {  	v2 =	vld [tilespmem:s6+$0xFFFFFFD0]  }
0x182: {  	v3 =	vld [tilespmem:s6+$0xFFFFFFE0]  }
0x183: {  	v4 =	vld [tilespmem:s6+$0xFFFFFFF0]  }
0x184: {  	s5 =	simm.s32 $0x1B040;
	v5 =	vld [tilespmem:s6+$0x0]  }
0x185: {  	v6 =	vld [tilespmem:s5+$0x30]  }
0x186: {  	v7 =	vld [tilespmem:s6+$0x10]  }
0x187: {  	v9 =	vld [tilespmem:s6+$0xFFFFFFC0];
	v1 =	vshrl.u32 v1, $0x10  }
0x188: {  	v8 =	vld [tilespmem:s6+$0x20]  }
0x189: {  	v10 =	vld [tilespmem:s5+$0xFFFFFFC0]  }
0x18a: {  	v63 =	vld [tilespmem:s5+$0xFFFFFFE0]  }
0x18b: {  	v11 =	vld [tilespmem:s5+$0xFFFFFFF0]  }
0x18c: {  	v9 =	vshrl.u32 v9, $0x10;
	[tilespmem:v1+s1+$0x0] =	vst.idx.add.f32.msk $0xffff, v6  }
0x18d: {  	v2 =	vshrl.u32 v2, $0x10;
	v1 =	vld [tilespmem:s5+$0xFFFFFFD0]  }
0x18e: {  	v12 =	vld [tilespmem:s5+$0x0];
	v3 =	vshrl.u32 v3, $0x10  }
0x18f: {  	v13 =	vld [tilespmem:s5+$0x10];
	v4 =	vshrl.u32 v4, $0x10  }
0x190: {  	v14 =	vld [tilespmem:s5+$0x20];
	v5 =	vshrl.u32 v5, $0x10  }
0x191: {  	v7 =	vshrl.u32 v7, $0x10;
	[tilespmem:v9+s1+$0x0] =	vst.idx.add.f32.msk $0xffff, v10  }
0x192: {  	[tilespmem:v2+s1+$0x0] =	vst.idx.add.f32.msk $0xffff, v1;
	v1 =	vshrl.u32 v8, $0x10  }
0x193: {  	[tilespmem:v3+s1+$0x0] =	vst.idx.add.f32.msk $0xffff, v63  }
0x194: {  	[tilespmem:v4+s1+$0x0] =	vst.idx.add.f32.msk $0xffff, v11  }
0x195: {  	[tilespmem:v5+s1+$0x0] =	vst.idx.add.f32.msk $0xffff, v12  }
0x196: {  	[tilespmem:v7+s1+$0x0] =	vst.idx.add.f32.msk $0xffff, v13  }
0x197: {  	s7 =	simm.s32 $0x19140;
	s6 =	simm.s32 $0x0;
	[tilespmem:v1+s1+$0x0] =	vst.idx.add.f32.msk $0xffff, v14  }
.LBB2_10:
0x198: {  	v1 =	vld [tilespmem:s7+$0x30];
	s6 =	sadd.s32 $0x8, s6  }
0x199: {  	v2 =	vld [tilespmem:s7+$0xFFFFFFD0];
	p1 =	slt.u32 s6, $0x78  }
0x19a: {  	v3 =	vld [tilespmem:s7+$0xFFFFFFE0]  }
0x19b: {  	v4 =	vld [tilespmem:s7+$0xFFFFFFF0]  }
0x19c: {  	s5 =	sadd.s32 $0x100, s5;
	v5 =	vld [tilespmem:s7+$0x0]  }
0x19d: {  	v1 =	vshrl.u32 v1, $0x10;
	v6 =	vld [tilespmem:s5+$0x30]  }
0x19e: {  	v2 =	vshrl.u32 v2, $0x10;
	v7 =	vld [tilespmem:s7+$0x10]  }
0x19f: {  	v3 =	vshrl.u32 v3, $0x10;
	v8 =	vld [tilespmem:s7+$0x20]  }
0x1a0: {  	v9 =	vld [tilespmem:s7+$0xFFFFFFC0];
	v4 =	vshrl.u32 v4, $0x10  }
0x1a1: {  	v10 =	vld [tilespmem:s5+$0xFFFFFFC0];
	v5 =	vshrl.u32 v5, $0x10  }
0x1a2: {  	[tilespmem:v1+s1+$0x0] =	vst.idx.add.f32.msk $0xffff, v6  }
0x1a3: {  	v1 =	vld [tilespmem:s5+$0xFFFFFFD0];
	v6 =	vshrl.u32 v7, $0x10  }
0x1a4: {  	v7 =	vld [tilespmem:s5+$0xFFFFFFE0];
	v8 =	vshrl.u32 v8, $0x10  }
0x1a5: {  	v9 =	vshrl.u32 v9, $0x10;
	v11 =	vld [tilespmem:s5+$0xFFFFFFF0]  }
0x1a6: {  	v12 =	vld [tilespmem:s5+$0x0]  }
0x1a7: {  	v13 =	vld [tilespmem:s5+$0x10]  }
0x1a8: {  	v14 =	vld [tilespmem:s5+$0x20]  }
0x1a9: {  	[tilespmem:v2+s1+$0x0] =	vst.idx.add.f32.msk $0xffff, v1  }
0x1aa: {  	[tilespmem:v9+s1+$0x0] =	vst.idx.add.f32.msk $0xffff, v10  }
.Ltmp6:
0x1ab: {  	[tilespmem:v3+s1+$0x0] =	vst.idx.add.f32.msk $0xffff, v7;
	(pc) =	sbr.rel @p1 .LBB2_10-.Ltmp6, $4  }
0x1ac: {  	[tilespmem:v4+s1+$0x0] =	vst.idx.add.f32.msk $0xffff, v11  }
0x1ad: {  	[tilespmem:v5+s1+$0x0] =	vst.idx.add.f32.msk $0xffff, v12  }
0x1ae: {  	[tilespmem:v6+s1+$0x0] =	vst.idx.add.f32.msk $0xffff, v13  }
0x1af: {  	s7 =	sadd.s32 $0x100, s7;
	[tilespmem:v8+s1+$0x0] =	vst.idx.add.f32.msk $0xffff, v14  }
0x1b0: {  	s5 =	simm.s32 $0x0;
	s6 =	rddreg [dreg:$0x6];
	s29 =	simm.s32 $0x3  }
0x1b1: {  	[hbm4b:s6+s5] =	stream.linear.scatter [tilespmem:s5], [sflag:$0x3], $0xC800, $0x38;
	[tilespmem:$0x1D000] =	vst v63  }
0x1b2: {  	_ =	swait.ge [sflag:s29], $0xC800  }
0x1b3: {  	[sflag:s29] =	ssyncset.done $0x0  }
0x1b4: {  	[sflag:s29] =	ssyncadd.s32 $0xFFFF3800  }
0x1b5: {  	s5 =	simm.s32 $0x40;
	s6 =	simm.s32 $0x0;
	[bflag:$0x0] =	sbarrier.arrive $0xFFFF  }
.LBB2_12:
0x1b6: {  	p1 =	sne.s32 s5, $0x31C0;
	[tilespmem:s6+$0xC800] =	vst v0;
	s6 =	smov.u32 s5;
	s5 =	sadd.s32 $0x40, s5  }
.Ltmp7:
0x1b7: {  	(pc) =	sbr.rel @p1 .LBB2_12-.Ltmp7, $2  }
0x1b8: {  	_ =	sdelay $0x2  }
0x1b9: {  	s6 =	sshra.s32 s6, $0x2  }
0x1ba: {  	s5 =	simm.s32 $0x1B000  }
0x1bb: {  	[tilespmem:s6+$0xC800] =	vst v0;
	s6 =	simm.s32 $0x10;
	s8 =	sadd.s32 $0x0, s10;
	s7 =	simm.s32 $0x1B100  }
.LBB2_14:
0x1bc: {  	[tilespmem:s5], [sflag:$0x1] =	stream.linear.gather [hbm4b:s8+s1], $0x80, $0x38;
	[tilespmem:$0x1D000] =	vst v63  }
0x1bd: {  	s8 =	smov.u32 s6;
	s5 =	smov.u32 s7;
	p1 =	sne.s32 s6, $0x180  }
.Ltmp8:
0x1be: {  	s6 =	sadd.s32 $0x10, s6;
	(pc) =	sbr.rel @p1 .LBB2_14-.Ltmp8, $2  }
0x1bf: {  	_ =	sdelay $0x2  }
0x1c0: {  	s7 =	sadd.s32 $0x100, s7;
	s8 =	sadd.s32 s8, s10  }
0x1c1: {  	[tilespmem:s5], [sflag:$0x1] =	stream.linear.gather [hbm4b:s8+s1], $0x80, $0x38;
	[tilespmem:$0x1D000] =	vst v63  }
0x1c2: {  	_ =	swait.ge [sflag:s30], $0xC80  }
0x1c3: {  	s5 =	simm.s32 $0x0;
	s6 =	simm.s32 $0x1B080;
	[sflag:s30] =	ssyncset.done $0x0  }
0x1c4: {  	s7 =	simm.s32 $0x0;
	s21 =	sld [smem:$0x7FD];
	[sflag:s30] =	ssyncadd.s32 $0xFFFFF380  }
.LBB2_16:
0x1c5: {  	p1 =	sne.s32 s7, $0x180  }
.Ltmp9:
0x1c6: {  	_ = 	snop;
	(pc) =	sbr.rel @p1 .LBB2_16-.Ltmp9, $4  }
0x1c7: {  	_ = 	snop  }
0x1c8: {  	s8 =	sadd.s32 s7, s16  }
0x1c9: {  	[tilespmem:s6], [sflag:$0x2] =	stream.linear.gather [hbm4b:s8+s5], $0x80, $0x38;
	[tilespmem:$0x1D000] =	vst v63  }
0x1ca: {  	s7 =	sadd.s32 $0x10, s7;
	s6 =	sadd.s32 $0x100, s6  }
0x1cb: {  	s8 =	simm.s32 $0xC800;
	s6 =	sand.u32 $0x40, s5;
	s7 =	sand.u32 $0xF80, s5  }
0x1cc: {  	s17 =	sand.u32 $0x1F00, s5;
	s7 =	sadd.s32 $0xC800, s7;
	s9 =	sor.u32 $0x30, s6  }
0x1cd: {  	v3 =	vld [tilespmem:s8+$0x0];
	s11 =	sadd.s32 $0x1B000, s17;
	s12 =	sor.u32 s9, s7  }
0x1ce: {  	s5 =	sor.u32 s9, s11;
	v2 =	vld [tilespmem:s12+$0x0]  }
0x1cf: {  	s18 =	sor.u32 $0x10, s6;
	s13 =	sor.u32 s6, s11;
	v4 =	vld [tilespmem:s5+$0x0]  }
0x1d0: {  	s15 =	sor.u32 s18, s7;
	v5 =	vld [tilespmem:s13+$0x0]  }
0x1d1: {  	s16 =	simm.s32 $0x80;
	s6 =	sor.u32 $0x20, s6;
	s9 =	sor.u32 s18, s11;
	v6 =	vld [tilespmem:s15+$0x0]  }
0x1d2: {  	s17 =	simm.s32 $0x40;
	s5 =	sor.u32 s6, s7;
	s19 =	sor.u32 s6, s11;
	v7 =	vld [tilespmem:s9+$0x0]  }
0x1d3: {  	s6 =	simm.s32 $0xC840;
	s13 =	sand.u32 $0x40, s17;
	s11 =	sand.u32 $0xF80, s17;
	v8 =	vld [tilespmem:s5+$0x0]  }
0x1d4: {  	s9 =	sand.u32 $0x1F00, s16;
	s11 =	sadd.s32 $0xC800, s11;
	s14 =	sor.u32 $0x30, s13;
	v9 =	vld [tilespmem:s19+$0x0]  }
0x1d5: {  	v1 =	vld [tilespmem:s6+$0x0];
	s16 =	sadd.s32 $0x1B000, s9;
	s9 =	sor.u32 s14, s11  }
0x1d6: {  	s18 =	sor.u32 s14, s16;
	v10 =	vadd.f32 v4, v2;
	v2 =	vld [tilespmem:s9+$0x0]  }
0x1d7: {  	s19 =	sor.u32 $0x10, s13;
	s17 =	sor.u32 s13, s16;
	v3 =	vadd.f32 v5, v3;
	v4 =	vld [tilespmem:s18+$0x0]  }
0x1d8: {  	s29 =	simm.s32 $0x4;
	s7 =	sor.u32 s19, s11;
	s18 =	sor.u32 $0x20, s13;
	v6 =	vadd.f32 v7, v6;
	v5 =	vld [tilespmem:s17+$0x0];
	[tilespmem:s12+$0x0] =	vst v10  }
0x1d9: {  	s19 =	sor.u32 s19, s16;
	s13 =	sor.u32 s18, s11;
	s14 =	sor.u32 s18, s16;
	[tilespmem:s8+$0x0] =	vst v3;
	v3 =	vld [tilespmem:s7+$0x0]  }
0x1da: {  	v7 =	vadd.f32 v9, v8;
	s11 =	simm.s32 $0x80;
	[tilespmem:s15+$0x0] =	vst v6;
	v6 =	vld [tilespmem:s19+$0x0];
	s8 =	simm.s32 $0x100;
	s12 =	simm.s32 $0xC880  }
.LBB2_18:
0x1db: {  	s15 =	sand.u32 $0x40, s11;
	s16 =	sand.u32 $0x1F00, s8  }
0x1dc: {  	s17 =	sand.u32 $0xF80, s11;
	v8 =	vld [tilespmem:s13+$0x0];
	[tilespmem:s5+$0x0] =	vst v7;
	s5 =	smov.u32 s13;
	s29 =	sadd.s32 $0x4, s29  }
0x1dd: {  	s13 =	sadd.s32 $0xC800, s17;
	s17 =	sor.u32 $0x30, s15;
	v7 =	vld [tilespmem:s14+$0x0];
	v4 =	vadd.f32 v4, v2;
	s14 =	sadd.s32 $0x1B000, s16  }
0x1de: {  	p1 =	slt.u32 s29, $0xC4;
	s18 =	sor.u32 $0x10, s15;
	s16 =	sor.u32 s17, s13;
	v5 =	vadd.f32 v5, v1;
	v1 =	vld [tilespmem:s12+$0x0]  }
.Ltmp10:
0x1df: {  	s19 =	sor.u32 $0x20, s15;
	s17 =	sor.u32 s17, s14;
	v2 =	vld [tilespmem:s16+$0x0];
	[tilespmem:s9+$0x0] =	vst v4;
	(pc) =	sbr.rel @p1 .LBB2_18-.Ltmp10, $4  }
0x1e0: {  	s9 =	sor.u32 s15, s14;
	s15 =	sor.u32 s18, s13;
	s18 =	sor.u32 s18, s14;
	v4 =	vld [tilespmem:s17+$0x0];
	[tilespmem:s6+$0x0] =	vst v5;
	v6 =	vadd.f32 v6, v3  }
0x1e1: {  	s13 =	sor.u32 s19, s13;
	s14 =	sor.u32 s19, s14;
	v5 =	vld [tilespmem:s9+$0x0];
	s9 =	smov.u32 s16  }
0x1e2: {  	s6 =	smov.u32 s12;
	v3 =	vld [tilespmem:s15+$0x0];
	[tilespmem:s7+$0x0] =	vst v6;
	v7 =	vadd.f32 v7, v8;
	s7 =	smov.u32 s15  }
0x1e3: {  	s8 =	sadd.s32 $0x80, s8;
	s11 =	sadd.s32 $0x40, s11;
	s12 =	sadd.s32 $0x40, s12;
	v6 =	vld [tilespmem:s18+$0x0]  }
0x1e4: {  	v8 =	vld [tilespmem:s13+$0x0]  }
0x1e5: {  	v9 =	vld [tilespmem:s14+$0x0];
	_ =	sdelay $0x1  }
0x1e6: {  	v2 =	vadd.f32 v4, v2  }
0x1e7: {  	[tilespmem:s5+$0x0] =	vst v7;
	v1 =	vadd.f32 v5, v1  }
0x1e8: {  	[tilespmem:s9+$0x0] =	vst v2;
	v2 =	vadd.f32 v6, v3  }
0x1e9: {  	[tilespmem:s6+$0x0] =	vst v1;
	v1 =	vadd.f32 v9, v8  }
0x1ea: {  	[tilespmem:s7+$0x0] =	vst v2  }
0x1eb: {  	[tilespmem:s13+$0x0] =	vst v1  }
0x1ec: {  	_ =	swait.ge [sflag:s2], $0xC80  }
0x1ed: {  	s5 =	simm.s32 $0x0;
	s6 =	simm.s32 $0x1B000;
	[sflag:s2] =	ssyncset.done $0x0  }
0x1ee: {  	s7 =	simm.s32 $0x0;
	s9 =	rddreg [dreg:$0x8];
	[sflag:s2] =	ssyncadd.s32 $0xFFFFF380  }
.LBB2_20:
0x1ef: {  	p1 =	sne.s32 s7, $0x180  }
.Ltmp11:
0x1f0: {  	_ = 	snop;
	(pc) =	sbr.rel @p1 .LBB2_20-.Ltmp11, $4  }
0x1f1: {  	_ = 	snop  }
0x1f2: {  	s8 =	sadd.s32 s7, s9  }
0x1f3: {  	[tilespmem:s6], [sflag:$0x1] =	stream.linear.gather [hbm4b:s8+s5], $0x80, $0x38;
	[tilespmem:$0x1D000] =	vst v63  }
0x1f4: {  	s7 =	sadd.s32 $0x10, s7;
	s6 =	sadd.s32 $0x100, s6  }
0x1f5: {  	p1 =	por $0x0, $0x0;
	s6 =	simm.s32 $0x1  }
0x1f6: {  	s6 =	simm.s32 @!p1 $0x0  }
0x1f7: {  	s12 =	simm.s32 $0xC800;
	s6 =	sshll.u32 s6, $0x6  }
0x1f8: {  	v2 =	vld [tilespmem:s12+$0x0];
	s7 =	sadd.s32 $0x0, s6;
	s6 =	sand.u32 $0xFC0, s5  }
0x1f9: {  	s18 =	sadd.s32 $0x30, s7;
	v3 =	vld [tilespmem:s6+$0xC830]  }
0x1fa: {  	s8 =	sadd.s32 $0x10, s7;
	s9 =	sadd.s32 $0x20, s7;
	s7 =	sor.u32 $0x80, s7;
	v8 =	vld [tilespmem:s6+$0xC810]  }
0x1fb: {  	s5 =	sor.u32 $0x80, s18;
	v5 =	vld [tilespmem:s7+$0x1B000]  }
0x1fc: {  	p1 =	por !p1, !p1;
	v4 =	vld [tilespmem:s5+$0x1B000];
	s5 =	simm.s32 $0x1  }
0x1fd: {  	v9 =	vld [tilespmem:s6+$0xC820];
	s8 =	sor.u32 $0x80, s8;
	s5 =	simm.s32 @!p1 $0x0  }
0x1fe: {  	s19 =	sor.u32 $0x80, s9;
	v6 =	vld [tilespmem:s8+$0x1B000];
	s5 =	sshll.u32 s5, $0x6  }
0x1ff: {  	s7 =	simm.s32 $0x40;
	s9 =	simm.s32 $0xC840;
	v7 =	vld [tilespmem:s19+$0x1B000];
	s13 =	sadd.s32 $0x80, s5  }
0x200: {  	v1 =	vld [tilespmem:s9+$0x0];
	s5 =	sand.u32 $0xFC0, s7;
	s29 =	sadd.s32 $0x30, s13  }
0x201: {  	s11 =	sadd.s32 $0x10, s13;
	v10 =	vadd.f32 v5, v2;
	v3 =	vadd.f32 v4, v3;
	v4 =	vld [tilespmem:s5+$0xC830];
	s8 =	sor.u32 $0x80, s29  }
0x202: {  	s15 =	sadd.s32 $0x20, s13;
	s14 =	sor.u32 $0x80, s11;
	v5 =	vld [tilespmem:s8+$0x1B000]  }
0x203: {  	p1 =	por !p1, !p1;
	s13 =	sor.u32 $0x80, s13;
	s15 =	sor.u32 $0x80, s15;
	v2 =	vld [tilespmem:s14+$0x1B000];
	[tilespmem:s12+$0x0] =	vst v10  }
0x204: {  	s11 =	simm.s32 $0x80;
	v6 =	vadd.f32 v6, v8;
	v7 =	vadd.f32 v7, v9;
	s8 =	simm.s32 $0x4;
	s12 =	simm.s32 $0xC840;
	[tilespmem:s6+$0xC830] =	vst v3;
	v3 =	vld [tilespmem:s15+$0x1B000]  }
.LBB2_22:
0x205: {  	s14 =	simm.s32 $0x1  }
0x206: {  	s8 =	sadd.s32 $0x4, s8;
	v8 =	vld [tilespmem:s13+$0x1B000];
	[tilespmem:s6+$0xC810] =	vst v6;
	v6 =	vmov v1;
	s11 =	sadd.s32 $0x80, s11;
	s14 =	simm.s32 @!p1 $0x0  }
0x207: {  	s7 =	sadd.s32 $0x40, s7;
	p2 =	slt.u32 s8, $0xC4;
	s13 =	sshll.u32 s14, $0x6;
	v9 =	vld [tilespmem:s5+$0xC810];
	[tilespmem:s6+$0xC820] =	vst v7  }
0x208: {  	s9 =	sadd.s32 $0x40, s9;
	v5 =	vadd.f32 v5, v4;
	s14 =	sand.u32 $0xFC0, s7;
	s6 =	sadd.s32 s13, s11;
	v7 =	vld [tilespmem:s5+$0xC820]  }
.Ltmp12:
0x209: {  	v1 =	vld [tilespmem:s9+$0x0];
	s13 =	sadd.s32 $0x10, s6;
	s15 =	sadd.s32 $0x30, s6;
	(pc) =	sbr.rel @p2 .LBB2_22-.Ltmp12, $4  }
0x20a: {  	s17 =	sadd.s32 $0x20, s6;
	s16 =	sor.u32 $0x80, s13;
	v4 =	vld [tilespmem:s14+$0xC830];
	s15 =	sor.u32 $0x80, s15;
	[tilespmem:s5+$0xC830] =	vst v5  }
0x20b: {  	s13 =	sor.u32 $0x80, s6;
	s17 =	sor.u32 $0x80, s17;
	v8 =	vadd.f32 v8, v6;
	s6 =	smov.u32 s5;
	v5 =	vld [tilespmem:s15+$0x1B000]  }
0x20c: {  	s5 =	smov.u32 s14;
	v6 =	vadd.f32 v2, v9;
	v2 =	vld [tilespmem:s16+$0x1B000]  }
0x20d: {  	p1 =	por !p1, !p1;
	[tilespmem:s12+$0x0] =	vst v8;
	v7 =	vadd.f32 v3, v7;
	v3 =	vld [tilespmem:s17+$0x1B000];
	s12 =	smov.u32 s9  }
0x20e: {  	v8 =	vld [tilespmem:s13+$0x1B000]  }
0x20f: {  	v9 =	vld [tilespmem:s5+$0xC810]  }
0x210: {  	v10 =	vld [tilespmem:s5+$0xC820];
	_ =	sdelay $0x1  }
0x211: {  	[tilespmem:s6+$0xC810] =	vst v6;
	v4 =	vadd.f32 v5, v4  }
0x212: {  	[tilespmem:s6+$0xC820] =	vst v7;
	v1 =	vadd.f32 v8, v1  }
0x213: {  	[tilespmem:s5+$0xC830] =	vst v4;
	v2 =	vadd.f32 v2, v9  }
0x214: {  	[tilespmem:s12+$0x0] =	vst v1;
	v1 =	vadd.f32 v3, v10  }
0x215: {  	[tilespmem:s5+$0xC810] =	vst v2  }
0x216: {  	[tilespmem:s5+$0xC820] =	vst v1  }
0x217: {  	_ =	swait.ge [sflag:s30], $0xC80  }
0x218: {  	s7 =	simm.s32 $0x0;
	s6 =	simm.s32 $0x1B080;
	[sflag:s30] =	ssyncset.done $0x0  }
0x219: {  	s5 =	simm.s32 $0x0;
	s9 =	rddreg [dreg:$0x9];
	[sflag:s30] =	ssyncadd.s32 $0xFFFFF380  }
.LBB2_24:
0x21a: {  	p1 =	sne.s32 s7, $0x180  }
.Ltmp13:
0x21b: {  	_ = 	snop;
	(pc) =	sbr.rel @p1 .LBB2_24-.Ltmp13, $4  }
0x21c: {  	_ = 	snop  }
0x21d: {  	s8 =	sadd.s32 s7, s9  }
0x21e: {  	[tilespmem:s6], [sflag:$0x2] =	stream.linear.gather [hbm4b:s8+s5], $0x80, $0x38;
	[tilespmem:$0x1D000] =	vst v63  }
0x21f: {  	s7 =	sadd.s32 $0x10, s7;
	s6 =	sadd.s32 $0x100, s6  }
0x220: {  	s8 =	simm.s32 $0xC800;
	s6 =	sand.u32 $0x40, s5;
	s7 =	sand.u32 $0xF80, s5  }
0x221: {  	s17 =	sand.u32 $0x1F00, s5;
	s7 =	sadd.s32 $0xC800, s7;
	s9 =	sor.u32 $0x30, s6  }
0x222: {  	v3 =	vld [tilespmem:s8+$0x0];
	s11 =	sadd.s32 $0x1B000, s17;
	s12 =	sor.u32 s9, s7  }
0x223: {  	s5 =	sor.u32 s9, s11;
	v2 =	vld [tilespmem:s12+$0x0]  }
0x224: {  	s18 =	sor.u32 $0x10, s6;
	s13 =	sor.u32 s6, s11;
	v4 =	vld [tilespmem:s5+$0x0]  }
0x225: {  	s15 =	sor.u32 s18, s7;
	v5 =	vld [tilespmem:s13+$0x0]  }
0x226: {  	s16 =	simm.s32 $0x80;
	s6 =	sor.u32 $0x20, s6;
	s9 =	sor.u32 s18, s11;
	v6 =	vld [tilespmem:s15+$0x0]  }
0x227: {  	s17 =	simm.s32 $0x40;
	s5 =	sor.u32 s6, s7;
	s19 =	sor.u32 s6, s11;
	v7 =	vld [tilespmem:s9+$0x0]  }
0x228: {  	s6 =	simm.s32 $0xC840;
	s13 =	sand.u32 $0x40, s17;
	s11 =	sand.u32 $0xF80, s17;
	v8 =	vld [tilespmem:s5+$0x0]  }
0x229: {  	s9 =	sand.u32 $0x1F00, s16;
	s11 =	sadd.s32 $0xC800, s11;
	s14 =	sor.u32 $0x30, s13;
	v9 =	vld [tilespmem:s19+$0x0]  }
0x22a: {  	v1 =	vld [tilespmem:s6+$0x0];
	s16 =	sadd.s32 $0x1B000, s9;
	s9 =	sor.u32 s14, s11  }
0x22b: {  	s18 =	sor.u32 s14, s16;
	v10 =	vadd.f32 v4, v2;
	v2 =	vld [tilespmem:s9+$0x0]  }
0x22c: {  	s19 =	sor.u32 $0x10, s13;
	s17 =	sor.u32 s13, s16;
	v3 =	vadd.f32 v5, v3;
	v4 =	vld [tilespmem:s18+$0x0]  }
0x22d: {  	s29 =	simm.s32 $0x4;
	s7 =	sor.u32 s19, s11;
	s18 =	sor.u32 $0x20, s13;
	v6 =	vadd.f32 v7, v6;
	v5 =	vld [tilespmem:s17+$0x0];
	[tilespmem:s12+$0x0] =	vst v10  }
0x22e: {  	s19 =	sor.u32 s19, s16;
	s13 =	sor.u32 s18, s11;
	s14 =	sor.u32 s18, s16;
	[tilespmem:s8+$0x0] =	vst v3;
	v3 =	vld [tilespmem:s7+$0x0]  }
0x22f: {  	v7 =	vadd.f32 v9, v8;
	s11 =	simm.s32 $0x80;
	[tilespmem:s15+$0x0] =	vst v6;
	v6 =	vld [tilespmem:s19+$0x0];
	s8 =	simm.s32 $0x100;
	s12 =	simm.s32 $0xC880  }
.LBB2_26:
0x230: {  	s15 =	sand.u32 $0x40, s11;
	s16 =	sand.u32 $0x1F00, s8  }
0x231: {  	s17 =	sand.u32 $0xF80, s11;
	v8 =	vld [tilespmem:s13+$0x0];
	[tilespmem:s5+$0x0] =	vst v7;
	s5 =	smov.u32 s13;
	s29 =	sadd.s32 $0x4, s29  }
0x232: {  	s13 =	sadd.s32 $0xC800, s17;
	s17 =	sor.u32 $0x30, s15;
	v7 =	vld [tilespmem:s14+$0x0];
	v4 =	vadd.f32 v4, v2;
	s14 =	sadd.s32 $0x1B000, s16  }
0x233: {  	p1 =	slt.u32 s29, $0xC4;
	s18 =	sor.u32 $0x10, s15;
	s16 =	sor.u32 s17, s13;
	v5 =	vadd.f32 v5, v1;
	v1 =	vld [tilespmem:s12+$0x0]  }
.Ltmp14:
0x234: {  	s19 =	sor.u32 $0x20, s15;
	s17 =	sor.u32 s17, s14;
	v2 =	vld [tilespmem:s16+$0x0];
	[tilespmem:s9+$0x0] =	vst v4;
	(pc) =	sbr.rel @p1 .LBB2_26-.Ltmp14, $4  }
0x235: {  	s9 =	sor.u32 s15, s14;
	s15 =	sor.u32 s18, s13;
	s18 =	sor.u32 s18, s14;
	v4 =	vld [tilespmem:s17+$0x0];
	[tilespmem:s6+$0x0] =	vst v5;
	v6 =	vadd.f32 v6, v3  }
0x236: {  	s13 =	sor.u32 s19, s13;
	s14 =	sor.u32 s19, s14;
	v5 =	vld [tilespmem:s9+$0x0];
	s9 =	smov.u32 s16  }
0x237: {  	s6 =	smov.u32 s12;
	v3 =	vld [tilespmem:s15+$0x0];
	[tilespmem:s7+$0x0] =	vst v6;
	v7 =	vadd.f32 v7, v8;
	s7 =	smov.u32 s15  }
0x238: {  	s8 =	sadd.s32 $0x80, s8;
	s11 =	sadd.s32 $0x40, s11;
	s12 =	sadd.s32 $0x40, s12;
	v6 =	vld [tilespmem:s18+$0x0]  }
0x239: {  	v8 =	vld [tilespmem:s13+$0x0]  }
0x23a: {  	v9 =	vld [tilespmem:s14+$0x0];
	_ =	sdelay $0x1  }
0x23b: {  	v2 =	vadd.f32 v4, v2  }
0x23c: {  	[tilespmem:s5+$0x0] =	vst v7;
	v1 =	vadd.f32 v5, v1  }
0x23d: {  	[tilespmem:s9+$0x0] =	vst v2;
	v2 =	vadd.f32 v6, v3  }
0x23e: {  	[tilespmem:s6+$0x0] =	vst v1;
	v1 =	vadd.f32 v9, v8  }
0x23f: {  	[tilespmem:s7+$0x0] =	vst v2  }
0x240: {  	[tilespmem:s13+$0x0] =	vst v1  }
0x241: {  	_ =	swait.ge [sflag:s2], $0xC80  }
0x242: {  	s5 =	simm.s32 $0x0;
	s6 =	simm.s32 $0x1B000;
	[sflag:s2] =	ssyncset.done $0x0  }
0x243: {  	s7 =	simm.s32 $0x0;
	s9 =	rddreg [dreg:$0xa];
	[sflag:s2] =	ssyncadd.s32 $0xFFFFF380  }
.LBB2_28:
0x244: {  	p1 =	sne.s32 s7, $0x180  }
.Ltmp15:
0x245: {  	_ = 	snop;
	(pc) =	sbr.rel @p1 .LBB2_28-.Ltmp15, $4  }
0x246: {  	_ = 	snop  }
0x247: {  	s8 =	sadd.s32 s7, s9  }
0x248: {  	[tilespmem:s6], [sflag:$0x1] =	stream.linear.gather [hbm4b:s8+s5], $0x80, $0x38;
	[tilespmem:$0x1D000] =	vst v63  }
0x249: {  	s7 =	sadd.s32 $0x10, s7;
	s6 =	sadd.s32 $0x100, s6  }
0x24a: {  	p1 =	por $0x0, $0x0;
	s6 =	simm.s32 $0x1  }
0x24b: {  	s6 =	simm.s32 @!p1 $0x0  }
0x24c: {  	s12 =	simm.s32 $0xC800;
	s6 =	sshll.u32 s6, $0x6  }
0x24d: {  	v2 =	vld [tilespmem:s12+$0x0];
	s7 =	sadd.s32 $0x0, s6;
	s6 =	sand.u32 $0xFC0, s5  }
0x24e: {  	s18 =	sadd.s32 $0x30, s7;
	v3 =	vld [tilespmem:s6+$0xC830]  }
0x24f: {  	s8 =	sadd.s32 $0x10, s7;
	s9 =	sadd.s32 $0x20, s7;
	s7 =	sor.u32 $0x80, s7;
	v8 =	vld [tilespmem:s6+$0xC810]  }
0x250: {  	s5 =	sor.u32 $0x80, s18;
	v5 =	vld [tilespmem:s7+$0x1B000]  }
0x251: {  	p1 =	por !p1, !p1;
	v4 =	vld [tilespmem:s5+$0x1B000];
	s5 =	simm.s32 $0x1  }
0x252: {  	v9 =	vld [tilespmem:s6+$0xC820];
	s8 =	sor.u32 $0x80, s8;
	s5 =	simm.s32 @!p1 $0x0  }
0x253: {  	s19 =	sor.u32 $0x80, s9;
	v6 =	vld [tilespmem:s8+$0x1B000];
	s5 =	sshll.u32 s5, $0x6  }
0x254: {  	s7 =	simm.s32 $0x40;
	s9 =	simm.s32 $0xC840;
	v7 =	vld [tilespmem:s19+$0x1B000];
	s13 =	sadd.s32 $0x80, s5  }
0x255: {  	v1 =	vld [tilespmem:s9+$0x0];
	s5 =	sand.u32 $0xFC0, s7;
	s29 =	sadd.s32 $0x30, s13  }
0x256: {  	s11 =	sadd.s32 $0x10, s13;
	v10 =	vadd.f32 v5, v2;
	v3 =	vadd.f32 v4, v3;
	v4 =	vld [tilespmem:s5+$0xC830];
	s8 =	sor.u32 $0x80, s29  }
0x257: {  	s15 =	sadd.s32 $0x20, s13;
	s14 =	sor.u32 $0x80, s11;
	v5 =	vld [tilespmem:s8+$0x1B000]  }
0x258: {  	p1 =	por !p1, !p1;
	s13 =	sor.u32 $0x80, s13;
	s15 =	sor.u32 $0x80, s15;
	v2 =	vld [tilespmem:s14+$0x1B000];
	[tilespmem:s12+$0x0] =	vst v10  }
0x259: {  	s11 =	simm.s32 $0x80;
	v6 =	vadd.f32 v6, v8;
	v7 =	vadd.f32 v7, v9;
	s8 =	simm.s32 $0x4;
	s12 =	simm.s32 $0xC840;
	[tilespmem:s6+$0xC830] =	vst v3;
	v3 =	vld [tilespmem:s15+$0x1B000]  }
.LBB2_30:
0x25a: {  	s14 =	simm.s32 $0x1  }
0x25b: {  	s8 =	sadd.s32 $0x4, s8;
	v8 =	vld [tilespmem:s13+$0x1B000];
	[tilespmem:s6+$0xC810] =	vst v6;
	v6 =	vmov v1;
	s11 =	sadd.s32 $0x80, s11;
	s14 =	simm.s32 @!p1 $0x0  }
0x25c: {  	s7 =	sadd.s32 $0x40, s7;
	p2 =	slt.u32 s8, $0xC4;
	s13 =	sshll.u32 s14, $0x6;
	v9 =	vld [tilespmem:s5+$0xC810];
	[tilespmem:s6+$0xC820] =	vst v7  }
0x25d: {  	s9 =	sadd.s32 $0x40, s9;
	v5 =	vadd.f32 v5, v4;
	s14 =	sand.u32 $0xFC0, s7;
	s6 =	sadd.s32 s13, s11;
	v7 =	vld [tilespmem:s5+$0xC820]  }
.Ltmp16:
0x25e: {  	v1 =	vld [tilespmem:s9+$0x0];
	s13 =	sadd.s32 $0x10, s6;
	s15 =	sadd.s32 $0x30, s6;
	(pc) =	sbr.rel @p2 .LBB2_30-.Ltmp16, $4  }
0x25f: {  	s17 =	sadd.s32 $0x20, s6;
	s16 =	sor.u32 $0x80, s13;
	v4 =	vld [tilespmem:s14+$0xC830];
	s15 =	sor.u32 $0x80, s15;
	[tilespmem:s5+$0xC830] =	vst v5  }
0x260: {  	s13 =	sor.u32 $0x80, s6;
	s17 =	sor.u32 $0x80, s17;
	v8 =	vadd.f32 v8, v6;
	s6 =	smov.u32 s5;
	v5 =	vld [tilespmem:s15+$0x1B000]  }
0x261: {  	s5 =	smov.u32 s14;
	v6 =	vadd.f32 v2, v9;
	v2 =	vld [tilespmem:s16+$0x1B000]  }
0x262: {  	p1 =	por !p1, !p1;
	[tilespmem:s12+$0x0] =	vst v8;
	v7 =	vadd.f32 v3, v7;
	v3 =	vld [tilespmem:s17+$0x1B000];
	s12 =	smov.u32 s9  }
0x263: {  	v8 =	vld [tilespmem:s13+$0x1B000]  }
0x264: {  	v9 =	vld [tilespmem:s5+$0xC810]  }
0x265: {  	v10 =	vld [tilespmem:s5+$0xC820];
	_ =	sdelay $0x1  }
0x266: {  	[tilespmem:s6+$0xC810] =	vst v6;
	v4 =	vadd.f32 v5, v4  }
0x267: {  	[tilespmem:s6+$0xC820] =	vst v7;
	v1 =	vadd.f32 v8, v1  }
0x268: {  	[tilespmem:s5+$0xC830] =	vst v4;
	v2 =	vadd.f32 v2, v9  }
0x269: {  	[tilespmem:s12+$0x0] =	vst v1;
	v1 =	vadd.f32 v3, v10  }
0x26a: {  	[tilespmem:s5+$0xC810] =	vst v2  }
0x26b: {  	[tilespmem:s5+$0xC820] =	vst v1  }
0x26c: {  	_ =	swait.ge [sflag:s30], $0xC80  }
0x26d: {  	s7 =	simm.s32 $0x0;
	s6 =	simm.s32 $0x1B080;
	[sflag:s30] =	ssyncset.done $0x0  }
0x26e: {  	s5 =	simm.s32 $0x0;
	s9 =	rddreg [dreg:$0xb];
	[sflag:s30] =	ssyncadd.s32 $0xFFFFF380  }
.LBB2_32:
0x26f: {  	p1 =	sne.s32 s7, $0x180  }
.Ltmp17:
0x270: {  	_ = 	snop;
	(pc) =	sbr.rel @p1 .LBB2_32-.Ltmp17, $4  }
0x271: {  	_ = 	snop  }
0x272: {  	s8 =	sadd.s32 s7, s9  }
0x273: {  	[tilespmem:s6], [sflag:$0x2] =	stream.linear.gather [hbm4b:s8+s5], $0x80, $0x38;
	[tilespmem:$0x1D000] =	vst v63  }
0x274: {  	s7 =	sadd.s32 $0x10, s7;
	s6 =	sadd.s32 $0x100, s6  }
0x275: {  	s8 =	simm.s32 $0xC800;
	s6 =	sand.u32 $0x40, s5;
	s7 =	sand.u32 $0xF80, s5  }
0x276: {  	s17 =	sand.u32 $0x1F00, s5;
	s7 =	sadd.s32 $0xC800, s7;
	s9 =	sor.u32 $0x30, s6  }
0x277: {  	v3 =	vld [tilespmem:s8+$0x0];
	s11 =	sadd.s32 $0x1B000, s17;
	s12 =	sor.u32 s9, s7  }
0x278: {  	s5 =	sor.u32 s9, s11;
	v2 =	vld [tilespmem:s12+$0x0]  }
0x279: {  	s18 =	sor.u32 $0x10, s6;
	s13 =	sor.u32 s6, s11;
	v4 =	vld [tilespmem:s5+$0x0]  }
0x27a: {  	s15 =	sor.u32 s18, s7;
	v5 =	vld [tilespmem:s13+$0x0]  }
0x27b: {  	s16 =	simm.s32 $0x80;
	s6 =	sor.u32 $0x20, s6;
	s9 =	sor.u32 s18, s11;
	v6 =	vld [tilespmem:s15+$0x0]  }
0x27c: {  	s17 =	simm.s32 $0x40;
	s5 =	sor.u32 s6, s7;
	s19 =	sor.u32 s6, s11;
	v7 =	vld [tilespmem:s9+$0x0]  }
0x27d: {  	s6 =	simm.s32 $0xC840;
	s13 =	sand.u32 $0x40, s17;
	s11 =	sand.u32 $0xF80, s17;
	v8 =	vld [tilespmem:s5+$0x0]  }
0x27e: {  	s9 =	sand.u32 $0x1F00, s16;
	s11 =	sadd.s32 $0xC800, s11;
	s14 =	sor.u32 $0x30, s13;
	v9 =	vld [tilespmem:s19+$0x0]  }
0x27f: {  	v1 =	vld [tilespmem:s6+$0x0];
	s16 =	sadd.s32 $0x1B000, s9;
	s9 =	sor.u32 s14, s11  }
0x280: {  	s18 =	sor.u32 s14, s16;
	v10 =	vadd.f32 v4, v2;
	v2 =	vld [tilespmem:s9+$0x0]  }
0x281: {  	s19 =	sor.u32 $0x10, s13;
	s17 =	sor.u32 s13, s16;
	v3 =	vadd.f32 v5, v3;
	v4 =	vld [tilespmem:s18+$0x0]  }
0x282: {  	s29 =	simm.s32 $0x4;
	s7 =	sor.u32 s19, s11;
	s18 =	sor.u32 $0x20, s13;
	v6 =	vadd.f32 v7, v6;
	v5 =	vld [tilespmem:s17+$0x0];
	[tilespmem:s12+$0x0] =	vst v10  }
0x283: {  	s19 =	sor.u32 s19, s16;
	s13 =	sor.u32 s18, s11;
	s14 =	sor.u32 s18, s16;
	[tilespmem:s8+$0x0] =	vst v3;
	v3 =	vld [tilespmem:s7+$0x0]  }
0x284: {  	v7 =	vadd.f32 v9, v8;
	s11 =	simm.s32 $0x80;
	[tilespmem:s15+$0x0] =	vst v6;
	v6 =	vld [tilespmem:s19+$0x0];
	s8 =	simm.s32 $0x100;
	s12 =	simm.s32 $0xC880  }
.LBB2_34:
0x285: {  	s15 =	sand.u32 $0x40, s11;
	s16 =	sand.u32 $0x1F00, s8  }
0x286: {  	s17 =	sand.u32 $0xF80, s11;
	v8 =	vld [tilespmem:s13+$0x0];
	[tilespmem:s5+$0x0] =	vst v7;
	s5 =	smov.u32 s13;
	s29 =	sadd.s32 $0x4, s29  }
0x287: {  	s13 =	sadd.s32 $0xC800, s17;
	s17 =	sor.u32 $0x30, s15;
	v7 =	vld [tilespmem:s14+$0x0];
	v4 =	vadd.f32 v4, v2;
	s14 =	sadd.s32 $0x1B000, s16  }
0x288: {  	p1 =	slt.u32 s29, $0xC4;
	s18 =	sor.u32 $0x10, s15;
	s16 =	sor.u32 s17, s13;
	v5 =	vadd.f32 v5, v1;
	v1 =	vld [tilespmem:s12+$0x0]  }
.Ltmp18:
0x289: {  	s19 =	sor.u32 $0x20, s15;
	s17 =	sor.u32 s17, s14;
	v2 =	vld [tilespmem:s16+$0x0];
	[tilespmem:s9+$0x0] =	vst v4;
	(pc) =	sbr.rel @p1 .LBB2_34-.Ltmp18, $4  }
0x28a: {  	s9 =	sor.u32 s15, s14;
	s15 =	sor.u32 s18, s13;
	s18 =	sor.u32 s18, s14;
	v4 =	vld [tilespmem:s17+$0x0];
	[tilespmem:s6+$0x0] =	vst v5;
	v6 =	vadd.f32 v6, v3  }
0x28b: {  	s13 =	sor.u32 s19, s13;
	s14 =	sor.u32 s19, s14;
	v5 =	vld [tilespmem:s9+$0x0];
	s9 =	smov.u32 s16  }
0x28c: {  	s6 =	smov.u32 s12;
	v3 =	vld [tilespmem:s15+$0x0];
	[tilespmem:s7+$0x0] =	vst v6;
	v7 =	vadd.f32 v7, v8;
	s7 =	smov.u32 s15  }
0x28d: {  	s8 =	sadd.s32 $0x80, s8;
	s11 =	sadd.s32 $0x40, s11;
	s12 =	sadd.s32 $0x40, s12;
	v6 =	vld [tilespmem:s18+$0x0]  }
0x28e: {  	v8 =	vld [tilespmem:s13+$0x0]  }
0x28f: {  	v9 =	vld [tilespmem:s14+$0x0];
	_ =	sdelay $0x1  }
0x290: {  	v2 =	vadd.f32 v4, v2  }
0x291: {  	[tilespmem:s5+$0x0] =	vst v7;
	v1 =	vadd.f32 v5, v1  }
0x292: {  	[tilespmem:s9+$0x0] =	vst v2;
	v2 =	vadd.f32 v6, v3  }
0x293: {  	[tilespmem:s6+$0x0] =	vst v1;
	v1 =	vadd.f32 v9, v8  }
0x294: {  	[tilespmem:s7+$0x0] =	vst v2  }
0x295: {  	[tilespmem:s13+$0x0] =	vst v1  }
0x296: {  	_ =	swait.ge [sflag:s2], $0xC80  }
0x297: {  	s5 =	simm.s32 $0x0;
	s6 =	simm.s32 $0x1B000;
	[sflag:s2] =	ssyncset.done $0x0  }
0x298: {  	s7 =	simm.s32 $0x0;
	s9 =	rddreg [dreg:$0xc];
	[sflag:s2] =	ssyncadd.s32 $0xFFFFF380  }
.LBB2_36:
0x299: {  	p1 =	sne.s32 s7, $0x180  }
.Ltmp19:
0x29a: {  	_ = 	snop;
	(pc) =	sbr.rel @p1 .LBB2_36-.Ltmp19, $4  }
0x29b: {  	_ = 	snop  }
0x29c: {  	s8 =	sadd.s32 s7, s9  }
0x29d: {  	[tilespmem:s6], [sflag:$0x1] =	stream.linear.gather [hbm4b:s8+s5], $0x80, $0x38;
	[tilespmem:$0x1D000] =	vst v63  }
0x29e: {  	s7 =	sadd.s32 $0x10, s7;
	s6 =	sadd.s32 $0x100, s6  }
0x29f: {  	p1 =	por $0x0, $0x0;
	s6 =	simm.s32 $0x1  }
0x2a0: {  	s6 =	simm.s32 @!p1 $0x0  }
0x2a1: {  	s12 =	simm.s32 $0xC800;
	s6 =	sshll.u32 s6, $0x6  }
0x2a2: {  	v2 =	vld [tilespmem:s12+$0x0];
	s7 =	sadd.s32 $0x0, s6;
	s6 =	sand.u32 $0xFC0, s5  }
0x2a3: {  	s18 =	sadd.s32 $0x30, s7;
	v3 =	vld [tilespmem:s6+$0xC830]  }
0x2a4: {  	s8 =	sadd.s32 $0x10, s7;
	s9 =	sadd.s32 $0x20, s7;
	s7 =	sor.u32 $0x80, s7;
	v8 =	vld [tilespmem:s6+$0xC810]  }
0x2a5: {  	s5 =	sor.u32 $0x80, s18;
	v5 =	vld [tilespmem:s7+$0x1B000]  }
0x2a6: {  	p1 =	por !p1, !p1;
	v4 =	vld [tilespmem:s5+$0x1B000];
	s5 =	simm.s32 $0x1  }
0x2a7: {  	v9 =	vld [tilespmem:s6+$0xC820];
	s8 =	sor.u32 $0x80, s8;
	s5 =	simm.s32 @!p1 $0x0  }
0x2a8: {  	s19 =	sor.u32 $0x80, s9;
	v6 =	vld [tilespmem:s8+$0x1B000];
	s5 =	sshll.u32 s5, $0x6  }
0x2a9: {  	s7 =	simm.s32 $0x40;
	s9 =	simm.s32 $0xC840;
	v7 =	vld [tilespmem:s19+$0x1B000];
	s13 =	sadd.s32 $0x80, s5  }
0x2aa: {  	v1 =	vld [tilespmem:s9+$0x0];
	s5 =	sand.u32 $0xFC0, s7;
	s29 =	sadd.s32 $0x30, s13  }
0x2ab: {  	s11 =	sadd.s32 $0x10, s13;
	v10 =	vadd.f32 v5, v2;
	v3 =	vadd.f32 v4, v3;
	v4 =	vld [tilespmem:s5+$0xC830];
	s8 =	sor.u32 $0x80, s29  }
0x2ac: {  	s15 =	sadd.s32 $0x20, s13;
	s14 =	sor.u32 $0x80, s11;
	v5 =	vld [tilespmem:s8+$0x1B000]  }
0x2ad: {  	p1 =	por !p1, !p1;
	s13 =	sor.u32 $0x80, s13;
	s15 =	sor.u32 $0x80, s15;
	v2 =	vld [tilespmem:s14+$0x1B000];
	[tilespmem:s12+$0x0] =	vst v10  }
0x2ae: {  	s11 =	simm.s32 $0x80;
	v6 =	vadd.f32 v6, v8;
	v7 =	vadd.f32 v7, v9;
	s8 =	simm.s32 $0x4;
	s12 =	simm.s32 $0xC840;
	[tilespmem:s6+$0xC830] =	vst v3;
	v3 =	vld [tilespmem:s15+$0x1B000]  }
.LBB2_38:
0x2af: {  	s14 =	simm.s32 $0x1  }
0x2b0: {  	s8 =	sadd.s32 $0x4, s8;
	v8 =	vld [tilespmem:s13+$0x1B000];
	[tilespmem:s6+$0xC810] =	vst v6;
	v6 =	vmov v1;
	s11 =	sadd.s32 $0x80, s11;
	s14 =	simm.s32 @!p1 $0x0  }
0x2b1: {  	s7 =	sadd.s32 $0x40, s7;
	p2 =	slt.u32 s8, $0xC4;
	s13 =	sshll.u32 s14, $0x6;
	v9 =	vld [tilespmem:s5+$0xC810];
	[tilespmem:s6+$0xC820] =	vst v7  }
0x2b2: {  	s9 =	sadd.s32 $0x40, s9;
	v5 =	vadd.f32 v5, v4;
	s14 =	sand.u32 $0xFC0, s7;
	s6 =	sadd.s32 s13, s11;
	v7 =	vld [tilespmem:s5+$0xC820]  }
.Ltmp20:
0x2b3: {  	v1 =	vld [tilespmem:s9+$0x0];
	s13 =	sadd.s32 $0x10, s6;
	s15 =	sadd.s32 $0x30, s6;
	(pc) =	sbr.rel @p2 .LBB2_38-.Ltmp20, $4  }
0x2b4: {  	s17 =	sadd.s32 $0x20, s6;
	s16 =	sor.u32 $0x80, s13;
	v4 =	vld [tilespmem:s14+$0xC830];
	s15 =	sor.u32 $0x80, s15;
	[tilespmem:s5+$0xC830] =	vst v5  }
0x2b5: {  	s13 =	sor.u32 $0x80, s6;
	s17 =	sor.u32 $0x80, s17;
	v8 =	vadd.f32 v8, v6;
	s6 =	smov.u32 s5;
	v5 =	vld [tilespmem:s15+$0x1B000]  }
0x2b6: {  	s5 =	smov.u32 s14;
	v6 =	vadd.f32 v2, v9;
	v2 =	vld [tilespmem:s16+$0x1B000]  }
0x2b7: {  	p1 =	por !p1, !p1;
	[tilespmem:s12+$0x0] =	vst v8;
	v7 =	vadd.f32 v3, v7;
	v3 =	vld [tilespmem:s17+$0x1B000];
	s12 =	smov.u32 s9  }
0x2b8: {  	v8 =	vld [tilespmem:s13+$0x1B000]  }
0x2b9: {  	v9 =	vld [tilespmem:s5+$0xC810]  }
0x2ba: {  	v10 =	vld [tilespmem:s5+$0xC820];
	_ =	sdelay $0x1  }
0x2bb: {  	[tilespmem:s6+$0xC810] =	vst v6;
	v4 =	vadd.f32 v5, v4  }
0x2bc: {  	[tilespmem:s6+$0xC820] =	vst v7;
	v1 =	vadd.f32 v8, v1  }
0x2bd: {  	[tilespmem:s5+$0xC830] =	vst v4;
	v2 =	vadd.f32 v2, v9  }
0x2be: {  	[tilespmem:s12+$0x0] =	vst v1;
	v1 =	vadd.f32 v3, v10  }
0x2bf: {  	[tilespmem:s5+$0xC810] =	vst v2  }
0x2c0: {  	[tilespmem:s5+$0xC820] =	vst v1  }
0x2c1: {  	_ =	swait.ge [sflag:s30], $0xC80  }
0x2c2: {  	s7 =	simm.s32 $0x0;
	s6 =	simm.s32 $0x1B080;
	[sflag:s30] =	ssyncset.done $0x0  }
0x2c3: {  	s5 =	simm.s32 $0x0;
	s9 =	rddreg [dreg:$0xd];
	[sflag:s30] =	ssyncadd.s32 $0xFFFFF380  }
.LBB2_40:
0x2c4: {  	p1 =	sne.s32 s7, $0x180  }
.Ltmp21:
0x2c5: {  	_ = 	snop;
	(pc) =	sbr.rel @p1 .LBB2_40-.Ltmp21, $4  }
0x2c6: {  	_ = 	snop  }
0x2c7: {  	s8 =	sadd.s32 s7, s9  }
0x2c8: {  	[tilespmem:s6], [sflag:$0x2] =	stream.linear.gather [hbm4b:s8+s5], $0x80, $0x38;
	[tilespmem:$0x1D000] =	vst v63  }
0x2c9: {  	s7 =	sadd.s32 $0x10, s7;
	s6 =	sadd.s32 $0x100, s6  }
0x2ca: {  	s8 =	simm.s32 $0xC800;
	s6 =	sand.u32 $0x40, s5;
	s7 =	sand.u32 $0xF80, s5  }
0x2cb: {  	s17 =	sand.u32 $0x1F00, s5;
	s7 =	sadd.s32 $0xC800, s7;
	s9 =	sor.u32 $0x30, s6  }
0x2cc: {  	v3 =	vld [tilespmem:s8+$0x0];
	s11 =	sadd.s32 $0x1B000, s17;
	s12 =	sor.u32 s9, s7  }
0x2cd: {  	s5 =	sor.u32 s9, s11;
	v2 =	vld [tilespmem:s12+$0x0]  }
0x2ce: {  	s18 =	sor.u32 $0x10, s6;
	s13 =	sor.u32 s6, s11;
	v4 =	vld [tilespmem:s5+$0x0]  }
0x2cf: {  	s15 =	sor.u32 s18, s7;
	v5 =	vld [tilespmem:s13+$0x0]  }
0x2d0: {  	s16 =	simm.s32 $0x80;
	s6 =	sor.u32 $0x20, s6;
	s9 =	sor.u32 s18, s11;
	v6 =	vld [tilespmem:s15+$0x0]  }
0x2d1: {  	s17 =	simm.s32 $0x40;
	s5 =	sor.u32 s6, s7;
	s19 =	sor.u32 s6, s11;
	v7 =	vld [tilespmem:s9+$0x0]  }
0x2d2: {  	s6 =	simm.s32 $0xC840;
	s13 =	sand.u32 $0x40, s17;
	s11 =	sand.u32 $0xF80, s17;
	v8 =	vld [tilespmem:s5+$0x0]  }
0x2d3: {  	s9 =	sand.u32 $0x1F00, s16;
	s11 =	sadd.s32 $0xC800, s11;
	s14 =	sor.u32 $0x30, s13;
	v9 =	vld [tilespmem:s19+$0x0]  }
0x2d4: {  	v1 =	vld [tilespmem:s6+$0x0];
	s16 =	sadd.s32 $0x1B000, s9;
	s9 =	sor.u32 s14, s11  }
0x2d5: {  	s18 =	sor.u32 s14, s16;
	v10 =	vadd.f32 v4, v2;
	v2 =	vld [tilespmem:s9+$0x0]  }
0x2d6: {  	s19 =	sor.u32 $0x10, s13;
	s17 =	sor.u32 s13, s16;
	v3 =	vadd.f32 v5, v3;
	v4 =	vld [tilespmem:s18+$0x0]  }
0x2d7: {  	s29 =	simm.s32 $0x4;
	s7 =	sor.u32 s19, s11;
	s18 =	sor.u32 $0x20, s13;
	v6 =	vadd.f32 v7, v6;
	v5 =	vld [tilespmem:s17+$0x0];
	[tilespmem:s12+$0x0] =	vst v10  }
0x2d8: {  	s19 =	sor.u32 s19, s16;
	s13 =	sor.u32 s18, s11;
	s14 =	sor.u32 s18, s16;
	[tilespmem:s8+$0x0] =	vst v3;
	v3 =	vld [tilespmem:s7+$0x0]  }
0x2d9: {  	v7 =	vadd.f32 v9, v8;
	s11 =	simm.s32 $0x80;
	[tilespmem:s15+$0x0] =	vst v6;
	v6 =	vld [tilespmem:s19+$0x0];
	s8 =	simm.s32 $0x100;
	s12 =	simm.s32 $0xC880  }
.LBB2_42:
0x2da: {  	s15 =	sand.u32 $0x40, s11;
	s16 =	sand.u32 $0x1F00, s8  }
0x2db: {  	s17 =	sand.u32 $0xF80, s11;
	v8 =	vld [tilespmem:s13+$0x0];
	[tilespmem:s5+$0x0] =	vst v7;
	s5 =	smov.u32 s13;
	s29 =	sadd.s32 $0x4, s29  }
0x2dc: {  	s13 =	sadd.s32 $0xC800, s17;
	s17 =	sor.u32 $0x30, s15;
	v7 =	vld [tilespmem:s14+$0x0];
	v4 =	vadd.f32 v4, v2;
	s14 =	sadd.s32 $0x1B000, s16  }
0x2dd: {  	p1 =	slt.u32 s29, $0xC4;
	s18 =	sor.u32 $0x10, s15;
	s16 =	sor.u32 s17, s13;
	v5 =	vadd.f32 v5, v1;
	v1 =	vld [tilespmem:s12+$0x0]  }
.Ltmp22:
0x2de: {  	s19 =	sor.u32 $0x20, s15;
	s17 =	sor.u32 s17, s14;
	v2 =	vld [tilespmem:s16+$0x0];
	[tilespmem:s9+$0x0] =	vst v4;
	(pc) =	sbr.rel @p1 .LBB2_42-.Ltmp22, $4  }
0x2df: {  	s9 =	sor.u32 s15, s14;
	s15 =	sor.u32 s18, s13;
	s18 =	sor.u32 s18, s14;
	v4 =	vld [tilespmem:s17+$0x0];
	[tilespmem:s6+$0x0] =	vst v5;
	v6 =	vadd.f32 v6, v3  }
0x2e0: {  	s13 =	sor.u32 s19, s13;
	s14 =	sor.u32 s19, s14;
	v5 =	vld [tilespmem:s9+$0x0];
	s9 =	smov.u32 s16  }
0x2e1: {  	s6 =	smov.u32 s12;
	v3 =	vld [tilespmem:s15+$0x0];
	[tilespmem:s7+$0x0] =	vst v6;
	v7 =	vadd.f32 v7, v8;
	s7 =	smov.u32 s15  }
0x2e2: {  	s8 =	sadd.s32 $0x80, s8;
	s11 =	sadd.s32 $0x40, s11;
	s12 =	sadd.s32 $0x40, s12;
	v6 =	vld [tilespmem:s18+$0x0]  }
0x2e3: {  	v8 =	vld [tilespmem:s13+$0x0]  }
0x2e4: {  	v9 =	vld [tilespmem:s14+$0x0];
	_ =	sdelay $0x1  }
0x2e5: {  	v2 =	vadd.f32 v4, v2  }
0x2e6: {  	[tilespmem:s5+$0x0] =	vst v7;
	v1 =	vadd.f32 v5, v1  }
0x2e7: {  	[tilespmem:s9+$0x0] =	vst v2;
	v2 =	vadd.f32 v6, v3  }
0x2e8: {  	[tilespmem:s6+$0x0] =	vst v1;
	v1 =	vadd.f32 v9, v8  }
0x2e9: {  	[tilespmem:s7+$0x0] =	vst v2  }
0x2ea: {  	[tilespmem:s13+$0x0] =	vst v1  }
0x2eb: {  	_ =	swait.ge [sflag:s2], $0xC80  }
0x2ec: {  	s5 =	simm.s32 $0x0;
	s6 =	simm.s32 $0x1B000;
	[sflag:s2] =	ssyncset.done $0x0  }
0x2ed: {  	s7 =	simm.s32 $0x0;
	s9 =	rddreg [dreg:$0xe];
	[sflag:s2] =	ssyncadd.s32 $0xFFFFF380  }
.LBB2_44:
0x2ee: {  	p1 =	sne.s32 s7, $0x180  }
.Ltmp23:
0x2ef: {  	_ = 	snop;
	(pc) =	sbr.rel @p1 .LBB2_44-.Ltmp23, $4  }
0x2f0: {  	_ = 	snop  }
0x2f1: {  	s8 =	sadd.s32 s7, s9  }
0x2f2: {  	[tilespmem:s6], [sflag:$0x1] =	stream.linear.gather [hbm4b:s8+s5], $0x80, $0x38;
	[tilespmem:$0x1D000] =	vst v63  }
0x2f3: {  	s7 =	sadd.s32 $0x10, s7;
	s6 =	sadd.s32 $0x100, s6  }
0x2f4: {  	p1 =	por $0x0, $0x0;
	s6 =	simm.s32 $0x1  }
0x2f5: {  	s6 =	simm.s32 @!p1 $0x0  }
0x2f6: {  	s12 =	simm.s32 $0xC800;
	s6 =	sshll.u32 s6, $0x6  }
0x2f7: {  	v2 =	vld [tilespmem:s12+$0x0];
	s7 =	sadd.s32 $0x0, s6;
	s6 =	sand.u32 $0xFC0, s5  }
0x2f8: {  	s18 =	sadd.s32 $0x30, s7;
	v3 =	vld [tilespmem:s6+$0xC830]  }
0x2f9: {  	s8 =	sadd.s32 $0x10, s7;
	s9 =	sadd.s32 $0x20, s7;
	s7 =	sor.u32 $0x80, s7;
	v8 =	vld [tilespmem:s6+$0xC810]  }
0x2fa: {  	s5 =	sor.u32 $0x80, s18;
	v5 =	vld [tilespmem:s7+$0x1B000]  }
0x2fb: {  	p1 =	por !p1, !p1;
	v4 =	vld [tilespmem:s5+$0x1B000];
	s5 =	simm.s32 $0x1  }
0x2fc: {  	v9 =	vld [tilespmem:s6+$0xC820];
	s8 =	sor.u32 $0x80, s8;
	s5 =	simm.s32 @!p1 $0x0  }
0x2fd: {  	s19 =	sor.u32 $0x80, s9;
	v6 =	vld [tilespmem:s8+$0x1B000];
	s5 =	sshll.u32 s5, $0x6  }
0x2fe: {  	s7 =	simm.s32 $0x40;
	s9 =	simm.s32 $0xC840;
	v7 =	vld [tilespmem:s19+$0x1B000];
	s13 =	sadd.s32 $0x80, s5  }
0x2ff: {  	v1 =	vld [tilespmem:s9+$0x0];
	s5 =	sand.u32 $0xFC0, s7;
	s29 =	sadd.s32 $0x30, s13  }
0x300: {  	s11 =	sadd.s32 $0x10, s13;
	v10 =	vadd.f32 v5, v2;
	v3 =	vadd.f32 v4, v3;
	v4 =	vld [tilespmem:s5+$0xC830];
	s8 =	sor.u32 $0x80, s29  }
0x301: {  	s15 =	sadd.s32 $0x20, s13;
	s14 =	sor.u32 $0x80, s11;
	v5 =	vld [tilespmem:s8+$0x1B000]  }
0x302: {  	p1 =	por !p1, !p1;
	s13 =	sor.u32 $0x80, s13;
	s15 =	sor.u32 $0x80, s15;
	v2 =	vld [tilespmem:s14+$0x1B000];
	[tilespmem:s12+$0x0] =	vst v10  }
0x303: {  	s11 =	simm.s32 $0x80;
	v6 =	vadd.f32 v6, v8;
	v7 =	vadd.f32 v7, v9;
	s8 =	simm.s32 $0x4;
	s12 =	simm.s32 $0xC840;
	[tilespmem:s6+$0xC830] =	vst v3;
	v3 =	vld [tilespmem:s15+$0x1B000]  }
.LBB2_46:
0x304: {  	s14 =	simm.s32 $0x1  }
0x305: {  	s8 =	sadd.s32 $0x4, s8;
	v8 =	vld [tilespmem:s13+$0x1B000];
	[tilespmem:s6+$0xC810] =	vst v6;
	v6 =	vmov v1;
	s11 =	sadd.s32 $0x80, s11;
	s14 =	simm.s32 @!p1 $0x0  }
0x306: {  	s7 =	sadd.s32 $0x40, s7;
	p2 =	slt.u32 s8, $0xC4;
	s13 =	sshll.u32 s14, $0x6;
	v9 =	vld [tilespmem:s5+$0xC810];
	[tilespmem:s6+$0xC820] =	vst v7  }
0x307: {  	s9 =	sadd.s32 $0x40, s9;
	v5 =	vadd.f32 v5, v4;
	s14 =	sand.u32 $0xFC0, s7;
	s6 =	sadd.s32 s13, s11;
	v7 =	vld [tilespmem:s5+$0xC820]  }
.Ltmp24:
0x308: {  	v1 =	vld [tilespmem:s9+$0x0];
	s13 =	sadd.s32 $0x10, s6;
	s15 =	sadd.s32 $0x30, s6;
	(pc) =	sbr.rel @p2 .LBB2_46-.Ltmp24, $4  }
0x309: {  	s17 =	sadd.s32 $0x20, s6;
	s16 =	sor.u32 $0x80, s13;
	v4 =	vld [tilespmem:s14+$0xC830];
	s15 =	sor.u32 $0x80, s15;
	[tilespmem:s5+$0xC830] =	vst v5  }
0x30a: {  	s13 =	sor.u32 $0x80, s6;
	s17 =	sor.u32 $0x80, s17;
	v8 =	vadd.f32 v8, v6;
	s6 =	smov.u32 s5;
	v5 =	vld [tilespmem:s15+$0x1B000]  }
0x30b: {  	s5 =	smov.u32 s14;
	v6 =	vadd.f32 v2, v9;
	v2 =	vld [tilespmem:s16+$0x1B000]  }
0x30c: {  	p1 =	por !p1, !p1;
	[tilespmem:s12+$0x0] =	vst v8;
	v7 =	vadd.f32 v3, v7;
	v3 =	vld [tilespmem:s17+$0x1B000];
	s12 =	smov.u32 s9  }
0x30d: {  	v8 =	vld [tilespmem:s13+$0x1B000]  }
0x30e: {  	v9 =	vld [tilespmem:s5+$0xC810]  }
0x30f: {  	v10 =	vld [tilespmem:s5+$0xC820];
	_ =	sdelay $0x1  }
0x310: {  	[tilespmem:s6+$0xC810] =	vst v6;
	v4 =	vadd.f32 v5, v4  }
0x311: {  	[tilespmem:s6+$0xC820] =	vst v7;
	v1 =	vadd.f32 v8, v1  }
0x312: {  	[tilespmem:s5+$0xC830] =	vst v4;
	v2 =	vadd.f32 v2, v9  }
0x313: {  	[tilespmem:s12+$0x0] =	vst v1;
	v1 =	vadd.f32 v3, v10  }
0x314: {  	[tilespmem:s5+$0xC810] =	vst v2  }
0x315: {  	[tilespmem:s5+$0xC820] =	vst v1  }
0x316: {  	_ =	swait.ge [sflag:s30], $0xC80  }
0x317: {  	s7 =	simm.s32 $0x0;
	s6 =	simm.s32 $0x1B080;
	[sflag:s30] =	ssyncset.done $0x0  }
0x318: {  	s5 =	simm.s32 $0x0;
	s9 =	rddreg [dreg:$0xf];
	[sflag:s30] =	ssyncadd.s32 $0xFFFFF380  }
.LBB2_48:
0x319: {  	p1 =	sne.s32 s7, $0x180  }
.Ltmp25:
0x31a: {  	_ = 	snop;
	(pc) =	sbr.rel @p1 .LBB2_48-.Ltmp25, $4  }
0x31b: {  	_ = 	snop  }
0x31c: {  	s8 =	sadd.s32 s7, s9  }
0x31d: {  	[tilespmem:s6], [sflag:$0x2] =	stream.linear.gather [hbm4b:s8+s5], $0x80, $0x38;
	[tilespmem:$0x1D000] =	vst v63  }
0x31e: {  	s7 =	sadd.s32 $0x10, s7;
	s6 =	sadd.s32 $0x100, s6  }
0x31f: {  	s8 =	simm.s32 $0xC800;
	s6 =	sand.u32 $0x40, s5;
	s7 =	sand.u32 $0xF80, s5  }
0x320: {  	s17 =	sand.u32 $0x1F00, s5;
	s7 =	sadd.s32 $0xC800, s7;
	s9 =	sor.u32 $0x30, s6  }
0x321: {  	v3 =	vld [tilespmem:s8+$0x0];
	s11 =	sadd.s32 $0x1B000, s17;
	s12 =	sor.u32 s9, s7  }
0x322: {  	s5 =	sor.u32 s9, s11;
	v2 =	vld [tilespmem:s12+$0x0]  }
0x323: {  	s18 =	sor.u32 $0x10, s6;
	s13 =	sor.u32 s6, s11;
	v4 =	vld [tilespmem:s5+$0x0]  }
0x324: {  	s15 =	sor.u32 s18, s7;
	v5 =	vld [tilespmem:s13+$0x0]  }
0x325: {  	s16 =	simm.s32 $0x80;
	s6 =	sor.u32 $0x20, s6;
	s9 =	sor.u32 s18, s11;
	v6 =	vld [tilespmem:s15+$0x0]  }
0x326: {  	s17 =	simm.s32 $0x40;
	s5 =	sor.u32 s6, s7;
	s19 =	sor.u32 s6, s11;
	v7 =	vld [tilespmem:s9+$0x0]  }
0x327: {  	s6 =	simm.s32 $0xC840;
	s13 =	sand.u32 $0x40, s17;
	s11 =	sand.u32 $0xF80, s17;
	v8 =	vld [tilespmem:s5+$0x0]  }
0x328: {  	s9 =	sand.u32 $0x1F00, s16;
	s11 =	sadd.s32 $0xC800, s11;
	s14 =	sor.u32 $0x30, s13;
	v9 =	vld [tilespmem:s19+$0x0]  }
0x329: {  	v1 =	vld [tilespmem:s6+$0x0];
	s16 =	sadd.s32 $0x1B000, s9;
	s9 =	sor.u32 s14, s11  }
0x32a: {  	s18 =	sor.u32 s14, s16;
	v10 =	vadd.f32 v4, v2;
	v2 =	vld [tilespmem:s9+$0x0]  }
0x32b: {  	s19 =	sor.u32 $0x10, s13;
	s17 =	sor.u32 s13, s16;
	v3 =	vadd.f32 v5, v3;
	v4 =	vld [tilespmem:s18+$0x0]  }
0x32c: {  	s29 =	simm.s32 $0x4;
	s7 =	sor.u32 s19, s11;
	s18 =	sor.u32 $0x20, s13;
	v6 =	vadd.f32 v7, v6;
	v5 =	vld [tilespmem:s17+$0x0];
	[tilespmem:s12+$0x0] =	vst v10  }
0x32d: {  	s19 =	sor.u32 s19, s16;
	s13 =	sor.u32 s18, s11;
	s14 =	sor.u32 s18, s16;
	[tilespmem:s8+$0x0] =	vst v3;
	v3 =	vld [tilespmem:s7+$0x0]  }
0x32e: {  	v7 =	vadd.f32 v9, v8;
	s11 =	simm.s32 $0x80;
	[tilespmem:s15+$0x0] =	vst v6;
	v6 =	vld [tilespmem:s19+$0x0];
	s8 =	simm.s32 $0x100;
	s12 =	simm.s32 $0xC880  }
.LBB2_50:
0x32f: {  	s15 =	sand.u32 $0x40, s11;
	s16 =	sand.u32 $0x1F00, s8  }
0x330: {  	s17 =	sand.u32 $0xF80, s11;
	v8 =	vld [tilespmem:s13+$0x0];
	[tilespmem:s5+$0x0] =	vst v7;
	s5 =	smov.u32 s13;
	s29 =	sadd.s32 $0x4, s29  }
0x331: {  	s13 =	sadd.s32 $0xC800, s17;
	s17 =	sor.u32 $0x30, s15;
	v7 =	vld [tilespmem:s14+$0x0];
	v4 =	vadd.f32 v4, v2;
	s14 =	sadd.s32 $0x1B000, s16  }
0x332: {  	p1 =	slt.u32 s29, $0xC4;
	s18 =	sor.u32 $0x10, s15;
	s16 =	sor.u32 s17, s13;
	v5 =	vadd.f32 v5, v1;
	v1 =	vld [tilespmem:s12+$0x0]  }
.Ltmp26:
0x333: {  	s19 =	sor.u32 $0x20, s15;
	s17 =	sor.u32 s17, s14;
	v2 =	vld [tilespmem:s16+$0x0];
	[tilespmem:s9+$0x0] =	vst v4;
	(pc) =	sbr.rel @p1 .LBB2_50-.Ltmp26, $4  }
0x334: {  	s9 =	sor.u32 s15, s14;
	s15 =	sor.u32 s18, s13;
	s18 =	sor.u32 s18, s14;
	v4 =	vld [tilespmem:s17+$0x0];
	[tilespmem:s6+$0x0] =	vst v5;
	v6 =	vadd.f32 v6, v3  }
0x335: {  	s13 =	sor.u32 s19, s13;
	s14 =	sor.u32 s19, s14;
	v5 =	vld [tilespmem:s9+$0x0];
	s9 =	smov.u32 s16  }
0x336: {  	s6 =	smov.u32 s12;
	v3 =	vld [tilespmem:s15+$0x0];
	[tilespmem:s7+$0x0] =	vst v6;
	v7 =	vadd.f32 v7, v8;
	s7 =	smov.u32 s15  }
0x337: {  	s8 =	sadd.s32 $0x80, s8;
	s11 =	sadd.s32 $0x40, s11;
	s12 =	sadd.s32 $0x40, s12;
	v6 =	vld [tilespmem:s18+$0x0]  }
0x338: {  	v8 =	vld [tilespmem:s13+$0x0]  }
0x339: {  	v9 =	vld [tilespmem:s14+$0x0];
	_ =	sdelay $0x1  }
0x33a: {  	v2 =	vadd.f32 v4, v2  }
0x33b: {  	[tilespmem:s5+$0x0] =	vst v7;
	v1 =	vadd.f32 v5, v1  }
0x33c: {  	[tilespmem:s9+$0x0] =	vst v2;
	v2 =	vadd.f32 v6, v3  }
0x33d: {  	[tilespmem:s6+$0x0] =	vst v1;
	v1 =	vadd.f32 v9, v8  }
0x33e: {  	[tilespmem:s7+$0x0] =	vst v2  }
0x33f: {  	[tilespmem:s13+$0x0] =	vst v1  }
0x340: {  	_ =	swait.ge [sflag:s2], $0xC80  }
0x341: {  	s5 =	simm.s32 $0x0;
	[sflag:s2] =	ssyncset.done $0x0  }
0x342: {  	s6 =	simm.s32 $0x1B000;
	s7 =	simm.s32 $0x0;
	[sflag:s2] =	ssyncadd.s32 $0xFFFFF380  }
.LBB2_52:
0x343: {  	p1 =	sne.s32 s7, $0x180  }
.Ltmp27:
0x344: {  	_ = 	snop;
	(pc) =	sbr.rel @p1 .LBB2_52-.Ltmp27, $4  }
0x345: {  	_ = 	snop  }
0x346: {  	s8 =	sadd.s32 s7, s21  }
0x347: {  	[tilespmem:s6], [sflag:$0x1] =	stream.linear.gather [hbm4b:s8+s5], $0x80, $0x38;
	[tilespmem:$0x1D000] =	vst v63  }
0x348: {  	s7 =	sadd.s32 $0x10, s7;
	s6 =	sadd.s32 $0x100, s6  }
0x349: {  	p1 =	por $0x0, $0x0;
	s6 =	simm.s32 $0x1  }
0x34a: {  	s6 =	simm.s32 @!p1 $0x0  }
0x34b: {  	s12 =	simm.s32 $0xC800;
	s6 =	sshll.u32 s6, $0x6  }
0x34c: {  	v2 =	vld [tilespmem:s12+$0x0];
	s7 =	sadd.s32 $0x0, s6;
	s6 =	sand.u32 $0xFC0, s5  }
0x34d: {  	s19 =	sadd.s32 $0x30, s7;
	v3 =	vld [tilespmem:s6+$0xC830]  }
0x34e: {  	s8 =	sadd.s32 $0x10, s7;
	s9 =	sadd.s32 $0x20, s7;
	s7 =	sor.u32 $0x80, s7;
	v8 =	vld [tilespmem:s6+$0xC810]  }
0x34f: {  	s5 =	sor.u32 $0x80, s19;
	v5 =	vld [tilespmem:s7+$0x1B000]  }
0x350: {  	p1 =	por !p1, !p1;
	v4 =	vld [tilespmem:s5+$0x1B000];
	s5 =	simm.s32 $0x1  }
0x351: {  	v9 =	vld [tilespmem:s6+$0xC820];
	s8 =	sor.u32 $0x80, s8;
	s5 =	simm.s32 @!p1 $0x0  }
0x352: {  	s21 =	sor.u32 $0x80, s9;
	v6 =	vld [tilespmem:s8+$0x1B000];
	s5 =	sshll.u32 s5, $0x6  }
0x353: {  	s7 =	simm.s32 $0x40;
	s9 =	simm.s32 $0xC840;
	v7 =	vld [tilespmem:s21+$0x1B000];
	s13 =	sadd.s32 $0x80, s5  }
0x354: {  	v1 =	vld [tilespmem:s9+$0x0];
	s5 =	sand.u32 $0xFC0, s7;
	s29 =	sadd.s32 $0x30, s13  }
0x355: {  	s11 =	sadd.s32 $0x10, s13;
	v10 =	vadd.f32 v5, v2;
	v3 =	vadd.f32 v4, v3;
	v4 =	vld [tilespmem:s5+$0xC830];
	s8 =	sor.u32 $0x80, s29  }
0x356: {  	s15 =	sadd.s32 $0x20, s13;
	s14 =	sor.u32 $0x80, s11;
	v5 =	vld [tilespmem:s8+$0x1B000]  }
0x357: {  	p1 =	por !p1, !p1;
	s13 =	sor.u32 $0x80, s13;
	s15 =	sor.u32 $0x80, s15;
	v2 =	vld [tilespmem:s14+$0x1B000];
	[tilespmem:s12+$0x0] =	vst v10  }
0x358: {  	s11 =	simm.s32 $0x80;
	v6 =	vadd.f32 v6, v8;
	v7 =	vadd.f32 v7, v9;
	s8 =	simm.s32 $0x4;
	s12 =	simm.s32 $0xC840;
	[tilespmem:s6+$0xC830] =	vst v3;
	v3 =	vld [tilespmem:s15+$0x1B000]  }
.LBB2_54:
0x359: {  	s14 =	simm.s32 $0x1  }
0x35a: {  	s8 =	sadd.s32 $0x4, s8;
	v8 =	vld [tilespmem:s13+$0x1B000];
	[tilespmem:s6+$0xC810] =	vst v6;
	v6 =	vmov v1;
	s11 =	sadd.s32 $0x80, s11;
	s14 =	simm.s32 @!p1 $0x0  }
0x35b: {  	s7 =	sadd.s32 $0x40, s7;
	p2 =	slt.u32 s8, $0xC4;
	s13 =	sshll.u32 s14, $0x6;
	v9 =	vld [tilespmem:s5+$0xC810];
	[tilespmem:s6+$0xC820] =	vst v7  }
0x35c: {  	s9 =	sadd.s32 $0x40, s9;
	v5 =	vadd.f32 v5, v4;
	s14 =	sand.u32 $0xFC0, s7;
	s6 =	sadd.s32 s13, s11;
	v7 =	vld [tilespmem:s5+$0xC820]  }
.Ltmp28:
0x35d: {  	v1 =	vld [tilespmem:s9+$0x0];
	s13 =	sadd.s32 $0x10, s6;
	s15 =	sadd.s32 $0x30, s6;
	(pc) =	sbr.rel @p2 .LBB2_54-.Ltmp28, $4  }
0x35e: {  	s17 =	sadd.s32 $0x20, s6;
	s16 =	sor.u32 $0x80, s13;
	v4 =	vld [tilespmem:s14+$0xC830];
	s15 =	sor.u32 $0x80, s15;
	[tilespmem:s5+$0xC830] =	vst v5  }
0x35f: {  	s13 =	sor.u32 $0x80, s6;
	s17 =	sor.u32 $0x80, s17;
	v8 =	vadd.f32 v8, v6;
	s6 =	smov.u32 s5;
	v5 =	vld [tilespmem:s15+$0x1B000]  }
0x360: {  	s5 =	smov.u32 s14;
	v6 =	vadd.f32 v2, v9;
	v2 =	vld [tilespmem:s16+$0x1B000]  }
0x361: {  	p1 =	por !p1, !p1;
	[tilespmem:s12+$0x0] =	vst v8;
	v7 =	vadd.f32 v3, v7;
	v3 =	vld [tilespmem:s17+$0x1B000];
	s12 =	smov.u32 s9  }
0x362: {  	v8 =	vld [tilespmem:s13+$0x1B000]  }
0x363: {  	v9 =	vld [tilespmem:s5+$0xC810]  }
0x364: {  	v10 =	vld [tilespmem:s5+$0xC820];
	_ =	sdelay $0x1  }
0x365: {  	[tilespmem:s6+$0xC810] =	vst v6;
	v4 =	vadd.f32 v5, v4  }
0x366: {  	[tilespmem:s6+$0xC820] =	vst v7;
	v1 =	vadd.f32 v8, v1  }
0x367: {  	[tilespmem:s5+$0xC830] =	vst v4;
	v2 =	vadd.f32 v2, v9  }
0x368: {  	[tilespmem:s12+$0x0] =	vst v1;
	v1 =	vadd.f32 v3, v10  }
0x369: {  	[tilespmem:s5+$0xC810] =	vst v2  }
0x36a: {  	[tilespmem:s5+$0xC820] =	vst v1  }
0x36b: {  	_ =	swait.ge [sflag:s30], $0xC80  }
0x36c: {  	s7 =	simm.s32 $0x0;
	[sflag:s30] =	ssyncset.done $0x0  }
0x36d: {  	s6 =	simm.s32 $0x1B080;
	s5 =	simm.s32 $0x0;
	[sflag:s30] =	ssyncadd.s32 $0xFFFFF380  }
.LBB2_56:
0x36e: {  	p1 =	sne.s32 s7, $0x180  }
.Ltmp29:
0x36f: {  	_ = 	snop;
	(pc) =	sbr.rel @p1 .LBB2_56-.Ltmp29, $4  }
0x370: {  	_ = 	snop  }
0x371: {  	s8 =	sadd.s32 s7, s23  }
0x372: {  	[tilespmem:s6], [sflag:$0x2] =	stream.linear.gather [hbm4b:s8+s5], $0x80, $0x38;
	[tilespmem:$0x1D000] =	vst v63  }
0x373: {  	s7 =	sadd.s32 $0x10, s7;
	s6 =	sadd.s32 $0x100, s6  }
0x374: {  	s8 =	simm.s32 $0xC800;
	s6 =	sand.u32 $0x40, s5;
	s7 =	sand.u32 $0xF80, s5  }
0x375: {  	s15 =	sand.u32 $0x1F00, s5;
	s7 =	sadd.s32 $0xC800, s7;
	s9 =	sor.u32 $0x30, s6  }
0x376: {  	v3 =	vld [tilespmem:s8+$0x0];
	s11 =	sadd.s32 $0x1B000, s15;
	s12 =	sor.u32 s9, s7  }
0x377: {  	s5 =	sor.u32 s9, s11;
	v2 =	vld [tilespmem:s12+$0x0]  }
0x378: {  	s16 =	sor.u32 $0x10, s6;
	s13 =	sor.u32 s6, s11;
	v4 =	vld [tilespmem:s5+$0x0]  }
0x379: {  	s15 =	sor.u32 s16, s7;
	v5 =	vld [tilespmem:s13+$0x0]  }
0x37a: {  	s19 =	simm.s32 $0x40;
	s6 =	sor.u32 $0x20, s6;
	s9 =	sor.u32 s16, s11;
	v6 =	vld [tilespmem:s15+$0x0]  }
0x37b: {  	s18 =	simm.s32 $0x80;
	s21 =	sand.u32 $0x40, s19;
	s5 =	sor.u32 s6, s7;
	v7 =	vld [tilespmem:s9+$0x0]  }
0x37c: {  	s14 =	sor.u32 $0x30, s21;
	s17 =	sor.u32 s6, s11;
	s11 =	sand.u32 $0xF80, s19;
	v8 =	vld [tilespmem:s5+$0x0]  }
0x37d: {  	s6 =	simm.s32 $0xC840;
	s9 =	sand.u32 $0x1F00, s18;
	s11 =	sadd.s32 $0xC800, s11;
	v9 =	vld [tilespmem:s17+$0x0]  }
0x37e: {  	v1 =	vld [tilespmem:s6+$0x0];
	s16 =	sadd.s32 $0x1B000, s9;
	s9 =	sor.u32 s14, s11  }
0x37f: {  	s14 =	sor.u32 s14, s16;
	v10 =	vadd.f32 v4, v2;
	v2 =	vld [tilespmem:s9+$0x0]  }
0x380: {  	s18 =	sor.u32 $0x10, s21;
	s17 =	sor.u32 s21, s16;
	v3 =	vadd.f32 v5, v3;
	v4 =	vld [tilespmem:s14+$0x0]  }
0x381: {  	s29 =	simm.s32 $0x4;
	s19 =	sor.u32 $0x20, s21;
	s7 =	sor.u32 s18, s11;
	v6 =	vadd.f32 v7, v6;
	v5 =	vld [tilespmem:s17+$0x0];
	[tilespmem:s12+$0x0] =	vst v10  }
0x382: {  	s21 =	sor.u32 s18, s16;
	s13 =	sor.u32 s19, s11;
	s11 =	simm.s32 $0x80;
	[tilespmem:s8+$0x0] =	vst v3;
	v3 =	vld [tilespmem:s7+$0x0]  }
0x383: {  	s14 =	sor.u32 s19, s16;
	v7 =	vadd.f32 v9, v8;
	[tilespmem:s15+$0x0] =	vst v6;
	v6 =	vld [tilespmem:s21+$0x0];
	s8 =	simm.s32 $0x100;
	s12 =	simm.s32 $0xC880  }
.LBB2_58:
0x384: {  	s15 =	sand.u32 $0x40, s11;
	s16 =	sand.u32 $0x1F00, s8  }
0x385: {  	s17 =	sand.u32 $0xF80, s11;
	v8 =	vld [tilespmem:s13+$0x0];
	[tilespmem:s5+$0x0] =	vst v7;
	s5 =	smov.u32 s13;
	s29 =	sadd.s32 $0x4, s29  }
0x386: {  	s13 =	sadd.s32 $0xC800, s17;
	s17 =	sor.u32 $0x30, s15;
	v7 =	vld [tilespmem:s14+$0x0];
	v4 =	vadd.f32 v4, v2;
	s14 =	sadd.s32 $0x1B000, s16  }
0x387: {  	p1 =	slt.u32 s29, $0xC4;
	s18 =	sor.u32 $0x10, s15;
	s16 =	sor.u32 s17, s13;
	v5 =	vadd.f32 v5, v1;
	v1 =	vld [tilespmem:s12+$0x0]  }
.Ltmp30:
0x388: {  	s19 =	sor.u32 $0x20, s15;
	s17 =	sor.u32 s17, s14;
	v2 =	vld [tilespmem:s16+$0x0];
	[tilespmem:s9+$0x0] =	vst v4;
	(pc) =	sbr.rel @p1 .LBB2_58-.Ltmp30, $4  }
0x389: {  	s9 =	sor.u32 s15, s14;
	s15 =	sor.u32 s18, s13;
	s18 =	sor.u32 s18, s14;
	v4 =	vld [tilespmem:s17+$0x0];
	[tilespmem:s6+$0x0] =	vst v5;
	v6 =	vadd.f32 v6, v3  }
0x38a: {  	s13 =	sor.u32 s19, s13;
	s14 =	sor.u32 s19, s14;
	v5 =	vld [tilespmem:s9+$0x0];
	s9 =	smov.u32 s16  }
0x38b: {  	s6 =	smov.u32 s12;
	v3 =	vld [tilespmem:s15+$0x0];
	[tilespmem:s7+$0x0] =	vst v6;
	v7 =	vadd.f32 v7, v8;
	s7 =	smov.u32 s15  }
0x38c: {  	s8 =	sadd.s32 $0x80, s8;
	s11 =	sadd.s32 $0x40, s11;
	s12 =	sadd.s32 $0x40, s12;
	v6 =	vld [tilespmem:s18+$0x0]  }
0x38d: {  	v8 =	vld [tilespmem:s13+$0x0]  }
0x38e: {  	v9 =	vld [tilespmem:s14+$0x0];
	_ =	sdelay $0x1  }
0x38f: {  	v2 =	vadd.f32 v4, v2  }
0x390: {  	[tilespmem:s5+$0x0] =	vst v7;
	v1 =	vadd.f32 v5, v1  }
0x391: {  	[tilespmem:s9+$0x0] =	vst v2;
	v2 =	vadd.f32 v6, v3  }
0x392: {  	[tilespmem:s6+$0x0] =	vst v1;
	v1 =	vadd.f32 v9, v8  }
0x393: {  	[tilespmem:s7+$0x0] =	vst v2  }
0x394: {  	[tilespmem:s13+$0x0] =	vst v1  }
0x395: {  	_ =	swait.ge [sflag:s2], $0xC80  }
0x396: {  	s5 =	simm.s32 $0x0;
	[sflag:s2] =	ssyncset.done $0x0  }
0x397: {  	s6 =	simm.s32 $0x1B000;
	s7 =	simm.s32 $0x0;
	[sflag:s2] =	ssyncadd.s32 $0xFFFFF380  }
.LBB2_60:
0x398: {  	p1 =	sne.s32 s7, $0x180  }
.Ltmp31:
0x399: {  	_ = 	snop;
	(pc) =	sbr.rel @p1 .LBB2_60-.Ltmp31, $4  }
0x39a: {  	_ = 	snop  }
0x39b: {  	s8 =	sadd.s32 s7, s24  }
0x39c: {  	[tilespmem:s6], [sflag:$0x1] =	stream.linear.gather [hbm4b:s8+s5], $0x80, $0x38;
	[tilespmem:$0x1D000] =	vst v63  }
0x39d: {  	s7 =	sadd.s32 $0x10, s7;
	s6 =	sadd.s32 $0x100, s6  }
0x39e: {  	p1 =	por $0x0, $0x0;
	s6 =	simm.s32 $0x1  }
0x39f: {  	s6 =	simm.s32 @!p1 $0x0  }
0x3a0: {  	s12 =	simm.s32 $0xC800;
	s6 =	sshll.u32 s6, $0x6  }
0x3a1: {  	v2 =	vld [tilespmem:s12+$0x0];
	s7 =	sadd.s32 $0x0, s6;
	s6 =	sand.u32 $0xFC0, s5  }
0x3a2: {  	s19 =	sadd.s32 $0x30, s7;
	v3 =	vld [tilespmem:s6+$0xC830]  }
0x3a3: {  	s8 =	sadd.s32 $0x10, s7;
	s9 =	sadd.s32 $0x20, s7;
	s7 =	sor.u32 $0x80, s7;
	v8 =	vld [tilespmem:s6+$0xC810]  }
0x3a4: {  	s5 =	sor.u32 $0x80, s19;
	v5 =	vld [tilespmem:s7+$0x1B000]  }
0x3a5: {  	p1 =	por !p1, !p1;
	v4 =	vld [tilespmem:s5+$0x1B000];
	s5 =	simm.s32 $0x1  }
0x3a6: {  	v9 =	vld [tilespmem:s6+$0xC820];
	s8 =	sor.u32 $0x80, s8;
	s5 =	simm.s32 @!p1 $0x0  }
0x3a7: {  	s21 =	sor.u32 $0x80, s9;
	v6 =	vld [tilespmem:s8+$0x1B000];
	s5 =	sshll.u32 s5, $0x6  }
0x3a8: {  	s7 =	simm.s32 $0x40;
	s9 =	simm.s32 $0xC840;
	v7 =	vld [tilespmem:s21+$0x1B000];
	s13 =	sadd.s32 $0x80, s5  }
0x3a9: {  	v1 =	vld [tilespmem:s9+$0x0];
	s5 =	sand.u32 $0xFC0, s7;
	s29 =	sadd.s32 $0x30, s13  }
0x3aa: {  	s11 =	sadd.s32 $0x10, s13;
	v10 =	vadd.f32 v5, v2;
	v3 =	vadd.f32 v4, v3;
	v4 =	vld [tilespmem:s5+$0xC830];
	s8 =	sor.u32 $0x80, s29  }
0x3ab: {  	s15 =	sadd.s32 $0x20, s13;
	s14 =	sor.u32 $0x80, s11;
	v5 =	vld [tilespmem:s8+$0x1B000]  }
0x3ac: {  	p1 =	por !p1, !p1;
	s13 =	sor.u32 $0x80, s13;
	s15 =	sor.u32 $0x80, s15;
	v2 =	vld [tilespmem:s14+$0x1B000];
	[tilespmem:s12+$0x0] =	vst v10  }
0x3ad: {  	s11 =	simm.s32 $0x80;
	v6 =	vadd.f32 v6, v8;
	v7 =	vadd.f32 v7, v9;
	s8 =	simm.s32 $0x4;
	s12 =	simm.s32 $0xC840;
	[tilespmem:s6+$0xC830] =	vst v3;
	v3 =	vld [tilespmem:s15+$0x1B000]  }
.LBB2_62:
0x3ae: {  	s14 =	simm.s32 $0x1  }
0x3af: {  	s8 =	sadd.s32 $0x4, s8;
	v8 =	vld [tilespmem:s13+$0x1B000];
	[tilespmem:s6+$0xC810] =	vst v6;
	v6 =	vmov v1;
	s11 =	sadd.s32 $0x80, s11;
	s14 =	simm.s32 @!p1 $0x0  }
0x3b0: {  	s7 =	sadd.s32 $0x40, s7;
	p2 =	slt.u32 s8, $0xC4;
	s13 =	sshll.u32 s14, $0x6;
	v9 =	vld [tilespmem:s5+$0xC810];
	[tilespmem:s6+$0xC820] =	vst v7  }
0x3b1: {  	s9 =	sadd.s32 $0x40, s9;
	v5 =	vadd.f32 v5, v4;
	s14 =	sand.u32 $0xFC0, s7;
	s6 =	sadd.s32 s13, s11;
	v7 =	vld [tilespmem:s5+$0xC820]  }
.Ltmp32:
0x3b2: {  	v1 =	vld [tilespmem:s9+$0x0];
	s13 =	sadd.s32 $0x10, s6;
	s15 =	sadd.s32 $0x30, s6;
	(pc) =	sbr.rel @p2 .LBB2_62-.Ltmp32, $4  }
0x3b3: {  	s17 =	sadd.s32 $0x20, s6;
	s16 =	sor.u32 $0x80, s13;
	v4 =	vld [tilespmem:s14+$0xC830];
	s15 =	sor.u32 $0x80, s15;
	[tilespmem:s5+$0xC830] =	vst v5  }
0x3b4: {  	s13 =	sor.u32 $0x80, s6;
	s17 =	sor.u32 $0x80, s17;
	v8 =	vadd.f32 v8, v6;
	s6 =	smov.u32 s5;
	v5 =	vld [tilespmem:s15+$0x1B000]  }
0x3b5: {  	s5 =	smov.u32 s14;
	v6 =	vadd.f32 v2, v9;
	v2 =	vld [tilespmem:s16+$0x1B000]  }
0x3b6: {  	p1 =	por !p1, !p1;
	[tilespmem:s12+$0x0] =	vst v8;
	v7 =	vadd.f32 v3, v7;
	v3 =	vld [tilespmem:s17+$0x1B000];
	s12 =	smov.u32 s9  }
0x3b7: {  	v8 =	vld [tilespmem:s13+$0x1B000]  }
0x3b8: {  	v9 =	vld [tilespmem:s5+$0xC810]  }
0x3b9: {  	v10 =	vld [tilespmem:s5+$0xC820];
	_ =	sdelay $0x1  }
0x3ba: {  	[tilespmem:s6+$0xC810] =	vst v6;
	v4 =	vadd.f32 v5, v4  }
0x3bb: {  	[tilespmem:s6+$0xC820] =	vst v7;
	v1 =	vadd.f32 v8, v1  }
0x3bc: {  	[tilespmem:s5+$0xC830] =	vst v4;
	v2 =	vadd.f32 v2, v9  }
0x3bd: {  	[tilespmem:s12+$0x0] =	vst v1;
	v1 =	vadd.f32 v3, v10  }
0x3be: {  	[tilespmem:s5+$0xC810] =	vst v2  }
0x3bf: {  	[tilespmem:s5+$0xC820] =	vst v1  }
0x3c0: {  	_ =	swait.ge [sflag:s30], $0xC80  }
0x3c1: {  	s7 =	simm.s32 $0x0;
	[sflag:s30] =	ssyncset.done $0x0  }
0x3c2: {  	s6 =	simm.s32 $0x1B080;
	s5 =	simm.s32 $0x0;
	[sflag:s30] =	ssyncadd.s32 $0xFFFFF380  }
.LBB2_64:
0x3c3: {  	p1 =	sne.s32 s7, $0x180  }
.Ltmp33:
0x3c4: {  	_ = 	snop;
	(pc) =	sbr.rel @p1 .LBB2_64-.Ltmp33, $4  }
0x3c5: {  	_ = 	snop  }
0x3c6: {  	s8 =	sadd.s32 s7, s25  }
0x3c7: {  	[tilespmem:s6], [sflag:$0x2] =	stream.linear.gather [hbm4b:s8+s5], $0x80, $0x38;
	[tilespmem:$0x1D000] =	vst v63  }
0x3c8: {  	s7 =	sadd.s32 $0x10, s7;
	s6 =	sadd.s32 $0x100, s6  }
0x3c9: {  	s8 =	simm.s32 $0xC800;
	s6 =	sand.u32 $0x40, s5;
	s7 =	sand.u32 $0xF80, s5  }
0x3ca: {  	s15 =	sand.u32 $0x1F00, s5;
	s7 =	sadd.s32 $0xC800, s7;
	s9 =	sor.u32 $0x30, s6  }
0x3cb: {  	v3 =	vld [tilespmem:s8+$0x0];
	s11 =	sadd.s32 $0x1B000, s15;
	s12 =	sor.u32 s9, s7  }
0x3cc: {  	s5 =	sor.u32 s9, s11;
	v2 =	vld [tilespmem:s12+$0x0]  }
0x3cd: {  	s16 =	sor.u32 $0x10, s6;
	s13 =	sor.u32 s6, s11;
	v4 =	vld [tilespmem:s5+$0x0]  }
0x3ce: {  	s15 =	sor.u32 s16, s7;
	v5 =	vld [tilespmem:s13+$0x0]  }
0x3cf: {  	s19 =	simm.s32 $0x40;
	s6 =	sor.u32 $0x20, s6;
	s9 =	sor.u32 s16, s11;
	v6 =	vld [tilespmem:s15+$0x0]  }
0x3d0: {  	s18 =	simm.s32 $0x80;
	s21 =	sand.u32 $0x40, s19;
	s5 =	sor.u32 s6, s7;
	v7 =	vld [tilespmem:s9+$0x0]  }
0x3d1: {  	s14 =	sor.u32 $0x30, s21;
	s17 =	sor.u32 s6, s11;
	s11 =	sand.u32 $0xF80, s19;
	v8 =	vld [tilespmem:s5+$0x0]  }
0x3d2: {  	s6 =	simm.s32 $0xC840;
	s9 =	sand.u32 $0x1F00, s18;
	s11 =	sadd.s32 $0xC800, s11;
	v9 =	vld [tilespmem:s17+$0x0]  }
0x3d3: {  	v1 =	vld [tilespmem:s6+$0x0];
	s16 =	sadd.s32 $0x1B000, s9;
	s9 =	sor.u32 s14, s11  }
0x3d4: {  	s14 =	sor.u32 s14, s16;
	v10 =	vadd.f32 v4, v2;
	v2 =	vld [tilespmem:s9+$0x0]  }
0x3d5: {  	s18 =	sor.u32 $0x10, s21;
	s17 =	sor.u32 s21, s16;
	v3 =	vadd.f32 v5, v3;
	v4 =	vld [tilespmem:s14+$0x0]  }
0x3d6: {  	s29 =	simm.s32 $0x4;
	s19 =	sor.u32 $0x20, s21;
	s7 =	sor.u32 s18, s11;
	v6 =	vadd.f32 v7, v6;
	v5 =	vld [tilespmem:s17+$0x0];
	[tilespmem:s12+$0x0] =	vst v10  }
0x3d7: {  	s21 =	sor.u32 s18, s16;
	s13 =	sor.u32 s19, s11;
	s11 =	simm.s32 $0x80;
	[tilespmem:s8+$0x0] =	vst v3;
	v3 =	vld [tilespmem:s7+$0x0]  }
0x3d8: {  	s14 =	sor.u32 s19, s16;
	v7 =	vadd.f32 v9, v8;
	[tilespmem:s15+$0x0] =	vst v6;
	v6 =	vld [tilespmem:s21+$0x0];
	s8 =	simm.s32 $0x100;
	s12 =	simm.s32 $0xC880  }
.LBB2_66:
0x3d9: {  	s15 =	sand.u32 $0x40, s11;
	s16 =	sand.u32 $0x1F00, s8  }
0x3da: {  	s17 =	sand.u32 $0xF80, s11;
	v8 =	vld [tilespmem:s13+$0x0];
	[tilespmem:s5+$0x0] =	vst v7;
	s5 =	smov.u32 s13;
	s29 =	sadd.s32 $0x4, s29  }
0x3db: {  	s13 =	sadd.s32 $0xC800, s17;
	s17 =	sor.u32 $0x30, s15;
	v7 =	vld [tilespmem:s14+$0x0];
	v4 =	vadd.f32 v4, v2;
	s14 =	sadd.s32 $0x1B000, s16  }
0x3dc: {  	p1 =	slt.u32 s29, $0xC4;
	s18 =	sor.u32 $0x10, s15;
	s16 =	sor.u32 s17, s13;
	v5 =	vadd.f32 v5, v1;
	v1 =	vld [tilespmem:s12+$0x0]  }
.Ltmp34:
0x3dd: {  	s19 =	sor.u32 $0x20, s15;
	s17 =	sor.u32 s17, s14;
	v2 =	vld [tilespmem:s16+$0x0];
	[tilespmem:s9+$0x0] =	vst v4;
	(pc) =	sbr.rel @p1 .LBB2_66-.Ltmp34, $4  }
0x3de: {  	s9 =	sor.u32 s15, s14;
	s15 =	sor.u32 s18, s13;
	s18 =	sor.u32 s18, s14;
	v4 =	vld [tilespmem:s17+$0x0];
	[tilespmem:s6+$0x0] =	vst v5;
	v6 =	vadd.f32 v6, v3  }
0x3df: {  	s13 =	sor.u32 s19, s13;
	s14 =	sor.u32 s19, s14;
	v5 =	vld [tilespmem:s9+$0x0];
	s9 =	smov.u32 s16  }
0x3e0: {  	s6 =	smov.u32 s12;
	v3 =	vld [tilespmem:s15+$0x0];
	[tilespmem:s7+$0x0] =	vst v6;
	v7 =	vadd.f32 v7, v8;
	s7 =	smov.u32 s15  }
0x3e1: {  	s8 =	sadd.s32 $0x80, s8;
	s11 =	sadd.s32 $0x40, s11;
	s12 =	sadd.s32 $0x40, s12;
	v6 =	vld [tilespmem:s18+$0x0]  }
0x3e2: {  	v8 =	vld [tilespmem:s13+$0x0]  }
0x3e3: {  	v9 =	vld [tilespmem:s14+$0x0];
	_ =	sdelay $0x1  }
0x3e4: {  	v2 =	vadd.f32 v4, v2  }
0x3e5: {  	[tilespmem:s5+$0x0] =	vst v7;
	v1 =	vadd.f32 v5, v1  }
0x3e6: {  	[tilespmem:s9+$0x0] =	vst v2;
	v2 =	vadd.f32 v6, v3  }
0x3e7: {  	[tilespmem:s6+$0x0] =	vst v1;
	v1 =	vadd.f32 v9, v8  }
0x3e8: {  	[tilespmem:s7+$0x0] =	vst v2  }
0x3e9: {  	[tilespmem:s13+$0x0] =	vst v1  }
0x3ea: {  	_ =	swait.ge [sflag:s2], $0xC80  }
0x3eb: {  	s5 =	simm.s32 $0x0;
	[sflag:s2] =	ssyncset.done $0x0  }
0x3ec: {  	s6 =	simm.s32 $0x1B000;
	s7 =	simm.s32 $0x0;
	[sflag:s2] =	ssyncadd.s32 $0xFFFFF380  }
.LBB2_68:
0x3ed: {  	p1 =	sne.s32 s7, $0x180  }
.Ltmp35:
0x3ee: {  	_ = 	snop;
	(pc) =	sbr.rel @p1 .LBB2_68-.Ltmp35, $4  }
0x3ef: {  	_ = 	snop  }
0x3f0: {  	s8 =	sadd.s32 s7, s26  }
0x3f1: {  	[tilespmem:s6], [sflag:$0x1] =	stream.linear.gather [hbm4b:s8+s5], $0x80, $0x38;
	[tilespmem:$0x1D000] =	vst v63  }
0x3f2: {  	s7 =	sadd.s32 $0x10, s7;
	s6 =	sadd.s32 $0x100, s6  }
0x3f3: {  	p1 =	por $0x0, $0x0;
	s6 =	simm.s32 $0x1  }
0x3f4: {  	s6 =	simm.s32 @!p1 $0x0  }
0x3f5: {  	s12 =	simm.s32 $0xC800;
	s6 =	sshll.u32 s6, $0x6  }
0x3f6: {  	v2 =	vld [tilespmem:s12+$0x0];
	s7 =	sadd.s32 $0x0, s6;
	s6 =	sand.u32 $0xFC0, s5  }
0x3f7: {  	s19 =	sadd.s32 $0x30, s7;
	v3 =	vld [tilespmem:s6+$0xC830]  }
0x3f8: {  	s8 =	sadd.s32 $0x10, s7;
	s9 =	sadd.s32 $0x20, s7;
	s7 =	sor.u32 $0x80, s7;
	v8 =	vld [tilespmem:s6+$0xC810]  }
0x3f9: {  	s5 =	sor.u32 $0x80, s19;
	v5 =	vld [tilespmem:s7+$0x1B000]  }
0x3fa: {  	p1 =	por !p1, !p1;
	v4 =	vld [tilespmem:s5+$0x1B000];
	s5 =	simm.s32 $0x1  }
0x3fb: {  	v9 =	vld [tilespmem:s6+$0xC820];
	s8 =	sor.u32 $0x80, s8;
	s5 =	simm.s32 @!p1 $0x0  }
0x3fc: {  	s21 =	sor.u32 $0x80, s9;
	v6 =	vld [tilespmem:s8+$0x1B000];
	s5 =	sshll.u32 s5, $0x6  }
0x3fd: {  	s7 =	simm.s32 $0x40;
	s9 =	simm.s32 $0xC840;
	v7 =	vld [tilespmem:s21+$0x1B000];
	s13 =	sadd.s32 $0x80, s5  }
0x3fe: {  	v1 =	vld [tilespmem:s9+$0x0];
	s5 =	sand.u32 $0xFC0, s7;
	s29 =	sadd.s32 $0x30, s13  }
0x3ff: {  	s11 =	sadd.s32 $0x10, s13;
	v10 =	vadd.f32 v5, v2;
	v3 =	vadd.f32 v4, v3;
	v4 =	vld [tilespmem:s5+$0xC830];
	s8 =	sor.u32 $0x80, s29  }
0x400: {  	s15 =	sadd.s32 $0x20, s13;
	s14 =	sor.u32 $0x80, s11;
	v5 =	vld [tilespmem:s8+$0x1B000]  }
0x401: {  	p1 =	por !p1, !p1;
	s13 =	sor.u32 $0x80, s13;
	s15 =	sor.u32 $0x80, s15;
	v2 =	vld [tilespmem:s14+$0x1B000];
	[tilespmem:s12+$0x0] =	vst v10  }
0x402: {  	s11 =	simm.s32 $0x80;
	v6 =	vadd.f32 v6, v8;
	v7 =	vadd.f32 v7, v9;
	s8 =	simm.s32 $0x4;
	s12 =	simm.s32 $0xC840;
	[tilespmem:s6+$0xC830] =	vst v3;
	v3 =	vld [tilespmem:s15+$0x1B000]  }
.LBB2_70:
0x403: {  	s14 =	simm.s32 $0x1  }
0x404: {  	s8 =	sadd.s32 $0x4, s8;
	v8 =	vld [tilespmem:s13+$0x1B000];
	[tilespmem:s6+$0xC810] =	vst v6;
	v6 =	vmov v1;
	s11 =	sadd.s32 $0x80, s11;
	s14 =	simm.s32 @!p1 $0x0  }
0x405: {  	s7 =	sadd.s32 $0x40, s7;
	p2 =	slt.u32 s8, $0xC4;
	s13 =	sshll.u32 s14, $0x6;
	v9 =	vld [tilespmem:s5+$0xC810];
	[tilespmem:s6+$0xC820] =	vst v7  }
0x406: {  	s9 =	sadd.s32 $0x40, s9;
	v5 =	vadd.f32 v5, v4;
	s14 =	sand.u32 $0xFC0, s7;
	s6 =	sadd.s32 s13, s11;
	v7 =	vld [tilespmem:s5+$0xC820]  }
.Ltmp36:
0x407: {  	v1 =	vld [tilespmem:s9+$0x0];
	s13 =	sadd.s32 $0x10, s6;
	s15 =	sadd.s32 $0x30, s6;
	(pc) =	sbr.rel @p2 .LBB2_70-.Ltmp36, $4  }
0x408: {  	s17 =	sadd.s32 $0x20, s6;
	s16 =	sor.u32 $0x80, s13;
	v4 =	vld [tilespmem:s14+$0xC830];
	s15 =	sor.u32 $0x80, s15;
	[tilespmem:s5+$0xC830] =	vst v5  }
0x409: {  	s13 =	sor.u32 $0x80, s6;
	s17 =	sor.u32 $0x80, s17;
	v8 =	vadd.f32 v8, v6;
	s6 =	smov.u32 s5;
	v5 =	vld [tilespmem:s15+$0x1B000]  }
0x40a: {  	s5 =	smov.u32 s14;
	v6 =	vadd.f32 v2, v9;
	v2 =	vld [tilespmem:s16+$0x1B000]  }
0x40b: {  	p1 =	por !p1, !p1;
	[tilespmem:s12+$0x0] =	vst v8;
	v7 =	vadd.f32 v3, v7;
	v3 =	vld [tilespmem:s17+$0x1B000];
	s12 =	smov.u32 s9  }
0x40c: {  	v8 =	vld [tilespmem:s13+$0x1B000]  }
0x40d: {  	v9 =	vld [tilespmem:s5+$0xC810]  }
0x40e: {  	v10 =	vld [tilespmem:s5+$0xC820];
	_ =	sdelay $0x1  }
0x40f: {  	[tilespmem:s6+$0xC810] =	vst v6;
	v4 =	vadd.f32 v5, v4  }
0x410: {  	[tilespmem:s6+$0xC820] =	vst v7;
	v1 =	vadd.f32 v8, v1  }
0x411: {  	[tilespmem:s5+$0xC830] =	vst v4;
	v2 =	vadd.f32 v2, v9  }
0x412: {  	[tilespmem:s12+$0x0] =	vst v1;
	v1 =	vadd.f32 v3, v10  }
0x413: {  	[tilespmem:s5+$0xC810] =	vst v2  }
0x414: {  	[tilespmem:s5+$0xC820] =	vst v1  }
0x415: {  	_ =	swait.ge [sflag:s30], $0xC80  }
0x416: {  	s7 =	simm.s32 $0x0;
	[sflag:s30] =	ssyncset.done $0x0  }
0x417: {  	s6 =	simm.s32 $0x1B080;
	s5 =	simm.s32 $0x0;
	[sflag:s30] =	ssyncadd.s32 $0xFFFFF380  }
.LBB2_72:
0x418: {  	p1 =	sne.s32 s7, $0x180  }
.Ltmp37:
0x419: {  	_ = 	snop;
	(pc) =	sbr.rel @p1 .LBB2_72-.Ltmp37, $4  }
0x41a: {  	_ = 	snop  }
0x41b: {  	s8 =	sadd.s32 s7, s28  }
0x41c: {  	[tilespmem:s6], [sflag:$0x2] =	stream.linear.gather [hbm4b:s8+s5], $0x80, $0x38;
	[tilespmem:$0x1D000] =	vst v63  }
0x41d: {  	s7 =	sadd.s32 $0x10, s7;
	s6 =	sadd.s32 $0x100, s6  }
0x41e: {  	s8 =	simm.s32 $0xC800;
	s6 =	sand.u32 $0x40, s5;
	s7 =	sand.u32 $0xF80, s5  }
0x41f: {  	s15 =	sand.u32 $0x1F00, s5;
	s7 =	sadd.s32 $0xC800, s7;
	s9 =	sor.u32 $0x30, s6  }
0x420: {  	v3 =	vld [tilespmem:s8+$0x0];
	s11 =	sadd.s32 $0x1B000, s15;
	s12 =	sor.u32 s9, s7  }
0x421: {  	s5 =	sor.u32 s9, s11;
	v2 =	vld [tilespmem:s12+$0x0]  }
0x422: {  	s16 =	sor.u32 $0x10, s6;
	s13 =	sor.u32 s6, s11;
	v4 =	vld [tilespmem:s5+$0x0]  }
0x423: {  	s15 =	sor.u32 s16, s7;
	v5 =	vld [tilespmem:s13+$0x0]  }
0x424: {  	s19 =	simm.s32 $0x40;
	s6 =	sor.u32 $0x20, s6;
	s9 =	sor.u32 s16, s11;
	v6 =	vld [tilespmem:s15+$0x0]  }
0x425: {  	s18 =	simm.s32 $0x80;
	s21 =	sand.u32 $0x40, s19;
	s5 =	sor.u32 s6, s7;
	v7 =	vld [tilespmem:s9+$0x0]  }
0x426: {  	s14 =	sor.u32 $0x30, s21;
	s17 =	sor.u32 s6, s11;
	s11 =	sand.u32 $0xF80, s19;
	v8 =	vld [tilespmem:s5+$0x0]  }
0x427: {  	s6 =	simm.s32 $0xC840;
	s9 =	sand.u32 $0x1F00, s18;
	s11 =	sadd.s32 $0xC800, s11;
	v9 =	vld [tilespmem:s17+$0x0]  }
0x428: {  	v1 =	vld [tilespmem:s6+$0x0];
	s16 =	sadd.s32 $0x1B000, s9;
	s9 =	sor.u32 s14, s11  }
0x429: {  	s14 =	sor.u32 s14, s16;
	v10 =	vadd.f32 v4, v2;
	v2 =	vld [tilespmem:s9+$0x0]  }
0x42a: {  	s18 =	sor.u32 $0x10, s21;
	s17 =	sor.u32 s21, s16;
	v3 =	vadd.f32 v5, v3;
	v4 =	vld [tilespmem:s14+$0x0]  }
0x42b: {  	s29 =	simm.s32 $0x4;
	s19 =	sor.u32 $0x20, s21;
	s7 =	sor.u32 s18, s11;
	v6 =	vadd.f32 v7, v6;
	v5 =	vld [tilespmem:s17+$0x0];
	[tilespmem:s12+$0x0] =	vst v10  }
0x42c: {  	s21 =	sor.u32 s18, s16;
	s13 =	sor.u32 s19, s11;
	s11 =	simm.s32 $0x80;
	[tilespmem:s8+$0x0] =	vst v3;
	v3 =	vld [tilespmem:s7+$0x0]  }
0x42d: {  	s14 =	sor.u32 s19, s16;
	v7 =	vadd.f32 v9, v8;
	[tilespmem:s15+$0x0] =	vst v6;
	v6 =	vld [tilespmem:s21+$0x0];
	s8 =	simm.s32 $0x100;
	s12 =	simm.s32 $0xC880  }
.LBB2_74:
0x42e: {  	s15 =	sand.u32 $0x40, s11;
	s16 =	sand.u32 $0x1F00, s8  }
0x42f: {  	s17 =	sand.u32 $0xF80, s11;
	v8 =	vld [tilespmem:s13+$0x0];
	[tilespmem:s5+$0x0] =	vst v7;
	s5 =	smov.u32 s13;
	s29 =	sadd.s32 $0x4, s29  }
0x430: {  	s13 =	sadd.s32 $0xC800, s17;
	s17 =	sor.u32 $0x30, s15;
	v7 =	vld [tilespmem:s14+$0x0];
	v4 =	vadd.f32 v4, v2;
	s14 =	sadd.s32 $0x1B000, s16  }
0x431: {  	p1 =	slt.u32 s29, $0xC4;
	s18 =	sor.u32 $0x10, s15;
	s16 =	sor.u32 s17, s13;
	v5 =	vadd.f32 v5, v1;
	v1 =	vld [tilespmem:s12+$0x0]  }
.Ltmp38:
0x432: {  	s19 =	sor.u32 $0x20, s15;
	s17 =	sor.u32 s17, s14;
	v2 =	vld [tilespmem:s16+$0x0];
	[tilespmem:s9+$0x0] =	vst v4;
	(pc) =	sbr.rel @p1 .LBB2_74-.Ltmp38, $4  }
0x433: {  	s9 =	sor.u32 s15, s14;
	s15 =	sor.u32 s18, s13;
	s18 =	sor.u32 s18, s14;
	v4 =	vld [tilespmem:s17+$0x0];
	[tilespmem:s6+$0x0] =	vst v5;
	v6 =	vadd.f32 v6, v3  }
0x434: {  	s13 =	sor.u32 s19, s13;
	s14 =	sor.u32 s19, s14;
	v5 =	vld [tilespmem:s9+$0x0];
	s9 =	smov.u32 s16  }
0x435: {  	s6 =	smov.u32 s12;
	v3 =	vld [tilespmem:s15+$0x0];
	[tilespmem:s7+$0x0] =	vst v6;
	v7 =	vadd.f32 v7, v8;
	s7 =	smov.u32 s15  }
0x436: {  	s8 =	sadd.s32 $0x80, s8;
	s11 =	sadd.s32 $0x40, s11;
	s12 =	sadd.s32 $0x40, s12;
	v6 =	vld [tilespmem:s18+$0x0]  }
0x437: {  	v8 =	vld [tilespmem:s13+$0x0]  }
0x438: {  	v9 =	vld [tilespmem:s14+$0x0];
	_ =	sdelay $0x1  }
0x439: {  	v2 =	vadd.f32 v4, v2  }
0x43a: {  	[tilespmem:s5+$0x0] =	vst v7;
	v1 =	vadd.f32 v5, v1  }
0x43b: {  	[tilespmem:s9+$0x0] =	vst v2;
	v2 =	vadd.f32 v6, v3  }
0x43c: {  	[tilespmem:s6+$0x0] =	vst v1;
	v1 =	vadd.f32 v9, v8  }
0x43d: {  	[tilespmem:s7+$0x0] =	vst v2  }
0x43e: {  	p1 =	por $0x0, $0x0;
	s5 =	simm.s32 $0x1;
	[tilespmem:s13+$0x0] =	vst v1  }
0x43f: {  	s5 =	simm.s32 @!p1 $0x0;
	_ =	swait.ge [sflag:s2], $0xC80  }
0x440: {  	s14 =	simm.s32 $0x0;
	s5 =	sshll.u32 s5, $0x6;
	[sflag:s2] =	ssyncset.done $0x0  }
0x441: {  	s12 =	simm.s32 $0xC800;
	s5 =	sadd.s32 $0x0, s5;
	[sflag:s2] =	ssyncadd.s32 $0xFFFFF380  }
0x442: {  	s6 =	sand.u32 $0xFC0, s14;
	s15 =	sadd.s32 $0x30, s5;
	v2 =	vld [tilespmem:s12+$0x0]  }
0x443: {  	s8 =	sadd.s32 $0x10, s5;
	s7 =	sor.u32 $0x80, s15;
	v3 =	vld [tilespmem:s6+$0xC830]  }
0x444: {  	s16 =	sadd.s32 $0x20, s5;
	s8 =	sor.u32 $0x80, s8;
	v4 =	vld [tilespmem:s7+$0x1B000]  }
0x445: {  	s17 =	sor.u32 $0x80, s16;
	v6 =	vld [tilespmem:s8+$0x1B000]  }
0x446: {  	p1 =	por !p1, !p1;
	s5 =	sor.u32 $0x80, s5;
	v7 =	vld [tilespmem:s17+$0x1B000];
	s7 =	simm.s32 $0x1  }
0x447: {  	v5 =	vld [tilespmem:s5+$0x1B000];
	s7 =	simm.s32 @!p1 $0x0  }
0x448: {  	v8 =	vld [tilespmem:s6+$0xC810];
	s18 =	sshll.u32 s7, $0x6  }
0x449: {  	s9 =	simm.s32 $0xC840;
	v63 =	vld [tilespmem:s6+$0xC820];
	s7 =	simm.s32 $0x40;
	s19 =	sadd.s32 $0x80, s18  }
0x44a: {  	v1 =	vld [tilespmem:s9+$0x0];
	s5 =	sand.u32 $0xFC0, s7;
	s21 =	sadd.s32 $0x30, s19  }
0x44b: {  	s11 =	sadd.s32 $0x10, s19;
	v3 =	vadd.f32 v4, v3;
	v4 =	vld [tilespmem:s5+$0xC830];
	s8 =	sor.u32 $0x80, s21  }
0x44c: {  	s15 =	sadd.s32 $0x20, s19;
	s29 =	sor.u32 $0x80, s11;
	v10 =	vadd.f32 v5, v2;
	v5 =	vld [tilespmem:s8+$0x1B000]  }
0x44d: {  	p1 =	por !p1, !p1;
	s13 =	sor.u32 $0x80, s19;
	s15 =	sor.u32 $0x80, s15;
	v2 =	vld [tilespmem:s29+$0x1B000];
	[tilespmem:s6+$0xC830] =	vst v3  }
0x44e: {  	s11 =	simm.s32 $0x80;
	v6 =	vadd.f32 v6, v8;
	v7 =	vadd.f32 v7, v63;
	s8 =	simm.s32 $0x4;
	v3 =	vld [tilespmem:s15+$0x1B000];
	[tilespmem:s12+$0x0] =	vst v10;
	s12 =	simm.s32 $0xC840  }
.LBB2_76:
0x44f: {  	s14 =	simm.s32 $0x1  }
0x450: {  	s8 =	sadd.s32 $0x4, s8;
	v8 =	vld [tilespmem:s13+$0x1B000];
	[tilespmem:s6+$0xC810] =	vst v6;
	v6 =	vmov v1;
	s11 =	sadd.s32 $0x80, s11;
	s14 =	simm.s32 @!p1 $0x0  }
0x451: {  	s7 =	sadd.s32 $0x40, s7;
	p2 =	slt.u32 s8, $0xC4;
	s13 =	sshll.u32 s14, $0x6;
	v9 =	vld [tilespmem:s5+$0xC810];
	[tilespmem:s6+$0xC820] =	vst v7  }
0x452: {  	s9 =	sadd.s32 $0x40, s9;
	v5 =	vadd.f32 v5, v4;
	s14 =	sand.u32 $0xFC0, s7;
	s6 =	sadd.s32 s13, s11;
	v7 =	vld [tilespmem:s5+$0xC820]  }
.Ltmp39:
0x453: {  	v1 =	vld [tilespmem:s9+$0x0];
	s13 =	sadd.s32 $0x10, s6;
	s15 =	sadd.s32 $0x30, s6;
	(pc) =	sbr.rel @p2 .LBB2_76-.Ltmp39, $4  }
0x454: {  	s17 =	sadd.s32 $0x20, s6;
	s16 =	sor.u32 $0x80, s13;
	v4 =	vld [tilespmem:s14+$0xC830];
	s15 =	sor.u32 $0x80, s15;
	[tilespmem:s5+$0xC830] =	vst v5  }
0x455: {  	s13 =	sor.u32 $0x80, s6;
	s17 =	sor.u32 $0x80, s17;
	v8 =	vadd.f32 v8, v6;
	s6 =	smov.u32 s5;
	v5 =	vld [tilespmem:s15+$0x1B000]  }
0x456: {  	s5 =	smov.u32 s14;
	v6 =	vadd.f32 v2, v9;
	v2 =	vld [tilespmem:s16+$0x1B000]  }
0x457: {  	p1 =	por !p1, !p1;
	[tilespmem:s12+$0x0] =	vst v8;
	v7 =	vadd.f32 v3, v7;
	v3 =	vld [tilespmem:s17+$0x1B000];
	s12 =	smov.u32 s9  }
0x458: {  	v8 =	vld [tilespmem:s13+$0x1B000]  }
0x459: {  	v9 =	vld [tilespmem:s5+$0xC810]  }
0x45a: {  	v10 =	vld [tilespmem:s5+$0xC820];
	_ =	sdelay $0x1  }
0x45b: {  	[tilespmem:s6+$0xC810] =	vst v6;
	v4 =	vadd.f32 v5, v4  }
0x45c: {  	[tilespmem:s6+$0xC820] =	vst v7;
	v1 =	vadd.f32 v8, v1  }
0x45d: {  	[tilespmem:s5+$0xC830] =	vst v4;
	v2 =	vadd.f32 v2, v9  }
0x45e: {  	[tilespmem:s12+$0x0] =	vst v1;
	v1 =	vadd.f32 v3, v10  }
0x45f: {  	[tilespmem:s5+$0xC810] =	vst v2  }
0x460: {  	s9 =	simm.s32 $0xC820;
	[tilespmem:s5+$0xC820] =	vst v1  }
0x461: {  	v1 =	vld [tilespmem:s9+$0x10];
	_ =	sdelay $0x4  }
0x462: {  	v1 =	vadd.f32 $1.000000000e+00, v1  }
0x463: {  	v2 =	vld [tilespmem:s9+$0xFFFFFFE0]  }
0x464: {  	v3 =	vshrl.u32 v1, $0x1;
	v1 =	vmul.f32 $5.000000000e-01, v1  }
0x465: {  	v3 =	vsub.s32 $0x5F3759DF, v3  }
0x466: {  	v4 =	vld [tilespmem:s9+$0xFFFFFFF0];
	v5 =	vmul.f32 v3, v1;
	_ =	sdelay $0x1  }
0x467: {  	v6 =	vld [tilespmem:s9+$0x0];
	v2 =	vadd.f32 $1.000000000e+00, v2;
	v5 =	vmul.f32 v3, v5;
	_ =	sdelay $0x1  }
0x468: {  	v7 =	vshrl.u32 v2, $0x1;
	v8 =	vmul.f32 $5.000000000e-01, v2;
	v5 =	vsub.f32 $1.500000000e+00, v5  }
0x469: {  	s29 =	simm.s32 $0xC860;
	v2 =	vadd.f32 $1.000000000e+00, v4;
	v4 =	vsub.s32 $0x5F3759DF, v7  }
0x46a: {  	v10 =	vld [tilespmem:s29+$0x10];
	v7 =	vmul.f32 v4, v8;
	v3 =	vmul.f32 v3, v5  }
0x46b: {  	v9 =	vmul.f32 $5.000000000e-01, v2;
	v5 =	vshrl.u32 v2, $0x1;
	v2 =	vadd.f32 $1.000000000e+00, v6  }
0x46c: {  	v5 =	vsub.s32 $0x5F3759DF, v5;
	v6 =	vmul.f32 v3, v1  }
0x46d: {  	v7 =	vmul.f32 v4, v7;
	v11 =	vmul.f32 v5, v9;
	v12 =	vshrl.u32 v2, $0x1  }
0x46e: {  	v13 =	vmul.f32 $5.000000000e-01, v2;
	v2 =	vmul.f32 v6, v3;
	v6 =	vsub.s32 $0x5F3759DF, v12;
	v12 =	vld [tilespmem:s29+$0xFFFFFFE0]  }
0x46f: {  	v10 =	vadd.f32 $1.000000000e+00, v10;
	v7 =	vsub.f32 $1.500000000e+00, v7;
	v11 =	vmul.f32 v5, v11  }
0x470: {  	v14 =	vmul.f32 v6, v13;
	v2 =	vsub.f32 $1.500000000e+00, v2  }
0x471: {  	v16 =	vmul.f32 $5.000000000e-01, v10;
	v7 =	vmul.f32 v4, v7;
	v4 =	vsub.f32 $1.500000000e+00, v11  }
0x472: {  	v11 =	vmul.f32 v6, v14;
	v14 =	vld [tilespmem:s29+$0x0];
	v2 =	vmul.f32 v2, v3  }
0x473: {  	v3 =	vld [tilespmem:s29+$0xFFFFFFF0];
	v15 =	vmul.f32 v5, v4;
	v4 =	vshrl.u32 v10, $0x1;
	v5 =	vadd.f32 $1.000000000e+00, v12  }
0x474: {  	v4 =	vsub.s32 $0x5F3759DF, v4;
	v11 =	vsub.f32 $1.500000000e+00, v11;
	v12 =	vmul.f32 v7, v8  }
0x475: {  	v10 =	vmul.f32 v2, v1;
	v17 =	vmul.f32 v4, v16  }
0x476: {  	v18 =	vshrl.u32 v5, $0x1;
	v1 =	vmul.f32 $5.000000000e-01, v5;
	v6 =	vmul.f32 v6, v11  }
0x477: {  	v5 =	vmul.f32 v10, v2;
	v10 =	vadd.f32 $1.000000000e+00, v14;
	v14 =	vsub.s32 $0x5F3759DF, v18  }
0x478: {  	v17 =	vmul.f32 v4, v17;
	v18 =	vadd.f32 $1.000000000e+00, v3;
	v3 =	vmul.f32 v15, v9  }
0x479: {  	v12 =	vmul.f32 v12, v7;
	v19 =	vmul.f32 v14, v1  }
0x47a: {  	v17 =	vsub.f32 $1.500000000e+00, v17;
	v20 =	vmul.f32 v3, v15;
	v3 =	vshrl.u32 v18, $0x1  }
0x47b: {  	v19 =	vmul.f32 v14, v19;
	v21 =	vsub.s32 $0x5F3759DF, v3;
	v3 =	vmul.f32 $5.000000000e-01, v10  }
0x47c: {  	v11 =	vshrl.u32 v10, $0x1;
	v10 =	vmul.f32 v4, v17;
	v4 =	vmul.f32 $5.000000000e-01, v18  }
0x47d: {  	v18 =	vsub.f32 $1.500000000e+00, v5;
	v17 =	vsub.f32 $1.500000000e+00, v19;
	v19 =	vmul.f32 v6, v13  }
0x47e: {  	v23 =	vsub.s32 $0x5F3759DF, v11;
	v22 =	vmul.f32 v10, v16;
	v11 =	vmul.f32 v21, v4  }
0x47f: {  	v2 =	vmul.f32 v18, v2;
	v5 =	vmul.f32 v14, v17;
	v14 =	vsub.f32 $1.500000000e+00, v20  }
0x480: {  	s5 =	simm.s32 $0xC8A0;
	v20 =	vmul.f32 v23, v3;
	v17 =	vmul.f32 v22, v10  }
0x481: {  	v18 =	vld [tilespmem:s5+$0xFFFFFFE0];
	v11 =	vmul.f32 v21, v11;
	v25 =	vmul.f32 v14, v15  }
0x482: {  	v22 =	vld [tilespmem:s5+$0x10];
	v15 =	vmul.f32 v23, v20;
	v20 =	vmul.f32 v5, v1;
	v17 =	vsub.f32 $1.500000000e+00, v17  }
0x483: {  	v12 =	vsub.f32 $1.500000000e+00, v12;
	v14 =	vmul.f32 v19, v6;
	v11 =	vsub.f32 $1.500000000e+00, v11  }
0x484: {  	v62 =	vmul.f32 v20, v5;
	v24 =	vmul.f32 v17, v10  }
0x485: {  	v17 =	vmul.f32 v12, v7;
	v7 =	vsub.f32 $1.500000000e+00, v14;
	v10 =	vmul.f32 v21, v11  }
0x486: {  	v12 =	vsub.f32 $1.500000000e+00, v15;
	v15 =	vmul.f32 v25, v9;
	v9 =	vadd.f32 $1.000000000e+00, v18  }
0x487: {  	v19 =	vld [tilespmem:s5+$0x0];
	v16 =	vmul.f32 v24, v16;
	v11 =	vmul.f32 v7, v6;
	v7 =	vadd.f32 $1.000000000e+00, v22  }
0x488: {  	v14 =	vld [tilespmem:s5+$0xFFFFFFF0];
	v18 =	vmul.f32 v17, v8;
	v21 =	vshrl.u32 v9, $0x1;
	v6 =	vmul.f32 $5.000000000e-01, v9  }
0x489: {  	v8 =	vmul.f32 v23, v12;
	v15 =	vmul.f32 v15, v25;
	v21 =	vsub.s32 $0x5F3759DF, v21  }
0x48a: {  	v16 =	vmul.f32 v16, v24;
	v12 =	vshrl.u32 v7, $0x1;
	v9 =	vmul.f32 $5.000000000e-01, v7  }
0x48b: {  	v18 =	vmul.f32 v18, v17;
	v7 =	vmul.f32 v11, v13;
	v22 =	vsub.s32 $0x5F3759DF, v12  }
0x48c: {  	v19 =	vadd.f32 $1.000000000e+00, v19;
	v27 =	vmul.f32 v21, v6;
	v23 =	vmul.f32 v22, v9  }
0x48d: {  	v20 =	vmul.f32 v8, v3;
	v13 =	vadd.f32 $1.000000000e+00, v14;
	v14 =	vmul.f32 v10, v4  }
0x48e: {  	v12 =	vshrl.u32 v19, $0x1;
	v26 =	vmul.f32 v7, v11;
	v23 =	vmul.f32 v22, v23  }
0x48f: {  	v29 =	vsub.f32 $1.500000000e+00, v18;
	v7 =	vshrl.u32 v13, $0x1;
	v28 =	vmul.f32 v14, v10  }
0x490: {  	v14 =	vsub.s32 $0x5F3759DF, v7;
	v7 =	vmul.f32 $5.000000000e-01, v19;
	v19 =	vsub.f32 $1.500000000e+00, v23  }
0x491: {  	v13 =	vmul.f32 $5.000000000e-01, v13;
	v23 =	vmul.f32 v21, v27  }
0x492: {  	v63 =	vsub.f32 $1.500000000e+00, v15;
	v27 =	vmul.f32 v29, v17;
	v17 =	vmul.f32 v22, v19  }
0x493: {  	v12 =	vsub.s32 $0x5F3759DF, v12;
	v19 =	vsub.f32 $1.500000000e+00, v23;
	v22 =	vsub.f32 $1.500000000e+00, v16  }
0x494: {  	v18 =	vsub.f32 $1.500000000e+00, v28;
	v23 =	vmul.f32 v14, v13;
	[tilespmem:s9+$0xFFFFFFE0] =	vst v27;
	v30 =	vmul.f32 v17, v9  }
0x495: {  	s18 =	rddreg [dreg:$0x12];
	v16 =	vmul.f32 v21, v19;
	v15 =	vmul.f32 v22, v24;
	v21 =	vsub.f32 $1.500000000e+00, v26  }
0x496: {  	s7 =	simm.s32 $0xC8E0;
	s6 =	simm.s32 $0x8;
	s19 =	rddreg [dreg:$0x17];
	v22 =	vsub.f32 $1.500000000e+00, v62;
	v19 =	vmul.f32 v63, v25;
	v24 =	vmul.f32 v30, v17  }
.LBB2_78:
0x497: {  	v25 =	vld [tilespmem:s7+$0xFFFFFFE0];
	s6 =	sadd.s32 $0x4, s6;
	v23 =	vmul.f32 v14, v23;
	v26 =	vmul.f32 v12, v7  }
0x498: {  	v28 =	vmul.f32 v18, v10;
	v10 =	vmul.f32 v20, v8;
	v27 =	vld [tilespmem:s7+$0x10];
	p1 =	slt.u32 s6, $0xC4;
	v24 =	vsub.f32 $1.500000000e+00, v24;
	[tilespmem:s9+$0xFFFFFFF0] =	vst v19  }
0x499: {  	v11 =	vmul.f32 v21, v11;
	v18 =	vld [tilespmem:s7+$0xFFFFFFF0];
	v19 =	vsub.f32 $1.500000000e+00, v23;
	v20 =	vmul.f32 v12, v26;
	[tilespmem:s9+$0x10] =	vst v2;
	v2 =	vmovc v15  }
0x49a: {  	v15 =	vld [tilespmem:s7+$0x0];
	v21 =	vmul.f32 v24, v17;
	v17 =	vmul.f32 v22, v5;
	v22 =	vsub.f32 $1.500000000e+00, v10;
	v5 =	vmovc v16  }
0x49b: {  	v16 =	vmul.f32 v28, v4;
	v4 =	vmovc v13;
	v10 =	vmul.f32 v14, v19;
	v14 =	vsub.f32 $1.500000000e+00, v20;
	[tilespmem:s9+$0x0] =	vst v11;
	s9 =	smov.u32 s29;
	s29 =	smov.u32 s5;
	s5 =	smov.u32 s7  }
0x49c: {  	v13 =	vadd.f32 $1.000000000e+00, v25;
	v9 =	vmul.f32 v21, v9;
	v11 =	vmul.f32 v22, v8  }
0x49d: {  	v20 =	vmul.f32 v5, v6;
	v22 =	vmul.f32 v17, v1;
	v1 =	vmovc v6;
	v19 =	vadd.f32 $1.000000000e+00, v27  }
0x49e: {  	v23 =	vshrl.u32 v13, $0x1;
	v6 =	vmul.f32 $5.000000000e-01, v13;
	v13 =	vmul.f32 v9, v21  }
0x49f: {  	v8 =	vmul.f32 v12, v14;
	v14 =	vmul.f32 v22, v17;
	v15 =	vadd.f32 $1.000000000e+00, v15  }
0x4a0: {  	v12 =	vshrl.u32 v19, $0x1;
	v9 =	vmul.f32 $5.000000000e-01, v19;
	v19 =	vmul.f32 v11, v3;
	v3 =	vmovc v7  }
0x4a1: {  	v22 =	vadd.f32 $1.000000000e+00, v18;
	v7 =	vmul.f32 v10, v4;
	v24 =	vsub.s32 $0x5F3759DF, v12  }
0x4a2: {  	v12 =	vshrl.u32 v15, $0x1;
	v18 =	vmul.f32 v24, v9;
	v19 =	vmul.f32 v19, v11  }
0x4a3: {  	v25 =	vsub.s32 $0x5F3759DF, v23;
	v7 =	vmul.f32 v7, v10;
	v12 =	vsub.s32 $0x5F3759DF, v12  }
0x4a4: {  	v23 =	vshrl.u32 v22, $0x1;
	v27 =	vsub.f32 $1.500000000e+00, v14;
	v26 =	vmul.f32 v24, v18  }
0x4a5: {  	v29 =	vmul.f32 v25, v6;
	v14 =	vsub.s32 $0x5F3759DF, v23;
	v18 =	vsub.f32 $1.500000000e+00, v7  }
0x4a6: {  	v16 =	vmul.f32 v16, v28;
	v7 =	vmul.f32 $5.000000000e-01, v15;
	v15 =	vsub.f32 $1.500000000e+00, v26  }
0x4a7: {  	v23 =	vmul.f32 v25, v29;
	v27 =	vmul.f32 v27, v17;
	v26 =	vsub.f32 $1.500000000e+00, v13  }
.Ltmp40:
0x4a8: {  	v29 =	vsub.f32 $1.500000000e+00, v16;
	v13 =	vmul.f32 $5.000000000e-01, v22;
	v17 =	vmul.f32 v24, v15;
	(pc) =	sbr.rel @p1 .LBB2_78-.Ltmp40, $4  }
0x4a9: {  	v22 =	vmul.f32 v20, v5;
	v20 =	vmul.f32 v8, v3;
	v15 =	vsub.f32 $1.500000000e+00, v23;
	[tilespmem:s9+$0xFFFFFFE0] =	vst v27  }
0x4aa: {  	v23 =	vmul.f32 v14, v13;
	v24 =	vmul.f32 v17, v9  }
0x4ab: {  	v16 =	vmul.f32 v25, v15;
	v15 =	vmul.f32 v26, v21;
	v21 =	vsub.f32 $1.500000000e+00, v19  }
0x4ac: {  	s7 =	sadd.s32 $0x40, s7;
	v22 =	vsub.f32 $1.500000000e+00, v22;
	v19 =	vmul.f32 v29, v28;
	v24 =	vmul.f32 v24, v17  }
0x4ad: {  	v23 =	vmul.f32 v14, v23;
	v25 =	vmul.f32 v12, v7  }
0x4ae: {  	v10 =	vmul.f32 v18, v10;
	v44 =	vmul.f32 v20, v8  }
0x4af: {  	v11 =	vmul.f32 v21, v11;
	v50 =	vmul.f32 v16, v6  }
0x4b0: {  	v24 =	vsub.f32 $1.500000000e+00, v24;
	v5 =	vmul.f32 v22, v5;
	v46 =	vmul.f32 v12, v25  }
0x4b1: {  	v45 =	vsub.f32 $1.500000000e+00, v23;
	v18 =	vsub.f32 $1.500000000e+00, v44;
	v4 =	vmul.f32 v10, v4  }
0x4b2: {  	v17 =	vmul.f32 v24, v17;
	v1 =	vmul.f32 v5, v1;
	v48 =	vsub.f32 $1.500000000e+00, v46  }
0x4b3: {  	v47 =	vmul.f32 v14, v45;
	v49 =	vmul.f32 v18, v8  }
0x4b4: {  	v18 =	vmul.f32 v50, v16;
	v51 =	vmul.f32 v12, v48  }
0x4b5: {  	v4 =	vmul.f32 v4, v10;
	v52 =	vmul.f32 v47, v13  }
0x4b6: {  	v9 =	vmul.f32 v17, v9;
	v53 =	vmul.f32 v51, v7  }
0x4b7: {  	v1 =	vmul.f32 v1, v5;
	v20 =	vmul.f32 v52, v47  }
0x4b8: {  	v18 =	vsub.f32 $1.500000000e+00, v18;
	v3 =	vmul.f32 v49, v3;
	v21 =	vmul.f32 v53, v51  }
0x4b9: {  	v4 =	vsub.f32 $1.500000000e+00, v4;
	v60 =	vmul.f32 v9, v17;
	v20 =	vsub.f32 $1.500000000e+00, v20  }
0x4ba: {  	v54 =	vmul.f32 v18, v16;
	v3 =	vmul.f32 v3, v49;
	v55 =	vsub.f32 $1.500000000e+00, v21  }
0x4bb: {  	[tilespmem:s9+$0x10] =	vst v2;
	v1 =	vsub.f32 $1.500000000e+00, v1;
	v2 =	vmul.f32 v4, v10;
	v14 =	vmul.f32 v20, v47  }
0x4bc: {  	v56 =	vmul.f32 v54, v6;
	v12 =	vmul.f32 v55, v51  }
0x4bd: {  	[tilespmem:s29+$0x10] =	vst v15;
	v1 =	vmul.f32 v1, v5;
	v57 =	vmul.f32 v14, v13  }
0x4be: {  	[tilespmem:s9+$0xFFFFFFF0] =	vst v19;
	v3 =	vsub.f32 $1.500000000e+00, v3;
	v58 =	vmul.f32 v56, v54;
	v59 =	vmul.f32 v12, v7  }
0x4bf: {  	v62 =	vsub.f32 $1.500000000e+00, v60;
	[tilespmem:s29+$0xFFFFFFF0] =	vst v2;
	v6 =	vmul.f32 v57, v14  }
0x4c0: {  	[tilespmem:s29+$0xFFFFFFE0] =	vst v1;
	v2 =	vmul.f32 v3, v49;
	v1 =	vsub.f32 $1.500000000e+00, v58;
	v3 =	vmul.f32 v59, v12  }
0x4c1: {  	[tilespmem:s9+$0x0] =	vst v11;
	v63 =	vmul.f32 v62, v17;
	v61 =	vsub.f32 $1.500000000e+00, v6  }
0x4c2: {  	[tilespmem:s29+$0x0] =	vst v2;
	v1 =	vmul.f32 v1, v54;
	v2 =	vsub.f32 $1.500000000e+00, v3  }
0x4c3: {  	[tilespmem:s5+$0x10] =	vst v63;
	v3 =	vmul.f32 v61, v14  }
0x4c4: {  	[tilespmem:s5+$0xFFFFFFE0] =	vst v1;
	v1 =	vmul.f32 v2, v12  }
0x4c5: {  	[tilespmem:s5+$0xFFFFFFF0] =	vst v3  }
0x4c6: {  	[tilespmem:s5+$0x0] =	vst v1  }
0x4c7: {  	s29 =	simm.s32 $0x3;
	s5 =	rddreg [dreg:$0x13]  }
0x4c8: {  	[hbm4b:s5+s1] =	stream.linear.scatter [tilespmem:s22], [sflag:$0x3], $0xC80, $0x38;
	[tilespmem:$0x1D000] =	vst v63  }
0x4c9: {  	_ =	swait.ge [sflag:s29], $0xC80  }
0x4ca: {  	[sflag:s29] =	ssyncset.done $0x0  }
0x4cb: {  	[sflag:s29] =	ssyncadd.s32 $0xFFFFF380  }
0x4cc: {  	[bflag:$0x0] =	sbarrier.arrive $0xFFFF  }
.Ltmp41:
0x4cd: {  	s14 =	rddreg [dreg:$0x4];
	(pc) =	sbr.rel @p0 .LBB2_111-.Ltmp41, $4  }
0x4ce: {  	s15 =	rddreg [dreg:$0x5]  }
0x4cf: {  	s6 =	sld [smem:$0x7E6]  }
0x4d0: {  	s16 =	rddreg [dreg:$0x7]  }
0x4d1: {  	s13 =	simm.s32 $0x19000;
	s17 =	rddreg [dreg:$0x11]  }
0x4d2: {  	s9 =	simm.s32 $0x0;
	s5 =	rddreg [dreg:$0x14];
	s11 =	simm.s32 $0x3  }
0x4d3: {  	[tilespmem:s22], [sflag:$0x3] =	stream.linear.gather [hbm4b:s5+s9], $0xC800, $0x38;
	[tilespmem:$0x1D000] =	vst v63  }
0x4d4: {  	_ =	swait.ge [sflag:s11], $0xC800  }
0x4d5: {  	[sflag:s11] =	ssyncset.done $0x0  }
0x4d6: {  	s12 =	simm.s32 $0x1B000;
	s6 =	rddreg [dreg:$0x15];
	[sflag:s11] =	ssyncadd.s32 $0xFFFF3800  }
0x4d7: {  	[tilespmem:s12], [sflag:$0x1] =	stream.linear.gather [hbm4b:s6+s9], $0x80, $0x38;
	[tilespmem:$0x1D000] =	vst v63  }
0x4d8: {  	s7 =	simm.s32 $0x1B100;
	s21 =	sadd.s32 $0x10, s6  }
0x4d9: {  	[tilespmem:s7], [sflag:$0x1] =	stream.linear.gather [hbm4b:s21+s9], $0x80, $0x38;
	[tilespmem:$0x1D000] =	vst v63  }
0x4da: {  	s8 =	sadd.s32 $0x20, s6;
	s11 =	simm.s32 $0x1B200  }
0x4db: {  	[tilespmem:s11], [sflag:$0x1] =	stream.linear.gather [hbm4b:s8+s9], $0x80, $0x38;
	[tilespmem:$0x1D000] =	vst v63  }
0x4dc: {  	s12 =	sadd.s32 $0x30, s6;
	s21 =	simm.s32 $0x1B300  }
0x4dd: {  	[tilespmem:s21], [sflag:$0x1] =	stream.linear.gather [hbm4b:s12+s9], $0x80, $0x38;
	[tilespmem:$0x1D000] =	vst v63  }
0x4de: {  	s8 =	sadd.s32 $0x40, s6;
	s11 =	simm.s32 $0x1B400  }
0x4df: {  	[tilespmem:s11], [sflag:$0x1] =	stream.linear.gather [hbm4b:s8+s9], $0x80, $0x38;
	[tilespmem:$0x1D000] =	vst v63  }
0x4e0: {  	s12 =	sadd.s32 $0x50, s6;
	s21 =	simm.s32 $0x1B500  }
0x4e1: {  	[tilespmem:s21], [sflag:$0x1] =	stream.linear.gather [hbm4b:s12+s9], $0x80, $0x38;
	[tilespmem:$0x1D000] =	vst v63  }
0x4e2: {  	s8 =	sadd.s32 $0x60, s6;
	s11 =	simm.s32 $0x1B600  }
0x4e3: {  	[tilespmem:s11], [sflag:$0x1] =	stream.linear.gather [hbm4b:s8+s9], $0x80, $0x38;
	[tilespmem:$0x1D000] =	vst v63  }
0x4e4: {  	s12 =	sadd.s32 $0x70, s6;
	s21 =	simm.s32 $0x1B700  }
0x4e5: {  	[tilespmem:s21], [sflag:$0x1] =	stream.linear.gather [hbm4b:s12+s9], $0x80, $0x38;
	[tilespmem:$0x1D000] =	vst v63  }
0x4e6: {  	s8 =	sadd.s32 $0x80, s6;
	s11 =	simm.s32 $0x1B800  }
0x4e7: {  	[tilespmem:s11], [sflag:$0x1] =	stream.linear.gather [hbm4b:s8+s9], $0x80, $0x38;
	[tilespmem:$0x1D000] =	vst v63  }
0x4e8: {  	s12 =	sadd.s32 $0x90, s6;
	s21 =	simm.s32 $0x1B900  }
0x4e9: {  	[tilespmem:s21], [sflag:$0x1] =	stream.linear.gather [hbm4b:s12+s9], $0x80, $0x38;
	[tilespmem:$0x1D000] =	vst v63  }
0x4ea: {  	s8 =	sadd.s32 $0xA0, s6;
	s11 =	simm.s32 $0x1BA00  }
0x4eb: {  	[tilespmem:s11], [sflag:$0x1] =	stream.linear.gather [hbm4b:s8+s9], $0x80, $0x38;
	[tilespmem:$0x1D000] =	vst v63  }
0x4ec: {  	s12 =	sadd.s32 $0xB0, s6;
	s21 =	simm.s32 $0x1BB00  }
0x4ed: {  	[tilespmem:s21], [sflag:$0x1] =	stream.linear.gather [hbm4b:s12+s9], $0x80, $0x38;
	[tilespmem:$0x1D000] =	vst v63  }
0x4ee: {  	s8 =	sadd.s32 $0xC0, s6;
	s11 =	simm.s32 $0x1BC00  }
0x4ef: {  	[tilespmem:s11], [sflag:$0x1] =	stream.linear.gather [hbm4b:s8+s9], $0x80, $0x38;
	[tilespmem:$0x1D000] =	vst v63  }
0x4f0: {  	s12 =	sadd.s32 $0xD0, s6;
	s21 =	simm.s32 $0x1BD00  }
0x4f1: {  	[tilespmem:s21], [sflag:$0x1] =	stream.linear.gather [hbm4b:s12+s9], $0x80, $0x38;
	[tilespmem:$0x1D000] =	vst v63  }
0x4f2: {  	s29 =	simm.s32 $0xD070;
	s8 =	sadd.s32 $0xE0, s6;
	s11 =	simm.s32 $0x1BE00  }
0x4f3: {  	[tilespmem:s11], [sflag:$0x1] =	stream.linear.gather [hbm4b:s8+s9], $0x80, $0x38;
	[tilespmem:$0x1D000] =	vst v63  }
0x4f4: {  	s12 =	sadd.s32 $0xF0, s6;
	s21 =	simm.s32 $0x1BF00;
	s8 =	simm.s32 $0xC840  }
0x4f5: {  	[tilespmem:s21], [sflag:$0x1] =	stream.linear.gather [hbm4b:s12+s9], $0x80, $0x38;
	[tilespmem:$0x1D000] =	vst v63  }
.LBB2_81:
0x4f6: {  	s6 =	sshll.u32 s9, $0xC  }
0x4f7: {  	s5 =	sadd.s32 s6, s17  }
0x4f8: {  	s5 =	sadd.s32 $0x800, s5  }
0x4f9: {  	s5 =	sshrl.u32 s5, $0x3  }
0x4fa: {  	s7 =	simm.s32 $0x1B080;
	s5 =	sadd.s32 s31, s5  }
0x4fb: {  	[tilespmem:s7], [sflag:$0x2] =	stream.linear.gather [hbm4b:s5+s1], $0x80, $0x38;
	[tilespmem:$0x1D000] =	vst v63  }
0x4fc: {  	s11 =	simm.s32 $0x1B180;
	s21 =	sadd.s32 $0x10, s5  }
0x4fd: {  	[tilespmem:s11], [sflag:$0x2] =	stream.linear.gather [hbm4b:s21+s1], $0x80, $0x38;
	[tilespmem:$0x1D000] =	vst v63  }
0x4fe: {  	s12 =	sadd.s32 $0x20, s5;
	s21 =	simm.s32 $0x1B280  }
0x4ff: {  	[tilespmem:s21], [sflag:$0x2] =	stream.linear.gather [hbm4b:s12+s1], $0x80, $0x38;
	[tilespmem:$0x1D000] =	vst v63  }
0x500: {  	s12 =	sadd.s32 $0x30, s5;
	s21 =	simm.s32 $0x1B380  }
0x501: {  	[tilespmem:s21], [sflag:$0x2] =	stream.linear.gather [hbm4b:s12+s1], $0x80, $0x38;
	[tilespmem:$0x1D000] =	vst v63  }
0x502: {  	s12 =	sadd.s32 $0x40, s5;
	s21 =	simm.s32 $0x1B480  }
0x503: {  	[tilespmem:s21], [sflag:$0x2] =	stream.linear.gather [hbm4b:s12+s1], $0x80, $0x38;
	[tilespmem:$0x1D000] =	vst v63  }
0x504: {  	s12 =	sadd.s32 $0x50, s5;
	s21 =	simm.s32 $0x1B580  }
0x505: {  	[tilespmem:s21], [sflag:$0x2] =	stream.linear.gather [hbm4b:s12+s1], $0x80, $0x38;
	[tilespmem:$0x1D000] =	vst v63  }
0x506: {  	s12 =	sadd.s32 $0x60, s5;
	s21 =	simm.s32 $0x1B680  }
0x507: {  	[tilespmem:s21], [sflag:$0x2] =	stream.linear.gather [hbm4b:s12+s1], $0x80, $0x38;
	[tilespmem:$0x1D000] =	vst v63  }
0x508: {  	s12 =	sadd.s32 $0x70, s5;
	s21 =	simm.s32 $0x1B780  }
0x509: {  	[tilespmem:s21], [sflag:$0x2] =	stream.linear.gather [hbm4b:s12+s1], $0x80, $0x38;
	[tilespmem:$0x1D000] =	vst v63  }
0x50a: {  	s12 =	sadd.s32 $0x80, s5;
	s21 =	simm.s32 $0x1B880  }
0x50b: {  	[tilespmem:s21], [sflag:$0x2] =	stream.linear.gather [hbm4b:s12+s1], $0x80, $0x38;
	[tilespmem:$0x1D000] =	vst v63  }
0x50c: {  	s12 =	sadd.s32 $0x90, s5;
	s21 =	simm.s32 $0x1B980  }
0x50d: {  	[tilespmem:s21], [sflag:$0x2] =	stream.linear.gather [hbm4b:s12+s1], $0x80, $0x38;
	[tilespmem:$0x1D000] =	vst v63  }
0x50e: {  	s12 =	sadd.s32 $0xA0, s5;
	s21 =	simm.s32 $0x1BA80  }
0x50f: {  	[tilespmem:s21], [sflag:$0x2] =	stream.linear.gather [hbm4b:s12+s1], $0x80, $0x38;
	[tilespmem:$0x1D000] =	vst v63  }
0x510: {  	s12 =	sadd.s32 $0xB0, s5;
	s21 =	simm.s32 $0x1BB80  }
0x511: {  	[tilespmem:s21], [sflag:$0x2] =	stream.linear.gather [hbm4b:s12+s1], $0x80, $0x38;
	[tilespmem:$0x1D000] =	vst v63  }
0x512: {  	s12 =	sadd.s32 $0xC0, s5;
	s21 =	simm.s32 $0x1BC80  }
0x513: {  	[tilespmem:s21], [sflag:$0x2] =	stream.linear.gather [hbm4b:s12+s1], $0x80, $0x38;
	[tilespmem:$0x1D000] =	vst v63  }
0x514: {  	s12 =	sadd.s32 $0xD0, s5;
	s21 =	simm.s32 $0x1BD80  }
0x515: {  	[tilespmem:s21], [sflag:$0x2] =	stream.linear.gather [hbm4b:s12+s1], $0x80, $0x38;
	[tilespmem:$0x1D000] =	vst v63  }
0x516: {  	s11 =	sadd.s32 $0xE0, s5;
	s12 =	simm.s32 $0x1BE80  }
0x517: {  	[tilespmem:s12], [sflag:$0x2] =	stream.linear.gather [hbm4b:s11+s1], $0x80, $0x38;
	[tilespmem:$0x1D000] =	vst v63  }
0x518: {  	s5 =	sadd.s32 $0xF0, s5;
	s21 =	simm.s32 $0x1BF80  }
0x519: {  	[tilespmem:s21], [sflag:$0x2] =	stream.linear.gather [hbm4b:s5+s1], $0x80, $0x38;
	[tilespmem:$0x1D000] =	vst v63  }
0x51a: {  	_ =	swait.ge [sflag:s30], $0x800  }
0x51b: {  	[sflag:s30] =	ssyncset.done $0x0  }
0x51c: {  	[sflag:s30] =	ssyncadd.s32 $0xFFFFF800  }
0x51d: {  	s7 =	simm.s32 $0x1B040;
	v2 =	vld [tilespmem:s8+$0x30]  }
0x51e: {  	v3 =	vld [tilespmem:s7+$0x30]  }
0x51f: {  	v1 =	vld [tilespmem:s7+$0xFFFFFFC0]  }
0x520: {  	v4 =	vld [tilespmem:s8+$0xFFFFFFD0]  }
0x521: {  	v5 =	vld [tilespmem:s7+$0xFFFFFFD0]  }
0x522: {  	v6 =	vld [tilespmem:s8+$0xFFFFFFE0]  }
0x523: {  	v7 =	vld [tilespmem:s7+$0xFFFFFFE0]  }
0x524: {  	v8 =	vld [tilespmem:s8+$0xFFFFFFF0]  }
0x525: {  	v9 =	vld [tilespmem:s7+$0xFFFFFFF0]  }
0x526: {  	v10 =	vld [tilespmem:s8+$0x0]  }
0x527: {  	v11 =	vld [tilespmem:s7+$0x0];
	v3 =	vmul.f32 v3, v2  }
0x528: {  	v5 =	vmul.f32 v5, v4;
	v2 =	vld [tilespmem:s8+$0x10]  }
0x529: {  	v6 =	vmul.f32 v7, v6;
	v4 =	vld [tilespmem:s7+$0x10];
	[tilespmem:s8+$0x30] =	vst v3  }
0x52a: {  	v7 =	vmul.f32 v9, v8;
	[tilespmem:s8+$0xFFFFFFD0] =	vst v5;
	v3 =	vld [tilespmem:s8+$0x20]  }
0x52b: {  	[tilespmem:s8+$0xFFFFFFE0] =	vst v6;
	v6 =	vld [tilespmem:s7+$0x20]  }
0x52c: {  	s11 =	simm.s32 $0x0;
	s12 =	sadd.s32 $0x80, s8;
	s5 =	smov.u32 s8;
	v5 =	vld [tilespmem:s8+$0xFFFFFFC0];
	[tilespmem:s8+$0xFFFFFFF0] =	vst v7;
	v7 =	vmul.f32 v11, v10  }
.LBB2_82:
0x52d: {  	v8 =	vld [tilespmem:s12+$0x30];
	s7 =	sadd.s32 $0x100, s7  }
0x52e: {  	s11 =	sadd.s32 $0x8, s11;
	v9 =	vld [tilespmem:s7+$0x30];
	[tilespmem:s5+$0x0] =	vst v7;
	v2 =	vmul.f32 v4, v2  }
0x52f: {  	p1 =	slt.u32 s11, $0x78;
	v4 =	vld [tilespmem:s7+$0xFFFFFFC0]  }
0x530: {  	v7 =	vld [tilespmem:s12+$0xFFFFFFD0];
	[tilespmem:s5+$0x10] =	vst v2;
	v2 =	vmul.f32 v6, v3  }
0x531: {  	v3 =	vld [tilespmem:s7+$0xFFFFFFD0];
	v10 =	vmul.f32 v1, v5  }
0x532: {  	v5 =	vld [tilespmem:s12+$0xFFFFFFE0];
	[tilespmem:s5+$0x20] =	vst v2  }
0x533: {  	v2 =	vld [tilespmem:s7+$0xFFFFFFE0];
	v6 =	vmul.f32 v9, v8;
	[tilespmem:s5+$0xFFFFFFC0] =	vst v10;
	s5 =	smov.u32 s12  }
0x534: {  	v8 =	vld [tilespmem:s12+$0xFFFFFFF0];
	v1 =	vmov v4  }
0x535: {  	v9 =	vld [tilespmem:s7+$0xFFFFFFF0];
	[tilespmem:s12+$0x30] =	vst v6  }
0x536: {  	v3 =	vmul.f32 v3, v7;
	v7 =	vld [tilespmem:s12+$0x0]  }
0x537: {  	v10 =	vld [tilespmem:s7+$0x0]  }
.Ltmp42:
0x538: {  	[tilespmem:s12+$0xFFFFFFD0] =	vst v3;
	v3 =	vmul.f32 v2, v5;
	v2 =	vld [tilespmem:s12+$0x10];
	(pc) =	sbr.rel @p1 .LBB2_82-.Ltmp42, $4  }
0x539: {  	v4 =	vld [tilespmem:s7+$0x10]  }
0x53a: {  	[tilespmem:s12+$0xFFFFFFE0] =	vst v3;
	v8 =	vmul.f32 v9, v8;
	v3 =	vld [tilespmem:s12+$0x20]  }
0x53b: {  	v6 =	vld [tilespmem:s7+$0x20]  }
0x53c: {  	s12 =	sadd.s32 $0x80, s12;
	v5 =	vld [tilespmem:s5+$0xFFFFFFC0];
	[tilespmem:s5+$0xFFFFFFF0] =	vst v8;
	v7 =	vmul.f32 v10, v7  }
0x53d: {  	_ =	sdelay $0x1  }
0x53e: {  	v2 =	vmul.f32 v4, v2  }
0x53f: {  	[tilespmem:s5+$0x0] =	vst v7;
	v3 =	vmul.f32 v6, v3  }
0x540: {  	s6 =	sadd.s32 s6, s19;
	[tilespmem:s5+$0x10] =	vst v2;
	v1 =	vmul.f32 v1, v5  }
0x541: {  	s6 =	sshrl.u32 s6, $0x3;
	[tilespmem:s5+$0x20] =	vst v3  }
0x542: {  	s12 =	simm.s32 $0x1B000;
	[tilespmem:s5+$0xFFFFFFC0] =	vst v1;
	s5 =	sadd.s32 s31, s6  }
0x543: {  	[tilespmem:s12], [sflag:$0x1] =	stream.linear.gather [hbm4b:s5+s1], $0x80, $0x38;
	[tilespmem:$0x1D000] =	vst v63  }
0x544: {  	s7 =	simm.s32 $0x1B100;
	s21 =	sadd.s32 $0x10, s5  }
0x545: {  	[tilespmem:s7], [sflag:$0x1] =	stream.linear.gather [hbm4b:s21+s1], $0x80, $0x38;
	[tilespmem:$0x1D000] =	vst v63  }
0x546: {  	s11 =	simm.s32 $0x1B200;
	s7 =	sadd.s32 $0x20, s5  }
0x547: {  	[tilespmem:s11], [sflag:$0x1] =	stream.linear.gather [hbm4b:s7+s1], $0x80, $0x38;
	[tilespmem:$0x1D000] =	vst v63  }
0x548: {  	s12 =	sadd.s32 $0x30, s5;
	s21 =	simm.s32 $0x1B300  }
0x549: {  	[tilespmem:s21], [sflag:$0x1] =	stream.linear.gather [hbm4b:s12+s1], $0x80, $0x38;
	[tilespmem:$0x1D000] =	vst v63  }
0x54a: {  	s7 =	sadd.s32 $0x40, s5;
	s11 =	simm.s32 $0x1B400  }
0x54b: {  	[tilespmem:s11], [sflag:$0x1] =	stream.linear.gather [hbm4b:s7+s1], $0x80, $0x38;
	[tilespmem:$0x1D000] =	vst v63  }
0x54c: {  	s12 =	sadd.s32 $0x50, s5;
	s21 =	simm.s32 $0x1B500  }
0x54d: {  	[tilespmem:s21], [sflag:$0x1] =	stream.linear.gather [hbm4b:s12+s1], $0x80, $0x38;
	[tilespmem:$0x1D000] =	vst v63  }
0x54e: {  	s7 =	sadd.s32 $0x60, s5;
	s11 =	simm.s32 $0x1B600  }
0x54f: {  	[tilespmem:s11], [sflag:$0x1] =	stream.linear.gather [hbm4b:s7+s1], $0x80, $0x38;
	[tilespmem:$0x1D000] =	vst v63  }
0x550: {  	s12 =	sadd.s32 $0x70, s5;
	s21 =	simm.s32 $0x1B700  }
0x551: {  	[tilespmem:s21], [sflag:$0x1] =	stream.linear.gather [hbm4b:s12+s1], $0x80, $0x38;
	[tilespmem:$0x1D000] =	vst v63  }
0x552: {  	s7 =	sadd.s32 $0x80, s5;
	s11 =	simm.s32 $0x1B800  }
0x553: {  	[tilespmem:s11], [sflag:$0x1] =	stream.linear.gather [hbm4b:s7+s1], $0x80, $0x38;
	[tilespmem:$0x1D000] =	vst v63  }
0x554: {  	s12 =	sadd.s32 $0x90, s5;
	s21 =	simm.s32 $0x1B900  }
0x555: {  	[tilespmem:s21], [sflag:$0x1] =	stream.linear.gather [hbm4b:s12+s1], $0x80, $0x38;
	[tilespmem:$0x1D000] =	vst v63  }
0x556: {  	s7 =	sadd.s32 $0xA0, s5;
	s11 =	simm.s32 $0x1BA00  }
0x557: {  	[tilespmem:s11], [sflag:$0x1] =	stream.linear.gather [hbm4b:s7+s1], $0x80, $0x38;
	[tilespmem:$0x1D000] =	vst v63  }
0x558: {  	s12 =	sadd.s32 $0xB0, s5;
	s21 =	simm.s32 $0x1BB00  }
0x559: {  	[tilespmem:s21], [sflag:$0x1] =	stream.linear.gather [hbm4b:s12+s1], $0x80, $0x38;
	[tilespmem:$0x1D000] =	vst v63  }
0x55a: {  	s7 =	sadd.s32 $0xC0, s5;
	s11 =	simm.s32 $0x1BC00  }
0x55b: {  	[tilespmem:s11], [sflag:$0x1] =	stream.linear.gather [hbm4b:s7+s1], $0x80, $0x38;
	[tilespmem:$0x1D000] =	vst v63  }
0x55c: {  	s12 =	sadd.s32 $0xD0, s5;
	s21 =	simm.s32 $0x1BD00  }
0x55d: {  	[tilespmem:s21], [sflag:$0x1] =	stream.linear.gather [hbm4b:s12+s1], $0x80, $0x38;
	[tilespmem:$0x1D000] =	vst v63  }
0x55e: {  	s11 =	sadd.s32 $0xE0, s5;
	s12 =	simm.s32 $0x1BE00  }
0x55f: {  	[tilespmem:s12], [sflag:$0x1] =	stream.linear.gather [hbm4b:s11+s1], $0x80, $0x38;
	[tilespmem:$0x1D000] =	vst v63  }
0x560: {  	s5 =	sadd.s32 $0xF0, s5;
	s21 =	simm.s32 $0x1BF00  }
0x561: {  	[tilespmem:s21], [sflag:$0x1] =	stream.linear.gather [hbm4b:s5+s1], $0x80, $0x38;
	[tilespmem:$0x1D000] =	vst v63  }
0x562: {  	_ =	swait.ge [sflag:s2], $0x800  }
0x563: {  	[sflag:s2] =	ssyncset.done $0x0  }
0x564: {  	[sflag:s2] =	ssyncadd.s32 $0xFFFFF800  }
0x565: {  	s6 =	simm.s32 $0x1B0F0;
	v2 =	vld [tilespmem:s29+$0x0]  }
0x566: {  	v3 =	vld [tilespmem:s6+$0x0]  }
0x567: {  	v1 =	vld [tilespmem:s6+$0xFFFFFF90]  }
0x568: {  	v4 =	vld [tilespmem:s29+$0xFFFFFFA0]  }
0x569: {  	v5 =	vld [tilespmem:s6+$0xFFFFFFA0]  }
0x56a: {  	v6 =	vld [tilespmem:s29+$0xFFFFFFB0]  }
0x56b: {  	v7 =	vld [tilespmem:s6+$0xFFFFFFB0]  }
0x56c: {  	v8 =	vld [tilespmem:s29+$0xFFFFFFC0]  }
0x56d: {  	v9 =	vld [tilespmem:s6+$0xFFFFFFC0]  }
0x56e: {  	v10 =	vld [tilespmem:s29+$0xFFFFFFD0]  }
0x56f: {  	v11 =	vld [tilespmem:s6+$0xFFFFFFD0];
	v3 =	vmul.f32 v3, v2  }
0x570: {  	v5 =	vmul.f32 v5, v4;
	v2 =	vld [tilespmem:s29+$0xFFFFFFE0]  }
0x571: {  	v6 =	vmul.f32 v7, v6;
	v4 =	vld [tilespmem:s6+$0xFFFFFFE0];
	[tilespmem:s29+$0x0] =	vst v3  }
0x572: {  	v7 =	vmul.f32 v9, v8;
	[tilespmem:s29+$0xFFFFFFA0] =	vst v5;
	v3 =	vld [tilespmem:s29+$0xFFFFFFF0]  }
0x573: {  	[tilespmem:s29+$0xFFFFFFB0] =	vst v6;
	v6 =	vld [tilespmem:s6+$0xFFFFFFF0]  }
0x574: {  	s7 =	simm.s32 $0x0;
	s11 =	sadd.s32 $0x80, s29;
	s5 =	smov.u32 s29;
	v5 =	vld [tilespmem:s29+$0xFFFFFF90];
	[tilespmem:s29+$0xFFFFFFC0] =	vst v7;
	v7 =	vmul.f32 v11, v10  }
.LBB2_84:
0x575: {  	v8 =	vld [tilespmem:s11+$0x0];
	s6 =	sadd.s32 $0x100, s6  }
0x576: {  	s7 =	sadd.s32 $0x8, s7;
	v9 =	vld [tilespmem:s6+$0x0];
	[tilespmem:s5+$0xFFFFFFD0] =	vst v7;
	v2 =	vmul.f32 v4, v2  }
0x577: {  	p1 =	slt.u32 s7, $0x78;
	v4 =	vld [tilespmem:s6+$0xFFFFFF90]  }
0x578: {  	v7 =	vld [tilespmem:s11+$0xFFFFFFA0];
	[tilespmem:s5+$0xFFFFFFE0] =	vst v2;
	v2 =	vmul.f32 v6, v3  }
0x579: {  	v3 =	vld [tilespmem:s6+$0xFFFFFFA0];
	v10 =	vmul.f32 v1, v5  }
0x57a: {  	v5 =	vld [tilespmem:s11+$0xFFFFFFB0];
	[tilespmem:s5+$0xFFFFFFF0] =	vst v2  }
0x57b: {  	v2 =	vld [tilespmem:s6+$0xFFFFFFB0];
	v6 =	vmul.f32 v9, v8;
	[tilespmem:s5+$0xFFFFFF90] =	vst v10;
	s5 =	smov.u32 s11  }
0x57c: {  	v8 =	vld [tilespmem:s11+$0xFFFFFFC0];
	v1 =	vmov v4  }
0x57d: {  	v9 =	vld [tilespmem:s6+$0xFFFFFFC0];
	[tilespmem:s11+$0x0] =	vst v6  }
0x57e: {  	v3 =	vmul.f32 v3, v7;
	v7 =	vld [tilespmem:s11+$0xFFFFFFD0]  }
0x57f: {  	v10 =	vld [tilespmem:s6+$0xFFFFFFD0]  }
.Ltmp43:
0x580: {  	[tilespmem:s11+$0xFFFFFFA0] =	vst v3;
	v3 =	vmul.f32 v2, v5;
	v2 =	vld [tilespmem:s11+$0xFFFFFFE0];
	(pc) =	sbr.rel @p1 .LBB2_84-.Ltmp43, $4  }
0x581: {  	v4 =	vld [tilespmem:s6+$0xFFFFFFE0]  }
0x582: {  	[tilespmem:s11+$0xFFFFFFB0] =	vst v3;
	v8 =	vmul.f32 v9, v8;
	v3 =	vld [tilespmem:s11+$0xFFFFFFF0]  }
0x583: {  	v6 =	vld [tilespmem:s6+$0xFFFFFFF0]  }
0x584: {  	s11 =	sadd.s32 $0x80, s11;
	v5 =	vld [tilespmem:s5+$0xFFFFFF90];
	[tilespmem:s5+$0xFFFFFFC0] =	vst v8;
	v7 =	vmul.f32 v10, v7  }
0x585: {  	s9 =	sadd.s32 $0x1, s9  }
0x586: {  	p1 =	sne.s32 s9, $0xC  }
.Ltmp44:
0x587: {  	v2 =	vmul.f32 v4, v2;
	(pc) =	sbr.rel @p1 .LBB2_81-.Ltmp44, $4  }
0x588: {  	[tilespmem:s5+$0xFFFFFFD0] =	vst v7;
	v3 =	vmul.f32 v6, v3  }
0x589: {  	[tilespmem:s5+$0xFFFFFFE0] =	vst v2;
	v1 =	vmul.f32 v1, v5  }
0x58a: {  	[tilespmem:s5+$0xFFFFFFF0] =	vst v3  }
0x58b: {  	s8 =	sadd.s32 $0x1000, s8;
	s29 =	sadd.s32 $0x1000, s29;
	[tilespmem:s5+$0xFFFFFF90] =	vst v1  }
0x58c: {  	_ =	swait.ge [sflag:s30], $0x800  }
0x58d: {  	[sflag:s30] =	ssyncset.done $0x0  }
0x58e: {  	s5 =	simm.s32 $0x18870;
	[sflag:s30] =	ssyncadd.s32 $0xFFFFF800  }
0x58f: {  	s6 =	simm.s32 $0x1B040;
	v2 =	vld [tilespmem:s5+$0x0]  }
0x590: {  	v3 =	vld [tilespmem:s6+$0x30]  }
0x591: {  	v1 =	vld [tilespmem:s6+$0xFFFFFFC0]  }
0x592: {  	v4 =	vld [tilespmem:s5+$0xFFFFFFA0]  }
0x593: {  	v5 =	vld [tilespmem:s6+$0xFFFFFFD0]  }
0x594: {  	v6 =	vld [tilespmem:s5+$0xFFFFFFB0]  }
0x595: {  	v7 =	vld [tilespmem:s6+$0xFFFFFFE0]  }
0x596: {  	v8 =	vld [tilespmem:s5+$0xFFFFFFC0]  }
0x597: {  	v9 =	vld [tilespmem:s6+$0xFFFFFFF0]  }
0x598: {  	v10 =	vld [tilespmem:s5+$0xFFFFFFD0]  }
0x599: {  	v11 =	vld [tilespmem:s6+$0x0];
	v3 =	vmul.f32 v3, v2  }
0x59a: {  	v5 =	vmul.f32 v5, v4;
	v2 =	vld [tilespmem:s5+$0xFFFFFFE0]  }
0x59b: {  	v6 =	vmul.f32 v7, v6;
	v4 =	vld [tilespmem:s6+$0x10];
	[tilespmem:s5+$0x0] =	vst v3  }
0x59c: {  	v7 =	vmul.f32 v9, v8;
	[tilespmem:s5+$0xFFFFFFA0] =	vst v5;
	v3 =	vld [tilespmem:s5+$0xFFFFFFF0]  }
0x59d: {  	[tilespmem:s5+$0xFFFFFFB0] =	vst v6;
	v6 =	vld [tilespmem:s6+$0x20]  }
0x59e: {  	s7 =	simm.s32 $0x0;
	s8 =	simm.s32 $0x188F0;
	v5 =	vld [tilespmem:s5+$0xFFFFFF90];
	[tilespmem:s5+$0xFFFFFFC0] =	vst v7;
	v7 =	vmul.f32 v11, v10  }
.LBB2_87:
0x59f: {  	v8 =	vld [tilespmem:s8+$0x0];
	s6 =	sadd.s32 $0x100, s6  }
0x5a0: {  	s7 =	sadd.s32 $0x8, s7;
	v9 =	vld [tilespmem:s6+$0x30];
	[tilespmem:s5+$0xFFFFFFD0] =	vst v7;
	v2 =	vmul.f32 v4, v2  }
0x5a1: {  	p1 =	slt.u32 s7, $0x78;
	v4 =	vld [tilespmem:s6+$0xFFFFFFC0]  }
0x5a2: {  	v7 =	vld [tilespmem:s8+$0xFFFFFFA0];
	[tilespmem:s5+$0xFFFFFFE0] =	vst v2;
	v2 =	vmul.f32 v6, v3  }
0x5a3: {  	v3 =	vld [tilespmem:s6+$0xFFFFFFD0];
	v10 =	vmul.f32 v1, v5  }
0x5a4: {  	v5 =	vld [tilespmem:s8+$0xFFFFFFB0];
	[tilespmem:s5+$0xFFFFFFF0] =	vst v2  }
0x5a5: {  	v2 =	vld [tilespmem:s6+$0xFFFFFFE0];
	v6 =	vmul.f32 v9, v8;
	[tilespmem:s5+$0xFFFFFF90] =	vst v10;
	s5 =	smov.u32 s8  }
0x5a6: {  	v8 =	vld [tilespmem:s8+$0xFFFFFFC0];
	v1 =	vmov v4  }
0x5a7: {  	v9 =	vld [tilespmem:s6+$0xFFFFFFF0];
	[tilespmem:s8+$0x0] =	vst v6  }
0x5a8: {  	v3 =	vmul.f32 v3, v7;
	v7 =	vld [tilespmem:s8+$0xFFFFFFD0]  }
0x5a9: {  	v10 =	vld [tilespmem:s6+$0x0]  }
.Ltmp45:
0x5aa: {  	[tilespmem:s8+$0xFFFFFFA0] =	vst v3;
	v3 =	vmul.f32 v2, v5;
	v2 =	vld [tilespmem:s8+$0xFFFFFFE0];
	(pc) =	sbr.rel @p1 .LBB2_87-.Ltmp45, $4  }
0x5ab: {  	v4 =	vld [tilespmem:s6+$0x10]  }
0x5ac: {  	[tilespmem:s8+$0xFFFFFFB0] =	vst v3;
	v8 =	vmul.f32 v9, v8;
	v3 =	vld [tilespmem:s8+$0xFFFFFFF0]  }
0x5ad: {  	v6 =	vld [tilespmem:s6+$0x20]  }
0x5ae: {  	s8 =	sadd.s32 $0x80, s8;
	v5 =	vld [tilespmem:s5+$0xFFFFFF90];
	[tilespmem:s5+$0xFFFFFFC0] =	vst v8;
	v7 =	vmul.f32 v10, v7  }
0x5af: {  	_ =	sdelay $0x1  }
0x5b0: {  	v2 =	vmul.f32 v4, v2  }
0x5b1: {  	[tilespmem:s5+$0xFFFFFFD0] =	vst v7;
	v3 =	vmul.f32 v6, v3  }
0x5b2: {  	[tilespmem:s5+$0xFFFFFFE0] =	vst v2;
	v1 =	vmul.f32 v1, v5  }
0x5b3: {  	[tilespmem:s5+$0xFFFFFFF0] =	vst v3  }
0x5b4: {  	s6 =	simm.s32 $0x0;
	[tilespmem:s5+$0xFFFFFF90] =	vst v1;
	s5 =	simm.s32 $0x40  }
.LBB2_89:
0x5b5: {  	p1 =	sne.s32 s5, $0x31FC0;
	[tilespmem:s6+$0x0] =	vst v0;
	s6 =	smov.u32 s5;
	s5 =	sadd.s32 $0x40, s5  }
.Ltmp46:
0x5b6: {  	(pc) =	sbr.rel @p1 .LBB2_89-.Ltmp46, $2  }
0x5b7: {  	_ =	sdelay $0x2  }
0x5b8: {  	s6 =	sshra.s32 s6, $0x2  }
0x5b9: {  	s5 =	simm.s32 $0x19000  }
0x5ba: {  	[tilespmem:s6+$0x0] =	vst v0;
	s6 =	simm.s32 $0x10;
	s8 =	sadd.s32 $0x0, s20;
	s7 =	simm.s32 $0x19100  }
.LBB2_91:
0x5bb: {  	[tilespmem:s5], [sflag:$0x1] =	stream.linear.gather [hbm4b:s8+s1], $0x80, $0x38;
	[tilespmem:$0x1D000] =	vst v63  }
0x5bc: {  	s8 =	smov.u32 s6;
	s5 =	smov.u32 s7;
	p1 =	sne.s32 s6, $0x1F0  }
.Ltmp47:
0x5bd: {  	s6 =	sadd.s32 $0x10, s6;
	(pc) =	sbr.rel @p1 .LBB2_91-.Ltmp47, $2  }
0x5be: {  	_ =	sdelay $0x2  }
0x5bf: {  	s7 =	sadd.s32 $0x100, s7;
	s8 =	sadd.s32 s8, s20  }
0x5c0: {  	[tilespmem:s5], [sflag:$0x1] =	stream.linear.gather [hbm4b:s8+s1], $0x80, $0x38;
	[tilespmem:$0x1D000] =	vst v63  }
0x5c1: {  	s9 =	simm.s32 $0x0;
	s5 =	simm.s32 $0x1B000  }
0x5c2: {  	s6 =	simm.s32 $0x10;
	s8 =	sadd.s32 $0x0, s0;
	s7 =	simm.s32 $0x1B100  }
.LBB2_93:
0x5c3: {  	[tilespmem:s5], [sflag:$0x1] =	stream.linear.gather [hbm4b:s8+s9], $0x80, $0x38;
	[tilespmem:$0x1D000] =	vst v63  }
0x5c4: {  	s8 =	smov.u32 s6;
	s5 =	smov.u32 s7;
	p1 =	sne.s32 s6, $0x1F0  }
.Ltmp48:
0x5c5: {  	s6 =	sadd.s32 $0x10, s6;
	(pc) =	sbr.rel @p1 .LBB2_93-.Ltmp48, $2  }
0x5c6: {  	_ =	sdelay $0x2  }
0x5c7: {  	s7 =	sadd.s32 $0x100, s7;
	s8 =	sadd.s32 s8, s0  }
0x5c8: {  	[tilespmem:s5], [sflag:$0x1] =	stream.linear.gather [hbm4b:s8+s9], $0x80, $0x38;
	[tilespmem:$0x1D000] =	vst v63  }
.LBB2_95:
0x5c9: {  	s5 =	sshll.u32 s9, $0xD  }
0x5ca: {  	s5 =	sadd.s32 s18, s5  }
0x5cb: {  	s29 =	sshrl.u32 s5, $0x3  }
0x5cc: {  	s5 =	sor.u32 $0x200, s29  }
0x5cd: {  	s7 =	simm.s32 $0x19080;
	s6 =	sadd.s32 s3, s5  }
0x5ce: {  	s8 =	simm.s32 $0x10;
	s11 =	simm.s32 $0x19180;
	s12 =	sadd.s32 $0x0, s6  }
.LBB2_96:
0x5cf: {  	[tilespmem:s7], [sflag:$0x2] =	stream.linear.gather [hbm4b:s12+s1], $0x80, $0x38;
	[tilespmem:$0x1D000] =	vst v63  }
0x5d0: {  	s12 =	smov.u32 s8;
	s7 =	smov.u32 s11;
	p1 =	sne.s32 s8, $0x1F0  }
.Ltmp49:
0x5d1: {  	s8 =	sadd.s32 $0x10, s8;
	(pc) =	sbr.rel @p1 .LBB2_96-.Ltmp49, $2  }
0x5d2: {  	_ =	sdelay $0x2  }
0x5d3: {  	s11 =	sadd.s32 $0x100, s11;
	s12 =	sadd.s32 s12, s6  }
0x5d4: {  	[tilespmem:s7], [sflag:$0x2] =	stream.linear.gather [hbm4b:s12+s1], $0x80, $0x38;
	[tilespmem:$0x1D000] =	vst v63  }
0x5d5: {  	s5 =	sadd.s32 s4, s5;
	s6 =	simm.s32 $0x1B080  }
0x5d6: {  	s7 =	simm.s32 $0x10;
	s8 =	simm.s32 $0x1B180;
	s11 =	sadd.s32 $0x0, s5  }
.LBB2_98:
0x5d7: {  	[tilespmem:s6], [sflag:$0x2] =	stream.linear.gather [hbm4b:s11+s1], $0x80, $0x38;
	[tilespmem:$0x1D000] =	vst v63  }
0x5d8: {  	s11 =	smov.u32 s7;
	s6 =	smov.u32 s8;
	p1 =	sne.s32 s7, $0x1F0  }
.Ltmp50:
0x5d9: {  	s7 =	sadd.s32 $0x10, s7;
	(pc) =	sbr.rel @p1 .LBB2_98-.Ltmp50, $2  }
0x5da: {  	_ =	sdelay $0x2  }
0x5db: {  	s8 =	sadd.s32 $0x100, s8;
	s11 =	sadd.s32 s11, s5  }
0x5dc: {  	[tilespmem:s6], [sflag:$0x2] =	stream.linear.gather [hbm4b:s11+s1], $0x80, $0x38;
	[tilespmem:$0x1D000] =	vst v63  }
0x5dd: {  	_ =	swait.ge [sflag:s30], $0x1000  }
0x5de: {  	[sflag:s30] =	ssyncset.done $0x0  }
0x5df: {  	[sflag:s30] =	ssyncadd.s32 $0xFFFFF000  }
0x5e0: {  	_ =	swait.ge [sflag:s30], $0x1000  }
0x5e1: {  	[sflag:s30] =	ssyncset.done $0x0  }
0x5e2: {  	s21 =	simm.s32 $0x19100;
	[sflag:s30] =	ssyncadd.s32 $0xFFFFF000  }
0x5e3: {  	v1 =	vld [tilespmem:s21+$0x70]  }
0x5e4: {  	v2 =	vld [tilespmem:s21+$0xFFFFFF10]  }
0x5e5: {  	v3 =	vld [tilespmem:s21+$0xFFFFFF20]  }
0x5e6: {  	v4 =	vld [tilespmem:s21+$0xFFFFFF30]  }
0x5e7: {  	v5 =	vld [tilespmem:s21+$0xFFFFFF40]  }
0x5e8: {  	v6 =	vld [tilespmem:s21+$0xFFFFFF50]  }
0x5e9: {  	v8 =	vld [tilespmem:s21+$0xFFFFFF60]  }
0x5ea: {  	v9 =	vld [tilespmem:s21+$0xFFFFFF70]  }
0x5eb: {  	v10 =	vld [tilespmem:s21+$0x0]  }
0x5ec: {  	s5 =	simm.s32 $0x1B100;
	v11 =	vld [tilespmem:s21+$0x10]  }
0x5ed: {  	v12 =	vld [tilespmem:s5+$0x70]  }
0x5ee: {  	v13 =	vld [tilespmem:s21+$0x20]  }
0x5ef: {  	v14 =	vld [tilespmem:s21+$0x30]  }
0x5f0: {  	v16 =	vld [tilespmem:s21+$0x40]  }
0x5f1: {  	v18 =	vld [tilespmem:s21+$0x50]  }
0x5f2: {  	v20 =	vld [tilespmem:s21+$0x60]  }
0x5f3: {  	v21 =	vld [tilespmem:s21+$0xFFFFFF00]  }
0x5f4: {  	v31 =	vld [tilespmem:s5+$0xFFFFFF00]  }
0x5f5: {  	v32 =	vld [tilespmem:s5+$0xFFFFFF10]  }
0x5f6: {  	v33 =	vld [tilespmem:s5+$0xFFFFFF20]  }
0x5f7: {  	v34 =	vld [tilespmem:s5+$0xFFFFFF30]  }
0x5f8: {  	v35 =	vld [tilespmem:s5+$0xFFFFFF40]  }
0x5f9: {  	v43 =	vld [tilespmem:s5+$0xFFFFFF50]  }
0x5fa: {  	v44 =	vld [tilespmem:s5+$0xFFFFFF60]  }
0x5fb: {  	v45 =	vld [tilespmem:s5+$0xFFFFFF70]  }
0x5fc: {  	v46 =	vld [tilespmem:s5+$0x0]  }
0x5fd: {  	v48 =	vld [tilespmem:s5+$0x20];
	v7 =	vand.u32 $0xFFFF, v1  }
0x5fe: {  	v49 =	vld [tilespmem:s5+$0x30];
	v15 =	vand.u32 $0xFFFF, v2  }
0x5ff: {  	v50 =	vld [tilespmem:s5+$0x40];
	v17 =	vand.u32 $0xFFFF, v3  }
0x600: {  	v53 =	vld [tilespmem:s5+$0x50];
	v19 =	vand.u32 $0xFFFF, v4  }
0x601: {  	v54 =	vld [tilespmem:s5+$0x60];
	v22 =	vand.u32 $0xFFFF, v6  }
0x602: {  	v42 =	vand.u32 $0xFFFF, v9;
	v7 =	vld.idx.msk [tilespmem:v7+s22+$0x0], $0xffff  }
0x603: {  	v23 =	vand.u32 $0xFFFF, v10;
	v41 =	vld.idx.msk [tilespmem:v15+s22+$0x0], $0xffff  }
0x604: {  	v24 =	vand.u32 $0xFFFF, v21;
	v17 =	vld.idx.msk [tilespmem:v17+s22+$0x0], $0xffff  }
0x605: {  	v25 =	vand.u32 $0xFFFF, v11;
	v19 =	vld.idx.msk [tilespmem:v19+s22+$0x0], $0xffff  }
0x606: {  	v26 =	vand.u32 $0xFFFF, v13;
	v22 =	vld.idx.msk [tilespmem:v22+s22+$0x0], $0xffff  }
0x607: {  	v27 =	vand.u32 $0xFFFF, v14;
	v15 =	vld.idx.msk [tilespmem:v42+s22+$0x0], $0xffff  }
0x608: {  	v28 =	vand.u32 $0xFFFF, v16;
	v23 =	vld.idx.msk [tilespmem:v23+s22+$0x0], $0xffff  }
0x609: {  	v29 =	vand.u32 $0xFFFF, v18;
	v24 =	vld.idx.msk [tilespmem:v24+s22+$0x0], $0xffff  }
0x60a: {  	v30 =	vand.u32 $0xFFFF, v20;
	v25 =	vld.idx.msk [tilespmem:v25+s22+$0x0], $0xffff  }
0x60b: {  	v40 =	vand.u32 $0xFFFF, v5;
	v26 =	vld.idx.msk [tilespmem:v26+s22+$0x0], $0xffff  }
0x60c: {  	v1 =	vshrl.u32 v1, $0x10;
	v27 =	vld.idx.msk [tilespmem:v27+s22+$0x0], $0xffff  }
0x60d: {  	v21 =	vshrl.u32 v21, $0x10;
	v28 =	vld.idx.msk [tilespmem:v28+s22+$0x0], $0xffff  }
0x60e: {  	v3 =	vshrl.u32 v3, $0x10;
	v29 =	vld.idx.msk [tilespmem:v29+s22+$0x0], $0xffff  }
0x60f: {  	v4 =	vshrl.u32 v4, $0x10;
	v30 =	vld.idx.msk [tilespmem:v30+s22+$0x0], $0xffff;
	v7 =	vmul.f32 v12, v7  }
0x610: {  	v9 =	vshrl.u32 v9, $0x10;
	v12 =	vld.idx.msk [tilespmem:v40+s22+$0x0], $0xffff;
	v24 =	vmul.f32 v31, v24  }
0x611: {  	v47 =	vmul.f32 v33, v17;
	[tilespmem:v1+s1+$0x0] =	vst.idx.add.f32.msk $0xffff, v7;
	v1 =	vand.u32 $0xFFFF, v8  }
0x612: {  	v10 =	vshrl.u32 v10, $0x10;
	v52 =	vmul.f32 v34, v19;
	[tilespmem:v21+s1+$0x0] =	vst.idx.add.f32.msk $0xffff, v24  }
0x613: {  	v2 =	vshrl.u32 v2, $0x10;
	v57 =	vmul.f32 v45, v15;
	[tilespmem:v3+s1+$0x0] =	vst.idx.add.f32.msk $0xffff, v47  }
0x614: {  	[tilespmem:v4+s1+$0x0] =	vst.idx.add.f32.msk $0xffff, v52  }
0x615: {  	v58 =	vmul.f32 v46, v23;
	v3 =	vshrl.u32 v6, $0x10;
	[tilespmem:v9+s1+$0x0] =	vst.idx.add.f32.msk $0xffff, v57  }
0x616: {  	v56 =	vshrl.u32 v13, $0x10;
	v7 =	vmul.f32 v32, v41;
	v1 =	vld.idx.msk [tilespmem:v1+s22+$0x0], $0xffff  }
0x617: {  	v59 =	vshrl.u32 v18, $0x10;
	[tilespmem:v10+s1+$0x0] =	vst.idx.add.f32.msk $0xffff, v58  }
0x618: {  	v51 =	vshrl.u32 v8, $0x10;
	v22 =	vmul.f32 v43, v22;
	[tilespmem:v2+s1+$0x0] =	vst.idx.add.f32.msk $0xffff, v7  }
0x619: {  	v5 =	vshrl.u32 v5, $0x10;
	v60 =	vmul.f32 v48, v26;
	v2 =	vld [tilespmem:s5+$0x10]  }
0x61a: {  	v63 =	vmul.f32 v53, v29;
	[tilespmem:v3+s1+$0x0] =	vst.idx.add.f32.msk $0xffff, v22;
	v3 =	vshrl.u32 v14, $0x10  }
0x61b: {  	v55 =	vshrl.u32 v11, $0x10;
	[tilespmem:v56+s1+$0x0] =	vst.idx.add.f32.msk $0xffff, v60;
	v1 =	vmul.f32 v44, v1  }
0x61c: {  	v61 =	vshrl.u32 v20, $0x10;
	[tilespmem:v59+s1+$0x0] =	vst.idx.add.f32.msk $0xffff, v63;
	v12 =	vmul.f32 v35, v12  }
0x61d: {  	v62 =	vmul.f32 v49, v27;
	[tilespmem:v51+s1+$0x0] =	vst.idx.add.f32.msk $0xffff, v1;
	v1 =	vshrl.u32 v16, $0x10  }
0x61e: {  	[tilespmem:v5+s1+$0x0] =	vst.idx.add.f32.msk $0xffff, v12;
	v2 =	vmul.f32 v2, v25  }
0x61f: {  	[tilespmem:v3+s1+$0x0] =	vst.idx.add.f32.msk $0xffff, v62;
	v3 =	vmul.f32 v54, v30  }
0x620: {  	[tilespmem:v55+s1+$0x0] =	vst.idx.add.f32.msk $0xffff, v2;
	v2 =	vmul.f32 v50, v28  }
0x621: {  	[tilespmem:v61+s1+$0x0] =	vst.idx.add.f32.msk $0xffff, v3  }
0x622: {  	s6 =	simm.s32 $0x0;
	s7 =	simm.s32 $0x19300;
	[tilespmem:v1+s1+$0x0] =	vst.idx.add.f32.msk $0xffff, v2  }
.LBB2_100:
0x623: {  	v5 =	vld [tilespmem:s7+$0x70];
	s6 =	sadd.s32 $0x10, s6  }
0x624: {  	v2 =	vld [tilespmem:s7+$0xFFFFFF10];
	p1 =	slt.u32 s6, $0xF0  }
0x625: {  	v3 =	vld [tilespmem:s7+$0xFFFFFF20]  }
0x626: {  	v4 =	vld [tilespmem:s7+$0xFFFFFF30]  }
0x627: {  	v6 =	vld [tilespmem:s7+$0xFFFFFF40]  }
0x628: {  	v7 =	vld [tilespmem:s7+$0xFFFFFF50];
	v8 =	vand.u32 $0xFFFF, v5  }
0x629: {  	v1 =	vshrl.u32 v2, $0x10;
	v9 =	vand.u32 $0xFFFF, v2;
	v10 =	vld [tilespmem:s7+$0xFFFFFF60]  }
0x62a: {  	v2 =	vshrl.u32 v3, $0x10;
	v11 =	vand.u32 $0xFFFF, v3;
	v12 =	vld [tilespmem:s7+$0xFFFFFF70]  }
0x62b: {  	v3 =	vshrl.u32 v4, $0x10;
	v13 =	vand.u32 $0xFFFF, v4;
	v14 =	vld [tilespmem:s7+$0x0]  }
0x62c: {  	v4 =	vshrl.u32 v6, $0x10;
	v6 =	vand.u32 $0xFFFF, v6;
	v15 =	vld [tilespmem:s7+$0x10]  }
0x62d: {  	s5 =	sadd.s32 $0x200, s5;
	v16 =	vshrl.u32 v7, $0x10;
	v7 =	vand.u32 $0xFFFF, v7;
	v8 =	vld.idx.msk [tilespmem:v8+s22+$0x0], $0xffff  }
0x62e: {  	v17 =	vshrl.u32 v10, $0x10;
	v10 =	vand.u32 $0xFFFF, v10;
	v18 =	vld [tilespmem:s5+$0x70]  }
0x62f: {  	v19 =	vshrl.u32 v12, $0x10;
	v12 =	vand.u32 $0xFFFF, v12;
	v20 =	vld [tilespmem:s7+$0x20]  }
0x630: {  	v5 =	vshrl.u32 v5, $0x10;
	v21 =	vshrl.u32 v14, $0x10;
	v14 =	vand.u32 $0xFFFF, v14;
	v22 =	vld [tilespmem:s7+$0x30]  }
0x631: {  	v23 =	vshrl.u32 v15, $0x10;
	v15 =	vand.u32 $0xFFFF, v15;
	v24 =	vld [tilespmem:s7+$0x40]  }
0x632: {  	v25 =	vld [tilespmem:s7+$0x50]  }
0x633: {  	v26 =	vld [tilespmem:s7+$0x60];
	v8 =	vmul.f32 v18, v8  }
0x634: {  	v18 =	vld [tilespmem:s7+$0xFFFFFF00];
	v27 =	vshrl.u32 v20, $0x10;
	v20 =	vand.u32 $0xFFFF, v20  }
0x635: {  	v28 =	vshrl.u32 v22, $0x10;
	v22 =	vand.u32 $0xFFFF, v22;
	[tilespmem:v5+s1+$0x0] =	vst.idx.add.f32.msk $0xffff, v8  }
0x636: {  	v5 =	vld.idx.msk [tilespmem:v9+s22+$0x0], $0xffff;
	v8 =	vshrl.u32 v24, $0x10;
	v9 =	vand.u32 $0xFFFF, v24  }
0x637: {  	v11 =	vld.idx.msk [tilespmem:v11+s22+$0x0], $0xffff;
	v24 =	vshrl.u32 v25, $0x10;
	v25 =	vand.u32 $0xFFFF, v25  }
0x638: {  	v13 =	vld.idx.msk [tilespmem:v13+s22+$0x0], $0xffff;
	v29 =	vshrl.u32 v26, $0x10;
	v26 =	vand.u32 $0xFFFF, v26  }
0x639: {  	v30 =	vshrl.u32 v18, $0x10;
	v18 =	vand.u32 $0xFFFF, v18;
	v6 =	vld.idx.msk [tilespmem:v6+s22+$0x0], $0xffff  }
0x63a: {  	v7 =	vld.idx.msk [tilespmem:v7+s22+$0x0], $0xffff  }
0x63b: {  	v10 =	vld.idx.msk [tilespmem:v10+s22+$0x0], $0xffff  }
0x63c: {  	v12 =	vld.idx.msk [tilespmem:v12+s22+$0x0], $0xffff  }
0x63d: {  	v14 =	vld.idx.msk [tilespmem:v14+s22+$0x0], $0xffff  }
0x63e: {  	v18 =	vld.idx.msk [tilespmem:v18+s22+$0x0], $0xffff  }
0x63f: {  	v15 =	vld.idx.msk [tilespmem:v15+s22+$0x0], $0xffff  }
0x640: {  	v20 =	vld.idx.msk [tilespmem:v20+s22+$0x0], $0xffff  }
0x641: {  	v22 =	vld.idx.msk [tilespmem:v22+s22+$0x0], $0xffff  }
0x642: {  	v9 =	vld.idx.msk [tilespmem:v9+s22+$0x0], $0xffff  }
0x643: {  	v25 =	vld.idx.msk [tilespmem:v25+s22+$0x0], $0xffff  }
0x644: {  	v26 =	vld.idx.msk [tilespmem:v26+s22+$0x0], $0xffff  }
0x645: {  	v31 =	vld [tilespmem:s5+$0xFFFFFF00]  }
0x646: {  	v32 =	vld [tilespmem:s5+$0xFFFFFF10]  }
0x647: {  	v33 =	vld [tilespmem:s5+$0xFFFFFF20]  }
0x648: {  	v34 =	vld [tilespmem:s5+$0xFFFFFF30]  }
0x649: {  	v35 =	vld [tilespmem:s5+$0xFFFFFF40]  }
0x64a: {  	v18 =	vmul.f32 v31, v18;
	v31 =	vld [tilespmem:s5+$0xFFFFFF50]  }
0x64b: {  	v5 =	vmul.f32 v32, v5;
	v32 =	vld [tilespmem:s5+$0xFFFFFF60]  }
0x64c: {  	v11 =	vmul.f32 v33, v11;
	v33 =	vld [tilespmem:s5+$0xFFFFFF70]  }
0x64d: {  	v13 =	vmul.f32 v34, v13;
	v34 =	vld [tilespmem:s5+$0x0]  }
0x64e: {  	v6 =	vmul.f32 v35, v6;
	v35 =	vld [tilespmem:s5+$0x10]  }
0x64f: {  	v7 =	vmul.f32 v31, v7;
	v31 =	vld [tilespmem:s5+$0x20]  }
0x650: {  	v10 =	vmul.f32 v32, v10;
	v32 =	vld [tilespmem:s5+$0x30]  }
0x651: {  	v12 =	vmul.f32 v33, v12;
	v33 =	vld [tilespmem:s5+$0x40]  }
0x652: {  	v14 =	vmul.f32 v34, v14;
	v34 =	vld [tilespmem:s5+$0x50]  }
0x653: {  	v15 =	vmul.f32 v35, v15;
	v35 =	vld [tilespmem:s5+$0x60]  }
0x654: {  	[tilespmem:v30+s1+$0x0] =	vst.idx.add.f32.msk $0xffff, v18;
	v18 =	vmul.f32 v31, v20  }
0x655: {  	[tilespmem:v1+s1+$0x0] =	vst.idx.add.f32.msk $0xffff, v5;
	v1 =	vmul.f32 v32, v22  }
0x656: {  	[tilespmem:v2+s1+$0x0] =	vst.idx.add.f32.msk $0xffff, v11;
	v2 =	vmul.f32 v33, v9  }
0x657: {  	[tilespmem:v3+s1+$0x0] =	vst.idx.add.f32.msk $0xffff, v13;
	v3 =	vmul.f32 v34, v25  }
0x658: {  	[tilespmem:v4+s1+$0x0] =	vst.idx.add.f32.msk $0xffff, v6;
	v4 =	vmul.f32 v35, v26  }
0x659: {  	[tilespmem:v16+s1+$0x0] =	vst.idx.add.f32.msk $0xffff, v7  }
0x65a: {  	[tilespmem:v17+s1+$0x0] =	vst.idx.add.f32.msk $0xffff, v10  }
0x65b: {  	[tilespmem:v19+s1+$0x0] =	vst.idx.add.f32.msk $0xffff, v12  }
0x65c: {  	[tilespmem:v21+s1+$0x0] =	vst.idx.add.f32.msk $0xffff, v14  }
0x65d: {  	[tilespmem:v23+s1+$0x0] =	vst.idx.add.f32.msk $0xffff, v15  }
.Ltmp51:
0x65e: {  	[tilespmem:v27+s1+$0x0] =	vst.idx.add.f32.msk $0xffff, v18;
	(pc) =	sbr.rel @p1 .LBB2_100-.Ltmp51, $4  }
0x65f: {  	[tilespmem:v28+s1+$0x0] =	vst.idx.add.f32.msk $0xffff, v1  }
0x660: {  	[tilespmem:v8+s1+$0x0] =	vst.idx.add.f32.msk $0xffff, v2  }
0x661: {  	[tilespmem:v24+s1+$0x0] =	vst.idx.add.f32.msk $0xffff, v3  }
0x662: {  	s7 =	sadd.s32 $0x200, s7;
	[tilespmem:v29+s1+$0x0] =	vst.idx.add.f32.msk $0xffff, v4  }
0x663: {  	p1 =	seq.s32 s9, $0x31  }
.Ltmp52:
0x664: {  	_ = 	snop;
	(pc) =	sbr.rel @p1 .LBB2_107-.Ltmp52, $1  }
0x665: {  	_ =	sdelay $0x3  }
0x666: {  	s5 =	sadd.s32 $0x400, s29  }
0x667: {  	s7 =	simm.s32 $0x19000;
	s6 =	sadd.s32 s3, s5  }
0x668: {  	s8 =	simm.s32 $0x10;
	s11 =	simm.s32 $0x19100;
	s12 =	sadd.s32 $0x0, s6  }
.LBB2_103:
0x669: {  	[tilespmem:s7], [sflag:$0x1] =	stream.linear.gather [hbm4b:s12+s1], $0x80, $0x38;
	[tilespmem:$0x1D000] =	vst v63  }
0x66a: {  	s12 =	smov.u32 s8;
	s7 =	smov.u32 s11;
	p1 =	sne.s32 s8, $0x1F0  }
.Ltmp53:
0x66b: {  	s8 =	sadd.s32 $0x10, s8;
	(pc) =	sbr.rel @p1 .LBB2_103-.Ltmp53, $2  }
0x66c: {  	_ =	sdelay $0x2  }
0x66d: {  	s11 =	sadd.s32 $0x100, s11;
	s12 =	sadd.s32 s12, s6  }
0x66e: {  	[tilespmem:s7], [sflag:$0x1] =	stream.linear.gather [hbm4b:s12+s1], $0x80, $0x38;
	[tilespmem:$0x1D000] =	vst v63  }
0x66f: {  	s5 =	sadd.s32 s4, s5;
	s6 =	simm.s32 $0x1B000  }
0x670: {  	s7 =	simm.s32 $0x10;
	s8 =	simm.s32 $0x1B100;
	s11 =	sadd.s32 $0x0, s5  }
.LBB2_105:
0x671: {  	[tilespmem:s6], [sflag:$0x1] =	stream.linear.gather [hbm4b:s11+s1], $0x80, $0x38;
	[tilespmem:$0x1D000] =	vst v63  }
0x672: {  	s11 =	smov.u32 s7;
	s6 =	smov.u32 s8;
	p1 =	sne.s32 s7, $0x1F0  }
.Ltmp54:
0x673: {  	s7 =	sadd.s32 $0x10, s7;
	(pc) =	sbr.rel @p1 .LBB2_105-.Ltmp54, $2  }
0x674: {  	_ =	sdelay $0x2  }
0x675: {  	s8 =	sadd.s32 $0x100, s8;
	s11 =	sadd.s32 s11, s5  }
0x676: {  	[tilespmem:s6], [sflag:$0x1] =	stream.linear.gather [hbm4b:s11+s1], $0x80, $0x38;
	[tilespmem:$0x1D000] =	vst v63  }
.LBB2_107:
0x677: {  	_ =	swait.ge [sflag:s2], $0x1000  }
0x678: {  	[sflag:s2] =	ssyncset.done $0x0  }
0x679: {  	[sflag:s2] =	ssyncadd.s32 $0xFFFFF000  }
0x67a: {  	_ =	swait.ge [sflag:s2], $0x1000  }
0x67b: {  	[sflag:s2] =	ssyncset.done $0x0  }
0x67c: {  	s6 =	simm.s32 $0x19180;
	[sflag:s2] =	ssyncadd.s32 $0xFFFFF000  }
0x67d: {  	v1 =	vld [tilespmem:s6+$0x70]  }
0x67e: {  	v2 =	vld [tilespmem:s6+$0xFFFFFF10]  }
0x67f: {  	v3 =	vld [tilespmem:s6+$0xFFFFFF20]  }
0x680: {  	v4 =	vld [tilespmem:s6+$0xFFFFFF30]  }
0x681: {  	v5 =	vld [tilespmem:s6+$0xFFFFFF40]  }
0x682: {  	v6 =	vld [tilespmem:s6+$0xFFFFFF50]  }
0x683: {  	v8 =	vld [tilespmem:s6+$0xFFFFFF60]  }
0x684: {  	v9 =	vld [tilespmem:s6+$0xFFFFFF70]  }
0x685: {  	v10 =	vld [tilespmem:s6+$0x0]  }
0x686: {  	s5 =	simm.s32 $0x1B180;
	v11 =	vld [tilespmem:s6+$0x10]  }
0x687: {  	v12 =	vld [tilespmem:s5+$0x70]  }
0x688: {  	v13 =	vld [tilespmem:s6+$0x20]  }
0x689: {  	v14 =	vld [tilespmem:s6+$0x30]  }
0x68a: {  	v16 =	vld [tilespmem:s6+$0x40]  }
0x68b: {  	v18 =	vld [tilespmem:s6+$0x50]  }
0x68c: {  	v20 =	vld [tilespmem:s6+$0x60]  }
0x68d: {  	v21 =	vld [tilespmem:s6+$0xFFFFFF00]  }
0x68e: {  	v31 =	vld [tilespmem:s5+$0xFFFFFF00]  }
0x68f: {  	v32 =	vld [tilespmem:s5+$0xFFFFFF10]  }
0x690: {  	v33 =	vld [tilespmem:s5+$0xFFFFFF20]  }
0x691: {  	v34 =	vld [tilespmem:s5+$0xFFFFFF30]  }
0x692: {  	v35 =	vld [tilespmem:s5+$0xFFFFFF40]  }
0x693: {  	v43 =	vld [tilespmem:s5+$0xFFFFFF50]  }
0x694: {  	v44 =	vld [tilespmem:s5+$0xFFFFFF60]  }
0x695: {  	v45 =	vld [tilespmem:s5+$0xFFFFFF70]  }
0x696: {  	v46 =	vld [tilespmem:s5+$0x0]  }
0x697: {  	v48 =	vld [tilespmem:s5+$0x20];
	v7 =	vand.u32 $0xFFFF, v1  }
0x698: {  	v49 =	vld [tilespmem:s5+$0x30];
	v15 =	vand.u32 $0xFFFF, v2  }
0x699: {  	v50 =	vld [tilespmem:s5+$0x40];
	v17 =	vand.u32 $0xFFFF, v3  }
0x69a: {  	v53 =	vld [tilespmem:s5+$0x50];
	v19 =	vand.u32 $0xFFFF, v4  }
0x69b: {  	v54 =	vld [tilespmem:s5+$0x60];
	v22 =	vand.u32 $0xFFFF, v6  }
0x69c: {  	v42 =	vand.u32 $0xFFFF, v9;
	v7 =	vld.idx.msk [tilespmem:v7+s22+$0x0], $0xffff  }
0x69d: {  	v23 =	vand.u32 $0xFFFF, v10;
	v41 =	vld.idx.msk [tilespmem:v15+s22+$0x0], $0xffff  }
0x69e: {  	v24 =	vand.u32 $0xFFFF, v21;
	v17 =	vld.idx.msk [tilespmem:v17+s22+$0x0], $0xffff  }
0x69f: {  	v25 =	vand.u32 $0xFFFF, v11;
	v19 =	vld.idx.msk [tilespmem:v19+s22+$0x0], $0xffff  }
0x6a0: {  	v26 =	vand.u32 $0xFFFF, v13;
	v22 =	vld.idx.msk [tilespmem:v22+s22+$0x0], $0xffff  }
0x6a1: {  	v27 =	vand.u32 $0xFFFF, v14;
	v15 =	vld.idx.msk [tilespmem:v42+s22+$0x0], $0xffff  }
0x6a2: {  	v28 =	vand.u32 $0xFFFF, v16;
	v23 =	vld.idx.msk [tilespmem:v23+s22+$0x0], $0xffff  }
0x6a3: {  	v29 =	vand.u32 $0xFFFF, v18;
	v24 =	vld.idx.msk [tilespmem:v24+s22+$0x0], $0xffff  }
0x6a4: {  	v30 =	vand.u32 $0xFFFF, v20;
	v25 =	vld.idx.msk [tilespmem:v25+s22+$0x0], $0xffff  }
0x6a5: {  	v40 =	vand.u32 $0xFFFF, v5;
	v26 =	vld.idx.msk [tilespmem:v26+s22+$0x0], $0xffff  }
0x6a6: {  	v1 =	vshrl.u32 v1, $0x10;
	v27 =	vld.idx.msk [tilespmem:v27+s22+$0x0], $0xffff  }
0x6a7: {  	v21 =	vshrl.u32 v21, $0x10;
	v28 =	vld.idx.msk [tilespmem:v28+s22+$0x0], $0xffff  }
0x6a8: {  	v3 =	vshrl.u32 v3, $0x10;
	v29 =	vld.idx.msk [tilespmem:v29+s22+$0x0], $0xffff  }
0x6a9: {  	v4 =	vshrl.u32 v4, $0x10;
	v30 =	vld.idx.msk [tilespmem:v30+s22+$0x0], $0xffff;
	v7 =	vmul.f32 v12, v7  }
0x6aa: {  	v9 =	vshrl.u32 v9, $0x10;
	v12 =	vld.idx.msk [tilespmem:v40+s22+$0x0], $0xffff;
	v24 =	vmul.f32 v31, v24  }
0x6ab: {  	v47 =	vmul.f32 v33, v17;
	[tilespmem:v1+s1+$0x0] =	vst.idx.add.f32.msk $0xffff, v7;
	v1 =	vand.u32 $0xFFFF, v8  }
0x6ac: {  	v10 =	vshrl.u32 v10, $0x10;
	v52 =	vmul.f32 v34, v19;
	[tilespmem:v21+s1+$0x0] =	vst.idx.add.f32.msk $0xffff, v24  }
0x6ad: {  	v2 =	vshrl.u32 v2, $0x10;
	v57 =	vmul.f32 v45, v15;
	[tilespmem:v3+s1+$0x0] =	vst.idx.add.f32.msk $0xffff, v47  }
0x6ae: {  	[tilespmem:v4+s1+$0x0] =	vst.idx.add.f32.msk $0xffff, v52  }
0x6af: {  	v58 =	vmul.f32 v46, v23;
	v3 =	vshrl.u32 v6, $0x10;
	[tilespmem:v9+s1+$0x0] =	vst.idx.add.f32.msk $0xffff, v57  }
0x6b0: {  	v56 =	vshrl.u32 v13, $0x10;
	v7 =	vmul.f32 v32, v41;
	v1 =	vld.idx.msk [tilespmem:v1+s22+$0x0], $0xffff  }
0x6b1: {  	v59 =	vshrl.u32 v18, $0x10;
	[tilespmem:v10+s1+$0x0] =	vst.idx.add.f32.msk $0xffff, v58  }
0x6b2: {  	v51 =	vshrl.u32 v8, $0x10;
	v22 =	vmul.f32 v43, v22;
	[tilespmem:v2+s1+$0x0] =	vst.idx.add.f32.msk $0xffff, v7  }
0x6b3: {  	v5 =	vshrl.u32 v5, $0x10;
	v60 =	vmul.f32 v48, v26;
	v2 =	vld [tilespmem:s5+$0x10]  }
0x6b4: {  	v63 =	vmul.f32 v53, v29;
	[tilespmem:v3+s1+$0x0] =	vst.idx.add.f32.msk $0xffff, v22;
	v3 =	vshrl.u32 v14, $0x10  }
0x6b5: {  	v55 =	vshrl.u32 v11, $0x10;
	[tilespmem:v56+s1+$0x0] =	vst.idx.add.f32.msk $0xffff, v60;
	v1 =	vmul.f32 v44, v1  }
0x6b6: {  	v61 =	vshrl.u32 v20, $0x10;
	[tilespmem:v59+s1+$0x0] =	vst.idx.add.f32.msk $0xffff, v63;
	v12 =	vmul.f32 v35, v12  }
0x6b7: {  	v62 =	vmul.f32 v49, v27;
	[tilespmem:v51+s1+$0x0] =	vst.idx.add.f32.msk $0xffff, v1;
	v1 =	vshrl.u32 v16, $0x10  }
0x6b8: {  	[tilespmem:v5+s1+$0x0] =	vst.idx.add.f32.msk $0xffff, v12;
	v2 =	vmul.f32 v2, v25  }
0x6b9: {  	[tilespmem:v3+s1+$0x0] =	vst.idx.add.f32.msk $0xffff, v62;
	v3 =	vmul.f32 v54, v30  }
0x6ba: {  	[tilespmem:v55+s1+$0x0] =	vst.idx.add.f32.msk $0xffff, v2;
	v2 =	vmul.f32 v50, v28  }
0x6bb: {  	[tilespmem:v61+s1+$0x0] =	vst.idx.add.f32.msk $0xffff, v3  }
0x6bc: {  	s7 =	simm.s32 $0x19380;
	s6 =	simm.s32 $0x0;
	[tilespmem:v1+s1+$0x0] =	vst.idx.add.f32.msk $0xffff, v2  }
.LBB2_108:
0x6bd: {  	v5 =	vld [tilespmem:s7+$0x70];
	s6 =	sadd.s32 $0x10, s6  }
0x6be: {  	v2 =	vld [tilespmem:s7+$0xFFFFFF10];
	p1 =	slt.u32 s6, $0xF0  }
0x6bf: {  	v3 =	vld [tilespmem:s7+$0xFFFFFF20]  }
0x6c0: {  	v4 =	vld [tilespmem:s7+$0xFFFFFF30]  }
0x6c1: {  	v6 =	vld [tilespmem:s7+$0xFFFFFF40]  }
0x6c2: {  	v7 =	vld [tilespmem:s7+$0xFFFFFF50];
	v8 =	vand.u32 $0xFFFF, v5  }
0x6c3: {  	v1 =	vshrl.u32 v2, $0x10;
	v9 =	vand.u32 $0xFFFF, v2;
	v10 =	vld [tilespmem:s7+$0xFFFFFF60]  }
0x6c4: {  	v2 =	vshrl.u32 v3, $0x10;
	v11 =	vand.u32 $0xFFFF, v3;
	v12 =	vld [tilespmem:s7+$0xFFFFFF70]  }
0x6c5: {  	v3 =	vshrl.u32 v4, $0x10;
	v13 =	vand.u32 $0xFFFF, v4;
	v14 =	vld [tilespmem:s7+$0x0]  }
0x6c6: {  	v4 =	vshrl.u32 v6, $0x10;
	v6 =	vand.u32 $0xFFFF, v6;
	v15 =	vld [tilespmem:s7+$0x10]  }
0x6c7: {  	s5 =	sadd.s32 $0x200, s5;
	v16 =	vshrl.u32 v7, $0x10;
	v7 =	vand.u32 $0xFFFF, v7;
	v8 =	vld.idx.msk [tilespmem:v8+s22+$0x0], $0xffff  }
0x6c8: {  	v17 =	vshrl.u32 v10, $0x10;
	v10 =	vand.u32 $0xFFFF, v10;
	v18 =	vld [tilespmem:s5+$0x70]  }
0x6c9: {  	v19 =	vshrl.u32 v12, $0x10;
	v12 =	vand.u32 $0xFFFF, v12;
	v20 =	vld [tilespmem:s7+$0x20]  }
0x6ca: {  	v5 =	vshrl.u32 v5, $0x10;
	v21 =	vshrl.u32 v14, $0x10;
	v14 =	vand.u32 $0xFFFF, v14;
	v22 =	vld [tilespmem:s7+$0x30]  }
0x6cb: {  	v23 =	vshrl.u32 v15, $0x10;
	v15 =	vand.u32 $0xFFFF, v15;
	v24 =	vld [tilespmem:s7+$0x40]  }
0x6cc: {  	v25 =	vld [tilespmem:s7+$0x50]  }
0x6cd: {  	v26 =	vld [tilespmem:s7+$0x60];
	v8 =	vmul.f32 v18, v8  }
0x6ce: {  	v18 =	vld [tilespmem:s7+$0xFFFFFF00];
	v27 =	vshrl.u32 v20, $0x10;
	v20 =	vand.u32 $0xFFFF, v20  }
0x6cf: {  	v28 =	vshrl.u32 v22, $0x10;
	v22 =	vand.u32 $0xFFFF, v22;
	[tilespmem:v5+s1+$0x0] =	vst.idx.add.f32.msk $0xffff, v8  }
0x6d0: {  	v5 =	vld.idx.msk [tilespmem:v9+s22+$0x0], $0xffff;
	v8 =	vshrl.u32 v24, $0x10;
	v9 =	vand.u32 $0xFFFF, v24  }
0x6d1: {  	v11 =	vld.idx.msk [tilespmem:v11+s22+$0x0], $0xffff;
	v24 =	vshrl.u32 v25, $0x10;
	v25 =	vand.u32 $0xFFFF, v25  }
0x6d2: {  	v13 =	vld.idx.msk [tilespmem:v13+s22+$0x0], $0xffff;
	v29 =	vshrl.u32 v26, $0x10;
	v26 =	vand.u32 $0xFFFF, v26  }
0x6d3: {  	v30 =	vshrl.u32 v18, $0x10;
	v18 =	vand.u32 $0xFFFF, v18;
	v6 =	vld.idx.msk [tilespmem:v6+s22+$0x0], $0xffff  }
0x6d4: {  	v7 =	vld.idx.msk [tilespmem:v7+s22+$0x0], $0xffff  }
0x6d5: {  	v10 =	vld.idx.msk [tilespmem:v10+s22+$0x0], $0xffff  }
0x6d6: {  	v12 =	vld.idx.msk [tilespmem:v12+s22+$0x0], $0xffff  }
0x6d7: {  	v14 =	vld.idx.msk [tilespmem:v14+s22+$0x0], $0xffff  }
0x6d8: {  	v18 =	vld.idx.msk [tilespmem:v18+s22+$0x0], $0xffff  }
0x6d9: {  	v15 =	vld.idx.msk [tilespmem:v15+s22+$0x0], $0xffff  }
0x6da: {  	v20 =	vld.idx.msk [tilespmem:v20+s22+$0x0], $0xffff  }
0x6db: {  	v22 =	vld.idx.msk [tilespmem:v22+s22+$0x0], $0xffff  }
0x6dc: {  	v9 =	vld.idx.msk [tilespmem:v9+s22+$0x0], $0xffff  }
0x6dd: {  	v25 =	vld.idx.msk [tilespmem:v25+s22+$0x0], $0xffff  }
0x6de: {  	v26 =	vld.idx.msk [tilespmem:v26+s22+$0x0], $0xffff  }
0x6df: {  	v31 =	vld [tilespmem:s5+$0xFFFFFF00]  }
0x6e0: {  	v32 =	vld [tilespmem:s5+$0xFFFFFF10]  }
0x6e1: {  	v33 =	vld [tilespmem:s5+$0xFFFFFF20]  }
0x6e2: {  	v34 =	vld [tilespmem:s5+$0xFFFFFF30]  }
0x6e3: {  	v35 =	vld [tilespmem:s5+$0xFFFFFF40]  }
0x6e4: {  	v18 =	vmul.f32 v31, v18;
	v31 =	vld [tilespmem:s5+$0xFFFFFF50]  }
0x6e5: {  	v5 =	vmul.f32 v32, v5;
	v32 =	vld [tilespmem:s5+$0xFFFFFF60]  }
0x6e6: {  	v11 =	vmul.f32 v33, v11;
	v33 =	vld [tilespmem:s5+$0xFFFFFF70]  }
0x6e7: {  	v13 =	vmul.f32 v34, v13;
	v34 =	vld [tilespmem:s5+$0x0]  }
0x6e8: {  	v6 =	vmul.f32 v35, v6;
	v35 =	vld [tilespmem:s5+$0x10]  }
0x6e9: {  	v7 =	vmul.f32 v31, v7;
	v31 =	vld [tilespmem:s5+$0x20]  }
0x6ea: {  	v10 =	vmul.f32 v32, v10;
	v32 =	vld [tilespmem:s5+$0x30]  }
0x6eb: {  	v12 =	vmul.f32 v33, v12;
	v33 =	vld [tilespmem:s5+$0x40]  }
0x6ec: {  	v14 =	vmul.f32 v34, v14;
	v34 =	vld [tilespmem:s5+$0x50]  }
0x6ed: {  	v15 =	vmul.f32 v35, v15;
	v35 =	vld [tilespmem:s5+$0x60]  }
0x6ee: {  	[tilespmem:v30+s1+$0x0] =	vst.idx.add.f32.msk $0xffff, v18;
	v18 =	vmul.f32 v31, v20  }
0x6ef: {  	[tilespmem:v1+s1+$0x0] =	vst.idx.add.f32.msk $0xffff, v5;
	v1 =	vmul.f32 v32, v22  }
0x6f0: {  	[tilespmem:v2+s1+$0x0] =	vst.idx.add.f32.msk $0xffff, v11;
	v2 =	vmul.f32 v33, v9  }
0x6f1: {  	[tilespmem:v3+s1+$0x0] =	vst.idx.add.f32.msk $0xffff, v13;
	v3 =	vmul.f32 v34, v25  }
0x6f2: {  	[tilespmem:v4+s1+$0x0] =	vst.idx.add.f32.msk $0xffff, v6;
	v4 =	vmul.f32 v35, v26  }
0x6f3: {  	[tilespmem:v16+s1+$0x0] =	vst.idx.add.f32.msk $0xffff, v7  }
0x6f4: {  	[tilespmem:v17+s1+$0x0] =	vst.idx.add.f32.msk $0xffff, v10  }
0x6f5: {  	[tilespmem:v19+s1+$0x0] =	vst.idx.add.f32.msk $0xffff, v12  }
0x6f6: {  	[tilespmem:v21+s1+$0x0] =	vst.idx.add.f32.msk $0xffff, v14  }
0x6f7: {  	[tilespmem:v23+s1+$0x0] =	vst.idx.add.f32.msk $0xffff, v15  }
.Ltmp55:
0x6f8: {  	[tilespmem:v27+s1+$0x0] =	vst.idx.add.f32.msk $0xffff, v18;
	(pc) =	sbr.rel @p1 .LBB2_108-.Ltmp55, $4  }
0x6f9: {  	[tilespmem:v28+s1+$0x0] =	vst.idx.add.f32.msk $0xffff, v1  }
0x6fa: {  	[tilespmem:v8+s1+$0x0] =	vst.idx.add.f32.msk $0xffff, v2  }
0x6fb: {  	[tilespmem:v24+s1+$0x0] =	vst.idx.add.f32.msk $0xffff, v3  }
0x6fc: {  	s7 =	sadd.s32 $0x200, s7;
	[tilespmem:v29+s1+$0x0] =	vst.idx.add.f32.msk $0xffff, v4  }
0x6fd: {  	s9 =	sadd.s32 $0x1, s9  }
0x6fe: {  	p1 =	sne.s32 s9, $0x32  }
.Ltmp56:
0x6ff: {  	_ = 	snop;
	(pc) =	sbr.rel @p1 .LBB2_95-.Ltmp56, $1  }
0x700: {  	_ =	sdelay $0x3  }
0x701: {  	s5 =	rddreg [dreg:$0x10]  }
0x702: {  	[hbm4b:s5+s1] =	stream.linear.scatter [tilespmem:s1], [sflag:$0x3], $0xC800, $0x38;
	[tilespmem:$0x1D000] =	vst v63  }
.Ltmp57:
0x703: {  	s29 =	simm.s32 $0x3;
	(pc) =	sbr.rel .LBB2_111-.Ltmp57, $4  }
0x704: {  	_ =	swait.ge [sflag:s29], $0xC800  }
0x705: {  	s6 =	sld [smem:$0x7E6]  }
0x706: {  	[sflag:s29] =	ssyncset.done $0x0  }
0x707: {  	[sflag:s29] =	ssyncadd.s32 $0xFFFF3800  }
.LBB2_112:
0x708: {  	_ =	sfence.sel $0x180000  }
0x709: {  	[bflag:$0x0] =	sbarrier.arrive $0xFFFF  }
0x70a: {  	_ =	strace $0x90000047  }
0x70b: {  	s0 =	stileid.u32;
	[bflag:$0x2] =	sbarrier.arrive $0xFFFF  }
0x70c: {  	p0 =	sne.s32 s0, $0x0;
	s0 =	rddreg [dreg:$0x1]  }
0x70d: {  	s0 =	sadd.s32 @!p0 $0x100000, s0  }
0x70e: {  	[sflag:s0] =	ssyncadd.tile.s32 @!p0 $0x1;
	_ =	shalt  }
.Lfunc_end2:
_tile_overlayer_lowered:
.L_overlay_start_2:
0x70f: {  	(tag) =	ssettag $0x2  }
0x710: {  	s0 =	rddreg [dreg:$0x0];
	s2 =	stileid.u32  }
0x711: {  	s1 =	rddreg [dreg:$0x1];
	p0 =	sne.s32 s2, $0x0  }
0x712: {  	s3 =	rddreg [dreg:$0x2];
	[bflag:$0x3] =	sbarrier.arrive $0xFFFF;
	s2 =	simm.s32 @!p0 $0x1C03  }
0x713: {  	[timem:s3], [sflag:s2] =	dma.local @!p0 [hbm:s0], s1  }
0x714: {  	s0 =	simm.s32 @!p0 $0x3  }
0x715: {  	_ =	swait.ge @!p0 [sflag:s0], s1  }
0x716: {  	s1 =	ssub.s32 @!p0 $0x0, s1;
	[sflag:s0] =	ssyncset.done @!p0 $0x0  }
0x717: {  	[sflag:s0] =	ssyncadd.s32 @!p0 s1  }
0x718: {  	[bflag:$0x3] =	sbarrier.arrive $0xFFFF  }
0x719: {  	_ =	shalt  }

</sc_bundles>
